<compile_context>
chip_gen: v7x
topology: tpu7x:2x2x1
jax: 0.10.2.dev20260603
libtpu: 0.0.44.dev20260713+nightly
codegen_flags: <defaults>
</compile_context>

<pallas_src>
import functools

import jax
import jax.numpy as jnp
from jax import lax
from jax.experimental import pallas as pl
from jax.experimental.pallas import tpu as pltpu
from jax.experimental.pallas import tpu_sc as plsc

N_NODES = 10000
D_FEAT = 128
F_HID = 16
N_EDGES = 320000

NC = 2
NS = 16
NW = NC * NS
CH = 128
NCH = 2560
PER_W = NCH // NW
C0_N = 128
C1_N = 32
C0_TOT = NS * C0_N
E_PAD = NCH * CH
PAD_DST = N_NODES
NP = 10240
ROWS_PER_TILE = NP // NS

_sc_mesh = plsc.VectorSubcoreMesh(core_axis_name="c", subcore_axis_name="s")
_sc_params = pltpu.CompilerParams(use_tc_tiling_on_sc=False)


def _worker_id():
    return lax.axis_index("c") * NS + lax.axis_index("s")


@functools.partial(
    pl.kernel,
    out_type=jax.ShapeDtypeStruct((NC, NP), jnp.float32),
    mesh=_sc_mesh,
    compiler_params=_sc_params,
    scratch_types=[
        pltpu.VMEM_SHARED((NP,), jnp.float32),
        pltpu.VMEM((PER_W, CH), jnp.int32),
        pltpu.VMEM((CH,), jnp.float32),
        pltpu.VMEM((ROWS_PER_TILE,), jnp.float32),
        pltpu.SemaphoreType.DMA,
    ],
)
def _sc_degree(dst_hbm, deg_out, deg_sh, dst_v, ones_v, z_v, dsem):
    c = lax.axis_index("c")
    s = lax.axis_index("s")
    w = _worker_id()

    def fill_z(i, _):
        z_v[pl.ds(i * 16, 16)] = jnp.zeros((16,), jnp.float32)
        return _

    lax.fori_loop(0, ROWS_PER_TILE // 16, fill_z, None)

    def fill_ones(i, _):
        ones_v[pl.ds(i * 16, 16)] = jnp.ones((16,), jnp.float32)
        return _

    lax.fori_loop(0, CH // 16, fill_ones, None)

    pltpu.sync_copy(z_v, deg_sh.at[pl.ds(s * ROWS_PER_TILE, ROWS_PER_TILE)])
    plsc.subcore_barrier()

    pltpu.sync_copy(dst_hbm.at[pl.ds(w * PER_W, PER_W)], dst_v)

    def body(j, _):
        pltpu.make_async_copy(
            ones_v, deg_sh.at[dst_v.at[j]], dsem).start(add=True)
        return _

    lax.fori_loop(0, PER_W, body, None)

    def drain(j, _):
        pltpu.make_async_copy(ones_v, deg_sh.at[dst_v.at[0]], dsem).wait()
        return _

    lax.fori_loop(0, PER_W, drain, None)
    plsc.subcore_barrier()
    pltpu.sync_copy(
        deg_sh.at[pl.ds(s * ROWS_PER_TILE, ROWS_PER_TILE)],
        deg_out.at[c, pl.ds(s * ROWS_PER_TILE, ROWS_PER_TILE)],
    )


@functools.partial(
    pl.kernel,
    out_type=jax.ShapeDtypeStruct((NC, NP, F_HID), jnp.float32),
    mesh=_sc_mesh,
    compiler_params=_sc_params,
    scratch_types=[
        pltpu.VMEM_SHARED((NP, F_HID), jnp.float32),
        pltpu.VMEM((C0_N, CH), jnp.int32),
        pltpu.VMEM((C0_N, CH), jnp.int32),
        pltpu.VMEM((8, CH, F_HID), jnp.float32),
        pltpu.VMEM((ROWS_PER_TILE, F_HID), jnp.float32),
        pltpu.SemaphoreType.DMA((8,)),
        pltpu.SemaphoreType.DMA((8,)),
    ],
)
def _sc_propagate(hs_hbm, src_hbm, dst_hbm, acc_out,
                  acc_sh, src_v, dst_v, rows_v, z_v, gsems, ssems):
    c = lax.axis_index("c")
    s = lax.axis_index("s")

    def fill_z(i, _):
        z_v[i, :] = jnp.zeros((F_HID,), jnp.float32)
        return _

    lax.fori_loop(0, ROWS_PER_TILE, fill_z, None)
    pltpu.sync_copy(z_v, acc_sh.at[pl.ds(s * ROWS_PER_TILE, ROWS_PER_TILE)])
    plsc.subcore_barrier()

    def edge_pipeline(base, n):
        pltpu.sync_copy(src_hbm.at[pl.ds(base, n)], src_v.at[pl.ds(0, n)])
        pltpu.sync_copy(dst_hbm.at[pl.ds(base, n)], dst_v.at[pl.ds(0, n)])

        def gather(j, b):
            pltpu.make_async_copy(
                hs_hbm.at[src_v.at[j]], rows_v.at[b], gsems.at[b]).start()

        def scat(j, b):
            return pltpu.make_async_copy(
                rows_v.at[b], acc_sh.at[dst_v.at[j]], ssems.at[b])

        for b in range(4):
            gather(b, b)

        def group(i, _):
            j0 = 8 * i
            for b in range(8):
                j = j0 + b
                pltpu.make_async_copy(
                    hs_hbm.at[src_v.at[j]], rows_v.at[b], gsems.at[b]).wait()
                scat(j, b).start(add=True)
                pb = (b + 4) % 8

                @pl.when(j >= 4)
                def _free():
                    scat(j - 4, pb).wait()

                @pl.when(j + 4 < n)
                def _next():
                    gather(j + 4, pb)

            return _

        lax.fori_loop(0, n // 8, group, None)
        for b in range(4, 8):
            scat(n - 8 + b, b).wait()

    @pl.when(c == 0)
    def _core0():
        edge_pipeline(s * C0_N, C0_N)

    @pl.when(c == 1)
    def _core1():
        edge_pipeline(C0_TOT + s * C1_N, C1_N)

    plsc.subcore_barrier()
    pltpu.sync_copy(
        acc_sh.at[pl.ds(s * ROWS_PER_TILE, ROWS_PER_TILE)],
        acc_out.at[c, pl.ds(s * ROWS_PER_TILE, ROWS_PER_TILE)],
    )



def _bf16(t):
    return t.astype(jnp.bfloat16).astype(jnp.float32)


def _prep_body(ei_ref, src_out, dst_out):
    e_rows = N_EDGES // CH
    src_out[0:e_rows, :] = ei_ref[0, :].reshape(e_rows, CH)
    src_out[e_rows:NCH, :] = jnp.zeros((NCH - e_rows, CH), jnp.int32)
    dst_out[0:e_rows, :] = ei_ref[1, :].reshape(e_rows, CH)
    flat = (lax.broadcasted_iota(jnp.int32, (NCH - e_rows, CH), 0) * CH
            + lax.broadcasted_iota(jnp.int32, (NCH - e_rows, CH), 1))
    dst_out[e_rows:NCH, :] = N_NODES + flat % (NP - N_NODES)


_prep = pl.pallas_call(
    _prep_body,
    out_shape=(
        jax.ShapeDtypeStruct((NCH, CH), jnp.int32),
        jax.ShapeDtypeStruct((NCH, CH), jnp.int32),
    ),
)


def _tcmm_body(x_ref, w1_ref, h_ref):
    h_ref[...] = jnp.dot(_bf16(x_ref[...]), _bf16(w1_ref[...]),
                         preferred_element_type=jnp.float32,
                         precision=lax.Precision.HIGHEST)


_tcmm = pl.pallas_call(
    _tcmm_body,
    out_shape=jax.ShapeDtypeStruct((N_NODES, F_HID), jnp.float32),
)


def _tc1_body(deg_p_ref, h_ref, dis_ref, hs1_ref):
    deg = deg_p_ref[0, :] + deg_p_ref[1, :] + 1.0
    dis = lax.rsqrt(deg)
    dis = dis * (1.5 - 0.5 * deg * dis * dis)
    dis_ref[...] = dis
    hs1_ref[...] = h_ref[...] * dis[:N_NODES, None]


_tc1 = pl.pallas_call(
    _tc1_body,
    out_shape=(
        jax.ShapeDtypeStruct((NP,), jnp.float32),
        jax.ShapeDtypeStruct((N_NODES, F_HID), jnp.float32),
    ),
)


def _tc2_body(acc_p_ref, hs1_ref, dis_ref, w2_ref, b1_ref, hs2_ref):
    acc = acc_p_ref[0, :N_NODES, :] + acc_p_ref[1, :N_NODES, :]
    dis = dis_ref[...][:N_NODES, None]
    h1 = jnp.maximum(dis * (acc + hs1_ref[...]) + b1_ref[...], 0.0)
    hs2_ref[...] = dis * jnp.dot(_bf16(h1), _bf16(w2_ref[...]),
                                 preferred_element_type=jnp.float32,
                         precision=lax.Precision.HIGHEST)


_tc2 = pl.pallas_call(
    _tc2_body,
    out_shape=jax.ShapeDtypeStruct((N_NODES, F_HID), jnp.float32),
)


def _tc3_body(acc_p_ref, hs2_ref, dis_ref, b2_ref, wc_ref, bc_ref,
              wfa_ref, wfb_ref, bfa_ref, bfb_ref,
              critic_ref, na_ref, nb_ref):
    acc = acc_p_ref[0, :N_NODES, :] + acc_p_ref[1, :N_NODES, :]
    dis = dis_ref[...][:N_NODES, None]
    h2 = jnp.maximum(dis * (acc + hs2_ref[...]) + b2_ref[...], 0.0)
    wc = _bf16(wc_ref[...][:, 0])
    critic_ref[...] = jnp.sum(_bf16(h2) * wc[None, :], axis=1,
                              keepdims=True) + bc_ref[0]
    pooled = jnp.mean(h2, axis=0, keepdims=True)
    oa = jnp.dot(_bf16(pooled), _bf16(wfa_ref[...]),
                 preferred_element_type=jnp.float32,
                         precision=lax.Precision.HIGHEST) + bfa_ref[...][None, :]
    ob = jnp.dot(_bf16(pooled), _bf16(wfb_ref[...]),
                 preferred_element_type=jnp.float32,
                         precision=lax.Precision.HIGHEST) + bfb_ref[...][None, :]
    m = jnp.maximum(oa, ob)
    ea = jnp.exp(oa - m)
    eb = jnp.exp(ob - m)
    inv = 127.0 / (ea + eb)
    na_ref[...] = jnp.round(ea * inv).astype(jnp.int32)
    nb_ref[...] = jnp.round(eb * inv).astype(jnp.int32)


_tc3 = pl.pallas_call(
    _tc3_body,
    out_shape=(
        jax.ShapeDtypeStruct((N_NODES, 1), jnp.float32),
        jax.ShapeDtypeStruct((1, 64), jnp.int32),
        jax.ShapeDtypeStruct((1, 64), jnp.int32),
    ),
)


def kernel(x, edge_index, W1, b1, W2, b2, Wfc, bfc, Wc, bc):
    src2d, dst2d = _prep(edge_index.astype(jnp.int32))

    deg_p = _sc_degree(dst2d)
    h = _tcmm(x, W1)
    dis, hs1 = _tc1(deg_p, h)
    acc1 = _sc_propagate(hs1, src2d, dst2d)
    hs2 = _tc2(acc1, hs1, dis, W2, b1)
    acc2 = _sc_propagate(hs2, src2d, dst2d)
    critic, na, nb = _tc3(acc2, hs2, dis, b2, Wc, bc,
                          Wfc[:, 0::2], Wfc[:, 1::2], bfc[0::2], bfc[1::2])
    nodes_chosen = jnp.stack([na[0], nb[0]], axis=1)
    return (nodes_chosen, critic)

# --- scband reference (transcript-rebuilt; emitter-appended) ---
"""Pipeline reference for scband-gnnactor-critic-40845138985372 (READ-ONLY COPY).

The authoritative reference and input builder live on the scoring server;
editing this copy changes nothing except your own understanding.
"""

import jax, jax.numpy as jnp
import numpy as np

N_NODES = 10000
D_FEAT = 128
N_EDGES = 320000
X_PAIRS = 64
N_INIT = 128  # __init__ arg N: num_node_features, also used as (N-1) scale in softmax output


def gcn_conv(x, edge_index, W, b):
    # Faithful GCNConv: add self-loops, symmetric normalization, scatter-add aggregation
    num_nodes = x.shape[0]
    loop = jnp.arange(num_nodes, dtype=edge_index.dtype)
    src = jnp.concatenate([edge_index[0], loop])
    dst = jnp.concatenate([edge_index[1], loop])
    deg = jnp.zeros((num_nodes,), dtype=x.dtype).at[dst].add(1.0)
    deg_inv_sqrt = jnp.where(deg > 0, jax.lax.rsqrt(deg), 0.0)
    norm = deg_inv_sqrt[src] * deg_inv_sqrt[dst]
    h = x @ W
    msgs = h[src] * norm[:, None]
    out = jnp.zeros((num_nodes, W.shape[1]), dtype=x.dtype).at[dst].add(msgs)
    return out + b


def setup_inputs(seed: int = 0) -> dict:
    key = jax.random.key(seed)
    ks = jax.random.split(key, 12)
    x = jax.random.normal(ks[0], (N_NODES, D_FEAT), dtype=jnp.float32)
    edge_index = jax.random.randint(ks[1], (2, N_EDGES), 0, N_NODES, dtype=jnp.int32)
    W1 = jax.random.normal(ks[2], (D_FEAT, 16), dtype=jnp.float32) * 0.1
    b1 = jnp.zeros((16,), dtype=jnp.float32)
    W2 = jax.random.normal(ks[3], (16, 16), dtype=jnp.float32) * 0.1
    b2 = jnp.zeros((16,), dtype=jnp.float32)
    Wfc = jax.random.normal(ks[4], (16, X_PAIRS * 2), dtype=jnp.float32) * 0.1
    bfc = jnp.zeros((X_PAIRS * 2,), dtype=jnp.float32)
    Wc = jax.random.normal(ks[5], (16, 1), dtype=jnp.float32) * 0.1
    bc = jnp.zeros((1,), dtype=jnp.float32)
    return {"x": x, "edge_index": edge_index, "W1": W1, "b1": b1, "W2": W2, "b2": b2, "Wfc": Wfc, "bfc": bfc, "Wc": Wc, "bc": bc}


def reference(x, edge_index, W1, b1, W2, b2, Wfc, bfc, Wc, bc):
    h = jax.nn.relu(gcn_conv(x, edge_index, W1, b1))
    h = jax.nn.relu(gcn_conv(h, edge_index, W2, b2))
    critic_output = h @ Wc + bc
    pooled = jnp.mean(h, axis=0)
    output = pooled @ Wfc + bfc
    node_pairs = output.reshape(X_PAIRS, 2)
    node_pairs = jax.nn.softmax(node_pairs, axis=1) * (N_INIT - 1)
    nodes_chosen = jnp.round(node_pairs).astype(jnp.int32)
    return (nodes_chosen, critic_output)

if __name__ == "__main__":
    import jax
    _d = setup_inputs()
    print(jax.jit(kernel)(*tuple(_d.values())))

</pallas_src>

<mosaic_0001>
#map = affine_map<(d0, d1) -> (0, 0)>
module attributes {stable_mosaic.version = 14 : i64} {
  func.func @_sc_degree(%arg0: i32, %arg1: i32, %arg2: memref<2560x128xi32, #tpu.memory_space<hbm>>, %arg3: memref<2x10240xf32, #tpu.memory_space<hbm>>, %arg4: memref<10240xf32, #tpu.memory_space<vmem_shared>>, %arg5: memref<80x128xi32, #tpu.memory_space<vmem>>, %arg6: memref<128xf32, #tpu.memory_space<vmem>>, %arg7: memref<640xf32, #tpu.memory_space<vmem>>, %arg8: memref<!tpu.dma_semaphore, #tpu.memory_space<semaphore_mem>>) attributes {dimension_semantics = [#tpu.dimension_semantics<core_parallel>, #tpu.dimension_semantics<subcore_parallel>], iteration_bounds = array<i64: 2, 16>, scalar_prefetch = 0 : i64, scratch_operands = 5 : i64, tpu.core_type = #tpu.core_type<sc_vector_subcore>, window_params = [{transform_indices = #map}, {transform_indices = #map}]} {
    %mul3A = arith.constant 16 : i32
    %mul3A_0 = arith.muli %arg0, %mul3A : i32
    %add3A = arith.addi %mul3A_0, %arg1 : i32
    %scan3A = arith.constant 0 : i32
    %scan3A_1 = arith.constant 40 : i32
    %scan3A_2 = arith.addi %scan3A, %scan3A_1 : i32
    %scan3A_3 = arith.constant 1 : i32
    scf.for %scan3A_29 = %scan3A to %scan3A_2 step %scan3A_3  : i32 {
      %broadcast_in_dim3A = arith.constant 0.000000e+00 : f32
      %broadcast_in_dim3A_30 = vector.broadcast %broadcast_in_dim3A : f32 to vector<16xf32>
      %mul3A_31 = arith.constant 16 : i32
      %mul3A_32 = arith.muli %scan3A_29, %mul3A_31 : i32
      %swap3A = arith.index_cast %mul3A_32 : i32 to index
      %swap3A_33 = tpu.vector_load %arg7[%swap3A] {strides = array<i32>} : memref<640xf32, #tpu.memory_space<vmem>>, vector<16xf32>,
      %swap3A_34 = vector.shape_cast %swap3A_33 : vector<16xf32> to vector<16xf32>
      %swap3A_35 = vector.shape_cast %broadcast_in_dim3A_30 : vector<16xf32> to vector<16xf32>
      tpu.vector_store %arg7[%swap3A], %swap3A_35 {strides = array<i32>} : memref<640xf32, #tpu.memory_space<vmem>>, vector<16xf32>,
    }
    %scan3A_4 = arith.constant 40 : i32
    %scan3A_5 = arith.constant 0 : i32
    %scan3A_6 = arith.constant 8 : i32
    %scan3A_7 = arith.addi %scan3A_5, %scan3A_6 : i32
    %scan3A_8 = arith.constant 1 : i32
    scf.for %scan3A_29 = %scan3A_5 to %scan3A_7 step %scan3A_8  : i32 {
      %broadcast_in_dim3A = arith.constant 1.000000e+00 : f32
      %broadcast_in_dim3A_30 = vector.broadcast %broadcast_in_dim3A : f32 to vector<16xf32>
      %mul3A_31 = arith.constant 16 : i32
      %mul3A_32 = arith.muli %scan3A_29, %mul3A_31 : i32
      %swap3A = arith.index_cast %mul3A_32 : i32 to index
      %swap3A_33 = tpu.vector_load %arg6[%swap3A] {strides = array<i32>} : memref<128xf32, #tpu.memory_space<vmem>>, vector<16xf32>,
      %swap3A_34 = vector.shape_cast %swap3A_33 : vector<16xf32> to vector<16xf32>
      %swap3A_35 = vector.shape_cast %broadcast_in_dim3A_30 : vector<16xf32> to vector<16xf32>
      tpu.vector_store %arg6[%swap3A], %swap3A_35 {strides = array<i32>} : memref<128xf32, #tpu.memory_space<vmem>>, vector<16xf32>,
    }
    %scan3A_9 = arith.constant 8 : i32
    %mul3A_10 = arith.constant 640 : i32
    %mul3A_11 = arith.muli %arg1, %mul3A_10 : i32
    "tpu.region"() ({
      %run_scoped3A = tpu.sem_alloc : memref<!tpu.dma_semaphore, #tpu.memory_space<semaphore_mem>>
      %dma_start3A = tpu.memref_slice %arg4[%mul3A_11] : memref<10240xf32, #tpu.memory_space<vmem_shared>> -> memref<640xf32, #tpu.memory_space<vmem_shared>>
      %dma_start3A_29 = tpu.memref_slice %arg4[%mul3A_11] : memref<10240xf32, #tpu.memory_space<vmem_shared>> -> memref<640xf32, #tpu.memory_space<vmem_shared>>
      tpu.enqueue_dma source(%arg7 : memref<640xf32, #tpu.memory_space<vmem>>) target(%dma_start3A_29 : memref<640xf32, #tpu.memory_space<vmem_shared>>) target_semaphore(%run_scoped3A : memref<!tpu.dma_semaphore, #tpu.memory_space<semaphore_mem>>)
      %dma_wait3A = tpu.memref_slice %arg4[%mul3A_11] : memref<10240xf32, #tpu.memory_space<vmem_shared>> -> memref<640xf32, #tpu.memory_space<vmem_shared>>
      %dma_wait3A_30 = tpu.memref_slice %arg4[%mul3A_11] : memref<10240xf32, #tpu.memory_space<vmem_shared>> -> memref<640xf32, #tpu.memory_space<vmem_shared>>
      tpu.wait_dma2 semaphore(%run_scoped3A : memref<!tpu.dma_semaphore, #tpu.memory_space<semaphore_mem>>) src(%arg7 : memref<640xf32, #tpu.memory_space<vmem>>) dst(%dma_wait3A_30 : memref<640xf32, #tpu.memory_space<vmem_shared>>)
      tpu.yield
    }) : () -> ()
    %barrier3A = arith.constant 0 : index
    tpu.barrier barrier_id(%barrier3A)
    %mul3A_12 = arith.constant 80 : i32
    %mul3A_13 = arith.muli %add3A, %mul3A_12 : i32
    "tpu.region"() ({
      %run_scoped3A = tpu.sem_alloc : memref<!tpu.dma_semaphore, #tpu.memory_space<semaphore_mem>>
      %dma_start3A = arith.constant 0 : i32
      %dma_start3A_29 = tpu.memref_slice %arg2[%mul3A_13, %dma_start3A] : memref<2560x128xi32, #tpu.memory_space<hbm>> -> memref<80x128xi32, #tpu.memory_space<hbm>>
      %dma_start3A_30 = arith.constant 0 : i32
      %dma_start3A_31 = tpu.memref_slice %arg2[%mul3A_13, %dma_start3A_30] : memref<2560x128xi32, #tpu.memory_space<hbm>> -> memref<80x128xi32, #tpu.memory_space<hbm>>
      tpu.enqueue_dma source(%dma_start3A_31 : memref<80x128xi32, #tpu.memory_space<hbm>>) target(%arg5 : memref<80x128xi32, #tpu.memory_space<vmem>>) target_semaphore(%run_scoped3A : memref<!tpu.dma_semaphore, #tpu.memory_space<semaphore_mem>>)
      %dma_wait3A = arith.constant 0 : i32
      %dma_wait3A_32 = tpu.memref_slice %arg2[%mul3A_13, %dma_wait3A] : memref<2560x128xi32, #tpu.memory_space<hbm>> -> memref<80x128xi32, #tpu.memory_space<hbm>>
      %dma_wait3A_33 = arith.constant 0 : i32
      %dma_wait3A_34 = tpu.memref_slice %arg2[%mul3A_13, %dma_wait3A_33] : memref<2560x128xi32, #tpu.memory_space<hbm>> -> memref<80x128xi32, #tpu.memory_space<hbm>>
      tpu.wait_dma2 semaphore(%run_scoped3A : memref<!tpu.dma_semaphore, #tpu.memory_space<semaphore_mem>>) src(%dma_wait3A_34 : memref<80x128xi32, #tpu.memory_space<hbm>>) dst(%arg5 : memref<80x128xi32, #tpu.memory_space<vmem>>)
      tpu.yield
    }) : () -> ()
    %scan3A_14 = arith.constant 0 : i32
    %scan3A_15 = arith.constant 80 : i32
    %scan3A_16 = arith.addi %scan3A_14, %scan3A_15 : i32
    %scan3A_17 = arith.constant 1 : i32
    scf.for %scan3A_29 = %scan3A_14 to %scan3A_16 step %scan3A_17  : i32 {
      %dma_start3A = arith.constant 0 : i32
      %dma_start3A_30 = tpu.memref_slice %arg5[%scan3A_29, %dma_start3A] : memref<80x128xi32, #tpu.memory_space<vmem>> -> memref<1x128xi32, #tpu.memory_space<vmem>>
      %dma_start3A_31 = tpu.memref_squeeze %dma_start3A_30 : memref<1x128xi32, #tpu.memory_space<vmem>> -> memref<128xi32, #tpu.memory_space<vmem>>
      %dma_start3A_32 = arith.constant 0 : i32
      %dma_start3A_33 = tpu.memref_slice %arg4[%dma_start3A_32] : memref<10240xf32, #tpu.memory_space<vmem_shared>> -> memref<10240xf32, #tpu.memory_space<vmem_shared>>
      tpu.enqueue_indirect_dma source(%arg6 : memref<128xf32, #tpu.memory_space<vmem>>) target(%dma_start3A_33 : memref<10240xf32, #tpu.memory_space<vmem_shared>>) offsets(%dma_start3A_31 : memref<128xi32, #tpu.memory_space<vmem>>) semaphore(%arg8 : memref<!tpu.dma_semaphore, #tpu.memory_space<semaphore_mem>>) {add = true}
    }
    %scan3A_18 = arith.constant 80 : i32
    %scan3A_19 = arith.constant 0 : i32
    %scan3A_20 = arith.constant 80 : i32
    %scan3A_21 = arith.addi %scan3A_19, %scan3A_20 : i32
    %scan3A_22 = arith.constant 1 : i32
    scf.for %scan3A_29 = %scan3A_19 to %scan3A_21 step %scan3A_22  : i32 {
      %dma_wait3A = arith.constant 0 : i32
      %dma_wait3A_30 = arith.constant 0 : i32
      %dma_wait3A_31 = tpu.memref_slice %arg5[%dma_wait3A, %dma_wait3A_30] : memref<80x128xi32, #tpu.memory_space<vmem>> -> memref<1x128xi32, #tpu.memory_space<vmem>>
      %dma_wait3A_32 = tpu.memref_squeeze %dma_wait3A_31 : memref<1x128xi32, #tpu.memory_space<vmem>> -> memref<128xi32, #tpu.memory_space<vmem>>
      %dma_wait3A_33 = arith.constant 0 : i32
      %dma_wait3A_34 = tpu.memref_slice %arg4[%dma_wait3A_33] : memref<10240xf32, #tpu.memory_space<vmem_shared>> -> memref<10240xf32, #tpu.memory_space<vmem_shared>>
      tpu.wait_indirect_dma semaphore(%arg8 : memref<!tpu.dma_semaphore, #tpu.memory_space<semaphore_mem>>) src(%arg6 : memref<128xf32, #tpu.memory_space<vmem>>) dst(%dma_wait3A_34 : memref<10240xf32, #tpu.memory_space<vmem_shared>>)
    }
    %scan3A_23 = arith.constant 80 : i32
    %barrier3A_24 = arith.constant 0 : index
    tpu.barrier barrier_id(%barrier3A_24)
    %mul3A_25 = arith.constant 640 : i32
    %mul3A_26 = arith.muli %arg1, %mul3A_25 : i32
    %mul3A_27 = arith.constant 640 : i32
    %mul3A_28 = arith.muli %arg1, %mul3A_27 : i32
    "tpu.region"() ({
      %run_scoped3A = tpu.sem_alloc : memref<!tpu.dma_semaphore, #tpu.memory_space<semaphore_mem>>
      %dma_start3A = tpu.memref_slice %arg3[%arg0, %mul3A_28] : memref<2x10240xf32, #tpu.memory_space<hbm>> -> memref<1x640xf32, #tpu.memory_space<hbm>>
      %dma_start3A_29 = tpu.memref_squeeze %dma_start3A : memref<1x640xf32, #tpu.memory_space<hbm>> -> memref<640xf32, #tpu.memory_space<hbm>>
      %dma_start3A_30 = tpu.memref_slice %arg4[%mul3A_26] : memref<10240xf32, #tpu.memory_space<vmem_shared>> -> memref<640xf32, #tpu.memory_space<vmem_shared>>
      tpu.enqueue_dma source(%dma_start3A_30 : memref<640xf32, #tpu.memory_space<vmem_shared>>) target(%dma_start3A_29 : memref<640xf32, #tpu.memory_space<hbm>>) target_semaphore(%run_scoped3A : memref<!tpu.dma_semaphore, #tpu.memory_space<semaphore_mem>>)
      %dma_wait3A = tpu.memref_slice %arg3[%arg0, %mul3A_28] : memref<2x10240xf32, #tpu.memory_space<hbm>> -> memref<1x640xf32, #tpu.memory_space<hbm>>
      %dma_wait3A_31 = tpu.memref_squeeze %dma_wait3A : memref<1x640xf32, #tpu.memory_space<hbm>> -> memref<640xf32, #tpu.memory_space<hbm>>
      %dma_wait3A_32 = tpu.memref_slice %arg4[%mul3A_26] : memref<10240xf32, #tpu.memory_space<vmem_shared>> -> memref<640xf32, #tpu.memory_space<vmem_shared>>
      tpu.wait_dma2 semaphore(%run_scoped3A : memref<!tpu.dma_semaphore, #tpu.memory_space<semaphore_mem>>) src(%dma_wait3A_32 : memref<640xf32, #tpu.memory_space<vmem_shared>>) dst(%dma_wait3A_31 : memref<640xf32, #tpu.memory_space<hbm>>)
      tpu.yield
    }) : () -> ()
    return
  }
}

#map = affine_map<(d0, d1) -> (0, 0)>
#map1 = affine_map<(d0, d1) -> (0, 0, 0)>
module attributes {stable_mosaic.version = 14 : i64} {
  func.func @_sc_propagate(%arg0: i32, %arg1: i32, %arg2: memref<10000x16xf32, #tpu.memory_space<hbm>>, %arg3: memref<2560x128xi32, #tpu.memory_space<hbm>>, %arg4: memref<2560x128xi32, #tpu.memory_space<hbm>>, %arg5: memref<2x10240x16xf32, #tpu.memory_space<hbm>>, %arg6: memref<10240x16xf32, #tpu.memory_space<vmem_shared>>, %arg7: memref<128x128xi32, #tpu.memory_space<vmem>>, %arg8: memref<128x128xi32, #tpu.memory_space<vmem>>, %arg9: memref<8x128x16xf32, #tpu.memory_space<vmem>>, %arg10: memref<640x16xf32, #tpu.memory_space<vmem>>, %arg11: memref<8x!tpu.dma_semaphore, #tpu.memory_space<semaphore_mem>>, %arg12: memref<8x!tpu.dma_semaphore, #tpu.memory_space<semaphore_mem>>) attributes {dimension_semantics = [#tpu.dimension_semantics<core_parallel>, #tpu.dimension_semantics<subcore_parallel>], iteration_bounds = array<i64: 2, 16>, scalar_prefetch = 0 : i64, scratch_operands = 7 : i64, tpu.core_type = #tpu.core_type<sc_vector_subcore>, window_params = [{transform_indices = #map}, {transform_indices = #map}, {transform_indices = #map}, {transform_indices = #map1}]} {
    %scan3A = arith.constant 0 : i32
    %scan3A_0 = arith.constant 640 : i32
    %scan3A_1 = arith.addi %scan3A, %scan3A_0 : i32
    %scan3A_2 = arith.constant 1 : i32
    scf.for %scan3A_17 = %scan3A to %scan3A_1 step %scan3A_2  : i32 {
      %broadcast_in_dim3A = arith.constant 0.000000e+00 : f32
      %broadcast_in_dim3A_18 = vector.broadcast %broadcast_in_dim3A : f32 to vector<16xf32>
      %swap3A = arith.index_cast %scan3A_17 : i32 to index
      %swap3A_19 = arith.constant 0 : index
      %swap3A_20 = tpu.vector_load %arg10[%swap3A, %swap3A_19] {strides = array<i32>} : memref<640x16xf32, #tpu.memory_space<vmem>>, vector<1x16xf32>,
      %swap3A_21 = vector.shape_cast %swap3A_20 : vector<1x16xf32> to vector<16xf32>
      %swap3A_22 = vector.shape_cast %broadcast_in_dim3A_18 : vector<16xf32> to vector<1x16xf32>
      tpu.vector_store %arg10[%swap3A, %swap3A_19], %swap3A_22 {strides = array<i32>} : memref<640x16xf32, #tpu.memory_space<vmem>>, vector<1x16xf32>,
    }
    %scan3A_3 = arith.constant 640 : i32
    %mul3A = arith.constant 640 : i32
    %mul3A_4 = arith.muli %arg1, %mul3A : i32
    "tpu.region"() ({
      %run_scoped3A = tpu.sem_alloc : memref<!tpu.dma_semaphore, #tpu.memory_space<semaphore_mem>>
      %dma_start3A = arith.constant 0 : i32
      %dma_start3A_17 = tpu.memref_slice %arg6[%mul3A_4, %dma_start3A] : memref<10240x16xf32, #tpu.memory_space<vmem_shared>> -> memref<640x16xf32, #tpu.memory_space<vmem_shared>>
      %dma_start3A_18 = arith.constant 0 : i32
      %dma_start3A_19 = tpu.memref_slice %arg6[%mul3A_4, %dma_start3A_18] : memref<10240x16xf32, #tpu.memory_space<vmem_shared>> -> memref<640x16xf32, #tpu.memory_space<vmem_shared>>
      tpu.enqueue_dma source(%arg10 : memref<640x16xf32, #tpu.memory_space<vmem>>) target(%dma_start3A_19 : memref<640x16xf32, #tpu.memory_space<vmem_shared>>) target_semaphore(%run_scoped3A : memref<!tpu.dma_semaphore, #tpu.memory_space<semaphore_mem>>)
      %dma_wait3A = arith.constant 0 : i32
      %dma_wait3A_20 = tpu.memref_slice %arg6[%mul3A_4, %dma_wait3A] : memref<10240x16xf32, #tpu.memory_space<vmem_shared>> -> memref<640x16xf32, #tpu.memory_space<vmem_shared>>
      %dma_wait3A_21 = arith.constant 0 : i32
      %dma_wait3A_22 = tpu.memref_slice %arg6[%mul3A_4, %dma_wait3A_21] : memref<10240x16xf32, #tpu.memory_space<vmem_shared>> -> memref<640x16xf32, #tpu.memory_space<vmem_shared>>
      tpu.wait_dma2 semaphore(%run_scoped3A : memref<!tpu.dma_semaphore, #tpu.memory_space<semaphore_mem>>) src(%arg10 : memref<640x16xf32, #tpu.memory_space<vmem>>) dst(%dma_wait3A_22 : memref<640x16xf32, #tpu.memory_space<vmem_shared>>)
      tpu.yield
    }) : () -> ()
    %barrier3A = arith.constant 0 : index
    tpu.barrier barrier_id(%barrier3A)
    %eq3A = arith.constant 0 : i32
    %eq3A_5 = arith.cmpi eq, %arg0, %eq3A : i32
    %convert_element_type3A = arith.extui %eq3A_5 : i1 to i32
    %cond3A = arith.constant 0 : i32
    %cond3A_6 = arith.cmpi ne, %convert_element_type3A, %cond3A : i32
    scf.if %cond3A_6 {
      %mul3A_17 = arith.constant 128 : i32
      %mul3A_18 = arith.muli %arg1, %mul3A_17 : i32
      "tpu.region"() ({
        %run_scoped3A = tpu.sem_alloc : memref<!tpu.dma_semaphore, #tpu.memory_space<semaphore_mem>>
        %dma_start3A_142 = arith.constant 0 : i32
        %dma_start3A_143 = arith.constant 0 : i32
        %dma_start3A_144 = tpu.memref_slice %arg7[%dma_start3A_142, %dma_start3A_143] : memref<128x128xi32, #tpu.memory_space<vmem>> -> memref<128x128xi32, #tpu.memory_space<vmem>>
        %dma_start3A_145 = arith.constant 0 : i32
        %dma_start3A_146 = tpu.memref_slice %arg3[%mul3A_18, %dma_start3A_145] : memref<2560x128xi32, #tpu.memory_space<hbm>> -> memref<128x128xi32, #tpu.memory_space<hbm>>
        %dma_start3A_147 = arith.constant 0 : i32
        %dma_start3A_148 = arith.constant 0 : i32
        %dma_start3A_149 = tpu.memref_slice %arg7[%dma_start3A_147, %dma_start3A_148] : memref<128x128xi32, #tpu.memory_space<vmem>> -> memref<128x128xi32, #tpu.memory_space<vmem>>
        %dma_start3A_150 = arith.constant 0 : i32
        %dma_start3A_151 = tpu.memref_slice %arg3[%mul3A_18, %dma_start3A_150] : memref<2560x128xi32, #tpu.memory_space<hbm>> -> memref<128x128xi32, #tpu.memory_space<hbm>>
        tpu.enqueue_dma source(%dma_start3A_151 : memref<128x128xi32, #tpu.memory_space<hbm>>) target(%dma_start3A_149 : memref<128x128xi32, #tpu.memory_space<vmem>>) target_semaphore(%run_scoped3A : memref<!tpu.dma_semaphore, #tpu.memory_space<semaphore_mem>>)
        %dma_wait3A_152 = arith.constant 0 : i32
        %dma_wait3A_153 = arith.constant 0 : i32
        %dma_wait3A_154 = tpu.memref_slice %arg7[%dma_wait3A_152, %dma_wait3A_153] : memref<128x128xi32, #tpu.memory_space<vmem>> -> memref<128x128xi32, #tpu.memory_space<vmem>>
        %dma_wait3A_155 = arith.constant 0 : i32
        %dma_wait3A_156 = tpu.memref_slice %arg3[%mul3A_18, %dma_wait3A_155] : memref<2560x128xi32, #tpu.memory_space<hbm>> -> memref<128x128xi32, #tpu.memory_space<hbm>>
        %dma_wait3A_157 = arith.constant 0 : i32
        %dma_wait3A_158 = arith.constant 0 : i32
        %dma_wait3A_159 = tpu.memref_slice %arg7[%dma_wait3A_157, %dma_wait3A_158] : memref<128x128xi32, #tpu.memory_space<vmem>> -> memref<128x128xi32, #tpu.memory_space<vmem>>
        %dma_wait3A_160 = arith.constant 0 : i32
        %dma_wait3A_161 = tpu.memref_slice %arg3[%mul3A_18, %dma_wait3A_160] : memref<2560x128xi32, #tpu.memory_space<hbm>> -> memref<128x128xi32, #tpu.memory_space<hbm>>
        tpu.wait_dma2 semaphore(%run_scoped3A : memref<!tpu.dma_semaphore, #tpu.memory_space<semaphore_mem>>) src(%dma_wait3A_161 : memref<128x128xi32, #tpu.memory_space<hbm>>) dst(%dma_wait3A_159 : memref<128x128xi32, #tpu.memory_space<vmem>>)
        tpu.yield
      }) : () -> ()
      "tpu.region"() ({
        %run_scoped3A = tpu.sem_alloc : memref<!tpu.dma_semaphore, #tpu.memory_space<semaphore_mem>>
        %dma_start3A_142 = arith.constant 0 : i32
        %dma_start3A_143 = arith.constant 0 : i32
        %dma_start3A_144 = tpu.memref_slice %arg8[%dma_start3A_142, %dma_start3A_143] : memref<128x128xi32, #tpu.memory_space<vmem>> -> memref<128x128xi32, #tpu.memory_space<vmem>>
        %dma_start3A_145 = arith.constant 0 : i32
        %dma_start3A_146 = tpu.memref_slice %arg4[%mul3A_18, %dma_start3A_145] : memref<2560x128xi32, #tpu.memory_space<hbm>> -> memref<128x128xi32, #tpu.memory_space<hbm>>
        %dma_start3A_147 = arith.constant 0 : i32
        %dma_start3A_148 = arith.constant 0 : i32
        %dma_start3A_149 = tpu.memref_slice %arg8[%dma_start3A_147, %dma_start3A_148] : memref<128x128xi32, #tpu.memory_space<vmem>> -> memref<128x128xi32, #tpu.memory_space<vmem>>
        %dma_start3A_150 = arith.constant 0 : i32
        %dma_start3A_151 = tpu.memref_slice %arg4[%mul3A_18, %dma_start3A_150] : memref<2560x128xi32, #tpu.memory_space<hbm>> -> memref<128x128xi32, #tpu.memory_space<hbm>>
        tpu.enqueue_dma source(%dma_start3A_151 : memref<128x128xi32, #tpu.memory_space<hbm>>) target(%dma_start3A_149 : memref<128x128xi32, #tpu.memory_space<vmem>>) target_semaphore(%run_scoped3A : memref<!tpu.dma_semaphore, #tpu.memory_space<semaphore_mem>>)
        %dma_wait3A_152 = arith.constant 0 : i32
        %dma_wait3A_153 = arith.constant 0 : i32
        %dma_wait3A_154 = tpu.memref_slice %arg8[%dma_wait3A_152, %dma_wait3A_153] : memref<128x128xi32, #tpu.memory_space<vmem>> -> memref<128x128xi32, #tpu.memory_space<vmem>>
        %dma_wait3A_155 = arith.constant 0 : i32
        %dma_wait3A_156 = tpu.memref_slice %arg4[%mul3A_18, %dma_wait3A_155] : memref<2560x128xi32, #tpu.memory_space<hbm>> -> memref<128x128xi32, #tpu.memory_space<hbm>>
        %dma_wait3A_157 = arith.constant 0 : i32
        %dma_wait3A_158 = arith.constant 0 : i32
        %dma_wait3A_159 = tpu.memref_slice %arg8[%dma_wait3A_157, %dma_wait3A_158] : memref<128x128xi32, #tpu.memory_space<vmem>> -> memref<128x128xi32, #tpu.memory_space<vmem>>
        %dma_wait3A_160 = arith.constant 0 : i32
        %dma_wait3A_161 = tpu.memref_slice %arg4[%mul3A_18, %dma_wait3A_160] : memref<2560x128xi32, #tpu.memory_space<hbm>> -> memref<128x128xi32, #tpu.memory_space<hbm>>
        tpu.wait_dma2 semaphore(%run_scoped3A : memref<!tpu.dma_semaphore, #tpu.memory_space<semaphore_mem>>) src(%dma_wait3A_161 : memref<128x128xi32, #tpu.memory_space<hbm>>) dst(%dma_wait3A_159 : memref<128x128xi32, #tpu.memory_space<vmem>>)
        tpu.yield
      }) : () -> ()
      %dma_start3A = arith.constant 0 : i32
      %dma_start3A_19 = arith.constant 0 : i32
      %dma_start3A_20 = arith.constant 0 : i32
      %dma_start3A_21 = arith.constant 0 : i32
      %dma_start3A_22 = arith.constant 0 : i32
      %dma_start3A_23 = tpu.memref_slice %arg9[%dma_start3A_19, %dma_start3A_21, %dma_start3A_22] : memref<8x128x16xf32, #tpu.memory_space<vmem>> -> memref<1x128x16xf32, #tpu.memory_space<vmem>>
      %dma_start3A_24 = tpu.memref_squeeze %dma_start3A_23 : memref<1x128x16xf32, #tpu.memory_space<vmem>> -> memref<128x16xf32, #tpu.memory_space<vmem>>
      %dma_start3A_25 = arith.constant 0 : i32
      %dma_start3A_26 = tpu.memref_slice %arg7[%dma_start3A, %dma_start3A_25] : memref<128x128xi32, #tpu.memory_space<vmem>> -> memref<1x128xi32, #tpu.memory_space<vmem>>
      %dma_start3A_27 = tpu.memref_squeeze %dma_start3A_26 : memref<1x128xi32, #tpu.memory_space<vmem>> -> memref<128xi32, #tpu.memory_space<vmem>>
      %dma_start3A_28 = arith.constant 0 : i32
      %dma_start3A_29 = arith.constant 0 : i32
      %dma_start3A_30 = tpu.memref_slice %arg2[%dma_start3A_28, %dma_start3A_29] : memref<10000x16xf32, #tpu.memory_space<hbm>> -> memref<10000x16xf32, #tpu.memory_space<hbm>>
      %dma_start3A_31 = tpu.memref_slice %arg11[%dma_start3A_20] : memref<8x!tpu.dma_semaphore, #tpu.memory_space<semaphore_mem>> -> memref<1x!tpu.dma_semaphore, #tpu.memory_space<semaphore_mem>>
      %dma_start3A_32 = tpu.memref_squeeze %dma_start3A_31 : memref<1x!tpu.dma_semaphore, #tpu.memory_space<semaphore_mem>> -> memref<!tpu.dma_semaphore, #tpu.memory_space<semaphore_mem>>
      tpu.enqueue_indirect_dma source(%dma_start3A_30 : memref<10000x16xf32, #tpu.memory_space<hbm>>) target(%dma_start3A_24 : memref<128x16xf32, #tpu.memory_space<vmem>>) offsets(%dma_start3A_27 : memref<128xi32, #tpu.memory_space<vmem>>) semaphore(%dma_start3A_32 : memref<!tpu.dma_semaphore, #tpu.memory_space<semaphore_mem>>)
      %dma_start3A_33 = arith.constant 1 : i32
      %dma_start3A_34 = arith.constant 1 : i32
      %dma_start3A_35 = arith.constant 1 : i32
      %dma_start3A_36 = arith.constant 0 : i32
      %dma_start3A_37 = arith.constant 0 : i32
      %dma_start3A_38 = tpu.memref_slice %arg9[%dma_start3A_34, %dma_start3A_36, %dma_start3A_37] : memref<8x128x16xf32, #tpu.memory_space<vmem>> -> memref<1x128x16xf32, #tpu.memory_space<vmem>>
      %dma_start3A_39 = tpu.memref_squeeze %dma_start3A_38 : memref<1x128x16xf32, #tpu.memory_space<vmem>> -> memref<128x16xf32, #tpu.memory_space<vmem>>
      %dma_start3A_40 = arith.constant 0 : i32
      %dma_start3A_41 = tpu.memref_slice %arg7[%dma_start3A_33, %dma_start3A_40] : memref<128x128xi32, #tpu.memory_space<vmem>> -> memref<1x128xi32, #tpu.memory_space<vmem>>
      %dma_start3A_42 = tpu.memref_squeeze %dma_start3A_41 : memref<1x128xi32, #tpu.memory_space<vmem>> -> memref<128xi32, #tpu.memory_space<vmem>>
      %dma_start3A_43 = arith.constant 0 : i32
      %dma_start3A_44 = arith.constant 0 : i32
      %dma_start3A_45 = tpu.memref_slice %arg2[%dma_start3A_43, %dma_start3A_44] : memref<10000x16xf32, #tpu.memory_space<hbm>> -> memref<10000x16xf32, #tpu.memory_space<hbm>>
      %dma_start3A_46 = tpu.memref_slice %arg11[%dma_start3A_35] : memref<8x!tpu.dma_semaphore, #tpu.memory_space<semaphore_mem>> -> memref<1x!tpu.dma_semaphore, #tpu.memory_space<semaphore_mem>>
      %dma_start3A_47 = tpu.memref_squeeze %dma_start3A_46 : memref<1x!tpu.dma_semaphore, #tpu.memory_space<semaphore_mem>> -> memref<!tpu.dma_semaphore, #tpu.memory_space<semaphore_mem>>
      tpu.enqueue_indirect_dma source(%dma_start3A_45 : memref<10000x16xf32, #tpu.memory_space<hbm>>) target(%dma_start3A_39 : memref<128x16xf32, #tpu.memory_space<vmem>>) offsets(%dma_start3A_42 : memref<128xi32, #tpu.memory_space<vmem>>) semaphore(%dma_start3A_47 : memref<!tpu.dma_semaphore, #tpu.memory_space<semaphore_mem>>)
      %dma_start3A_48 = arith.constant 2 : i32
      %dma_start3A_49 = arith.constant 2 : i32
      %dma_start3A_50 = arith.constant 2 : i32
      %dma_start3A_51 = arith.constant 0 : i32
      %dma_start3A_52 = arith.constant 0 : i32
      %dma_start3A_53 = tpu.memref_slice %arg9[%dma_start3A_49, %dma_start3A_51, %dma_start3A_52] : memref<8x128x16xf32, #tpu.memory_space<vmem>> -> memref<1x128x16xf32, #tpu.memory_space<vmem>>
      %dma_start3A_54 = tpu.memref_squeeze %dma_start3A_53 : memref<1x128x16xf32, #tpu.memory_space<vmem>> -> memref<128x16xf32, #tpu.memory_space<vmem>>
      %dma_start3A_55 = arith.constant 0 : i32
      %dma_start3A_56 = tpu.memref_slice %arg7[%dma_start3A_48, %dma_start3A_55] : memref<128x128xi32, #tpu.memory_space<vmem>> -> memref<1x128xi32, #tpu.memory_space<vmem>>
      %dma_start3A_57 = tpu.memref_squeeze %dma_start3A_56 : memref<1x128xi32, #tpu.memory_space<vmem>> -> memref<128xi32, #tpu.memory_space<vmem>>
      %dma_start3A_58 = arith.constant 0 : i32
      %dma_start3A_59 = arith.constant 0 : i32
      %dma_start3A_60 = tpu.memref_slice %arg2[%dma_start3A_58, %dma_start3A_59] : memref<10000x16xf32, #tpu.memory_space<hbm>> -> memref<10000x16xf32, #tpu.memory_space<hbm>>
      %dma_start3A_61 = tpu.memref_slice %arg11[%dma_start3A_50] : memref<8x!tpu.dma_semaphore, #tpu.memory_space<semaphore_mem>> -> memref<1x!tpu.dma_semaphore, #tpu.memory_space<semaphore_mem>>
      %dma_start3A_62 = tpu.memref_squeeze %dma_start3A_61 : memref<1x!tpu.dma_semaphore, #tpu.memory_space<semaphore_mem>> -> memref<!tpu.dma_semaphore, #tpu.memory_space<semaphore_mem>>
      tpu.enqueue_indirect_dma source(%dma_start3A_60 : memref<10000x16xf32, #tpu.memory_space<hbm>>) target(%dma_start3A_54 : memref<128x16xf32, #tpu.memory_space<vmem>>) offsets(%dma_start3A_57 : memref<128xi32, #tpu.memory_space<vmem>>) semaphore(%dma_start3A_62 : memref<!tpu.dma_semaphore, #tpu.memory_space<semaphore_mem>>)
      %dma_start3A_63 = arith.constant 3 : i32
      %dma_start3A_64 = arith.constant 3 : i32
      %dma_start3A_65 = arith.constant 3 : i32
      %dma_start3A_66 = arith.constant 0 : i32
      %dma_start3A_67 = arith.constant 0 : i32
      %dma_start3A_68 = tpu.memref_slice %arg9[%dma_start3A_64, %dma_start3A_66, %dma_start3A_67] : memref<8x128x16xf32, #tpu.memory_space<vmem>> -> memref<1x128x16xf32, #tpu.memory_space<vmem>>
      %dma_start3A_69 = tpu.memref_squeeze %dma_start3A_68 : memref<1x128x16xf32, #tpu.memory_space<vmem>> -> memref<128x16xf32, #tpu.memory_space<vmem>>
      %dma_start3A_70 = arith.constant 0 : i32
      %dma_start3A_71 = tpu.memref_slice %arg7[%dma_start3A_63, %dma_start3A_70] : memref<128x128xi32, #tpu.memory_space<vmem>> -> memref<1x128xi32, #tpu.memory_space<vmem>>
      %dma_start3A_72 = tpu.memref_squeeze %dma_start3A_71 : memref<1x128xi32, #tpu.memory_space<vmem>> -> memref<128xi32, #tpu.memory_space<vmem>>
      %dma_start3A_73 = arith.constant 0 : i32
      %dma_start3A_74 = arith.constant 0 : i32
      %dma_start3A_75 = tpu.memref_slice %arg2[%dma_start3A_73, %dma_start3A_74] : memref<10000x16xf32, #tpu.memory_space<hbm>> -> memref<10000x16xf32, #tpu.memory_space<hbm>>
      %dma_start3A_76 = tpu.memref_slice %arg11[%dma_start3A_65] : memref<8x!tpu.dma_semaphore, #tpu.memory_space<semaphore_mem>> -> memref<1x!tpu.dma_semaphore, #tpu.memory_space<semaphore_mem>>
      %dma_start3A_77 = tpu.memref_squeeze %dma_start3A_76 : memref<1x!tpu.dma_semaphore, #tpu.memory_space<semaphore_mem>> -> memref<!tpu.dma_semaphore, #tpu.memory_space<semaphore_mem>>
      tpu.enqueue_indirect_dma source(%dma_start3A_75 : memref<10000x16xf32, #tpu.memory_space<hbm>>) target(%dma_start3A_69 : memref<128x16xf32, #tpu.memory_space<vmem>>) offsets(%dma_start3A_72 : memref<128xi32, #tpu.memory_space<vmem>>) semaphore(%dma_start3A_77 : memref<!tpu.dma_semaphore, #tpu.memory_space<semaphore_mem>>)
      %scan3A_78 = arith.constant 0 : i32
      %scan3A_79 = arith.constant 16 : i32
      %scan3A_80 = arith.addi %scan3A_78, %scan3A_79 : i32
      %scan3A_81 = arith.constant 1 : i32
      scf.for %scan3A_142 = %scan3A_78 to %scan3A_80 step %scan3A_81  : i32 {
        %mul3A_143 = arith.constant 8 : i32
        %mul3A_144 = arith.muli %mul3A_143, %scan3A_142 : i32
        %add3A = arith.constant 0 : i32
        %add3A_145 = arith.addi %mul3A_144, %add3A : i32
        %dma_wait3A_146 = arith.constant 0 : i32
        %dma_wait3A_147 = arith.constant 0 : i32
        %dma_wait3A_148 = arith.constant 0 : i32
        %dma_wait3A_149 = arith.constant 0 : i32
        %dma_wait3A_150 = tpu.memref_slice %arg9[%dma_wait3A_146, %dma_wait3A_148, %dma_wait3A_149] : memref<8x128x16xf32, #tpu.memory_space<vmem>> -> memref<1x128x16xf32, #tpu.memory_space<vmem>>
        %dma_wait3A_151 = tpu.memref_squeeze %dma_wait3A_150 : memref<1x128x16xf32, #tpu.memory_space<vmem>> -> memref<128x16xf32, #tpu.memory_space<vmem>>
        %dma_wait3A_152 = arith.constant 0 : i32
        %dma_wait3A_153 = tpu.memref_slice %arg7[%add3A_145, %dma_wait3A_152] : memref<128x128xi32, #tpu.memory_space<vmem>> -> memref<1x128xi32, #tpu.memory_space<vmem>>
        %dma_wait3A_154 = tpu.memref_squeeze %dma_wait3A_153 : memref<1x128xi32, #tpu.memory_space<vmem>> -> memref<128xi32, #tpu.memory_space<vmem>>
        %dma_wait3A_155 = arith.constant 0 : i32
        %dma_wait3A_156 = arith.constant 0 : i32
        %dma_wait3A_157 = tpu.memref_slice %arg2[%dma_wait3A_155, %dma_wait3A_156] : memref<10000x16xf32, #tpu.memory_space<hbm>> -> memref<10000x16xf32, #tpu.memory_space<hbm>>
        %dma_wait3A_158 = tpu.memref_slice %arg11[%dma_wait3A_147] : memref<8x!tpu.dma_semaphore, #tpu.memory_space<semaphore_mem>> -> memref<1x!tpu.dma_semaphore, #tpu.memory_space<semaphore_mem>>
        %dma_wait3A_159 = tpu.memref_squeeze %dma_wait3A_158 : memref<1x!tpu.dma_semaphore, #tpu.memory_space<semaphore_mem>> -> memref<!tpu.dma_semaphore, #tpu.memory_space<semaphore_mem>>
        tpu.wait_indirect_dma semaphore(%dma_wait3A_159 : memref<!tpu.dma_semaphore, #tpu.memory_space<semaphore_mem>>) src(%dma_wait3A_157 : memref<10000x16xf32, #tpu.memory_space<hbm>>) dst(%dma_wait3A_151 : memref<128x16xf32, #tpu.memory_space<vmem>>)
        %dma_start3A_160 = arith.constant 0 : i32
        %dma_start3A_161 = arith.constant 0 : i32
        %dma_start3A_162 = arith.constant 0 : i32
        %dma_start3A_163 = arith.constant 0 : i32
        %dma_start3A_164 = tpu.memref_slice %arg9[%dma_start3A_160, %dma_start3A_162, %dma_start3A_163] : memref<8x128x16xf32, #tpu.memory_space<vmem>> -> memref<1x128x16xf32, #tpu.memory_space<vmem>>
        %dma_start3A_165 = tpu.memref_squeeze %dma_start3A_164 : memref<1x128x16xf32, #tpu.memory_space<vmem>> -> memref<128x16xf32, #tpu.memory_space<vmem>>
        %dma_start3A_166 = arith.constant 0 : i32
        %dma_start3A_167 = tpu.memref_slice %arg8[%add3A_145, %dma_start3A_166] : memref<128x128xi32, #tpu.memory_space<vmem>> -> memref<1x128xi32, #tpu.memory_space<vmem>>
        %dma_start3A_168 = tpu.memref_squeeze %dma_start3A_167 : memref<1x128xi32, #tpu.memory_space<vmem>> -> memref<128xi32, #tpu.memory_space<vmem>>
        %dma_start3A_169 = arith.constant 0 : i32
        %dma_start3A_170 = arith.constant 0 : i32
        %dma_start3A_171 = tpu.memref_slice %arg6[%dma_start3A_169, %dma_start3A_170] : memref<10240x16xf32, #tpu.memory_space<vmem_shared>> -> memref<10240x16xf32, #tpu.memory_space<vmem_shared>>
        %dma_start3A_172 = tpu.memref_slice %arg12[%dma_start3A_161] : memref<8x!tpu.dma_semaphore, #tpu.memory_space<semaphore_mem>> -> memref<1x!tpu.dma_semaphore, #tpu.memory_space<semaphore_mem>>
        %dma_start3A_173 = tpu.memref_squeeze %dma_start3A_172 : memref<1x!tpu.dma_semaphore, #tpu.memory_space<semaphore_mem>> -> memref<!tpu.dma_semaphore, #tpu.memory_space<semaphore_mem>>
        tpu.enqueue_indirect_dma source(%dma_start3A_165 : memref<128x16xf32, #tpu.memory_space<vmem>>) target(%dma_start3A_171 : memref<10240x16xf32, #tpu.memory_space<vmem_shared>>) offsets(%dma_start3A_168 : memref<128xi32, #tpu.memory_space<vmem>>) semaphore(%dma_start3A_173 : memref<!tpu.dma_semaphore, #tpu.memory_space<semaphore_mem>>) {add = true}
        %ge3A = arith.constant 4 : i32
        %ge3A_174 = arith.cmpi sge, %add3A_145, %ge3A : i32
        %convert_element_type3A_175 = arith.extui %ge3A_174 : i1 to i32
        %cond3A_176 = arith.constant 0 : i32
        %cond3A_177 = arith.cmpi ne, %convert_element_type3A_175, %cond3A_176 : i32
        scf.if %cond3A_177 {
          %sub3A = arith.constant 4 : i32
          %sub3A_478 = arith.subi %add3A_145, %sub3A : i32
          %dma_wait3A_479 = arith.constant 4 : i32
          %dma_wait3A_480 = arith.constant 4 : i32
          %dma_wait3A_481 = arith.constant 0 : i32
          %dma_wait3A_482 = arith.constant 0 : i32
          %dma_wait3A_483 = tpu.memref_slice %arg9[%dma_wait3A_479, %dma_wait3A_481, %dma_wait3A_482] : memref<8x128x16xf32, #tpu.memory_space<vmem>> -> memref<1x128x16xf32, #tpu.memory_space<vmem>>
          %dma_wait3A_484 = tpu.memref_squeeze %dma_wait3A_483 : memref<1x128x16xf32, #tpu.memory_space<vmem>> -> memref<128x16xf32, #tpu.memory_space<vmem>>
          %dma_wait3A_485 = arith.constant 0 : i32
          %dma_wait3A_486 = tpu.memref_slice %arg8[%sub3A_478, %dma_wait3A_485] : memref<128x128xi32, #tpu.memory_space<vmem>> -> memref<1x128xi32, #tpu.memory_space<vmem>>
          %dma_wait3A_487 = tpu.memref_squeeze %dma_wait3A_486 : memref<1x128xi32, #tpu.memory_space<vmem>> -> memref<128xi32, #tpu.memory_space<vmem>>
          %dma_wait3A_488 = arith.constant 0 : i32
          %dma_wait3A_489 = arith.constant 0 : i32
          %dma_wait3A_490 = tpu.memref_slice %arg6[%dma_wait3A_488, %dma_wait3A_489] : memref<10240x16xf32, #tpu.memory_space<vmem_shared>> -> memref<10240x16xf32, #tpu.memory_space<vmem_shared>>
          %dma_wait3A_491 = tpu.memref_slice %arg12[%dma_wait3A_480] : memref<8x!tpu.dma_semaphore, #tpu.memory_space<semaphore_mem>> -> memref<1x!tpu.dma_semaphore, #tpu.memory_space<semaphore_mem>>
          %dma_wait3A_492 = tpu.memref_squeeze %dma_wait3A_491 : memref<1x!tpu.dma_semaphore, #tpu.memory_space<semaphore_mem>> -> memref<!tpu.dma_semaphore, #tpu.memory_space<semaphore_mem>>
          tpu.wait_indirect_dma semaphore(%dma_wait3A_492 : memref<!tpu.dma_semaphore, #tpu.memory_space<semaphore_mem>>) src(%dma_wait3A_484 : memref<128x16xf32, #tpu.memory_space<vmem>>) dst(%dma_wait3A_490 : memref<10240x16xf32, #tpu.memory_space<vmem_shared>>)
        } else {
        }
        %add3A_178 = arith.constant 4 : i32
        %add3A_179 = arith.addi %add3A_145, %add3A_178 : i32
        %lt3A = arith.constant 128 : i32
        %lt3A_180 = arith.cmpi slt, %add3A_179, %lt3A : i32
        %convert_element_type3A_181 = arith.extui %lt3A_180 : i1 to i32
        %cond3A_182 = arith.constant 0 : i32
        %cond3A_183 = arith.cmpi ne, %convert_element_type3A_181, %cond3A_182 : i32
        scf.if %cond3A_183 {
          %add3A_478 = arith.constant 4 : i32
          %add3A_479 = arith.addi %add3A_145, %add3A_478 : i32
          %dma_start3A_480 = arith.constant 4 : i32
          %dma_start3A_481 = arith.constant 4 : i32
          %dma_start3A_482 = arith.constant 0 : i32
          %dma_start3A_483 = arith.constant 0 : i32
          %dma_start3A_484 = tpu.memref_slice %arg9[%dma_start3A_480, %dma_start3A_482, %dma_start3A_483] : memref<8x128x16xf32, #tpu.memory_space<vmem>> -> memref<1x128x16xf32, #tpu.memory_space<vmem>>
          %dma_start3A_485 = tpu.memref_squeeze %dma_start3A_484 : memref<1x128x16xf32, #tpu.memory_space<vmem>> -> memref<128x16xf32, #tpu.memory_space<vmem>>
          %dma_start3A_486 = arith.constant 0 : i32
          %dma_start3A_487 = tpu.memref_slice %arg7[%add3A_479, %dma_start3A_486] : memref<128x128xi32, #tpu.memory_space<vmem>> -> memref<1x128xi32, #tpu.memory_space<vmem>>
          %dma_start3A_488 = tpu.memref_squeeze %dma_start3A_487 : memref<1x128xi32, #tpu.memory_space<vmem>> -> memref<128xi32, #tpu.memory_space<vmem>>
          %dma_start3A_489 = arith.constant 0 : i32
          %dma_start3A_490 = arith.constant 0 : i32
          %dma_start3A_491 = tpu.memref_slice %arg2[%dma_start3A_489, %dma_start3A_490] : memref<10000x16xf32, #tpu.memory_space<hbm>> -> memref<10000x16xf32, #tpu.memory_space<hbm>>
          %dma_start3A_492 = tpu.memref_slice %arg11[%dma_start3A_481] : memref<8x!tpu.dma_semaphore, #tpu.memory_space<semaphore_mem>> -> memref<1x!tpu.dma_semaphore, #tpu.memory_space<semaphore_mem>>
          %dma_start3A_493 = tpu.memref_squeeze %dma_start3A_492 : memref<1x!tpu.dma_semaphore, #tpu.memory_space<semaphore_mem>> -> memref<!tpu.dma_semaphore, #tpu.memory_space<semaphore_mem>>
          tpu.enqueue_indirect_dma source(%dma_start3A_491 : memref<10000x16xf32, #tpu.memory_space<hbm>>) target(%dma_start3A_485 : memref<128x16xf32, #tpu.memory_space<vmem>>) offsets(%dma_start3A_488 : memref<128xi32, #tpu.memory_space<vmem>>) semaphore(%dma_start3A_493 : memref<!tpu.dma_semaphore, #tpu.memory_space<semaphore_mem>>)
        } else {
        }
        %add3A_184 = arith.constant 1 : i32
        %add3A_185 = arith.addi %mul3A_144, %add3A_184 : i32
        %dma_wait3A_186 = arith.constant 1 : i32
        %dma_wait3A_187 = arith.constant 1 : i32
        %dma_wait3A_188 = arith.constant 0 : i32
        %dma_wait3A_189 = arith.constant 0 : i32
        %dma_wait3A_190 = tpu.memref_slice %arg9[%dma_wait3A_186, %dma_wait3A_188, %dma_wait3A_189] : memref<8x128x16xf32, #tpu.memory_space<vmem>> -> memref<1x128x16xf32, #tpu.memory_space<vmem>>
        %dma_wait3A_191 = tpu.memref_squeeze %dma_wait3A_190 : memref<1x128x16xf32, #tpu.memory_space<vmem>> -> memref<128x16xf32, #tpu.memory_space<vmem>>
        %dma_wait3A_192 = arith.constant 0 : i32
        %dma_wait3A_193 = tpu.memref_slice %arg7[%add3A_185, %dma_wait3A_192] : memref<128x128xi32, #tpu.memory_space<vmem>> -> memref<1x128xi32, #tpu.memory_space<vmem>>
        %dma_wait3A_194 = tpu.memref_squeeze %dma_wait3A_193 : memref<1x128xi32, #tpu.memory_space<vmem>> -> memref<128xi32, #tpu.memory_space<vmem>>
        %dma_wait3A_195 = arith.constant 0 : i32
        %dma_wait3A_196 = arith.constant 0 : i32
        %dma_wait3A_197 = tpu.memref_slice %arg2[%dma_wait3A_195, %dma_wait3A_196] : memref<10000x16xf32, #tpu.memory_space<hbm>> -> memref<10000x16xf32, #tpu.memory_space<hbm>>
        %dma_wait3A_198 = tpu.memref_slice %arg11[%dma_wait3A_187] : memref<8x!tpu.dma_semaphore, #tpu.memory_space<semaphore_mem>> -> memref<1x!tpu.dma_semaphore, #tpu.memory_space<semaphore_mem>>
        %dma_wait3A_199 = tpu.memref_squeeze %dma_wait3A_198 : memref<1x!tpu.dma_semaphore, #tpu.memory_space<semaphore_mem>> -> memref<!tpu.dma_semaphore, #tpu.memory_space<semaphore_mem>>
        tpu.wait_indirect_dma semaphore(%dma_wait3A_199 : memref<!tpu.dma_semaphore, #tpu.memory_space<semaphore_mem>>) src(%dma_wait3A_197 : memref<10000x16xf32, #tpu.memory_space<hbm>>) dst(%dma_wait3A_191 : memref<128x16xf32, #tpu.memory_space<vmem>>)
        %dma_start3A_200 = arith.constant 1 : i32
        %dma_start3A_201 = arith.constant 1 : i32
        %dma_start3A_202 = arith.constant 0 : i32
        %dma_start3A_203 = arith.constant 0 : i32
        %dma_start3A_204 = tpu.memref_slice %arg9[%dma_start3A_200, %dma_start3A_202, %dma_start3A_203] : memref<8x128x16xf32, #tpu.memory_space<vmem>> -> memref<1x128x16xf32, #tpu.memory_space<vmem>>
        %dma_start3A_205 = tpu.memref_squeeze %dma_start3A_204 : memref<1x128x16xf32, #tpu.memory_space<vmem>> -> memref<128x16xf32, #tpu.memory_space<vmem>>
        %dma_start3A_206 = arith.constant 0 : i32
        %dma_start3A_207 = tpu.memref_slice %arg8[%add3A_185, %dma_start3A_206] : memref<128x128xi32, #tpu.memory_space<vmem>> -> memref<1x128xi32, #tpu.memory_space<vmem>>
        %dma_start3A_208 = tpu.memref_squeeze %dma_start3A_207 : memref<1x128xi32, #tpu.memory_space<vmem>> -> memref<128xi32, #tpu.memory_space<vmem>>
        %dma_start3A_209 = arith.constant 0 : i32
        %dma_start3A_210 = arith.constant 0 : i32
        %dma_start3A_211 = tpu.memref_slice %arg6[%dma_start3A_209, %dma_start3A_210] : memref<10240x16xf32, #tpu.memory_space<vmem_shared>> -> memref<10240x16xf32, #tpu.memory_space<vmem_shared>>
        %dma_start3A_212 = tpu.memref_slice %arg12[%dma_start3A_201] : memref<8x!tpu.dma_semaphore, #tpu.memory_space<semaphore_mem>> -> memref<1x!tpu.dma_semaphore, #tpu.memory_space<semaphore_mem>>
        %dma_start3A_213 = tpu.memref_squeeze %dma_start3A_212 : memref<1x!tpu.dma_semaphore, #tpu.memory_space<semaphore_mem>> -> memref<!tpu.dma_semaphore, #tpu.memory_space<semaphore_mem>>
        tpu.enqueue_indirect_dma source(%dma_start3A_205 : memref<128x16xf32, #tpu.memory_space<vmem>>) target(%dma_start3A_211 : memref<10240x16xf32, #tpu.memory_space<vmem_shared>>) offsets(%dma_start3A_208 : memref<128xi32, #tpu.memory_space<vmem>>) semaphore(%dma_start3A_213 : memref<!tpu.dma_semaphore, #tpu.memory_space<semaphore_mem>>) {add = true}
        %ge3A_214 = arith.constant 4 : i32
        %ge3A_215 = arith.cmpi sge, %add3A_185, %ge3A_214 : i32
        %convert_element_type3A_216 = arith.extui %ge3A_215 : i1 to i32
        %cond3A_217 = arith.constant 0 : i32
        %cond3A_218 = arith.cmpi ne, %convert_element_type3A_216, %cond3A_217 : i32
        scf.if %cond3A_218 {
          %sub3A = arith.constant 4 : i32
          %sub3A_478 = arith.subi %add3A_185, %sub3A : i32
          %dma_wait3A_479 = arith.constant 5 : i32
          %dma_wait3A_480 = arith.constant 5 : i32
          %dma_wait3A_481 = arith.constant 0 : i32
          %dma_wait3A_482 = arith.constant 0 : i32
          %dma_wait3A_483 = tpu.memref_slice %arg9[%dma_wait3A_479, %dma_wait3A_481, %dma_wait3A_482] : memref<8x128x16xf32, #tpu.memory_space<vmem>> -> memref<1x128x16xf32, #tpu.memory_space<vmem>>
          %dma_wait3A_484 = tpu.memref_squeeze %dma_wait3A_483 : memref<1x128x16xf32, #tpu.memory_space<vmem>> -> memref<128x16xf32, #tpu.memory_space<vmem>>
          %dma_wait3A_485 = arith.constant 0 : i32
          %dma_wait3A_486 = tpu.memref_slice %arg8[%sub3A_478, %dma_wait3A_485] : memref<128x128xi32, #tpu.memory_space<vmem>> -> memref<1x128xi32, #tpu.memory_space<vmem>>
          %dma_wait3A_487 = tpu.memref_squeeze %dma_wait3A_486 : memref<1x128xi32, #tpu.memory_space<vmem>> -> memref<128xi32, #tpu.memory_space<vmem>>
          %dma_wait3A_488 = arith.constant 0 : i32
          %dma_wait3A_489 = arith.constant 0 : i32
          %dma_wait3A_490 = tpu.memref_slice %arg6[%dma_wait3A_488, %dma_wait3A_489] : memref<10240x16xf32, #tpu.memory_space<vmem_shared>> -> memref<10240x16xf32, #tpu.memory_space<vmem_shared>>
          %dma_wait3A_491 = tpu.memref_slice %arg12[%dma_wait3A_480] : memref<8x!tpu.dma_semaphore, #tpu.memory_space<semaphore_mem>> -> memref<1x!tpu.dma_semaphore, #tpu.memory_space<semaphore_mem>>
          %dma_wait3A_492 = tpu.memref_squeeze %dma_wait3A_491 : memref<1x!tpu.dma_semaphore, #tpu.memory_space<semaphore_mem>> -> memref<!tpu.dma_semaphore, #tpu.memory_space<semaphore_mem>>
          tpu.wait_indirect_dma semaphore(%dma_wait3A_492 : memref<!tpu.dma_semaphore, #tpu.memory_space<semaphore_mem>>) src(%dma_wait3A_484 : memref<128x16xf32, #tpu.memory_space<vmem>>) dst(%dma_wait3A_490 : memref<10240x16xf32, #tpu.memory_space<vmem_shared>>)
        } else {
        }
        %add3A_219 = arith.constant 4 : i32
        %add3A_220 = arith.addi %add3A_185, %add3A_219 : i32
        %lt3A_221 = arith.constant 128 : i32
        %lt3A_222 = arith.cmpi slt, %add3A_220, %lt3A_221 : i32
        %convert_element_type3A_223 = arith.extui %lt3A_222 : i1 to i32
        %cond3A_224 = arith.constant 0 : i32
        %cond3A_225 = arith.cmpi ne, %convert_element_type3A_223, %cond3A_224 : i32
        scf.if %cond3A_225 {
          %add3A_478 = arith.constant 4 : i32
          %add3A_479 = arith.addi %add3A_185, %add3A_478 : i32
          %dma_start3A_480 = arith.constant 5 : i32
          %dma_start3A_481 = arith.constant 5 : i32
          %dma_start3A_482 = arith.constant 0 : i32
          %dma_start3A_483 = arith.constant 0 : i32
          %dma_start3A_484 = tpu.memref_slice %arg9[%dma_start3A_480, %dma_start3A_482, %dma_start3A_483] : memref<8x128x16xf32, #tpu.memory_space<vmem>> -> memref<1x128x16xf32, #tpu.memory_space<vmem>>
          %dma_start3A_485 = tpu.memref_squeeze %dma_start3A_484 : memref<1x128x16xf32, #tpu.memory_space<vmem>> -> memref<128x16xf32, #tpu.memory_space<vmem>>
          %dma_start3A_486 = arith.constant 0 : i32
          %dma_start3A_487 = tpu.memref_slice %arg7[%add3A_479, %dma_start3A_486] : memref<128x128xi32, #tpu.memory_space<vmem>> -> memref<1x128xi32, #tpu.memory_space<vmem>>
          %dma_start3A_488 = tpu.memref_squeeze %dma_start3A_487 : memref<1x128xi32, #tpu.memory_space<vmem>> -> memref<128xi32, #tpu.memory_space<vmem>>
          %dma_start3A_489 = arith.constant 0 : i32
          %dma_start3A_490 = arith.constant 0 : i32
          %dma_start3A_491 = tpu.memref_slice %arg2[%dma_start3A_489, %dma_start3A_490] : memref<10000x16xf32, #tpu.memory_space<hbm>> -> memref<10000x16xf32, #tpu.memory_space<hbm>>
          %dma_start3A_492 = tpu.memref_slice %arg11[%dma_start3A_481] : memref<8x!tpu.dma_semaphore, #tpu.memory_space<semaphore_mem>> -> memref<1x!tpu.dma_semaphore, #tpu.memory_space<semaphore_mem>>
          %dma_start3A_493 = tpu.memref_squeeze %dma_start3A_492 : memref<1x!tpu.dma_semaphore, #tpu.memory_space<semaphore_mem>> -> memref<!tpu.dma_semaphore, #tpu.memory_space<semaphore_mem>>
          tpu.enqueue_indirect_dma source(%dma_start3A_491 : memref<10000x16xf32, #tpu.memory_space<hbm>>) target(%dma_start3A_485 : memref<128x16xf32, #tpu.memory_space<vmem>>) offsets(%dma_start3A_488 : memref<128xi32, #tpu.memory_space<vmem>>) semaphore(%dma_start3A_493 : memref<!tpu.dma_semaphore, #tpu.memory_space<semaphore_mem>>)
        } else {
        }
        %add3A_226 = arith.constant 2 : i32
        %add3A_227 = arith.addi %mul3A_144, %add3A_226 : i32
        %dma_wait3A_228 = arith.constant 2 : i32
        %dma_wait3A_229 = arith.constant 2 : i32
        %dma_wait3A_230 = arith.constant 0 : i32
        %dma_wait3A_231 = arith.constant 0 : i32
        %dma_wait3A_232 = tpu.memref_slice %arg9[%dma_wait3A_228, %dma_wait3A_230, %dma_wait3A_231] : memref<8x128x16xf32, #tpu.memory_space<vmem>> -> memref<1x128x16xf32, #tpu.memory_space<vmem>>
        %dma_wait3A_233 = tpu.memref_squeeze %dma_wait3A_232 : memref<1x128x16xf32, #tpu.memory_space<vmem>> -> memref<128x16xf32, #tpu.memory_space<vmem>>
        %dma_wait3A_234 = arith.constant 0 : i32
        %dma_wait3A_235 = tpu.memref_slice %arg7[%add3A_227, %dma_wait3A_234] : memref<128x128xi32, #tpu.memory_space<vmem>> -> memref<1x128xi32, #tpu.memory_space<vmem>>
        %dma_wait3A_236 = tpu.memref_squeeze %dma_wait3A_235 : memref<1x128xi32, #tpu.memory_space<vmem>> -> memref<128xi32, #tpu.memory_space<vmem>>
        %dma_wait3A_237 = arith.constant 0 : i32
        %dma_wait3A_238 = arith.constant 0 : i32
        %dma_wait3A_239 = tpu.memref_slice %arg2[%dma_wait3A_237, %dma_wait3A_238] : memref<10000x16xf32, #tpu.memory_space<hbm>> -> memref<10000x16xf32, #tpu.memory_space<hbm>>
        %dma_wait3A_240 = tpu.memref_slice %arg11[%dma_wait3A_229] : memref<8x!tpu.dma_semaphore, #tpu.memory_space<semaphore_mem>> -> memref<1x!tpu.dma_semaphore, #tpu.memory_space<semaphore_mem>>
        %dma_wait3A_241 = tpu.memref_squeeze %dma_wait3A_240 : memref<1x!tpu.dma_semaphore, #tpu.memory_space<semaphore_mem>> -> memref<!tpu.dma_semaphore, #tpu.memory_space<semaphore_mem>>
        tpu.wait_indirect_dma semaphore(%dma_wait3A_241 : memref<!tpu.dma_semaphore, #tpu.memory_space<semaphore_mem>>) src(%dma_wait3A_239 : memref<10000x16xf32, #tpu.memory_space<hbm>>) dst(%dma_wait3A_233 : memref<128x16xf32, #tpu.memory_space<vmem>>)
        %dma_start3A_242 = arith.constant 2 : i32
        %dma_start3A_243 = arith.constant 2 : i32
        %dma_start3A_244 = arith.constant 0 : i32
        %dma_start3A_245 = arith.constant 0 : i32
        %dma_start3A_246 = tpu.memref_slice %arg9[%dma_start3A_242, %dma_start3A_244, %dma_start3A_245] : memref<8x128x16xf32, #tpu.memory_space<vmem>> -> memref<1x128x16xf32, #tpu.memory_space<vmem>>
        %dma_start3A_247 = tpu.memref_squeeze %dma_start3A_246 : memref<1x128x16xf32, #tpu.memory_space<vmem>> -> memref<128x16xf32, #tpu.memory_space<vmem>>
        %dma_start3A_248 = arith.constant 0 : i32
        %dma_start3A_249 = tpu.memref_slice %arg8[%add3A_227, %dma_start3A_248] : memref<128x128xi32, #tpu.memory_space<vmem>> -> memref<1x128xi32, #tpu.memory_space<vmem>>
        %dma_start3A_250 = tpu.memref_squeeze %dma_start3A_249 : memref<1x128xi32, #tpu.memory_space<vmem>> -> memref<128xi32, #tpu.memory_space<vmem>>
        %dma_start3A_251 = arith.constant 0 : i32
        %dma_start3A_252 = arith.constant 0 : i32
        %dma_start3A_253 = tpu.memref_slice %arg6[%dma_start3A_251, %dma_start3A_252] : memref<10240x16xf32, #tpu.memory_space<vmem_shared>> -> memref<10240x16xf32, #tpu.memory_space<vmem_shared>>
        %dma_start3A_254 = tpu.memref_slice %arg12[%dma_start3A_243] : memref<8x!tpu.dma_semaphore, #tpu.memory_space<semaphore_mem>> -> memref<1x!tpu.dma_semaphore, #tpu.memory_space<semaphore_mem>>
        %dma_start3A_255 = tpu.memref_squeeze %dma_start3A_254 : memref<1x!tpu.dma_semaphore, #tpu.memory_space<semaphore_mem>> -> memref<!tpu.dma_semaphore, #tpu.memory_space<semaphore_mem>>
        tpu.enqueue_indirect_dma source(%dma_start3A_247 : memref<128x16xf32, #tpu.memory_space<vmem>>) target(%dma_start3A_253 : memref<10240x16xf32, #tpu.memory_space<vmem_shared>>) offsets(%dma_start3A_250 : memref<128xi32, #tpu.memory_space<vmem>>) semaphore(%dma_start3A_255 : memref<!tpu.dma_semaphore, #tpu.memory_space<semaphore_mem>>) {add = true}
        %ge3A_256 = arith.constant 4 : i32
        %ge3A_257 = arith.cmpi sge, %add3A_227, %ge3A_256 : i32
        %convert_element_type3A_258 = arith.extui %ge3A_257 : i1 to i32
        %cond3A_259 = arith.constant 0 : i32
        %cond3A_260 = arith.cmpi ne, %convert_element_type3A_258, %cond3A_259 : i32
        scf.if %cond3A_260 {
          %sub3A = arith.constant 4 : i32
          %sub3A_478 = arith.subi %add3A_227, %sub3A : i32
          %dma_wait3A_479 = arith.constant 6 : i32
          %dma_wait3A_480 = arith.constant 6 : i32
          %dma_wait3A_481 = arith.constant 0 : i32
          %dma_wait3A_482 = arith.constant 0 : i32
          %dma_wait3A_483 = tpu.memref_slice %arg9[%dma_wait3A_479, %dma_wait3A_481, %dma_wait3A_482] : memref<8x128x16xf32, #tpu.memory_space<vmem>> -> memref<1x128x16xf32, #tpu.memory_space<vmem>>
          %dma_wait3A_484 = tpu.memref_squeeze %dma_wait3A_483 : memref<1x128x16xf32, #tpu.memory_space<vmem>> -> memref<128x16xf32, #tpu.memory_space<vmem>>
          %dma_wait3A_485 = arith.constant 0 : i32
          %dma_wait3A_486 = tpu.memref_slice %arg8[%sub3A_478, %dma_wait3A_485] : memref<128x128xi32, #tpu.memory_space<vmem>> -> memref<1x128xi32, #tpu.memory_space<vmem>>
          %dma_wait3A_487 = tpu.memref_squeeze %dma_wait3A_486 : memref<1x128xi32, #tpu.memory_space<vmem>> -> memref<128xi32, #tpu.memory_space<vmem>>
          %dma_wait3A_488 = arith.constant 0 : i32
          %dma_wait3A_489 = arith.constant 0 : i32
          %dma_wait3A_490 = tpu.memref_slice %arg6[%dma_wait3A_488, %dma_wait3A_489] : memref<10240x16xf32, #tpu.memory_space<vmem_shared>> -> memref<10240x16xf32, #tpu.memory_space<vmem_shared>>
          %dma_wait3A_491 = tpu.memref_slice %arg12[%dma_wait3A_480] : memref<8x!tpu.dma_semaphore, #tpu.memory_space<semaphore_mem>> -> memref<1x!tpu.dma_semaphore, #tpu.memory_space<semaphore_mem>>
          %dma_wait3A_492 = tpu.memref_squeeze %dma_wait3A_491 : memref<1x!tpu.dma_semaphore, #tpu.memory_space<semaphore_mem>> -> memref<!tpu.dma_semaphore, #tpu.memory_space<semaphore_mem>>
          tpu.wait_indirect_dma semaphore(%dma_wait3A_492 : memref<!tpu.dma_semaphore, #tpu.memory_space<semaphore_mem>>) src(%dma_wait3A_484 : memref<128x16xf32, #tpu.memory_space<vmem>>) dst(%dma_wait3A_490 : memref<10240x16xf32, #tpu.memory_space<vmem_shared>>)
        } else {
        }
        %add3A_261 = arith.constant 4 : i32
        %add3A_262 = arith.addi %add3A_227, %add3A_261 : i32
        %lt3A_263 = arith.constant 128 : i32
        %lt3A_264 = arith.cmpi slt, %add3A_262, %lt3A_263 : i32
        %convert_element_type3A_265 = arith.extui %lt3A_264 : i1 to i32
        %cond3A_266 = arith.constant 0 : i32
        %cond3A_267 = arith.cmpi ne, %convert_element_type3A_265, %cond3A_266 : i32
        scf.if %cond3A_267 {
          %add3A_478 = arith.constant 4 : i32
          %add3A_479 = arith.addi %add3A_227, %add3A_478 : i32
          %dma_start3A_480 = arith.constant 6 : i32
          %dma_start3A_481 = arith.constant 6 : i32
          %dma_start3A_482 = arith.constant 0 : i32
          %dma_start3A_483 = arith.constant 0 : i32
          %dma_start3A_484 = tpu.memref_slice %arg9[%dma_start3A_480, %dma_start3A_482, %dma_start3A_483] : memref<8x128x16xf32, #tpu.memory_space<vmem>> -> memref<1x128x16xf32, #tpu.memory_space<vmem>>
          %dma_start3A_485 = tpu.memref_squeeze %dma_start3A_484 : memref<1x128x16xf32, #tpu.memory_space<vmem>> -> memref<128x16xf32, #tpu.memory_space<vmem>>
          %dma_start3A_486 = arith.constant 0 : i32
          %dma_start3A_487 = tpu.memref_slice %arg7[%add3A_479, %dma_start3A_486] : memref<128x128xi32, #tpu.memory_space<vmem>> -> memref<1x128xi32, #tpu.memory_space<vmem>>
          %dma_start3A_488 = tpu.memref_squeeze %dma_start3A_487 : memref<1x128xi32, #tpu.memory_space<vmem>> -> memref<128xi32, #tpu.memory_space<vmem>>
          %dma_start3A_489 = arith.constant 0 : i32
          %dma_start3A_490 = arith.constant 0 : i32
          %dma_start3A_491 = tpu.memref_slice %arg2[%dma_start3A_489, %dma_start3A_490] : memref<10000x16xf32, #tpu.memory_space<hbm>> -> memref<10000x16xf32, #tpu.memory_space<hbm>>
          %dma_start3A_492 = tpu.memref_slice %arg11[%dma_start3A_481] : memref<8x!tpu.dma_semaphore, #tpu.memory_space<semaphore_mem>> -> memref<1x!tpu.dma_semaphore, #tpu.memory_space<semaphore_mem>>
          %dma_start3A_493 = tpu.memref_squeeze %dma_start3A_492 : memref<1x!tpu.dma_semaphore, #tpu.memory_space<semaphore_mem>> -> memref<!tpu.dma_semaphore, #tpu.memory_space<semaphore_mem>>
          tpu.enqueue_indirect_dma source(%dma_start3A_491 : memref<10000x16xf32, #tpu.memory_space<hbm>>) target(%dma_start3A_485 : memref<128x16xf32, #tpu.memory_space<vmem>>) offsets(%dma_start3A_488 : memref<128xi32, #tpu.memory_space<vmem>>) semaphore(%dma_start3A_493 : memref<!tpu.dma_semaphore, #tpu.memory_space<semaphore_mem>>)
        } else {
        }
        %add3A_268 = arith.constant 3 : i32
        %add3A_269 = arith.addi %mul3A_144, %add3A_268 : i32
        %dma_wait3A_270 = arith.constant 3 : i32
        %dma_wait3A_271 = arith.constant 3 : i32
        %dma_wait3A_272 = arith.constant 0 : i32
        %dma_wait3A_273 = arith.constant 0 : i32
        %dma_wait3A_274 = tpu.memref_slice %arg9[%dma_wait3A_270, %dma_wait3A_272, %dma_wait3A_273] : memref<8x128x16xf32, #tpu.memory_space<vmem>> -> memref<1x128x16xf32, #tpu.memory_space<vmem>>
        %dma_wait3A_275 = tpu.memref_squeeze %dma_wait3A_274 : memref<1x128x16xf32, #tpu.memory_space<vmem>> -> memref<128x16xf32, #tpu.memory_space<vmem>>
        %dma_wait3A_276 = arith.constant 0 : i32
        %dma_wait3A_277 = tpu.memref_slice %arg7[%add3A_269, %dma_wait3A_276] : memref<128x128xi32, #tpu.memory_space<vmem>> -> memref<1x128xi32, #tpu.memory_space<vmem>>
        %dma_wait3A_278 = tpu.memref_squeeze %dma_wait3A_277 : memref<1x128xi32, #tpu.memory_space<vmem>> -> memref<128xi32, #tpu.memory_space<vmem>>
        %dma_wait3A_279 = arith.constant 0 : i32
        %dma_wait3A_280 = arith.constant 0 : i32
        %dma_wait3A_281 = tpu.memref_slice %arg2[%dma_wait3A_279, %dma_wait3A_280] : memref<10000x16xf32, #tpu.memory_space<hbm>> -> memref<10000x16xf32, #tpu.memory_space<hbm>>
        %dma_wait3A_282 = tpu.memref_slice %arg11[%dma_wait3A_271] : memref<8x!tpu.dma_semaphore, #tpu.memory_space<semaphore_mem>> -> memref<1x!tpu.dma_semaphore, #tpu.memory_space<semaphore_mem>>
        %dma_wait3A_283 = tpu.memref_squeeze %dma_wait3A_282 : memref<1x!tpu.dma_semaphore, #tpu.memory_space<semaphore_mem>> -> memref<!tpu.dma_semaphore, #tpu.memory_space<semaphore_mem>>
        tpu.wait_indirect_dma semaphore(%dma_wait3A_283 : memref<!tpu.dma_semaphore, #tpu.memory_space<semaphore_mem>>) src(%dma_wait3A_281 : memref<10000x16xf32, #tpu.memory_space<hbm>>) dst(%dma_wait3A_275 : memref<128x16xf32, #tpu.memory_space<vmem>>)
        %dma_start3A_284 = arith.constant 3 : i32
        %dma_start3A_285 = arith.constant 3 : i32
        %dma_start3A_286 = arith.constant 0 : i32
        %dma_start3A_287 = arith.constant 0 : i32
        %dma_start3A_288 = tpu.memref_slice %arg9[%dma_start3A_284, %dma_start3A_286, %dma_start3A_287] : memref<8x128x16xf32, #tpu.memory_space<vmem>> -> memref<1x128x16xf32, #tpu.memory_space<vmem>>
        %dma_start3A_289 = tpu.memref_squeeze %dma_start3A_288 : memref<1x128x16xf32, #tpu.memory_space<vmem>> -> memref<128x16xf32, #tpu.memory_space<vmem>>
        %dma_start3A_290 = arith.constant 0 : i32
        %dma_start3A_291 = tpu.memref_slice %arg8[%add3A_269, %dma_start3A_290] : memref<128x128xi32, #tpu.memory_space<vmem>> -> memref<1x128xi32, #tpu.memory_space<vmem>>
        %dma_start3A_292 = tpu.memref_squeeze %dma_start3A_291 : memref<1x128xi32, #tpu.memory_space<vmem>> -> memref<128xi32, #tpu.memory_space<vmem>>
        %dma_start3A_293 = arith.constant 0 : i32
        %dma_start3A_294 = arith.constant 0 : i32
        %dma_start3A_295 = tpu.memref_slice %arg6[%dma_start3A_293, %dma_start3A_294] : memref<10240x16xf32, #tpu.memory_space<vmem_shared>> -> memref<10240x16xf32, #tpu.memory_space<vmem_shared>>
        %dma_start3A_296 = tpu.memref_slice %arg12[%dma_start3A_285] : memref<8x!tpu.dma_semaphore, #tpu.memory_space<semaphore_mem>> -> memref<1x!tpu.dma_semaphore, #tpu.memory_space<semaphore_mem>>
        %dma_start3A_297 = tpu.memref_squeeze %dma_start3A_296 : memref<1x!tpu.dma_semaphore, #tpu.memory_space<semaphore_mem>> -> memref<!tpu.dma_semaphore, #tpu.memory_space<semaphore_mem>>
        tpu.enqueue_indirect_dma source(%dma_start3A_289 : memref<128x16xf32, #tpu.memory_space<vmem>>) target(%dma_start3A_295 : memref<10240x16xf32, #tpu.memory_space<vmem_shared>>) offsets(%dma_start3A_292 : memref<128xi32, #tpu.memory_space<vmem>>) semaphore(%dma_start3A_297 : memref<!tpu.dma_semaphore, #tpu.memory_space<semaphore_mem>>) {add = true}
        %ge3A_298 = arith.constant 4 : i32
        %ge3A_299 = arith.cmpi sge, %add3A_269, %ge3A_298 : i32
        %convert_element_type3A_300 = arith.extui %ge3A_299 : i1 to i32
        %cond3A_301 = arith.constant 0 : i32
        %cond3A_302 = arith.cmpi ne, %convert_element_type3A_300, %cond3A_301 : i32
        scf.if %cond3A_302 {
          %sub3A = arith.constant 4 : i32
          %sub3A_478 = arith.subi %add3A_269, %sub3A : i32
          %dma_wait3A_479 = arith.constant 7 : i32
          %dma_wait3A_480 = arith.constant 7 : i32
          %dma_wait3A_481 = arith.constant 0 : i32
          %dma_wait3A_482 = arith.constant 0 : i32
          %dma_wait3A_483 = tpu.memref_slice %arg9[%dma_wait3A_479, %dma_wait3A_481, %dma_wait3A_482] : memref<8x128x16xf32, #tpu.memory_space<vmem>> -> memref<1x128x16xf32, #tpu.memory_space<vmem>>
          %dma_wait3A_484 = tpu.memref_squeeze %dma_wait3A_483 : memref<1x128x16xf32, #tpu.memory_space<vmem>> -> memref<128x16xf32, #tpu.memory_space<vmem>>
          %dma_wait3A_485 = arith.constant 0 : i32
          %dma_wait3A_486 = tpu.memref_slice %arg8[%sub3A_478, %dma_wait3A_485] : memref<128x128xi32, #tpu.memory_space<vmem>> -> memref<1x128xi32, #tpu.memory_space<vmem>>
          %dma_wait3A_487 = tpu.memref_squeeze %dma_wait3A_486 : memref<1x128xi32, #tpu.memory_space<vmem>> -> memref<128xi32, #tpu.memory_space<vmem>>
          %dma_wait3A_488 = arith.constant 0 : i32
          %dma_wait3A_489 = arith.constant 0 : i32
          %dma_wait3A_490 = tpu.memref_slice %arg6[%dma_wait3A_488, %dma_wait3A_489] : memref<10240x16xf32, #tpu.memory_space<vmem_shared>> -> memref<10240x16xf32, #tpu.memory_space<vmem_shared>>
          %dma_wait3A_491 = tpu.memref_slice %arg12[%dma_wait3A_480] : memref<8x!tpu.dma_semaphore, #tpu.memory_space<semaphore_mem>> -> memref<1x!tpu.dma_semaphore, #tpu.memory_space<semaphore_mem>>
          %dma_wait3A_492 = tpu.memref_squeeze %dma_wait3A_491 : memref<1x!tpu.dma_semaphore, #tpu.memory_space<semaphore_mem>> -> memref<!tpu.dma_semaphore, #tpu.memory_space<semaphore_mem>>
          tpu.wait_indirect_dma semaphore(%dma_wait3A_492 : memref<!tpu.dma_semaphore, #tpu.memory_space<semaphore_mem>>) src(%dma_wait3A_484 : memref<128x16xf32, #tpu.memory_space<vmem>>) dst(%dma_wait3A_490 : memref<10240x16xf32, #tpu.memory_space<vmem_shared>>)
        } else {
        }
        %add3A_303 = arith.constant 4 : i32
        %add3A_304 = arith.addi %add3A_269, %add3A_303 : i32
        %lt3A_305 = arith.constant 128 : i32
        %lt3A_306 = arith.cmpi slt, %add3A_304, %lt3A_305 : i32
        %convert_element_type3A_307 = arith.extui %lt3A_306 : i1 to i32
        %cond3A_308 = arith.constant 0 : i32
        %cond3A_309 = arith.cmpi ne, %convert_element_type3A_307, %cond3A_308 : i32
        scf.if %cond3A_309 {
          %add3A_478 = arith.constant 4 : i32
          %add3A_479 = arith.addi %add3A_269, %add3A_478 : i32
          %dma_start3A_480 = arith.constant 7 : i32
          %dma_start3A_481 = arith.constant 7 : i32
          %dma_start3A_482 = arith.constant 0 : i32
          %dma_start3A_483 = arith.constant 0 : i32
          %dma_start3A_484 = tpu.memref_slice %arg9[%dma_start3A_480, %dma_start3A_482, %dma_start3A_483] : memref<8x128x16xf32, #tpu.memory_space<vmem>> -> memref<1x128x16xf32, #tpu.memory_space<vmem>>
          %dma_start3A_485 = tpu.memref_squeeze %dma_start3A_484 : memref<1x128x16xf32, #tpu.memory_space<vmem>> -> memref<128x16xf32, #tpu.memory_space<vmem>>
          %dma_start3A_486 = arith.constant 0 : i32
          %dma_start3A_487 = tpu.memref_slice %arg7[%add3A_479, %dma_start3A_486] : memref<128x128xi32, #tpu.memory_space<vmem>> -> memref<1x128xi32, #tpu.memory_space<vmem>>
          %dma_start3A_488 = tpu.memref_squeeze %dma_start3A_487 : memref<1x128xi32, #tpu.memory_space<vmem>> -> memref<128xi32, #tpu.memory_space<vmem>>
          %dma_start3A_489 = arith.constant 0 : i32
          %dma_start3A_490 = arith.constant 0 : i32
          %dma_start3A_491 = tpu.memref_slice %arg2[%dma_start3A_489, %dma_start3A_490] : memref<10000x16xf32, #tpu.memory_space<hbm>> -> memref<10000x16xf32, #tpu.memory_space<hbm>>
          %dma_start3A_492 = tpu.memref_slice %arg11[%dma_start3A_481] : memref<8x!tpu.dma_semaphore, #tpu.memory_space<semaphore_mem>> -> memref<1x!tpu.dma_semaphore, #tpu.memory_space<semaphore_mem>>
          %dma_start3A_493 = tpu.memref_squeeze %dma_start3A_492 : memref<1x!tpu.dma_semaphore, #tpu.memory_space<semaphore_mem>> -> memref<!tpu.dma_semaphore, #tpu.memory_space<semaphore_mem>>
          tpu.enqueue_indirect_dma source(%dma_start3A_491 : memref<10000x16xf32, #tpu.memory_space<hbm>>) target(%dma_start3A_485 : memref<128x16xf32, #tpu.memory_space<vmem>>) offsets(%dma_start3A_488 : memref<128xi32, #tpu.memory_space<vmem>>) semaphore(%dma_start3A_493 : memref<!tpu.dma_semaphore, #tpu.memory_space<semaphore_mem>>)
        } else {
        }
        %add3A_310 = arith.constant 4 : i32
        %add3A_311 = arith.addi %mul3A_144, %add3A_310 : i32
        %dma_wait3A_312 = arith.constant 4 : i32
        %dma_wait3A_313 = arith.constant 4 : i32
        %dma_wait3A_314 = arith.constant 0 : i32
        %dma_wait3A_315 = arith.constant 0 : i32
        %dma_wait3A_316 = tpu.memref_slice %arg9[%dma_wait3A_312, %dma_wait3A_314, %dma_wait3A_315] : memref<8x128x16xf32, #tpu.memory_space<vmem>> -> memref<1x128x16xf32, #tpu.memory_space<vmem>>
        %dma_wait3A_317 = tpu.memref_squeeze %dma_wait3A_316 : memref<1x128x16xf32, #tpu.memory_space<vmem>> -> memref<128x16xf32, #tpu.memory_space<vmem>>
        %dma_wait3A_318 = arith.constant 0 : i32
        %dma_wait3A_319 = tpu.memref_slice %arg7[%add3A_311, %dma_wait3A_318] : memref<128x128xi32, #tpu.memory_space<vmem>> -> memref<1x128xi32, #tpu.memory_space<vmem>>
        %dma_wait3A_320 = tpu.memref_squeeze %dma_wait3A_319 : memref<1x128xi32, #tpu.memory_space<vmem>> -> memref<128xi32, #tpu.memory_space<vmem>>
        %dma_wait3A_321 = arith.constant 0 : i32
        %dma_wait3A_322 = arith.constant 0 : i32
        %dma_wait3A_323 = tpu.memref_slice %arg2[%dma_wait3A_321, %dma_wait3A_322] : memref<10000x16xf32, #tpu.memory_space<hbm>> -> memref<10000x16xf32, #tpu.memory_space<hbm>>
        %dma_wait3A_324 = tpu.memref_slice %arg11[%dma_wait3A_313] : memref<8x!tpu.dma_semaphore, #tpu.memory_space<semaphore_mem>> -> memref<1x!tpu.dma_semaphore, #tpu.memory_space<semaphore_mem>>
        %dma_wait3A_325 = tpu.memref_squeeze %dma_wait3A_324 : memref<1x!tpu.dma_semaphore, #tpu.memory_space<semaphore_mem>> -> memref<!tpu.dma_semaphore, #tpu.memory_space<semaphore_mem>>
        tpu.wait_indirect_dma semaphore(%dma_wait3A_325 : memref<!tpu.dma_semaphore, #tpu.memory_space<semaphore_mem>>) src(%dma_wait3A_323 : memref<10000x16xf32, #tpu.memory_space<hbm>>) dst(%dma_wait3A_317 : memref<128x16xf32, #tpu.memory_space<vmem>>)
        %dma_start3A_326 = arith.constant 4 : i32
        %dma_start3A_327 = arith.constant 4 : i32
        %dma_start3A_328 = arith.constant 0 : i32
        %dma_start3A_329 = arith.constant 0 : i32
        %dma_start3A_330 = tpu.memref_slice %arg9[%dma_start3A_326, %dma_start3A_328, %dma_start3A_329] : memref<8x128x16xf32, #tpu.memory_space<vmem>> -> memref<1x128x16xf32, #tpu.memory_space<vmem>>
        %dma_start3A_331 = tpu.memref_squeeze %dma_start3A_330 : memref<1x128x16xf32, #tpu.memory_space<vmem>> -> memref<128x16xf32, #tpu.memory_space<vmem>>
        %dma_start3A_332 = arith.constant 0 : i32
        %dma_start3A_333 = tpu.memref_slice %arg8[%add3A_311, %dma_start3A_332] : memref<128x128xi32, #tpu.memory_space<vmem>> -> memref<1x128xi32, #tpu.memory_space<vmem>>
        %dma_start3A_334 = tpu.memref_squeeze %dma_start3A_333 : memref<1x128xi32, #tpu.memory_space<vmem>> -> memref<128xi32, #tpu.memory_space<vmem>>
        %dma_start3A_335 = arith.constant 0 : i32
        %dma_start3A_336 = arith.constant 0 : i32
        %dma_start3A_337 = tpu.memref_slice %arg6[%dma_start3A_335, %dma_start3A_336] : memref<10240x16xf32, #tpu.memory_space<vmem_shared>> -> memref<10240x16xf32, #tpu.memory_space<vmem_shared>>
        %dma_start3A_338 = tpu.memref_slice %arg12[%dma_start3A_327] : memref<8x!tpu.dma_semaphore, #tpu.memory_space<semaphore_mem>> -> memref<1x!tpu.dma_semaphore, #tpu.memory_space<semaphore_mem>>
        %dma_start3A_339 = tpu.memref_squeeze %dma_start3A_338 : memref<1x!tpu.dma_semaphore, #tpu.memory_space<semaphore_mem>> -> memref<!tpu.dma_semaphore, #tpu.memory_space<semaphore_mem>>
        tpu.enqueue_indirect_dma source(%dma_start3A_331 : memref<128x16xf32, #tpu.memory_space<vmem>>) target(%dma_start3A_337 : memref<10240x16xf32, #tpu.memory_space<vmem_shared>>) offsets(%dma_start3A_334 : memref<128xi32, #tpu.memory_space<vmem>>) semaphore(%dma_start3A_339 : memref<!tpu.dma_semaphore, #tpu.memory_space<semaphore_mem>>) {add = true}
        %ge3A_340 = arith.constant 4 : i32
        %ge3A_341 = arith.cmpi sge, %add3A_311, %ge3A_340 : i32
        %convert_element_type3A_342 = arith.extui %ge3A_341 : i1 to i32
        %cond3A_343 = arith.constant 0 : i32
        %cond3A_344 = arith.cmpi ne, %convert_element_type3A_342, %cond3A_343 : i32
        scf.if %cond3A_344 {
          %sub3A = arith.constant 4 : i32
          %sub3A_478 = arith.subi %add3A_311, %sub3A : i32
          %dma_wait3A_479 = arith.constant 0 : i32
          %dma_wait3A_480 = arith.constant 0 : i32
          %dma_wait3A_481 = arith.constant 0 : i32
          %dma_wait3A_482 = arith.constant 0 : i32
          %dma_wait3A_483 = tpu.memref_slice %arg9[%dma_wait3A_479, %dma_wait3A_481, %dma_wait3A_482] : memref<8x128x16xf32, #tpu.memory_space<vmem>> -> memref<1x128x16xf32, #tpu.memory_space<vmem>>
          %dma_wait3A_484 = tpu.memref_squeeze %dma_wait3A_483 : memref<1x128x16xf32, #tpu.memory_space<vmem>> -> memref<128x16xf32, #tpu.memory_space<vmem>>
          %dma_wait3A_485 = arith.constant 0 : i32
          %dma_wait3A_486 = tpu.memref_slice %arg8[%sub3A_478, %dma_wait3A_485] : memref<128x128xi32, #tpu.memory_space<vmem>> -> memref<1x128xi32, #tpu.memory_space<vmem>>
          %dma_wait3A_487 = tpu.memref_squeeze %dma_wait3A_486 : memref<1x128xi32, #tpu.memory_space<vmem>> -> memref<128xi32, #tpu.memory_space<vmem>>
          %dma_wait3A_488 = arith.constant 0 : i32
          %dma_wait3A_489 = arith.constant 0 : i32
          %dma_wait3A_490 = tpu.memref_slice %arg6[%dma_wait3A_488, %dma_wait3A_489] : memref<10240x16xf32, #tpu.memory_space<vmem_shared>> -> memref<10240x16xf32, #tpu.memory_space<vmem_shared>>
          %dma_wait3A_491 = tpu.memref_slice %arg12[%dma_wait3A_480] : memref<8x!tpu.dma_semaphore, #tpu.memory_space<semaphore_mem>> -> memref<1x!tpu.dma_semaphore, #tpu.memory_space<semaphore_mem>>
          %dma_wait3A_492 = tpu.memref_squeeze %dma_wait3A_491 : memref<1x!tpu.dma_semaphore, #tpu.memory_space<semaphore_mem>> -> memref<!tpu.dma_semaphore, #tpu.memory_space<semaphore_mem>>
          tpu.wait_indirect_dma semaphore(%dma_wait3A_492 : memref<!tpu.dma_semaphore, #tpu.memory_space<semaphore_mem>>) src(%dma_wait3A_484 : memref<128x16xf32, #tpu.memory_space<vmem>>) dst(%dma_wait3A_490 : memref<10240x16xf32, #tpu.memory_space<vmem_shared>>)
        } else {
        }
        %add3A_345 = arith.constant 4 : i32
        %add3A_346 = arith.addi %add3A_311, %add3A_345 : i32
        %lt3A_347 = arith.constant 128 : i32
        %lt3A_348 = arith.cmpi slt, %add3A_346, %lt3A_347 : i32
        %convert_element_type3A_349 = arith.extui %lt3A_348 : i1 to i32
        %cond3A_350 = arith.constant 0 : i32
        %cond3A_351 = arith.cmpi ne, %convert_element_type3A_349, %cond3A_350 : i32
        scf.if %cond3A_351 {
          %add3A_478 = arith.constant 4 : i32
          %add3A_479 = arith.addi %add3A_311, %add3A_478 : i32
          %dma_start3A_480 = arith.constant 0 : i32
          %dma_start3A_481 = arith.constant 0 : i32
          %dma_start3A_482 = arith.constant 0 : i32
          %dma_start3A_483 = arith.constant 0 : i32
          %dma_start3A_484 = tpu.memref_slice %arg9[%dma_start3A_480, %dma_start3A_482, %dma_start3A_483] : memref<8x128x16xf32, #tpu.memory_space<vmem>> -> memref<1x128x16xf32, #tpu.memory_space<vmem>>
          %dma_start3A_485 = tpu.memref_squeeze %dma_start3A_484 : memref<1x128x16xf32, #tpu.memory_space<vmem>> -> memref<128x16xf32, #tpu.memory_space<vmem>>
          %dma_start3A_486 = arith.constant 0 : i32
          %dma_start3A_487 = tpu.memref_slice %arg7[%add3A_479, %dma_start3A_486] : memref<128x128xi32, #tpu.memory_space<vmem>> -> memref<1x128xi32, #tpu.memory_space<vmem>>
          %dma_start3A_488 = tpu.memref_squeeze %dma_start3A_487 : memref<1x128xi32, #tpu.memory_space<vmem>> -> memref<128xi32, #tpu.memory_space<vmem>>
          %dma_start3A_489 = arith.constant 0 : i32
          %dma_start3A_490 = arith.constant 0 : i32
          %dma_start3A_491 = tpu.memref_slice %arg2[%dma_start3A_489, %dma_start3A_490] : memref<10000x16xf32, #tpu.memory_space<hbm>> -> memref<10000x16xf32, #tpu.memory_space<hbm>>
          %dma_start3A_492 = tpu.memref_slice %arg11[%dma_start3A_481] : memref<8x!tpu.dma_semaphore, #tpu.memory_space<semaphore_mem>> -> memref<1x!tpu.dma_semaphore, #tpu.memory_space<semaphore_mem>>
          %dma_start3A_493 = tpu.memref_squeeze %dma_start3A_492 : memref<1x!tpu.dma_semaphore, #tpu.memory_space<semaphore_mem>> -> memref<!tpu.dma_semaphore, #tpu.memory_space<semaphore_mem>>
          tpu.enqueue_indirect_dma source(%dma_start3A_491 : memref<10000x16xf32, #tpu.memory_space<hbm>>) target(%dma_start3A_485 : memref<128x16xf32, #tpu.memory_space<vmem>>) offsets(%dma_start3A_488 : memref<128xi32, #tpu.memory_space<vmem>>) semaphore(%dma_start3A_493 : memref<!tpu.dma_semaphore, #tpu.memory_space<semaphore_mem>>)
        } else {
        }
        %add3A_352 = arith.constant 5 : i32
        %add3A_353 = arith.addi %mul3A_144, %add3A_352 : i32
        %dma_wait3A_354 = arith.constant 5 : i32
        %dma_wait3A_355 = arith.constant 5 : i32
        %dma_wait3A_356 = arith.constant 0 : i32
        %dma_wait3A_357 = arith.constant 0 : i32
        %dma_wait3A_358 = tpu.memref_slice %arg9[%dma_wait3A_354, %dma_wait3A_356, %dma_wait3A_357] : memref<8x128x16xf32, #tpu.memory_space<vmem>> -> memref<1x128x16xf32, #tpu.memory_space<vmem>>
        %dma_wait3A_359 = tpu.memref_squeeze %dma_wait3A_358 : memref<1x128x16xf32, #tpu.memory_space<vmem>> -> memref<128x16xf32, #tpu.memory_space<vmem>>
        %dma_wait3A_360 = arith.constant 0 : i32
        %dma_wait3A_361 = tpu.memref_slice %arg7[%add3A_353, %dma_wait3A_360] : memref<128x128xi32, #tpu.memory_space<vmem>> -> memref<1x128xi32, #tpu.memory_space<vmem>>
        %dma_wait3A_362 = tpu.memref_squeeze %dma_wait3A_361 : memref<1x128xi32, #tpu.memory_space<vmem>> -> memref<128xi32, #tpu.memory_space<vmem>>
        %dma_wait3A_363 = arith.constant 0 : i32
        %dma_wait3A_364 = arith.constant 0 : i32
        %dma_wait3A_365 = tpu.memref_slice %arg2[%dma_wait3A_363, %dma_wait3A_364] : memref<10000x16xf32, #tpu.memory_space<hbm>> -> memref<10000x16xf32, #tpu.memory_space<hbm>>
        %dma_wait3A_366 = tpu.memref_slice %arg11[%dma_wait3A_355] : memref<8x!tpu.dma_semaphore, #tpu.memory_space<semaphore_mem>> -> memref<1x!tpu.dma_semaphore, #tpu.memory_space<semaphore_mem>>
        %dma_wait3A_367 = tpu.memref_squeeze %dma_wait3A_366 : memref<1x!tpu.dma_semaphore, #tpu.memory_space<semaphore_mem>> -> memref<!tpu.dma_semaphore, #tpu.memory_space<semaphore_mem>>
        tpu.wait_indirect_dma semaphore(%dma_wait3A_367 : memref<!tpu.dma_semaphore, #tpu.memory_space<semaphore_mem>>) src(%dma_wait3A_365 : memref<10000x16xf32, #tpu.memory_space<hbm>>) dst(%dma_wait3A_359 : memref<128x16xf32, #tpu.memory_space<vmem>>)
        %dma_start3A_368 = arith.constant 5 : i32
        %dma_start3A_369 = arith.constant 5 : i32
        %dma_start3A_370 = arith.constant 0 : i32
        %dma_start3A_371 = arith.constant 0 : i32
        %dma_start3A_372 = tpu.memref_slice %arg9[%dma_start3A_368, %dma_start3A_370, %dma_start3A_371] : memref<8x128x16xf32, #tpu.memory_space<vmem>> -> memref<1x128x16xf32, #tpu.memory_space<vmem>>
        %dma_start3A_373 = tpu.memref_squeeze %dma_start3A_372 : memref<1x128x16xf32, #tpu.memory_space<vmem>> -> memref<128x16xf32, #tpu.memory_space<vmem>>
        %dma_start3A_374 = arith.constant 0 : i32
        %dma_start3A_375 = tpu.memref_slice %arg8[%add3A_353, %dma_start3A_374] : memref<128x128xi32, #tpu.memory_space<vmem>> -> memref<1x128xi32, #tpu.memory_space<vmem>>
        %dma_start3A_376 = tpu.memref_squeeze %dma_start3A_375 : memref<1x128xi32, #tpu.memory_space<vmem>> -> memref<128xi32, #tpu.memory_space<vmem>>
        %dma_start3A_377 = arith.constant 0 : i32
        %dma_start3A_378 = arith.constant 0 : i32
        %dma_start3A_379 = tpu.memref_slice %arg6[%dma_start3A_377, %dma_start3A_378] : memref<10240x16xf32, #tpu.memory_space<vmem_shared>> -> memref<10240x16xf32, #tpu.memory_space<vmem_shared>>
        %dma_start3A_380 = tpu.memref_slice %arg12[%dma_start3A_369] : memref<8x!tpu.dma_semaphore, #tpu.memory_space<semaphore_mem>> -> memref<1x!tpu.dma_semaphore, #tpu.memory_space<semaphore_mem>>
        %dma_start3A_381 = tpu.memref_squeeze %dma_start3A_380 : memref<1x!tpu.dma_semaphore, #tpu.memory_space<semaphore_mem>> -> memref<!tpu.dma_semaphore, #tpu.memory_space<semaphore_mem>>
        tpu.enqueue_indirect_dma source(%dma_start3A_373 : memref<128x16xf32, #tpu.memory_space<vmem>>) target(%dma_start3A_379 : memref<10240x16xf32, #tpu.memory_space<vmem_shared>>) offsets(%dma_start3A_376 : memref<128xi32, #tpu.memory_space<vmem>>) semaphore(%dma_start3A_381 : memref<!tpu.dma_semaphore, #tpu.memory_space<semaphore_mem>>) {add = true}
        %ge3A_382 = arith.constant 4 : i32
        %ge3A_383 = arith.cmpi sge, %add3A_353, %ge3A_382 : i32
        %convert_element_type3A_384 = arith.extui %ge3A_383 : i1 to i32
        %cond3A_385 = arith.constant 0 : i32
        %cond3A_386 = arith.cmpi ne, %convert_element_type3A_384, %cond3A_385 : i32
        scf.if %cond3A_386 {
          %sub3A = arith.constant 4 : i32
          %sub3A_478 = arith.subi %add3A_353, %sub3A : i32
          %dma_wait3A_479 = arith.constant 1 : i32
          %dma_wait3A_480 = arith.constant 1 : i32
          %dma_wait3A_481 = arith.constant 0 : i32
          %dma_wait3A_482 = arith.constant 0 : i32
          %dma_wait3A_483 = tpu.memref_slice %arg9[%dma_wait3A_479, %dma_wait3A_481, %dma_wait3A_482] : memref<8x128x16xf32, #tpu.memory_space<vmem>> -> memref<1x128x16xf32, #tpu.memory_space<vmem>>
          %dma_wait3A_484 = tpu.memref_squeeze %dma_wait3A_483 : memref<1x128x16xf32, #tpu.memory_space<vmem>> -> memref<128x16xf32, #tpu.memory_space<vmem>>
          %dma_wait3A_485 = arith.constant 0 : i32
          %dma_wait3A_486 = tpu.memref_slice %arg8[%sub3A_478, %dma_wait3A_485] : memref<128x128xi32, #tpu.memory_space<vmem>> -> memref<1x128xi32, #tpu.memory_space<vmem>>
          %dma_wait3A_487 = tpu.memref_squeeze %dma_wait3A_486 : memref<1x128xi32, #tpu.memory_space<vmem>> -> memref<128xi32, #tpu.memory_space<vmem>>
          %dma_wait3A_488 = arith.constant 0 : i32
          %dma_wait3A_489 = arith.constant 0 : i32
          %dma_wait3A_490 = tpu.memref_slice %arg6[%dma_wait3A_488, %dma_wait3A_489] : memref<10240x16xf32, #tpu.memory_space<vmem_shared>> -> memref<10240x16xf32, #tpu.memory_space<vmem_shared>>
          %dma_wait3A_491 = tpu.memref_slice %arg12[%dma_wait3A_480] : memref<8x!tpu.dma_semaphore, #tpu.memory_space<semaphore_mem>> -> memref<1x!tpu.dma_semaphore, #tpu.memory_space<semaphore_mem>>
          %dma_wait3A_492 = tpu.memref_squeeze %dma_wait3A_491 : memref<1x!tpu.dma_semaphore, #tpu.memory_space<semaphore_mem>> -> memref<!tpu.dma_semaphore, #tpu.memory_space<semaphore_mem>>
          tpu.wait_indirect_dma semaphore(%dma_wait3A_492 : memref<!tpu.dma_semaphore, #tpu.memory_space<semaphore_mem>>) src(%dma_wait3A_484 : memref<128x16xf32, #tpu.memory_space<vmem>>) dst(%dma_wait3A_490 : memref<10240x16xf32, #tpu.memory_space<vmem_shared>>)
        } else {
        }
        %add3A_387 = arith.constant 4 : i32
        %add3A_388 = arith.addi %add3A_353, %add3A_387 : i32
        %lt3A_389 = arith.constant 128 : i32
        %lt3A_390 = arith.cmpi slt, %add3A_388, %lt3A_389 : i32
        %convert_element_type3A_391 = arith.extui %lt3A_390 : i1 to i32
        %cond3A_392 = arith.constant 0 : i32
        %cond3A_393 = arith.cmpi ne, %convert_element_type3A_391, %cond3A_392 : i32
        scf.if %cond3A_393 {
          %add3A_478 = arith.constant 4 : i32
          %add3A_479 = arith.addi %add3A_353, %add3A_478 : i32
          %dma_start3A_480 = arith.constant 1 : i32
          %dma_start3A_481 = arith.constant 1 : i32
          %dma_start3A_482 = arith.constant 0 : i32
          %dma_start3A_483 = arith.constant 0 : i32
          %dma_start3A_484 = tpu.memref_slice %arg9[%dma_start3A_480, %dma_start3A_482, %dma_start3A_483] : memref<8x128x16xf32, #tpu.memory_space<vmem>> -> memref<1x128x16xf32, #tpu.memory_space<vmem>>
          %dma_start3A_485 = tpu.memref_squeeze %dma_start3A_484 : memref<1x128x16xf32, #tpu.memory_space<vmem>> -> memref<128x16xf32, #tpu.memory_space<vmem>>
          %dma_start3A_486 = arith.constant 0 : i32
          %dma_start3A_487 = tpu.memref_slice %arg7[%add3A_479, %dma_start3A_486] : memref<128x128xi32, #tpu.memory_space<vmem>> -> memref<1x128xi32, #tpu.memory_space<vmem>>
          %dma_start3A_488 = tpu.memref_squeeze %dma_start3A_487 : memref<1x128xi32, #tpu.memory_space<vmem>> -> memref<128xi32, #tpu.memory_space<vmem>>
          %dma_start3A_489 = arith.constant 0 : i32
          %dma_start3A_490 = arith.constant 0 : i32
          %dma_start3A_491 = tpu.memref_slice %arg2[%dma_start3A_489, %dma_start3A_490] : memref<10000x16xf32, #tpu.memory_space<hbm>> -> memref<10000x16xf32, #tpu.memory_space<hbm>>
          %dma_start3A_492 = tpu.memref_slice %arg11[%dma_start3A_481] : memref<8x!tpu.dma_semaphore, #tpu.memory_space<semaphore_mem>> -> memref<1x!tpu.dma_semaphore, #tpu.memory_space<semaphore_mem>>
          %dma_start3A_493 = tpu.memref_squeeze %dma_start3A_492 : memref<1x!tpu.dma_semaphore, #tpu.memory_space<semaphore_mem>> -> memref<!tpu.dma_semaphore, #tpu.memory_space<semaphore_mem>>
          tpu.enqueue_indirect_dma source(%dma_start3A_491 : memref<10000x16xf32, #tpu.memory_space<hbm>>) target(%dma_start3A_485 : memref<128x16xf32, #tpu.memory_space<vmem>>) offsets(%dma_start3A_488 : memref<128xi32, #tpu.memory_space<vmem>>) semaphore(%dma_start3A_493 : memref<!tpu.dma_semaphore, #tpu.memory_space<semaphore_mem>>)
        } else {
        }
        %add3A_394 = arith.constant 6 : i32
        %add3A_395 = arith.addi %mul3A_144, %add3A_394 : i32
        %dma_wait3A_396 = arith.constant 6 : i32
        %dma_wait3A_397 = arith.constant 6 : i32
        %dma_wait3A_398 = arith.constant 0 : i32
        %dma_wait3A_399 = arith.constant 0 : i32
        %dma_wait3A_400 = tpu.memref_slice %arg9[%dma_wait3A_396, %dma_wait3A_398, %dma_wait3A_399] : memref<8x128x16xf32, #tpu.memory_space<vmem>> -> memref<1x128x16xf32, #tpu.memory_space<vmem>>
        %dma_wait3A_401 = tpu.memref_squeeze %dma_wait3A_400 : memref<1x128x16xf32, #tpu.memory_space<vmem>> -> memref<128x16xf32, #tpu.memory_space<vmem>>
        %dma_wait3A_402 = arith.constant 0 : i32
        %dma_wait3A_403 = tpu.memref_slice %arg7[%add3A_395, %dma_wait3A_402] : memref<128x128xi32, #tpu.memory_space<vmem>> -> memref<1x128xi32, #tpu.memory_space<vmem>>
        %dma_wait3A_404 = tpu.memref_squeeze %dma_wait3A_403 : memref<1x128xi32, #tpu.memory_space<vmem>> -> memref<128xi32, #tpu.memory_space<vmem>>
        %dma_wait3A_405 = arith.constant 0 : i32
        %dma_wait3A_406 = arith.constant 0 : i32
        %dma_wait3A_407 = tpu.memref_slice %arg2[%dma_wait3A_405, %dma_wait3A_406] : memref<10000x16xf32, #tpu.memory_space<hbm>> -> memref<10000x16xf32, #tpu.memory_space<hbm>>
        %dma_wait3A_408 = tpu.memref_slice %arg11[%dma_wait3A_397] : memref<8x!tpu.dma_semaphore, #tpu.memory_space<semaphore_mem>> -> memref<1x!tpu.dma_semaphore, #tpu.memory_space<semaphore_mem>>
        %dma_wait3A_409 = tpu.memref_squeeze %dma_wait3A_408 : memref<1x!tpu.dma_semaphore, #tpu.memory_space<semaphore_mem>> -> memref<!tpu.dma_semaphore, #tpu.memory_space<semaphore_mem>>
        tpu.wait_indirect_dma semaphore(%dma_wait3A_409 : memref<!tpu.dma_semaphore, #tpu.memory_space<semaphore_mem>>) src(%dma_wait3A_407 : memref<10000x16xf32, #tpu.memory_space<hbm>>) dst(%dma_wait3A_401 : memref<128x16xf32, #tpu.memory_space<vmem>>)
        %dma_start3A_410 = arith.constant 6 : i32
        %dma_start3A_411 = arith.constant 6 : i32
        %dma_start3A_412 = arith.constant 0 : i32
        %dma_start3A_413 = arith.constant 0 : i32
        %dma_start3A_414 = tpu.memref_slice %arg9[%dma_start3A_410, %dma_start3A_412, %dma_start3A_413] : memref<8x128x16xf32, #tpu.memory_space<vmem>> -> memref<1x128x16xf32, #tpu.memory_space<vmem>>
        %dma_start3A_415 = tpu.memref_squeeze %dma_start3A_414 : memref<1x128x16xf32, #tpu.memory_space<vmem>> -> memref<128x16xf32, #tpu.memory_space<vmem>>
        %dma_start3A_416 = arith.constant 0 : i32
        %dma_start3A_417 = tpu.memref_slice %arg8[%add3A_395, %dma_start3A_416] : memref<128x128xi32, #tpu.memory_space<vmem>> -> memref<1x128xi32, #tpu.memory_space<vmem>>
        %dma_start3A_418 = tpu.memref_squeeze %dma_start3A_417 : memref<1x128xi32, #tpu.memory_space<vmem>> -> memref<128xi32, #tpu.memory_space<vmem>>
        %dma_start3A_419 = arith.constant 0 : i32
        %dma_start3A_420 = arith.constant 0 : i32
        %dma_start3A_421 = tpu.memref_slice %arg6[%dma_start3A_419, %dma_start3A_420] : memref<10240x16xf32, #tpu.memory_space<vmem_shared>> -> memref<10240x16xf32, #tpu.memory_space<vmem_shared>>
        %dma_start3A_422 = tpu.memref_slice %arg12[%dma_start3A_411] : memref<8x!tpu.dma_semaphore, #tpu.memory_space<semaphore_mem>> -> memref<1x!tpu.dma_semaphore, #tpu.memory_space<semaphore_mem>>
        %dma_start3A_423 = tpu.memref_squeeze %dma_start3A_422 : memref<1x!tpu.dma_semaphore, #tpu.memory_space<semaphore_mem>> -> memref<!tpu.dma_semaphore, #tpu.memory_space<semaphore_mem>>
        tpu.enqueue_indirect_dma source(%dma_start3A_415 : memref<128x16xf32, #tpu.memory_space<vmem>>) target(%dma_start3A_421 : memref<10240x16xf32, #tpu.memory_space<vmem_shared>>) offsets(%dma_start3A_418 : memref<128xi32, #tpu.memory_space<vmem>>) semaphore(%dma_start3A_423 : memref<!tpu.dma_semaphore, #tpu.memory_space<semaphore_mem>>) {add = true}
        %ge3A_424 = arith.constant 4 : i32
        %ge3A_425 = arith.cmpi sge, %add3A_395, %ge3A_424 : i32
        %convert_element_type3A_426 = arith.extui %ge3A_425 : i1 to i32
        %cond3A_427 = arith.constant 0 : i32
        %cond3A_428 = arith.cmpi ne, %convert_element_type3A_426, %cond3A_427 : i32
        scf.if %cond3A_428 {
          %sub3A = arith.constant 4 : i32
          %sub3A_478 = arith.subi %add3A_395, %sub3A : i32
          %dma_wait3A_479 = arith.constant 2 : i32
          %dma_wait3A_480 = arith.constant 2 : i32
          %dma_wait3A_481 = arith.constant 0 : i32
          %dma_wait3A_482 = arith.constant 0 : i32
          %dma_wait3A_483 = tpu.memref_slice %arg9[%dma_wait3A_479, %dma_wait3A_481, %dma_wait3A_482] : memref<8x128x16xf32, #tpu.memory_space<vmem>> -> memref<1x128x16xf32, #tpu.memory_space<vmem>>
          %dma_wait3A_484 = tpu.memref_squeeze %dma_wait3A_483 : memref<1x128x16xf32, #tpu.memory_space<vmem>> -> memref<128x16xf32, #tpu.memory_space<vmem>>
          %dma_wait3A_485 = arith.constant 0 : i32
          %dma_wait3A_486 = tpu.memref_slice %arg8[%sub3A_478, %dma_wait3A_485] : memref<128x128xi32, #tpu.memory_space<vmem>> -> memref<1x128xi32, #tpu.memory_space<vmem>>
          %dma_wait3A_487 = tpu.memref_squeeze %dma_wait3A_486 : memref<1x128xi32, #tpu.memory_space<vmem>> -> memref<128xi32, #tpu.memory_space<vmem>>
          %dma_wait3A_488 = arith.constant 0 : i32
          %dma_wait3A_489 = arith.constant 0 : i32
          %dma_wait3A_490 = tpu.memref_slice %arg6[%dma_wait3A_488, %dma_wait3A_489] : memref<10240x16xf32, #tpu.memory_space<vmem_shared>> -> memref<10240x16xf32, #tpu.memory_space<vmem_shared>>
          %dma_wait3A_491 = tpu.memref_slice %arg12[%dma_wait3A_480] : memref<8x!tpu.dma_semaphore, #tpu.memory_space<semaphore_mem>> -> memref<1x!tpu.dma_semaphore, #tpu.memory_space<semaphore_mem>>
          %dma_wait3A_492 = tpu.memref_squeeze %dma_wait3A_491 : memref<1x!tpu.dma_semaphore, #tpu.memory_space<semaphore_mem>> -> memref<!tpu.dma_semaphore, #tpu.memory_space<semaphore_mem>>
          tpu.wait_indirect_dma semaphore(%dma_wait3A_492 : memref<!tpu.dma_semaphore, #tpu.memory_space<semaphore_mem>>) src(%dma_wait3A_484 : memref<128x16xf32, #tpu.memory_space<vmem>>) dst(%dma_wait3A_490 : memref<10240x16xf32, #tpu.memory_space<vmem_shared>>)
        } else {
        }
        %add3A_429 = arith.constant 4 : i32
        %add3A_430 = arith.addi %add3A_395, %add3A_429 : i32
        %lt3A_431 = arith.constant 128 : i32
        %lt3A_432 = arith.cmpi slt, %add3A_430, %lt3A_431 : i32
        %convert_element_type3A_433 = arith.extui %lt3A_432 : i1 to i32
        %cond3A_434 = arith.constant 0 : i32
        %cond3A_435 = arith.cmpi ne, %convert_element_type3A_433, %cond3A_434 : i32
        scf.if %cond3A_435 {
          %add3A_478 = arith.constant 4 : i32
          %add3A_479 = arith.addi %add3A_395, %add3A_478 : i32
          %dma_start3A_480 = arith.constant 2 : i32
          %dma_start3A_481 = arith.constant 2 : i32
          %dma_start3A_482 = arith.constant 0 : i32
          %dma_start3A_483 = arith.constant 0 : i32
          %dma_start3A_484 = tpu.memref_slice %arg9[%dma_start3A_480, %dma_start3A_482, %dma_start3A_483] : memref<8x128x16xf32, #tpu.memory_space<vmem>> -> memref<1x128x16xf32, #tpu.memory_space<vmem>>
          %dma_start3A_485 = tpu.memref_squeeze %dma_start3A_484 : memref<1x128x16xf32, #tpu.memory_space<vmem>> -> memref<128x16xf32, #tpu.memory_space<vmem>>
          %dma_start3A_486 = arith.constant 0 : i32
          %dma_start3A_487 = tpu.memref_slice %arg7[%add3A_479, %dma_start3A_486] : memref<128x128xi32, #tpu.memory_space<vmem>> -> memref<1x128xi32, #tpu.memory_space<vmem>>
          %dma_start3A_488 = tpu.memref_squeeze %dma_start3A_487 : memref<1x128xi32, #tpu.memory_space<vmem>> -> memref<128xi32, #tpu.memory_space<vmem>>
          %dma_start3A_489 = arith.constant 0 : i32
          %dma_start3A_490 = arith.constant 0 : i32
          %dma_start3A_491 = tpu.memref_slice %arg2[%dma_start3A_489, %dma_start3A_490] : memref<10000x16xf32, #tpu.memory_space<hbm>> -> memref<10000x16xf32, #tpu.memory_space<hbm>>
          %dma_start3A_492 = tpu.memref_slice %arg11[%dma_start3A_481] : memref<8x!tpu.dma_semaphore, #tpu.memory_space<semaphore_mem>> -> memref<1x!tpu.dma_semaphore, #tpu.memory_space<semaphore_mem>>
          %dma_start3A_493 = tpu.memref_squeeze %dma_start3A_492 : memref<1x!tpu.dma_semaphore, #tpu.memory_space<semaphore_mem>> -> memref<!tpu.dma_semaphore, #tpu.memory_space<semaphore_mem>>
          tpu.enqueue_indirect_dma source(%dma_start3A_491 : memref<10000x16xf32, #tpu.memory_space<hbm>>) target(%dma_start3A_485 : memref<128x16xf32, #tpu.memory_space<vmem>>) offsets(%dma_start3A_488 : memref<128xi32, #tpu.memory_space<vmem>>) semaphore(%dma_start3A_493 : memref<!tpu.dma_semaphore, #tpu.memory_space<semaphore_mem>>)
        } else {
        }
        %add3A_436 = arith.constant 7 : i32
        %add3A_437 = arith.addi %mul3A_144, %add3A_436 : i32
        %dma_wait3A_438 = arith.constant 7 : i32
        %dma_wait3A_439 = arith.constant 7 : i32
        %dma_wait3A_440 = arith.constant 0 : i32
        %dma_wait3A_441 = arith.constant 0 : i32
        %dma_wait3A_442 = tpu.memref_slice %arg9[%dma_wait3A_438, %dma_wait3A_440, %dma_wait3A_441] : memref<8x128x16xf32, #tpu.memory_space<vmem>> -> memref<1x128x16xf32, #tpu.memory_space<vmem>>
        %dma_wait3A_443 = tpu.memref_squeeze %dma_wait3A_442 : memref<1x128x16xf32, #tpu.memory_space<vmem>> -> memref<128x16xf32, #tpu.memory_space<vmem>>
        %dma_wait3A_444 = arith.constant 0 : i32
        %dma_wait3A_445 = tpu.memref_slice %arg7[%add3A_437, %dma_wait3A_444] : memref<128x128xi32, #tpu.memory_space<vmem>> -> memref<1x128xi32, #tpu.memory_space<vmem>>
        %dma_wait3A_446 = tpu.memref_squeeze %dma_wait3A_445 : memref<1x128xi32, #tpu.memory_space<vmem>> -> memref<128xi32, #tpu.memory_space<vmem>>
        %dma_wait3A_447 = arith.constant 0 : i32
        %dma_wait3A_448 = arith.constant 0 : i32
        %dma_wait3A_449 = tpu.memref_slice %arg2[%dma_wait3A_447, %dma_wait3A_448] : memref<10000x16xf32, #tpu.memory_space<hbm>> -> memref<10000x16xf32, #tpu.memory_space<hbm>>
        %dma_wait3A_450 = tpu.memref_slice %arg11[%dma_wait3A_439] : memref<8x!tpu.dma_semaphore, #tpu.memory_space<semaphore_mem>> -> memref<1x!tpu.dma_semaphore, #tpu.memory_space<semaphore_mem>>
        %dma_wait3A_451 = tpu.memref_squeeze %dma_wait3A_450 : memref<1x!tpu.dma_semaphore, #tpu.memory_space<semaphore_mem>> -> memref<!tpu.dma_semaphore, #tpu.memory_space<semaphore_mem>>
        tpu.wait_indirect_dma semaphore(%dma_wait3A_451 : memref<!tpu.dma_semaphore, #tpu.memory_space<semaphore_mem>>) src(%dma_wait3A_449 : memref<10000x16xf32, #tpu.memory_space<hbm>>) dst(%dma_wait3A_443 : memref<128x16xf32, #tpu.memory_space<vmem>>)
        %dma_start3A_452 = arith.constant 7 : i32
        %dma_start3A_453 = arith.constant 7 : i32
        %dma_start3A_454 = arith.constant 0 : i32
        %dma_start3A_455 = arith.constant 0 : i32
        %dma_start3A_456 = tpu.memref_slice %arg9[%dma_start3A_452, %dma_start3A_454, %dma_start3A_455] : memref<8x128x16xf32, #tpu.memory_space<vmem>> -> memref<1x128x16xf32, #tpu.memory_space<vmem>>
        %dma_start3A_457 = tpu.memref_squeeze %dma_start3A_456 : memref<1x128x16xf32, #tpu.memory_space<vmem>> -> memref<128x16xf32, #tpu.memory_space<vmem>>
        %dma_start3A_458 = arith.constant 0 : i32
        %dma_start3A_459 = tpu.memref_slice %arg8[%add3A_437, %dma_start3A_458] : memref<128x128xi32, #tpu.memory_space<vmem>> -> memref<1x128xi32, #tpu.memory_space<vmem>>
        %dma_start3A_460 = tpu.memref_squeeze %dma_start3A_459 : memref<1x128xi32, #tpu.memory_space<vmem>> -> memref<128xi32, #tpu.memory_space<vmem>>
        %dma_start3A_461 = arith.constant 0 : i32
        %dma_start3A_462 = arith.constant 0 : i32
        %dma_start3A_463 = tpu.memref_slice %arg6[%dma_start3A_461, %dma_start3A_462] : memref<10240x16xf32, #tpu.memory_space<vmem_shared>> -> memref<10240x16xf32, #tpu.memory_space<vmem_shared>>
        %dma_start3A_464 = tpu.memref_slice %arg12[%dma_start3A_453] : memref<8x!tpu.dma_semaphore, #tpu.memory_space<semaphore_mem>> -> memref<1x!tpu.dma_semaphore, #tpu.memory_space<semaphore_mem>>
        %dma_start3A_465 = tpu.memref_squeeze %dma_start3A_464 : memref<1x!tpu.dma_semaphore, #tpu.memory_space<semaphore_mem>> -> memref<!tpu.dma_semaphore, #tpu.memory_space<semaphore_mem>>
        tpu.enqueue_indirect_dma source(%dma_start3A_457 : memref<128x16xf32, #tpu.memory_space<vmem>>) target(%dma_start3A_463 : memref<10240x16xf32, #tpu.memory_space<vmem_shared>>) offsets(%dma_start3A_460 : memref<128xi32, #tpu.memory_space<vmem>>) semaphore(%dma_start3A_465 : memref<!tpu.dma_semaphore, #tpu.memory_space<semaphore_mem>>) {add = true}
        %ge3A_466 = arith.constant 4 : i32
        %ge3A_467 = arith.cmpi sge, %add3A_437, %ge3A_466 : i32
        %convert_element_type3A_468 = arith.extui %ge3A_467 : i1 to i32
        %cond3A_469 = arith.constant 0 : i32
        %cond3A_470 = arith.cmpi ne, %convert_element_type3A_468, %cond3A_469 : i32
        scf.if %cond3A_470 {
          %sub3A = arith.constant 4 : i32
          %sub3A_478 = arith.subi %add3A_437, %sub3A : i32
          %dma_wait3A_479 = arith.constant 3 : i32
          %dma_wait3A_480 = arith.constant 3 : i32
          %dma_wait3A_481 = arith.constant 0 : i32
          %dma_wait3A_482 = arith.constant 0 : i32
          %dma_wait3A_483 = tpu.memref_slice %arg9[%dma_wait3A_479, %dma_wait3A_481, %dma_wait3A_482] : memref<8x128x16xf32, #tpu.memory_space<vmem>> -> memref<1x128x16xf32, #tpu.memory_space<vmem>>
          %dma_wait3A_484 = tpu.memref_squeeze %dma_wait3A_483 : memref<1x128x16xf32, #tpu.memory_space<vmem>> -> memref<128x16xf32, #tpu.memory_space<vmem>>
          %dma_wait3A_485 = arith.constant 0 : i32
          %dma_wait3A_486 = tpu.memref_slice %arg8[%sub3A_478, %dma_wait3A_485] : memref<128x128xi32, #tpu.memory_space<vmem>> -> memref<1x128xi32, #tpu.memory_space<vmem>>
          %dma_wait3A_487 = tpu.memref_squeeze %dma_wait3A_486 : memref<1x128xi32, #tpu.memory_space<vmem>> -> memref<128xi32, #tpu.memory_space<vmem>>
          %dma_wait3A_488 = arith.constant 0 : i32
          %dma_wait3A_489 = arith.constant 0 : i32
          %dma_wait3A_490 = tpu.memref_slice %arg6[%dma_wait3A_488, %dma_wait3A_489] : memref<10240x16xf32, #tpu.memory_space<vmem_shared>> -> memref<10240x16xf32, #tpu.memory_space<vmem_shared>>
          %dma_wait3A_491 = tpu.memref_slice %arg12[%dma_wait3A_480] : memref<8x!tpu.dma_semaphore, #tpu.memory_space<semaphore_mem>> -> memref<1x!tpu.dma_semaphore, #tpu.memory_space<semaphore_mem>>
          %dma_wait3A_492 = tpu.memref_squeeze %dma_wait3A_491 : memref<1x!tpu.dma_semaphore, #tpu.memory_space<semaphore_mem>> -> memref<!tpu.dma_semaphore, #tpu.memory_space<semaphore_mem>>
          tpu.wait_indirect_dma semaphore(%dma_wait3A_492 : memref<!tpu.dma_semaphore, #tpu.memory_space<semaphore_mem>>) src(%dma_wait3A_484 : memref<128x16xf32, #tpu.memory_space<vmem>>) dst(%dma_wait3A_490 : memref<10240x16xf32, #tpu.memory_space<vmem_shared>>)
        } else {
        }
        %add3A_471 = arith.constant 4 : i32
        %add3A_472 = arith.addi %add3A_437, %add3A_471 : i32
        %lt3A_473 = arith.constant 128 : i32
        %lt3A_474 = arith.cmpi slt, %add3A_472, %lt3A_473 : i32
        %convert_element_type3A_475 = arith.extui %lt3A_474 : i1 to i32
        %cond3A_476 = arith.constant 0 : i32
        %cond3A_477 = arith.cmpi ne, %convert_element_type3A_475, %cond3A_476 : i32
        scf.if %cond3A_477 {
          %add3A_478 = arith.constant 4 : i32
          %add3A_479 = arith.addi %add3A_437, %add3A_478 : i32
          %dma_start3A_480 = arith.constant 3 : i32
          %dma_start3A_481 = arith.constant 3 : i32
          %dma_start3A_482 = arith.constant 0 : i32
          %dma_start3A_483 = arith.constant 0 : i32
          %dma_start3A_484 = tpu.memref_slice %arg9[%dma_start3A_480, %dma_start3A_482, %dma_start3A_483] : memref<8x128x16xf32, #tpu.memory_space<vmem>> -> memref<1x128x16xf32, #tpu.memory_space<vmem>>
          %dma_start3A_485 = tpu.memref_squeeze %dma_start3A_484 : memref<1x128x16xf32, #tpu.memory_space<vmem>> -> memref<128x16xf32, #tpu.memory_space<vmem>>
          %dma_start3A_486 = arith.constant 0 : i32
          %dma_start3A_487 = tpu.memref_slice %arg7[%add3A_479, %dma_start3A_486] : memref<128x128xi32, #tpu.memory_space<vmem>> -> memref<1x128xi32, #tpu.memory_space<vmem>>
          %dma_start3A_488 = tpu.memref_squeeze %dma_start3A_487 : memref<1x128xi32, #tpu.memory_space<vmem>> -> memref<128xi32, #tpu.memory_space<vmem>>
          %dma_start3A_489 = arith.constant 0 : i32
          %dma_start3A_490 = arith.constant 0 : i32
          %dma_start3A_491 = tpu.memref_slice %arg2[%dma_start3A_489, %dma_start3A_490] : memref<10000x16xf32, #tpu.memory_space<hbm>> -> memref<10000x16xf32, #tpu.memory_space<hbm>>
          %dma_start3A_492 = tpu.memref_slice %arg11[%dma_start3A_481] : memref<8x!tpu.dma_semaphore, #tpu.memory_space<semaphore_mem>> -> memref<1x!tpu.dma_semaphore, #tpu.memory_space<semaphore_mem>>
          %dma_start3A_493 = tpu.memref_squeeze %dma_start3A_492 : memref<1x!tpu.dma_semaphore, #tpu.memory_space<semaphore_mem>> -> memref<!tpu.dma_semaphore, #tpu.memory_space<semaphore_mem>>
          tpu.enqueue_indirect_dma source(%dma_start3A_491 : memref<10000x16xf32, #tpu.memory_space<hbm>>) target(%dma_start3A_485 : memref<128x16xf32, #tpu.memory_space<vmem>>) offsets(%dma_start3A_488 : memref<128xi32, #tpu.memory_space<vmem>>) semaphore(%dma_start3A_493 : memref<!tpu.dma_semaphore, #tpu.memory_space<semaphore_mem>>)
        } else {
        }
      }
      %scan3A_82 = arith.constant 16 : i32
      %dma_wait3A = arith.constant 4 : i32
      %dma_wait3A_83 = arith.constant 124 : i32
      %dma_wait3A_84 = arith.constant 4 : i32
      %dma_wait3A_85 = arith.constant 0 : i32
      %dma_wait3A_86 = arith.constant 0 : i32
      %dma_wait3A_87 = tpu.memref_slice %arg9[%dma_wait3A, %dma_wait3A_85, %dma_wait3A_86] : memref<8x128x16xf32, #tpu.memory_space<vmem>> -> memref<1x128x16xf32, #tpu.memory_space<vmem>>
      %dma_wait3A_88 = tpu.memref_squeeze %dma_wait3A_87 : memref<1x128x16xf32, #tpu.memory_space<vmem>> -> memref<128x16xf32, #tpu.memory_space<vmem>>
      %dma_wait3A_89 = arith.constant 0 : i32
      %dma_wait3A_90 = tpu.memref_slice %arg8[%dma_wait3A_83, %dma_wait3A_89] : memref<128x128xi32, #tpu.memory_space<vmem>> -> memref<1x128xi32, #tpu.memory_space<vmem>>
      %dma_wait3A_91 = tpu.memref_squeeze %dma_wait3A_90 : memref<1x128xi32, #tpu.memory_space<vmem>> -> memref<128xi32, #tpu.memory_space<vmem>>
      %dma_wait3A_92 = arith.constant 0 : i32
      %dma_wait3A_93 = arith.constant 0 : i32
      %dma_wait3A_94 = tpu.memref_slice %arg6[%dma_wait3A_92, %dma_wait3A_93] : memref<10240x16xf32, #tpu.memory_space<vmem_shared>> -> memref<10240x16xf32, #tpu.memory_space<vmem_shared>>
      %dma_wait3A_95 = tpu.memref_slice %arg12[%dma_wait3A_84] : memref<8x!tpu.dma_semaphore, #tpu.memory_space<semaphore_mem>> -> memref<1x!tpu.dma_semaphore, #tpu.memory_space<semaphore_mem>>
      %dma_wait3A_96 = tpu.memref_squeeze %dma_wait3A_95 : memref<1x!tpu.dma_semaphore, #tpu.memory_space<semaphore_mem>> -> memref<!tpu.dma_semaphore, #tpu.memory_space<semaphore_mem>>
      tpu.wait_indirect_dma semaphore(%dma_wait3A_96 : memref<!tpu.dma_semaphore, #tpu.memory_space<semaphore_mem>>) src(%dma_wait3A_88 : memref<128x16xf32, #tpu.memory_space<vmem>>) dst(%dma_wait3A_94 : memref<10240x16xf32, #tpu.memory_space<vmem_shared>>)
      %dma_wait3A_97 = arith.constant 5 : i32
      %dma_wait3A_98 = arith.constant 125 : i32
      %dma_wait3A_99 = arith.constant 5 : i32
      %dma_wait3A_100 = arith.constant 0 : i32
      %dma_wait3A_101 = arith.constant 0 : i32
      %dma_wait3A_102 = tpu.memref_slice %arg9[%dma_wait3A_97, %dma_wait3A_100, %dma_wait3A_101] : memref<8x128x16xf32, #tpu.memory_space<vmem>> -> memref<1x128x16xf32, #tpu.memory_space<vmem>>
      %dma_wait3A_103 = tpu.memref_squeeze %dma_wait3A_102 : memref<1x128x16xf32, #tpu.memory_space<vmem>> -> memref<128x16xf32, #tpu.memory_space<vmem>>
      %dma_wait3A_104 = arith.constant 0 : i32
      %dma_wait3A_105 = tpu.memref_slice %arg8[%dma_wait3A_98, %dma_wait3A_104] : memref<128x128xi32, #tpu.memory_space<vmem>> -> memref<1x128xi32, #tpu.memory_space<vmem>>
      %dma_wait3A_106 = tpu.memref_squeeze %dma_wait3A_105 : memref<1x128xi32, #tpu.memory_space<vmem>> -> memref<128xi32, #tpu.memory_space<vmem>>
      %dma_wait3A_107 = arith.constant 0 : i32
      %dma_wait3A_108 = arith.constant 0 : i32
      %dma_wait3A_109 = tpu.memref_slice %arg6[%dma_wait3A_107, %dma_wait3A_108] : memref<10240x16xf32, #tpu.memory_space<vmem_shared>> -> memref<10240x16xf32, #tpu.memory_space<vmem_shared>>
      %dma_wait3A_110 = tpu.memref_slice %arg12[%dma_wait3A_99] : memref<8x!tpu.dma_semaphore, #tpu.memory_space<semaphore_mem>> -> memref<1x!tpu.dma_semaphore, #tpu.memory_space<semaphore_mem>>
      %dma_wait3A_111 = tpu.memref_squeeze %dma_wait3A_110 : memref<1x!tpu.dma_semaphore, #tpu.memory_space<semaphore_mem>> -> memref<!tpu.dma_semaphore, #tpu.memory_space<semaphore_mem>>
      tpu.wait_indirect_dma semaphore(%dma_wait3A_111 : memref<!tpu.dma_semaphore, #tpu.memory_space<semaphore_mem>>) src(%dma_wait3A_103 : memref<128x16xf32, #tpu.memory_space<vmem>>) dst(%dma_wait3A_109 : memref<10240x16xf32, #tpu.memory_space<vmem_shared>>)
      %dma_wait3A_112 = arith.constant 6 : i32
      %dma_wait3A_113 = arith.constant 126 : i32
      %dma_wait3A_114 = arith.constant 6 : i32
      %dma_wait3A_115 = arith.constant 0 : i32
      %dma_wait3A_116 = arith.constant 0 : i32
      %dma_wait3A_117 = tpu.memref_slice %arg9[%dma_wait3A_112, %dma_wait3A_115, %dma_wait3A_116] : memref<8x128x16xf32, #tpu.memory_space<vmem>> -> memref<1x128x16xf32, #tpu.memory_space<vmem>>
      %dma_wait3A_118 = tpu.memref_squeeze %dma_wait3A_117 : memref<1x128x16xf32, #tpu.memory_space<vmem>> -> memref<128x16xf32, #tpu.memory_space<vmem>>
      %dma_wait3A_119 = arith.constant 0 : i32
      %dma_wait3A_120 = tpu.memref_slice %arg8[%dma_wait3A_113, %dma_wait3A_119] : memref<128x128xi32, #tpu.memory_space<vmem>> -> memref<1x128xi32, #tpu.memory_space<vmem>>
      %dma_wait3A_121 = tpu.memref_squeeze %dma_wait3A_120 : memref<1x128xi32, #tpu.memory_space<vmem>> -> memref<128xi32, #tpu.memory_space<vmem>>
      %dma_wait3A_122 = arith.constant 0 : i32
      %dma_wait3A_123 = arith.constant 0 : i32
      %dma_wait3A_124 = tpu.memref_slice %arg6[%dma_wait3A_122, %dma_wait3A_123] : memref<10240x16xf32, #tpu.memory_space<vmem_shared>> -> memref<10240x16xf32, #tpu.memory_space<vmem_shared>>
      %dma_wait3A_125 = tpu.memref_slice %arg12[%dma_wait3A_114] : memref<8x!tpu.dma_semaphore, #tpu.memory_space<semaphore_mem>> -> memref<1x!tpu.dma_semaphore, #tpu.memory_space<semaphore_mem>>
      %dma_wait3A_126 = tpu.memref_squeeze %dma_wait3A_125 : memref<1x!tpu.dma_semaphore, #tpu.memory_space<semaphore_mem>> -> memref<!tpu.dma_semaphore, #tpu.memory_space<semaphore_mem>>
      tpu.wait_indirect_dma semaphore(%dma_wait3A_126 : memref<!tpu.dma_semaphore, #tpu.memory_space<semaphore_mem>>) src(%dma_wait3A_118 : memref<128x16xf32, #tpu.memory_space<vmem>>) dst(%dma_wait3A_124 : memref<10240x16xf32, #tpu.memory_space<vmem_shared>>)
      %dma_wait3A_127 = arith.constant 7 : i32
      %dma_wait3A_128 = arith.constant 127 : i32
      %dma_wait3A_129 = arith.constant 7 : i32
      %dma_wait3A_130 = arith.constant 0 : i32
      %dma_wait3A_131 = arith.constant 0 : i32
      %dma_wait3A_132 = tpu.memref_slice %arg9[%dma_wait3A_127, %dma_wait3A_130, %dma_wait3A_131] : memref<8x128x16xf32, #tpu.memory_space<vmem>> -> memref<1x128x16xf32, #tpu.memory_space<vmem>>
      %dma_wait3A_133 = tpu.memref_squeeze %dma_wait3A_132 : memref<1x128x16xf32, #tpu.memory_space<vmem>> -> memref<128x16xf32, #tpu.memory_space<vmem>>
      %dma_wait3A_134 = arith.constant 0 : i32
      %dma_wait3A_135 = tpu.memref_slice %arg8[%dma_wait3A_128, %dma_wait3A_134] : memref<128x128xi32, #tpu.memory_space<vmem>> -> memref<1x128xi32, #tpu.memory_space<vmem>>
      %dma_wait3A_136 = tpu.memref_squeeze %dma_wait3A_135 : memref<1x128xi32, #tpu.memory_space<vmem>> -> memref<128xi32, #tpu.memory_space<vmem>>
      %dma_wait3A_137 = arith.constant 0 : i32
      %dma_wait3A_138 = arith.constant 0 : i32
      %dma_wait3A_139 = tpu.memref_slice %arg6[%dma_wait3A_137, %dma_wait3A_138] : memref<10240x16xf32, #tpu.memory_space<vmem_shared>> -> memref<10240x16xf32, #tpu.memory_space<vmem_shared>>
      %dma_wait3A_140 = tpu.memref_slice %arg12[%dma_wait3A_129] : memref<8x!tpu.dma_semaphore, #tpu.memory_space<semaphore_mem>> -> memref<1x!tpu.dma_semaphore, #tpu.memory_space<semaphore_mem>>
      %dma_wait3A_141 = tpu.memref_squeeze %dma_wait3A_140 : memref<1x!tpu.dma_semaphore, #tpu.memory_space<semaphore_mem>> -> memref<!tpu.dma_semaphore, #tpu.memory_space<semaphore_mem>>
      tpu.wait_indirect_dma semaphore(%dma_wait3A_141 : memref<!tpu.dma_semaphore, #tpu.memory_space<semaphore_mem>>) src(%dma_wait3A_133 : memref<128x16xf32, #tpu.memory_space<vmem>>) dst(%dma_wait3A_139 : memref<10240x16xf32, #tpu.memory_space<vmem_shared>>)
    } else {
    }
    %eq3A_7 = arith.constant 1 : i32
    %eq3A_8 = arith.cmpi eq, %arg0, %eq3A_7 : i32
    %convert_element_type3A_9 = arith.extui %eq3A_8 : i1 to i32
    %cond3A_10 = arith.constant 0 : i32
    %cond3A_11 = arith.cmpi ne, %convert_element_type3A_9, %cond3A_10 : i32
    scf.if %cond3A_11 {
      %mul3A_17 = arith.constant 32 : i32
      %mul3A_18 = arith.muli %arg1, %mul3A_17 : i32
      %add3A = arith.constant 2048 : i32
      %add3A_19 = arith.addi %add3A, %mul3A_18 : i32
      "tpu.region"() ({
        %run_scoped3A = tpu.sem_alloc : memref<!tpu.dma_semaphore, #tpu.memory_space<semaphore_mem>>
        %dma_start3A_143 = arith.constant 0 : i32
        %dma_start3A_144 = arith.constant 0 : i32
        %dma_start3A_145 = tpu.memref_slice %arg7[%dma_start3A_143, %dma_start3A_144] : memref<128x128xi32, #tpu.memory_space<vmem>> -> memref<32x128xi32, #tpu.memory_space<vmem>>
        %dma_start3A_146 = arith.constant 0 : i32
        %dma_start3A_147 = tpu.memref_slice %arg3[%add3A_19, %dma_start3A_146] : memref<2560x128xi32, #tpu.memory_space<hbm>> -> memref<32x128xi32, #tpu.memory_space<hbm>>
        %dma_start3A_148 = arith.constant 0 : i32
        %dma_start3A_149 = arith.constant 0 : i32
        %dma_start3A_150 = tpu.memref_slice %arg7[%dma_start3A_148, %dma_start3A_149] : memref<128x128xi32, #tpu.memory_space<vmem>> -> memref<32x128xi32, #tpu.memory_space<vmem>>
        %dma_start3A_151 = arith.constant 0 : i32
        %dma_start3A_152 = tpu.memref_slice %arg3[%add3A_19, %dma_start3A_151] : memref<2560x128xi32, #tpu.memory_space<hbm>> -> memref<32x128xi32, #tpu.memory_space<hbm>>
        tpu.enqueue_dma source(%dma_start3A_152 : memref<32x128xi32, #tpu.memory_space<hbm>>) target(%dma_start3A_150 : memref<32x128xi32, #tpu.memory_space<vmem>>) target_semaphore(%run_scoped3A : memref<!tpu.dma_semaphore, #tpu.memory_space<semaphore_mem>>)
        %dma_wait3A_153 = arith.constant 0 : i32
        %dma_wait3A_154 = arith.constant 0 : i32
        %dma_wait3A_155 = tpu.memref_slice %arg7[%dma_wait3A_153, %dma_wait3A_154] : memref<128x128xi32, #tpu.memory_space<vmem>> -> memref<32x128xi32, #tpu.memory_space<vmem>>
        %dma_wait3A_156 = arith.constant 0 : i32
        %dma_wait3A_157 = tpu.memref_slice %arg3[%add3A_19, %dma_wait3A_156] : memref<2560x128xi32, #tpu.memory_space<hbm>> -> memref<32x128xi32, #tpu.memory_space<hbm>>
        %dma_wait3A_158 = arith.constant 0 : i32
        %dma_wait3A_159 = arith.constant 0 : i32
        %dma_wait3A_160 = tpu.memref_slice %arg7[%dma_wait3A_158, %dma_wait3A_159] : memref<128x128xi32, #tpu.memory_space<vmem>> -> memref<32x128xi32, #tpu.memory_space<vmem>>
        %dma_wait3A_161 = arith.constant 0 : i32
        %dma_wait3A_162 = tpu.memref_slice %arg3[%add3A_19, %dma_wait3A_161] : memref<2560x128xi32, #tpu.memory_space<hbm>> -> memref<32x128xi32, #tpu.memory_space<hbm>>
        tpu.wait_dma2 semaphore(%run_scoped3A : memref<!tpu.dma_semaphore, #tpu.memory_space<semaphore_mem>>) src(%dma_wait3A_162 : memref<32x128xi32, #tpu.memory_space<hbm>>) dst(%dma_wait3A_160 : memref<32x128xi32, #tpu.memory_space<vmem>>)
        tpu.yield
      }) : () -> ()
      "tpu.region"() ({
        %run_scoped3A = tpu.sem_alloc : memref<!tpu.dma_semaphore, #tpu.memory_space<semaphore_mem>>
        %dma_start3A_143 = arith.constant 0 : i32
        %dma_start3A_144 = arith.constant 0 : i32
        %dma_start3A_145 = tpu.memref_slice %arg8[%dma_start3A_143, %dma_start3A_144] : memref<128x128xi32, #tpu.memory_space<vmem>> -> memref<32x128xi32, #tpu.memory_space<vmem>>
        %dma_start3A_146 = arith.constant 0 : i32
        %dma_start3A_147 = tpu.memref_slice %arg4[%add3A_19, %dma_start3A_146] : memref<2560x128xi32, #tpu.memory_space<hbm>> -> memref<32x128xi32, #tpu.memory_space<hbm>>
        %dma_start3A_148 = arith.constant 0 : i32
        %dma_start3A_149 = arith.constant 0 : i32
        %dma_start3A_150 = tpu.memref_slice %arg8[%dma_start3A_148, %dma_start3A_149] : memref<128x128xi32, #tpu.memory_space<vmem>> -> memref<32x128xi32, #tpu.memory_space<vmem>>
        %dma_start3A_151 = arith.constant 0 : i32
        %dma_start3A_152 = tpu.memref_slice %arg4[%add3A_19, %dma_start3A_151] : memref<2560x128xi32, #tpu.memory_space<hbm>> -> memref<32x128xi32, #tpu.memory_space<hbm>>
        tpu.enqueue_dma source(%dma_start3A_152 : memref<32x128xi32, #tpu.memory_space<hbm>>) target(%dma_start3A_150 : memref<32x128xi32, #tpu.memory_space<vmem>>) target_semaphore(%run_scoped3A : memref<!tpu.dma_semaphore, #tpu.memory_space<semaphore_mem>>)
        %dma_wait3A_153 = arith.constant 0 : i32
        %dma_wait3A_154 = arith.constant 0 : i32
        %dma_wait3A_155 = tpu.memref_slice %arg8[%dma_wait3A_153, %dma_wait3A_154] : memref<128x128xi32, #tpu.memory_space<vmem>> -> memref<32x128xi32, #tpu.memory_space<vmem>>
        %dma_wait3A_156 = arith.constant 0 : i32
        %dma_wait3A_157 = tpu.memref_slice %arg4[%add3A_19, %dma_wait3A_156] : memref<2560x128xi32, #tpu.memory_space<hbm>> -> memref<32x128xi32, #tpu.memory_space<hbm>>
        %dma_wait3A_158 = arith.constant 0 : i32
        %dma_wait3A_159 = arith.constant 0 : i32
        %dma_wait3A_160 = tpu.memref_slice %arg8[%dma_wait3A_158, %dma_wait3A_159] : memref<128x128xi32, #tpu.memory_space<vmem>> -> memref<32x128xi32, #tpu.memory_space<vmem>>
        %dma_wait3A_161 = arith.constant 0 : i32
        %dma_wait3A_162 = tpu.memref_slice %arg4[%add3A_19, %dma_wait3A_161] : memref<2560x128xi32, #tpu.memory_space<hbm>> -> memref<32x128xi32, #tpu.memory_space<hbm>>
        tpu.wait_dma2 semaphore(%run_scoped3A : memref<!tpu.dma_semaphore, #tpu.memory_space<semaphore_mem>>) src(%dma_wait3A_162 : memref<32x128xi32, #tpu.memory_space<hbm>>) dst(%dma_wait3A_160 : memref<32x128xi32, #tpu.memory_space<vmem>>)
        tpu.yield
      }) : () -> ()
      %dma_start3A = arith.constant 0 : i32
      %dma_start3A_20 = arith.constant 0 : i32
      %dma_start3A_21 = arith.constant 0 : i32
      %dma_start3A_22 = arith.constant 0 : i32
      %dma_start3A_23 = arith.constant 0 : i32
      %dma_start3A_24 = tpu.memref_slice %arg9[%dma_start3A_20, %dma_start3A_22, %dma_start3A_23] : memref<8x128x16xf32, #tpu.memory_space<vmem>> -> memref<1x128x16xf32, #tpu.memory_space<vmem>>
      %dma_start3A_25 = tpu.memref_squeeze %dma_start3A_24 : memref<1x128x16xf32, #tpu.memory_space<vmem>> -> memref<128x16xf32, #tpu.memory_space<vmem>>
      %dma_start3A_26 = arith.constant 0 : i32
      %dma_start3A_27 = tpu.memref_slice %arg7[%dma_start3A, %dma_start3A_26] : memref<128x128xi32, #tpu.memory_space<vmem>> -> memref<1x128xi32, #tpu.memory_space<vmem>>
      %dma_start3A_28 = tpu.memref_squeeze %dma_start3A_27 : memref<1x128xi32, #tpu.memory_space<vmem>> -> memref<128xi32, #tpu.memory_space<vmem>>
      %dma_start3A_29 = arith.constant 0 : i32
      %dma_start3A_30 = arith.constant 0 : i32
      %dma_start3A_31 = tpu.memref_slice %arg2[%dma_start3A_29, %dma_start3A_30] : memref<10000x16xf32, #tpu.memory_space<hbm>> -> memref<10000x16xf32, #tpu.memory_space<hbm>>
      %dma_start3A_32 = tpu.memref_slice %arg11[%dma_start3A_21] : memref<8x!tpu.dma_semaphore, #tpu.memory_space<semaphore_mem>> -> memref<1x!tpu.dma_semaphore, #tpu.memory_space<semaphore_mem>>
      %dma_start3A_33 = tpu.memref_squeeze %dma_start3A_32 : memref<1x!tpu.dma_semaphore, #tpu.memory_space<semaphore_mem>> -> memref<!tpu.dma_semaphore, #tpu.memory_space<semaphore_mem>>
      tpu.enqueue_indirect_dma source(%dma_start3A_31 : memref<10000x16xf32, #tpu.memory_space<hbm>>) target(%dma_start3A_25 : memref<128x16xf32, #tpu.memory_space<vmem>>) offsets(%dma_start3A_28 : memref<128xi32, #tpu.memory_space<vmem>>) semaphore(%dma_start3A_33 : memref<!tpu.dma_semaphore, #tpu.memory_space<semaphore_mem>>)
      %dma_start3A_34 = arith.constant 1 : i32
      %dma_start3A_35 = arith.constant 1 : i32
      %dma_start3A_36 = arith.constant 1 : i32
      %dma_start3A_37 = arith.constant 0 : i32
      %dma_start3A_38 = arith.constant 0 : i32
      %dma_start3A_39 = tpu.memref_slice %arg9[%dma_start3A_35, %dma_start3A_37, %dma_start3A_38] : memref<8x128x16xf32, #tpu.memory_space<vmem>> -> memref<1x128x16xf32, #tpu.memory_space<vmem>>
      %dma_start3A_40 = tpu.memref_squeeze %dma_start3A_39 : memref<1x128x16xf32, #tpu.memory_space<vmem>> -> memref<128x16xf32, #tpu.memory_space<vmem>>
      %dma_start3A_41 = arith.constant 0 : i32
      %dma_start3A_42 = tpu.memref_slice %arg7[%dma_start3A_34, %dma_start3A_41] : memref<128x128xi32, #tpu.memory_space<vmem>> -> memref<1x128xi32, #tpu.memory_space<vmem>>
      %dma_start3A_43 = tpu.memref_squeeze %dma_start3A_42 : memref<1x128xi32, #tpu.memory_space<vmem>> -> memref<128xi32, #tpu.memory_space<vmem>>
      %dma_start3A_44 = arith.constant 0 : i32
      %dma_start3A_45 = arith.constant 0 : i32
      %dma_start3A_46 = tpu.memref_slice %arg2[%dma_start3A_44, %dma_start3A_45] : memref<10000x16xf32, #tpu.memory_space<hbm>> -> memref<10000x16xf32, #tpu.memory_space<hbm>>
      %dma_start3A_47 = tpu.memref_slice %arg11[%dma_start3A_36] : memref<8x!tpu.dma_semaphore, #tpu.memory_space<semaphore_mem>> -> memref<1x!tpu.dma_semaphore, #tpu.memory_space<semaphore_mem>>
      %dma_start3A_48 = tpu.memref_squeeze %dma_start3A_47 : memref<1x!tpu.dma_semaphore, #tpu.memory_space<semaphore_mem>> -> memref<!tpu.dma_semaphore, #tpu.memory_space<semaphore_mem>>
      tpu.enqueue_indirect_dma source(%dma_start3A_46 : memref<10000x16xf32, #tpu.memory_space<hbm>>) target(%dma_start3A_40 : memref<128x16xf32, #tpu.memory_space<vmem>>) offsets(%dma_start3A_43 : memref<128xi32, #tpu.memory_space<vmem>>) semaphore(%dma_start3A_48 : memref<!tpu.dma_semaphore, #tpu.memory_space<semaphore_mem>>)
      %dma_start3A_49 = arith.constant 2 : i32
      %dma_start3A_50 = arith.constant 2 : i32
      %dma_start3A_51 = arith.constant 2 : i32
      %dma_start3A_52 = arith.constant 0 : i32
      %dma_start3A_53 = arith.constant 0 : i32
      %dma_start3A_54 = tpu.memref_slice %arg9[%dma_start3A_50, %dma_start3A_52, %dma_start3A_53] : memref<8x128x16xf32, #tpu.memory_space<vmem>> -> memref<1x128x16xf32, #tpu.memory_space<vmem>>
      %dma_start3A_55 = tpu.memref_squeeze %dma_start3A_54 : memref<1x128x16xf32, #tpu.memory_space<vmem>> -> memref<128x16xf32, #tpu.memory_space<vmem>>
      %dma_start3A_56 = arith.constant 0 : i32
      %dma_start3A_57 = tpu.memref_slice %arg7[%dma_start3A_49, %dma_start3A_56] : memref<128x128xi32, #tpu.memory_space<vmem>> -> memref<1x128xi32, #tpu.memory_space<vmem>>
      %dma_start3A_58 = tpu.memref_squeeze %dma_start3A_57 : memref<1x128xi32, #tpu.memory_space<vmem>> -> memref<128xi32, #tpu.memory_space<vmem>>
      %dma_start3A_59 = arith.constant 0 : i32
      %dma_start3A_60 = arith.constant 0 : i32
      %dma_start3A_61 = tpu.memref_slice %arg2[%dma_start3A_59, %dma_start3A_60] : memref<10000x16xf32, #tpu.memory_space<hbm>> -> memref<10000x16xf32, #tpu.memory_space<hbm>>
      %dma_start3A_62 = tpu.memref_slice %arg11[%dma_start3A_51] : memref<8x!tpu.dma_semaphore, #tpu.memory_space<semaphore_mem>> -> memref<1x!tpu.dma_semaphore, #tpu.memory_space<semaphore_mem>>
      %dma_start3A_63 = tpu.memref_squeeze %dma_start3A_62 : memref<1x!tpu.dma_semaphore, #tpu.memory_space<semaphore_mem>> -> memref<!tpu.dma_semaphore, #tpu.memory_space<semaphore_mem>>
      tpu.enqueue_indirect_dma source(%dma_start3A_61 : memref<10000x16xf32, #tpu.memory_space<hbm>>) target(%dma_start3A_55 : memref<128x16xf32, #tpu.memory_space<vmem>>) offsets(%dma_start3A_58 : memref<128xi32, #tpu.memory_space<vmem>>) semaphore(%dma_start3A_63 : memref<!tpu.dma_semaphore, #tpu.memory_space<semaphore_mem>>)
      %dma_start3A_64 = arith.constant 3 : i32
      %dma_start3A_65 = arith.constant 3 : i32
      %dma_start3A_66 = arith.constant 3 : i32
      %dma_start3A_67 = arith.constant 0 : i32
      %dma_start3A_68 = arith.constant 0 : i32
      %dma_start3A_69 = tpu.memref_slice %arg9[%dma_start3A_65, %dma_start3A_67, %dma_start3A_68] : memref<8x128x16xf32, #tpu.memory_space<vmem>> -> memref<1x128x16xf32, #tpu.memory_space<vmem>>
      %dma_start3A_70 = tpu.memref_squeeze %dma_start3A_69 : memref<1x128x16xf32, #tpu.memory_space<vmem>> -> memref<128x16xf32, #tpu.memory_space<vmem>>
      %dma_start3A_71 = arith.constant 0 : i32
      %dma_start3A_72 = tpu.memref_slice %arg7[%dma_start3A_64, %dma_start3A_71] : memref<128x128xi32, #tpu.memory_space<vmem>> -> memref<1x128xi32, #tpu.memory_space<vmem>>
      %dma_start3A_73 = tpu.memref_squeeze %dma_start3A_72 : memref<1x128xi32, #tpu.memory_space<vmem>> -> memref<128xi32, #tpu.memory_space<vmem>>
      %dma_start3A_74 = arith.constant 0 : i32
      %dma_start3A_75 = arith.constant 0 : i32
      %dma_start3A_76 = tpu.memref_slice %arg2[%dma_start3A_74, %dma_start3A_75] : memref<10000x16xf32, #tpu.memory_space<hbm>> -> memref<10000x16xf32, #tpu.memory_space<hbm>>
      %dma_start3A_77 = tpu.memref_slice %arg11[%dma_start3A_66] : memref<8x!tpu.dma_semaphore, #tpu.memory_space<semaphore_mem>> -> memref<1x!tpu.dma_semaphore, #tpu.memory_space<semaphore_mem>>
      %dma_start3A_78 = tpu.memref_squeeze %dma_start3A_77 : memref<1x!tpu.dma_semaphore, #tpu.memory_space<semaphore_mem>> -> memref<!tpu.dma_semaphore, #tpu.memory_space<semaphore_mem>>
      tpu.enqueue_indirect_dma source(%dma_start3A_76 : memref<10000x16xf32, #tpu.memory_space<hbm>>) target(%dma_start3A_70 : memref<128x16xf32, #tpu.memory_space<vmem>>) offsets(%dma_start3A_73 : memref<128xi32, #tpu.memory_space<vmem>>) semaphore(%dma_start3A_78 : memref<!tpu.dma_semaphore, #tpu.memory_space<semaphore_mem>>)
      %scan3A_79 = arith.constant 0 : i32
      %scan3A_80 = arith.constant 4 : i32
      %scan3A_81 = arith.addi %scan3A_79, %scan3A_80 : i32
      %scan3A_82 = arith.constant 1 : i32
      scf.for %scan3A_143 = %scan3A_79 to %scan3A_81 step %scan3A_82  : i32 {
        %mul3A_144 = arith.constant 8 : i32
        %mul3A_145 = arith.muli %mul3A_144, %scan3A_143 : i32
        %add3A_146 = arith.constant 0 : i32
        %add3A_147 = arith.addi %mul3A_145, %add3A_146 : i32
        %dma_wait3A_148 = arith.constant 0 : i32
        %dma_wait3A_149 = arith.constant 0 : i32
        %dma_wait3A_150 = arith.constant 0 : i32
        %dma_wait3A_151 = arith.constant 0 : i32
        %dma_wait3A_152 = tpu.memref_slice %arg9[%dma_wait3A_148, %dma_wait3A_150, %dma_wait3A_151] : memref<8x128x16xf32, #tpu.memory_space<vmem>> -> memref<1x128x16xf32, #tpu.memory_space<vmem>>
        %dma_wait3A_153 = tpu.memref_squeeze %dma_wait3A_152 : memref<1x128x16xf32, #tpu.memory_space<vmem>> -> memref<128x16xf32, #tpu.memory_space<vmem>>
        %dma_wait3A_154 = arith.constant 0 : i32
        %dma_wait3A_155 = tpu.memref_slice %arg7[%add3A_147, %dma_wait3A_154] : memref<128x128xi32, #tpu.memory_space<vmem>> -> memref<1x128xi32, #tpu.memory_space<vmem>>
        %dma_wait3A_156 = tpu.memref_squeeze %dma_wait3A_155 : memref<1x128xi32, #tpu.memory_space<vmem>> -> memref<128xi32, #tpu.memory_space<vmem>>
        %dma_wait3A_157 = arith.constant 0 : i32
        %dma_wait3A_158 = arith.constant 0 : i32
        %dma_wait3A_159 = tpu.memref_slice %arg2[%dma_wait3A_157, %dma_wait3A_158] : memref<10000x16xf32, #tpu.memory_space<hbm>> -> memref<10000x16xf32, #tpu.memory_space<hbm>>
        %dma_wait3A_160 = tpu.memref_slice %arg11[%dma_wait3A_149] : memref<8x!tpu.dma_semaphore, #tpu.memory_space<semaphore_mem>> -> memref<1x!tpu.dma_semaphore, #tpu.memory_space<semaphore_mem>>
        %dma_wait3A_161 = tpu.memref_squeeze %dma_wait3A_160 : memref<1x!tpu.dma_semaphore, #tpu.memory_space<semaphore_mem>> -> memref<!tpu.dma_semaphore, #tpu.memory_space<semaphore_mem>>
        tpu.wait_indirect_dma semaphore(%dma_wait3A_161 : memref<!tpu.dma_semaphore, #tpu.memory_space<semaphore_mem>>) src(%dma_wait3A_159 : memref<10000x16xf32, #tpu.memory_space<hbm>>) dst(%dma_wait3A_153 : memref<128x16xf32, #tpu.memory_space<vmem>>)
        %dma_start3A_162 = arith.constant 0 : i32
        %dma_start3A_163 = arith.constant 0 : i32
        %dma_start3A_164 = arith.constant 0 : i32
        %dma_start3A_165 = arith.constant 0 : i32
        %dma_start3A_166 = tpu.memref_slice %arg9[%dma_start3A_162, %dma_start3A_164, %dma_start3A_165] : memref<8x128x16xf32, #tpu.memory_space<vmem>> -> memref<1x128x16xf32, #tpu.memory_space<vmem>>
        %dma_start3A_167 = tpu.memref_squeeze %dma_start3A_166 : memref<1x128x16xf32, #tpu.memory_space<vmem>> -> memref<128x16xf32, #tpu.memory_space<vmem>>
        %dma_start3A_168 = arith.constant 0 : i32
        %dma_start3A_169 = tpu.memref_slice %arg8[%add3A_147, %dma_start3A_168] : memref<128x128xi32, #tpu.memory_space<vmem>> -> memref<1x128xi32, #tpu.memory_space<vmem>>
        %dma_start3A_170 = tpu.memref_squeeze %dma_start3A_169 : memref<1x128xi32, #tpu.memory_space<vmem>> -> memref<128xi32, #tpu.memory_space<vmem>>
        %dma_start3A_171 = arith.constant 0 : i32
        %dma_start3A_172 = arith.constant 0 : i32
        %dma_start3A_173 = tpu.memref_slice %arg6[%dma_start3A_171, %dma_start3A_172] : memref<10240x16xf32, #tpu.memory_space<vmem_shared>> -> memref<10240x16xf32, #tpu.memory_space<vmem_shared>>
        %dma_start3A_174 = tpu.memref_slice %arg12[%dma_start3A_163] : memref<8x!tpu.dma_semaphore, #tpu.memory_space<semaphore_mem>> -> memref<1x!tpu.dma_semaphore, #tpu.memory_space<semaphore_mem>>
        %dma_start3A_175 = tpu.memref_squeeze %dma_start3A_174 : memref<1x!tpu.dma_semaphore, #tpu.memory_space<semaphore_mem>> -> memref<!tpu.dma_semaphore, #tpu.memory_space<semaphore_mem>>
        tpu.enqueue_indirect_dma source(%dma_start3A_167 : memref<128x16xf32, #tpu.memory_space<vmem>>) target(%dma_start3A_173 : memref<10240x16xf32, #tpu.memory_space<vmem_shared>>) offsets(%dma_start3A_170 : memref<128xi32, #tpu.memory_space<vmem>>) semaphore(%dma_start3A_175 : memref<!tpu.dma_semaphore, #tpu.memory_space<semaphore_mem>>) {add = true}
        %ge3A = arith.constant 4 : i32
        %ge3A_176 = arith.cmpi sge, %add3A_147, %ge3A : i32
        %convert_element_type3A_177 = arith.extui %ge3A_176 : i1 to i32
        %cond3A_178 = arith.constant 0 : i32
        %cond3A_179 = arith.cmpi ne, %convert_element_type3A_177, %cond3A_178 : i32
        scf.if %cond3A_179 {
          %sub3A = arith.constant 4 : i32
          %sub3A_480 = arith.subi %add3A_147, %sub3A : i32
          %dma_wait3A_481 = arith.constant 4 : i32
          %dma_wait3A_482 = arith.constant 4 : i32
          %dma_wait3A_483 = arith.constant 0 : i32
          %dma_wait3A_484 = arith.constant 0 : i32
          %dma_wait3A_485 = tpu.memref_slice %arg9[%dma_wait3A_481, %dma_wait3A_483, %dma_wait3A_484] : memref<8x128x16xf32, #tpu.memory_space<vmem>> -> memref<1x128x16xf32, #tpu.memory_space<vmem>>
          %dma_wait3A_486 = tpu.memref_squeeze %dma_wait3A_485 : memref<1x128x16xf32, #tpu.memory_space<vmem>> -> memref<128x16xf32, #tpu.memory_space<vmem>>
          %dma_wait3A_487 = arith.constant 0 : i32
          %dma_wait3A_488 = tpu.memref_slice %arg8[%sub3A_480, %dma_wait3A_487] : memref<128x128xi32, #tpu.memory_space<vmem>> -> memref<1x128xi32, #tpu.memory_space<vmem>>
          %dma_wait3A_489 = tpu.memref_squeeze %dma_wait3A_488 : memref<1x128xi32, #tpu.memory_space<vmem>> -> memref<128xi32, #tpu.memory_space<vmem>>
          %dma_wait3A_490 = arith.constant 0 : i32
          %dma_wait3A_491 = arith.constant 0 : i32
          %dma_wait3A_492 = tpu.memref_slice %arg6[%dma_wait3A_490, %dma_wait3A_491] : memref<10240x16xf32, #tpu.memory_space<vmem_shared>> -> memref<10240x16xf32, #tpu.memory_space<vmem_shared>>
          %dma_wait3A_493 = tpu.memref_slice %arg12[%dma_wait3A_482] : memref<8x!tpu.dma_semaphore, #tpu.memory_space<semaphore_mem>> -> memref<1x!tpu.dma_semaphore, #tpu.memory_space<semaphore_mem>>
          %dma_wait3A_494 = tpu.memref_squeeze %dma_wait3A_493 : memref<1x!tpu.dma_semaphore, #tpu.memory_space<semaphore_mem>> -> memref<!tpu.dma_semaphore, #tpu.memory_space<semaphore_mem>>
          tpu.wait_indirect_dma semaphore(%dma_wait3A_494 : memref<!tpu.dma_semaphore, #tpu.memory_space<semaphore_mem>>) src(%dma_wait3A_486 : memref<128x16xf32, #tpu.memory_space<vmem>>) dst(%dma_wait3A_492 : memref<10240x16xf32, #tpu.memory_space<vmem_shared>>)
        } else {
        }
        %add3A_180 = arith.constant 4 : i32
        %add3A_181 = arith.addi %add3A_147, %add3A_180 : i32
        %lt3A = arith.constant 32 : i32
        %lt3A_182 = arith.cmpi slt, %add3A_181, %lt3A : i32
        %convert_element_type3A_183 = arith.extui %lt3A_182 : i1 to i32
        %cond3A_184 = arith.constant 0 : i32
        %cond3A_185 = arith.cmpi ne, %convert_element_type3A_183, %cond3A_184 : i32
        scf.if %cond3A_185 {
          %add3A_480 = arith.constant 4 : i32
          %add3A_481 = arith.addi %add3A_147, %add3A_480 : i32
          %dma_start3A_482 = arith.constant 4 : i32
          %dma_start3A_483 = arith.constant 4 : i32
          %dma_start3A_484 = arith.constant 0 : i32
          %dma_start3A_485 = arith.constant 0 : i32
          %dma_start3A_486 = tpu.memref_slice %arg9[%dma_start3A_482, %dma_start3A_484, %dma_start3A_485] : memref<8x128x16xf32, #tpu.memory_space<vmem>> -> memref<1x128x16xf32, #tpu.memory_space<vmem>>
          %dma_start3A_487 = tpu.memref_squeeze %dma_start3A_486 : memref<1x128x16xf32, #tpu.memory_space<vmem>> -> memref<128x16xf32, #tpu.memory_space<vmem>>
          %dma_start3A_488 = arith.constant 0 : i32
          %dma_start3A_489 = tpu.memref_slice %arg7[%add3A_481, %dma_start3A_488] : memref<128x128xi32, #tpu.memory_space<vmem>> -> memref<1x128xi32, #tpu.memory_space<vmem>>
          %dma_start3A_490 = tpu.memref_squeeze %dma_start3A_489 : memref<1x128xi32, #tpu.memory_space<vmem>> -> memref<128xi32, #tpu.memory_space<vmem>>
          %dma_start3A_491 = arith.constant 0 : i32
          %dma_start3A_492 = arith.constant 0 : i32
          %dma_start3A_493 = tpu.memref_slice %arg2[%dma_start3A_491, %dma_start3A_492] : memref<10000x16xf32, #tpu.memory_space<hbm>> -> memref<10000x16xf32, #tpu.memory_space<hbm>>
          %dma_start3A_494 = tpu.memref_slice %arg11[%dma_start3A_483] : memref<8x!tpu.dma_semaphore, #tpu.memory_space<semaphore_mem>> -> memref<1x!tpu.dma_semaphore, #tpu.memory_space<semaphore_mem>>
          %dma_start3A_495 = tpu.memref_squeeze %dma_start3A_494 : memref<1x!tpu.dma_semaphore, #tpu.memory_space<semaphore_mem>> -> memref<!tpu.dma_semaphore, #tpu.memory_space<semaphore_mem>>
          tpu.enqueue_indirect_dma source(%dma_start3A_493 : memref<10000x16xf32, #tpu.memory_space<hbm>>) target(%dma_start3A_487 : memref<128x16xf32, #tpu.memory_space<vmem>>) offsets(%dma_start3A_490 : memref<128xi32, #tpu.memory_space<vmem>>) semaphore(%dma_start3A_495 : memref<!tpu.dma_semaphore, #tpu.memory_space<semaphore_mem>>)
        } else {
        }
        %add3A_186 = arith.constant 1 : i32
        %add3A_187 = arith.addi %mul3A_145, %add3A_186 : i32
        %dma_wait3A_188 = arith.constant 1 : i32
        %dma_wait3A_189 = arith.constant 1 : i32
        %dma_wait3A_190 = arith.constant 0 : i32
        %dma_wait3A_191 = arith.constant 0 : i32
        %dma_wait3A_192 = tpu.memref_slice %arg9[%dma_wait3A_188, %dma_wait3A_190, %dma_wait3A_191] : memref<8x128x16xf32, #tpu.memory_space<vmem>> -> memref<1x128x16xf32, #tpu.memory_space<vmem>>
        %dma_wait3A_193 = tpu.memref_squeeze %dma_wait3A_192 : memref<1x128x16xf32, #tpu.memory_space<vmem>> -> memref<128x16xf32, #tpu.memory_space<vmem>>
        %dma_wait3A_194 = arith.constant 0 : i32
        %dma_wait3A_195 = tpu.memref_slice %arg7[%add3A_187, %dma_wait3A_194] : memref<128x128xi32, #tpu.memory_space<vmem>> -> memref<1x128xi32, #tpu.memory_space<vmem>>
        %dma_wait3A_196 = tpu.memref_squeeze %dma_wait3A_195 : memref<1x128xi32, #tpu.memory_space<vmem>> -> memref<128xi32, #tpu.memory_space<vmem>>
        %dma_wait3A_197 = arith.constant 0 : i32
        %dma_wait3A_198 = arith.constant 0 : i32
        %dma_wait3A_199 = tpu.memref_slice %arg2[%dma_wait3A_197, %dma_wait3A_198] : memref<10000x16xf32, #tpu.memory_space<hbm>> -> memref<10000x16xf32, #tpu.memory_space<hbm>>
        %dma_wait3A_200 = tpu.memref_slice %arg11[%dma_wait3A_189] : memref<8x!tpu.dma_semaphore, #tpu.memory_space<semaphore_mem>> -> memref<1x!tpu.dma_semaphore, #tpu.memory_space<semaphore_mem>>
        %dma_wait3A_201 = tpu.memref_squeeze %dma_wait3A_200 : memref<1x!tpu.dma_semaphore, #tpu.memory_space<semaphore_mem>> -> memref<!tpu.dma_semaphore, #tpu.memory_space<semaphore_mem>>
        tpu.wait_indirect_dma semaphore(%dma_wait3A_201 : memref<!tpu.dma_semaphore, #tpu.memory_space<semaphore_mem>>) src(%dma_wait3A_199 : memref<10000x16xf32, #tpu.memory_space<hbm>>) dst(%dma_wait3A_193 : memref<128x16xf32, #tpu.memory_space<vmem>>)
        %dma_start3A_202 = arith.constant 1 : i32
        %dma_start3A_203 = arith.constant 1 : i32
        %dma_start3A_204 = arith.constant 0 : i32
        %dma_start3A_205 = arith.constant 0 : i32
        %dma_start3A_206 = tpu.memref_slice %arg9[%dma_start3A_202, %dma_start3A_204, %dma_start3A_205] : memref<8x128x16xf32, #tpu.memory_space<vmem>> -> memref<1x128x16xf32, #tpu.memory_space<vmem>>
        %dma_start3A_207 = tpu.memref_squeeze %dma_start3A_206 : memref<1x128x16xf32, #tpu.memory_space<vmem>> -> memref<128x16xf32, #tpu.memory_space<vmem>>
        %dma_start3A_208 = arith.constant 0 : i32
        %dma_start3A_209 = tpu.memref_slice %arg8[%add3A_187, %dma_start3A_208] : memref<128x128xi32, #tpu.memory_space<vmem>> -> memref<1x128xi32, #tpu.memory_space<vmem>>
        %dma_start3A_210 = tpu.memref_squeeze %dma_start3A_209 : memref<1x128xi32, #tpu.memory_space<vmem>> -> memref<128xi32, #tpu.memory_space<vmem>>
        %dma_start3A_211 = arith.constant 0 : i32
        %dma_start3A_212 = arith.constant 0 : i32
        %dma_start3A_213 = tpu.memref_slice %arg6[%dma_start3A_211, %dma_start3A_212] : memref<10240x16xf32, #tpu.memory_space<vmem_shared>> -> memref<10240x16xf32, #tpu.memory_space<vmem_shared>>
        %dma_start3A_214 = tpu.memref_slice %arg12[%dma_start3A_203] : memref<8x!tpu.dma_semaphore, #tpu.memory_space<semaphore_mem>> -> memref<1x!tpu.dma_semaphore, #tpu.memory_space<semaphore_mem>>
        %dma_start3A_215 = tpu.memref_squeeze %dma_start3A_214 : memref<1x!tpu.dma_semaphore, #tpu.memory_space<semaphore_mem>> -> memref<!tpu.dma_semaphore, #tpu.memory_space<semaphore_mem>>
        tpu.enqueue_indirect_dma source(%dma_start3A_207 : memref<128x16xf32, #tpu.memory_space<vmem>>) target(%dma_start3A_213 : memref<10240x16xf32, #tpu.memory_space<vmem_shared>>) offsets(%dma_start3A_210 : memref<128xi32, #tpu.memory_space<vmem>>) semaphore(%dma_start3A_215 : memref<!tpu.dma_semaphore, #tpu.memory_space<semaphore_mem>>) {add = true}
        %ge3A_216 = arith.constant 4 : i32
        %ge3A_217 = arith.cmpi sge, %add3A_187, %ge3A_216 : i32
        %convert_element_type3A_218 = arith.extui %ge3A_217 : i1 to i32
        %cond3A_219 = arith.constant 0 : i32
        %cond3A_220 = arith.cmpi ne, %convert_element_type3A_218, %cond3A_219 : i32
        scf.if %cond3A_220 {
          %sub3A = arith.constant 4 : i32
          %sub3A_480 = arith.subi %add3A_187, %sub3A : i32
          %dma_wait3A_481 = arith.constant 5 : i32
          %dma_wait3A_482 = arith.constant 5 : i32
          %dma_wait3A_483 = arith.constant 0 : i32
          %dma_wait3A_484 = arith.constant 0 : i32
          %dma_wait3A_485 = tpu.memref_slice %arg9[%dma_wait3A_481, %dma_wait3A_483, %dma_wait3A_484] : memref<8x128x16xf32, #tpu.memory_space<vmem>> -> memref<1x128x16xf32, #tpu.memory_space<vmem>>
          %dma_wait3A_486 = tpu.memref_squeeze %dma_wait3A_485 : memref<1x128x16xf32, #tpu.memory_space<vmem>> -> memref<128x16xf32, #tpu.memory_space<vmem>>
          %dma_wait3A_487 = arith.constant 0 : i32
          %dma_wait3A_488 = tpu.memref_slice %arg8[%sub3A_480, %dma_wait3A_487] : memref<128x128xi32, #tpu.memory_space<vmem>> -> memref<1x128xi32, #tpu.memory_space<vmem>>
          %dma_wait3A_489 = tpu.memref_squeeze %dma_wait3A_488 : memref<1x128xi32, #tpu.memory_space<vmem>> -> memref<128xi32, #tpu.memory_space<vmem>>
          %dma_wait3A_490 = arith.constant 0 : i32
          %dma_wait3A_491 = arith.constant 0 : i32
          %dma_wait3A_492 = tpu.memref_slice %arg6[%dma_wait3A_490, %dma_wait3A_491] : memref<10240x16xf32, #tpu.memory_space<vmem_shared>> -> memref<10240x16xf32, #tpu.memory_space<vmem_shared>>
          %dma_wait3A_493 = tpu.memref_slice %arg12[%dma_wait3A_482] : memref<8x!tpu.dma_semaphore, #tpu.memory_space<semaphore_mem>> -> memref<1x!tpu.dma_semaphore, #tpu.memory_space<semaphore_mem>>
          %dma_wait3A_494 = tpu.memref_squeeze %dma_wait3A_493 : memref<1x!tpu.dma_semaphore, #tpu.memory_space<semaphore_mem>> -> memref<!tpu.dma_semaphore, #tpu.memory_space<semaphore_mem>>
          tpu.wait_indirect_dma semaphore(%dma_wait3A_494 : memref<!tpu.dma_semaphore, #tpu.memory_space<semaphore_mem>>) src(%dma_wait3A_486 : memref<128x16xf32, #tpu.memory_space<vmem>>) dst(%dma_wait3A_492 : memref<10240x16xf32, #tpu.memory_space<vmem_shared>>)
        } else {
        }
        %add3A_221 = arith.constant 4 : i32
        %add3A_222 = arith.addi %add3A_187, %add3A_221 : i32
        %lt3A_223 = arith.constant 32 : i32
        %lt3A_224 = arith.cmpi slt, %add3A_222, %lt3A_223 : i32
        %convert_element_type3A_225 = arith.extui %lt3A_224 : i1 to i32
        %cond3A_226 = arith.constant 0 : i32
        %cond3A_227 = arith.cmpi ne, %convert_element_type3A_225, %cond3A_226 : i32
        scf.if %cond3A_227 {
          %add3A_480 = arith.constant 4 : i32
          %add3A_481 = arith.addi %add3A_187, %add3A_480 : i32
          %dma_start3A_482 = arith.constant 5 : i32
          %dma_start3A_483 = arith.constant 5 : i32
          %dma_start3A_484 = arith.constant 0 : i32
          %dma_start3A_485 = arith.constant 0 : i32
          %dma_start3A_486 = tpu.memref_slice %arg9[%dma_start3A_482, %dma_start3A_484, %dma_start3A_485] : memref<8x128x16xf32, #tpu.memory_space<vmem>> -> memref<1x128x16xf32, #tpu.memory_space<vmem>>
          %dma_start3A_487 = tpu.memref_squeeze %dma_start3A_486 : memref<1x128x16xf32, #tpu.memory_space<vmem>> -> memref<128x16xf32, #tpu.memory_space<vmem>>
          %dma_start3A_488 = arith.constant 0 : i32
          %dma_start3A_489 = tpu.memref_slice %arg7[%add3A_481, %dma_start3A_488] : memref<128x128xi32, #tpu.memory_space<vmem>> -> memref<1x128xi32, #tpu.memory_space<vmem>>
          %dma_start3A_490 = tpu.memref_squeeze %dma_start3A_489 : memref<1x128xi32, #tpu.memory_space<vmem>> -> memref<128xi32, #tpu.memory_space<vmem>>
          %dma_start3A_491 = arith.constant 0 : i32
          %dma_start3A_492 = arith.constant 0 : i32
          %dma_start3A_493 = tpu.memref_slice %arg2[%dma_start3A_491, %dma_start3A_492] : memref<10000x16xf32, #tpu.memory_space<hbm>> -> memref<10000x16xf32, #tpu.memory_space<hbm>>
          %dma_start3A_494 = tpu.memref_slice %arg11[%dma_start3A_483] : memref<8x!tpu.dma_semaphore, #tpu.memory_space<semaphore_mem>> -> memref<1x!tpu.dma_semaphore, #tpu.memory_space<semaphore_mem>>
          %dma_start3A_495 = tpu.memref_squeeze %dma_start3A_494 : memref<1x!tpu.dma_semaphore, #tpu.memory_space<semaphore_mem>> -> memref<!tpu.dma_semaphore, #tpu.memory_space<semaphore_mem>>
          tpu.enqueue_indirect_dma source(%dma_start3A_493 : memref<10000x16xf32, #tpu.memory_space<hbm>>) target(%dma_start3A_487 : memref<128x16xf32, #tpu.memory_space<vmem>>) offsets(%dma_start3A_490 : memref<128xi32, #tpu.memory_space<vmem>>) semaphore(%dma_start3A_495 : memref<!tpu.dma_semaphore, #tpu.memory_space<semaphore_mem>>)
        } else {
        }
        %add3A_228 = arith.constant 2 : i32
        %add3A_229 = arith.addi %mul3A_145, %add3A_228 : i32
        %dma_wait3A_230 = arith.constant 2 : i32
        %dma_wait3A_231 = arith.constant 2 : i32
        %dma_wait3A_232 = arith.constant 0 : i32
        %dma_wait3A_233 = arith.constant 0 : i32
        %dma_wait3A_234 = tpu.memref_slice %arg9[%dma_wait3A_230, %dma_wait3A_232, %dma_wait3A_233] : memref<8x128x16xf32, #tpu.memory_space<vmem>> -> memref<1x128x16xf32, #tpu.memory_space<vmem>>
        %dma_wait3A_235 = tpu.memref_squeeze %dma_wait3A_234 : memref<1x128x16xf32, #tpu.memory_space<vmem>> -> memref<128x16xf32, #tpu.memory_space<vmem>>
        %dma_wait3A_236 = arith.constant 0 : i32
        %dma_wait3A_237 = tpu.memref_slice %arg7[%add3A_229, %dma_wait3A_236] : memref<128x128xi32, #tpu.memory_space<vmem>> -> memref<1x128xi32, #tpu.memory_space<vmem>>
        %dma_wait3A_238 = tpu.memref_squeeze %dma_wait3A_237 : memref<1x128xi32, #tpu.memory_space<vmem>> -> memref<128xi32, #tpu.memory_space<vmem>>
        %dma_wait3A_239 = arith.constant 0 : i32
        %dma_wait3A_240 = arith.constant 0 : i32
        %dma_wait3A_241 = tpu.memref_slice %arg2[%dma_wait3A_239, %dma_wait3A_240] : memref<10000x16xf32, #tpu.memory_space<hbm>> -> memref<10000x16xf32, #tpu.memory_space<hbm>>
        %dma_wait3A_242 = tpu.memref_slice %arg11[%dma_wait3A_231] : memref<8x!tpu.dma_semaphore, #tpu.memory_space<semaphore_mem>> -> memref<1x!tpu.dma_semaphore, #tpu.memory_space<semaphore_mem>>
        %dma_wait3A_243 = tpu.memref_squeeze %dma_wait3A_242 : memref<1x!tpu.dma_semaphore, #tpu.memory_space<semaphore_mem>> -> memref<!tpu.dma_semaphore, #tpu.memory_space<semaphore_mem>>
        tpu.wait_indirect_dma semaphore(%dma_wait3A_243 : memref<!tpu.dma_semaphore, #tpu.memory_space<semaphore_mem>>) src(%dma_wait3A_241 : memref<10000x16xf32, #tpu.memory_space<hbm>>) dst(%dma_wait3A_235 : memref<128x16xf32, #tpu.memory_space<vmem>>)
        %dma_start3A_244 = arith.constant 2 : i32
        %dma_start3A_245 = arith.constant 2 : i32
        %dma_start3A_246 = arith.constant 0 : i32
        %dma_start3A_247 = arith.constant 0 : i32
        %dma_start3A_248 = tpu.memref_slice %arg9[%dma_start3A_244, %dma_start3A_246, %dma_start3A_247] : memref<8x128x16xf32, #tpu.memory_space<vmem>> -> memref<1x128x16xf32, #tpu.memory_space<vmem>>
        %dma_start3A_249 = tpu.memref_squeeze %dma_start3A_248 : memref<1x128x16xf32, #tpu.memory_space<vmem>> -> memref<128x16xf32, #tpu.memory_space<vmem>>
        %dma_start3A_250 = arith.constant 0 : i32
        %dma_start3A_251 = tpu.memref_slice %arg8[%add3A_229, %dma_start3A_250] : memref<128x128xi32, #tpu.memory_space<vmem>> -> memref<1x128xi32, #tpu.memory_space<vmem>>
        %dma_start3A_252 = tpu.memref_squeeze %dma_start3A_251 : memref<1x128xi32, #tpu.memory_space<vmem>> -> memref<128xi32, #tpu.memory_space<vmem>>
        %dma_start3A_253 = arith.constant 0 : i32
        %dma_start3A_254 = arith.constant 0 : i32
        %dma_start3A_255 = tpu.memref_slice %arg6[%dma_start3A_253, %dma_start3A_254] : memref<10240x16xf32, #tpu.memory_space<vmem_shared>> -> memref<10240x16xf32, #tpu.memory_space<vmem_shared>>
        %dma_start3A_256 = tpu.memref_slice %arg12[%dma_start3A_245] : memref<8x!tpu.dma_semaphore, #tpu.memory_space<semaphore_mem>> -> memref<1x!tpu.dma_semaphore, #tpu.memory_space<semaphore_mem>>
        %dma_start3A_257 = tpu.memref_squeeze %dma_start3A_256 : memref<1x!tpu.dma_semaphore, #tpu.memory_space<semaphore_mem>> -> memref<!tpu.dma_semaphore, #tpu.memory_space<semaphore_mem>>
        tpu.enqueue_indirect_dma source(%dma_start3A_249 : memref<128x16xf32, #tpu.memory_space<vmem>>) target(%dma_start3A_255 : memref<10240x16xf32, #tpu.memory_space<vmem_shared>>) offsets(%dma_start3A_252 : memref<128xi32, #tpu.memory_space<vmem>>) semaphore(%dma_start3A_257 : memref<!tpu.dma_semaphore, #tpu.memory_space<semaphore_mem>>) {add = true}
        %ge3A_258 = arith.constant 4 : i32
        %ge3A_259 = arith.cmpi sge, %add3A_229, %ge3A_258 : i32
        %convert_element_type3A_260 = arith.extui %ge3A_259 : i1 to i32
        %cond3A_261 = arith.constant 0 : i32
        %cond3A_262 = arith.cmpi ne, %convert_element_type3A_260, %cond3A_261 : i32
        scf.if %cond3A_262 {
          %sub3A = arith.constant 4 : i32
          %sub3A_480 = arith.subi %add3A_229, %sub3A : i32
          %dma_wait3A_481 = arith.constant 6 : i32
          %dma_wait3A_482 = arith.constant 6 : i32
          %dma_wait3A_483 = arith.constant 0 : i32
          %dma_wait3A_484 = arith.constant 0 : i32
          %dma_wait3A_485 = tpu.memref_slice %arg9[%dma_wait3A_481, %dma_wait3A_483, %dma_wait3A_484] : memref<8x128x16xf32, #tpu.memory_space<vmem>> -> memref<1x128x16xf32, #tpu.memory_space<vmem>>
          %dma_wait3A_486 = tpu.memref_squeeze %dma_wait3A_485 : memref<1x128x16xf32, #tpu.memory_space<vmem>> -> memref<128x16xf32, #tpu.memory_space<vmem>>
          %dma_wait3A_487 = arith.constant 0 : i32
          %dma_wait3A_488 = tpu.memref_slice %arg8[%sub3A_480, %dma_wait3A_487] : memref<128x128xi32, #tpu.memory_space<vmem>> -> memref<1x128xi32, #tpu.memory_space<vmem>>
          %dma_wait3A_489 = tpu.memref_squeeze %dma_wait3A_488 : memref<1x128xi32, #tpu.memory_space<vmem>> -> memref<128xi32, #tpu.memory_space<vmem>>
          %dma_wait3A_490 = arith.constant 0 : i32
          %dma_wait3A_491 = arith.constant 0 : i32
          %dma_wait3A_492 = tpu.memref_slice %arg6[%dma_wait3A_490, %dma_wait3A_491] : memref<10240x16xf32, #tpu.memory_space<vmem_shared>> -> memref<10240x16xf32, #tpu.memory_space<vmem_shared>>
          %dma_wait3A_493 = tpu.memref_slice %arg12[%dma_wait3A_482] : memref<8x!tpu.dma_semaphore, #tpu.memory_space<semaphore_mem>> -> memref<1x!tpu.dma_semaphore, #tpu.memory_space<semaphore_mem>>
          %dma_wait3A_494 = tpu.memref_squeeze %dma_wait3A_493 : memref<1x!tpu.dma_semaphore, #tpu.memory_space<semaphore_mem>> -> memref<!tpu.dma_semaphore, #tpu.memory_space<semaphore_mem>>
          tpu.wait_indirect_dma semaphore(%dma_wait3A_494 : memref<!tpu.dma_semaphore, #tpu.memory_space<semaphore_mem>>) src(%dma_wait3A_486 : memref<128x16xf32, #tpu.memory_space<vmem>>) dst(%dma_wait3A_492 : memref<10240x16xf32, #tpu.memory_space<vmem_shared>>)
        } else {
        }
        %add3A_263 = arith.constant 4 : i32
        %add3A_264 = arith.addi %add3A_229, %add3A_263 : i32
        %lt3A_265 = arith.constant 32 : i32
        %lt3A_266 = arith.cmpi slt, %add3A_264, %lt3A_265 : i32
        %convert_element_type3A_267 = arith.extui %lt3A_266 : i1 to i32
        %cond3A_268 = arith.constant 0 : i32
        %cond3A_269 = arith.cmpi ne, %convert_element_type3A_267, %cond3A_268 : i32
        scf.if %cond3A_269 {
          %add3A_480 = arith.constant 4 : i32
          %add3A_481 = arith.addi %add3A_229, %add3A_480 : i32
          %dma_start3A_482 = arith.constant 6 : i32
          %dma_start3A_483 = arith.constant 6 : i32
          %dma_start3A_484 = arith.constant 0 : i32
          %dma_start3A_485 = arith.constant 0 : i32
          %dma_start3A_486 = tpu.memref_slice %arg9[%dma_start3A_482, %dma_start3A_484, %dma_start3A_485] : memref<8x128x16xf32, #tpu.memory_space<vmem>> -> memref<1x128x16xf32, #tpu.memory_space<vmem>>
          %dma_start3A_487 = tpu.memref_squeeze %dma_start3A_486 : memref<1x128x16xf32, #tpu.memory_space<vmem>> -> memref<128x16xf32, #tpu.memory_space<vmem>>
          %dma_start3A_488 = arith.constant 0 : i32
          %dma_start3A_489 = tpu.memref_slice %arg7[%add3A_481, %dma_start3A_488] : memref<128x128xi32, #tpu.memory_space<vmem>> -> memref<1x128xi32, #tpu.memory_space<vmem>>
          %dma_start3A_490 = tpu.memref_squeeze %dma_start3A_489 : memref<1x128xi32, #tpu.memory_space<vmem>> -> memref<128xi32, #tpu.memory_space<vmem>>
          %dma_start3A_491 = arith.constant 0 : i32
          %dma_start3A_492 = arith.constant 0 : i32
          %dma_start3A_493 = tpu.memref_slice %arg2[%dma_start3A_491, %dma_start3A_492] : memref<10000x16xf32, #tpu.memory_space<hbm>> -> memref<10000x16xf32, #tpu.memory_space<hbm>>
          %dma_start3A_494 = tpu.memref_slice %arg11[%dma_start3A_483] : memref<8x!tpu.dma_semaphore, #tpu.memory_space<semaphore_mem>> -> memref<1x!tpu.dma_semaphore, #tpu.memory_space<semaphore_mem>>
          %dma_start3A_495 = tpu.memref_squeeze %dma_start3A_494 : memref<1x!tpu.dma_semaphore, #tpu.memory_space<semaphore_mem>> -> memref<!tpu.dma_semaphore, #tpu.memory_space<semaphore_mem>>
          tpu.enqueue_indirect_dma source(%dma_start3A_493 : memref<10000x16xf32, #tpu.memory_space<hbm>>) target(%dma_start3A_487 : memref<128x16xf32, #tpu.memory_space<vmem>>) offsets(%dma_start3A_490 : memref<128xi32, #tpu.memory_space<vmem>>) semaphore(%dma_start3A_495 : memref<!tpu.dma_semaphore, #tpu.memory_space<semaphore_mem>>)
        } else {
        }
        %add3A_270 = arith.constant 3 : i32
        %add3A_271 = arith.addi %mul3A_145, %add3A_270 : i32
        %dma_wait3A_272 = arith.constant 3 : i32
        %dma_wait3A_273 = arith.constant 3 : i32
        %dma_wait3A_274 = arith.constant 0 : i32
        %dma_wait3A_275 = arith.constant 0 : i32
        %dma_wait3A_276 = tpu.memref_slice %arg9[%dma_wait3A_272, %dma_wait3A_274, %dma_wait3A_275] : memref<8x128x16xf32, #tpu.memory_space<vmem>> -> memref<1x128x16xf32, #tpu.memory_space<vmem>>
        %dma_wait3A_277 = tpu.memref_squeeze %dma_wait3A_276 : memref<1x128x16xf32, #tpu.memory_space<vmem>> -> memref<128x16xf32, #tpu.memory_space<vmem>>
        %dma_wait3A_278 = arith.constant 0 : i32
        %dma_wait3A_279 = tpu.memref_slice %arg7[%add3A_271, %dma_wait3A_278] : memref<128x128xi32, #tpu.memory_space<vmem>> -> memref<1x128xi32, #tpu.memory_space<vmem>>
        %dma_wait3A_280 = tpu.memref_squeeze %dma_wait3A_279 : memref<1x128xi32, #tpu.memory_space<vmem>> -> memref<128xi32, #tpu.memory_space<vmem>>
        %dma_wait3A_281 = arith.constant 0 : i32
        %dma_wait3A_282 = arith.constant 0 : i32
        %dma_wait3A_283 = tpu.memref_slice %arg2[%dma_wait3A_281, %dma_wait3A_282] : memref<10000x16xf32, #tpu.memory_space<hbm>> -> memref<10000x16xf32, #tpu.memory_space<hbm>>
        %dma_wait3A_284 = tpu.memref_slice %arg11[%dma_wait3A_273] : memref<8x!tpu.dma_semaphore, #tpu.memory_space<semaphore_mem>> -> memref<1x!tpu.dma_semaphore, #tpu.memory_space<semaphore_mem>>
        %dma_wait3A_285 = tpu.memref_squeeze %dma_wait3A_284 : memref<1x!tpu.dma_semaphore, #tpu.memory_space<semaphore_mem>> -> memref<!tpu.dma_semaphore, #tpu.memory_space<semaphore_mem>>
        tpu.wait_indirect_dma semaphore(%dma_wait3A_285 : memref<!tpu.dma_semaphore, #tpu.memory_space<semaphore_mem>>) src(%dma_wait3A_283 : memref<10000x16xf32, #tpu.memory_space<hbm>>) dst(%dma_wait3A_277 : memref<128x16xf32, #tpu.memory_space<vmem>>)
        %dma_start3A_286 = arith.constant 3 : i32
        %dma_start3A_287 = arith.constant 3 : i32
        %dma_start3A_288 = arith.constant 0 : i32
        %dma_start3A_289 = arith.constant 0 : i32
        %dma_start3A_290 = tpu.memref_slice %arg9[%dma_start3A_286, %dma_start3A_288, %dma_start3A_289] : memref<8x128x16xf32, #tpu.memory_space<vmem>> -> memref<1x128x16xf32, #tpu.memory_space<vmem>>
        %dma_start3A_291 = tpu.memref_squeeze %dma_start3A_290 : memref<1x128x16xf32, #tpu.memory_space<vmem>> -> memref<128x16xf32, #tpu.memory_space<vmem>>
        %dma_start3A_292 = arith.constant 0 : i32
        %dma_start3A_293 = tpu.memref_slice %arg8[%add3A_271, %dma_start3A_292] : memref<128x128xi32, #tpu.memory_space<vmem>> -> memref<1x128xi32, #tpu.memory_space<vmem>>
        %dma_start3A_294 = tpu.memref_squeeze %dma_start3A_293 : memref<1x128xi32, #tpu.memory_space<vmem>> -> memref<128xi32, #tpu.memory_space<vmem>>
        %dma_start3A_295 = arith.constant 0 : i32
        %dma_start3A_296 = arith.constant 0 : i32
        %dma_start3A_297 = tpu.memref_slice %arg6[%dma_start3A_295, %dma_start3A_296] : memref<10240x16xf32, #tpu.memory_space<vmem_shared>> -> memref<10240x16xf32, #tpu.memory_space<vmem_shared>>
        %dma_start3A_298 = tpu.memref_slice %arg12[%dma_start3A_287] : memref<8x!tpu.dma_semaphore, #tpu.memory_space<semaphore_mem>> -> memref<1x!tpu.dma_semaphore, #tpu.memory_space<semaphore_mem>>
        %dma_start3A_299 = tpu.memref_squeeze %dma_start3A_298 : memref<1x!tpu.dma_semaphore, #tpu.memory_space<semaphore_mem>> -> memref<!tpu.dma_semaphore, #tpu.memory_space<semaphore_mem>>
        tpu.enqueue_indirect_dma source(%dma_start3A_291 : memref<128x16xf32, #tpu.memory_space<vmem>>) target(%dma_start3A_297 : memref<10240x16xf32, #tpu.memory_space<vmem_shared>>) offsets(%dma_start3A_294 : memref<128xi32, #tpu.memory_space<vmem>>) semaphore(%dma_start3A_299 : memref<!tpu.dma_semaphore, #tpu.memory_space<semaphore_mem>>) {add = true}
        %ge3A_300 = arith.constant 4 : i32
        %ge3A_301 = arith.cmpi sge, %add3A_271, %ge3A_300 : i32
        %convert_element_type3A_302 = arith.extui %ge3A_301 : i1 to i32
        %cond3A_303 = arith.constant 0 : i32
        %cond3A_304 = arith.cmpi ne, %convert_element_type3A_302, %cond3A_303 : i32
        scf.if %cond3A_304 {
          %sub3A = arith.constant 4 : i32
          %sub3A_480 = arith.subi %add3A_271, %sub3A : i32
          %dma_wait3A_481 = arith.constant 7 : i32
          %dma_wait3A_482 = arith.constant 7 : i32
          %dma_wait3A_483 = arith.constant 0 : i32
          %dma_wait3A_484 = arith.constant 0 : i32
          %dma_wait3A_485 = tpu.memref_slice %arg9[%dma_wait3A_481, %dma_wait3A_483, %dma_wait3A_484] : memref<8x128x16xf32, #tpu.memory_space<vmem>> -> memref<1x128x16xf32, #tpu.memory_space<vmem>>
          %dma_wait3A_486 = tpu.memref_squeeze %dma_wait3A_485 : memref<1x128x16xf32, #tpu.memory_space<vmem>> -> memref<128x16xf32, #tpu.memory_space<vmem>>
          %dma_wait3A_487 = arith.constant 0 : i32
          %dma_wait3A_488 = tpu.memref_slice %arg8[%sub3A_480, %dma_wait3A_487] : memref<128x128xi32, #tpu.memory_space<vmem>> -> memref<1x128xi32, #tpu.memory_space<vmem>>
          %dma_wait3A_489 = tpu.memref_squeeze %dma_wait3A_488 : memref<1x128xi32, #tpu.memory_space<vmem>> -> memref<128xi32, #tpu.memory_space<vmem>>
          %dma_wait3A_490 = arith.constant 0 : i32
          %dma_wait3A_491 = arith.constant 0 : i32
          %dma_wait3A_492 = tpu.memref_slice %arg6[%dma_wait3A_490, %dma_wait3A_491] : memref<10240x16xf32, #tpu.memory_space<vmem_shared>> -> memref<10240x16xf32, #tpu.memory_space<vmem_shared>>
          %dma_wait3A_493 = tpu.memref_slice %arg12[%dma_wait3A_482] : memref<8x!tpu.dma_semaphore, #tpu.memory_space<semaphore_mem>> -> memref<1x!tpu.dma_semaphore, #tpu.memory_space<semaphore_mem>>
          %dma_wait3A_494 = tpu.memref_squeeze %dma_wait3A_493 : memref<1x!tpu.dma_semaphore, #tpu.memory_space<semaphore_mem>> -> memref<!tpu.dma_semaphore, #tpu.memory_space<semaphore_mem>>
          tpu.wait_indirect_dma semaphore(%dma_wait3A_494 : memref<!tpu.dma_semaphore, #tpu.memory_space<semaphore_mem>>) src(%dma_wait3A_486 : memref<128x16xf32, #tpu.memory_space<vmem>>) dst(%dma_wait3A_492 : memref<10240x16xf32, #tpu.memory_space<vmem_shared>>)
        } else {
        }
        %add3A_305 = arith.constant 4 : i32
        %add3A_306 = arith.addi %add3A_271, %add3A_305 : i32
        %lt3A_307 = arith.constant 32 : i32
        %lt3A_308 = arith.cmpi slt, %add3A_306, %lt3A_307 : i32
        %convert_element_type3A_309 = arith.extui %lt3A_308 : i1 to i32
        %cond3A_310 = arith.constant 0 : i32
        %cond3A_311 = arith.cmpi ne, %convert_element_type3A_309, %cond3A_310 : i32
        scf.if %cond3A_311 {
          %add3A_480 = arith.constant 4 : i32
          %add3A_481 = arith.addi %add3A_271, %add3A_480 : i32
          %dma_start3A_482 = arith.constant 7 : i32
          %dma_start3A_483 = arith.constant 7 : i32
          %dma_start3A_484 = arith.constant 0 : i32
          %dma_start3A_485 = arith.constant 0 : i32
          %dma_start3A_486 = tpu.memref_slice %arg9[%dma_start3A_482, %dma_start3A_484, %dma_start3A_485] : memref<8x128x16xf32, #tpu.memory_space<vmem>> -> memref<1x128x16xf32, #tpu.memory_space<vmem>>
          %dma_start3A_487 = tpu.memref_squeeze %dma_start3A_486 : memref<1x128x16xf32, #tpu.memory_space<vmem>> -> memref<128x16xf32, #tpu.memory_space<vmem>>
          %dma_start3A_488 = arith.constant 0 : i32
          %dma_start3A_489 = tpu.memref_slice %arg7[%add3A_481, %dma_start3A_488] : memref<128x128xi32, #tpu.memory_space<vmem>> -> memref<1x128xi32, #tpu.memory_space<vmem>>
          %dma_start3A_490 = tpu.memref_squeeze %dma_start3A_489 : memref<1x128xi32, #tpu.memory_space<vmem>> -> memref<128xi32, #tpu.memory_space<vmem>>
          %dma_start3A_491 = arith.constant 0 : i32
          %dma_start3A_492 = arith.constant 0 : i32
          %dma_start3A_493 = tpu.memref_slice %arg2[%dma_start3A_491, %dma_start3A_492] : memref<10000x16xf32, #tpu.memory_space<hbm>> -> memref<10000x16xf32, #tpu.memory_space<hbm>>
          %dma_start3A_494 = tpu.memref_slice %arg11[%dma_start3A_483] : memref<8x!tpu.dma_semaphore, #tpu.memory_space<semaphore_mem>> -> memref<1x!tpu.dma_semaphore, #tpu.memory_space<semaphore_mem>>
          %dma_start3A_495 = tpu.memref_squeeze %dma_start3A_494 : memref<1x!tpu.dma_semaphore, #tpu.memory_space<semaphore_mem>> -> memref<!tpu.dma_semaphore, #tpu.memory_space<semaphore_mem>>
          tpu.enqueue_indirect_dma source(%dma_start3A_493 : memref<10000x16xf32, #tpu.memory_space<hbm>>) target(%dma_start3A_487 : memref<128x16xf32, #tpu.memory_space<vmem>>) offsets(%dma_start3A_490 : memref<128xi32, #tpu.memory_space<vmem>>) semaphore(%dma_start3A_495 : memref<!tpu.dma_semaphore, #tpu.memory_space<semaphore_mem>>)
        } else {
        }
        %add3A_312 = arith.constant 4 : i32
        %add3A_313 = arith.addi %mul3A_145, %add3A_312 : i32
        %dma_wait3A_314 = arith.constant 4 : i32
        %dma_wait3A_315 = arith.constant 4 : i32
        %dma_wait3A_316 = arith.constant 0 : i32
        %dma_wait3A_317 = arith.constant 0 : i32
        %dma_wait3A_318 = tpu.memref_slice %arg9[%dma_wait3A_314, %dma_wait3A_316, %dma_wait3A_317] : memref<8x128x16xf32, #tpu.memory_space<vmem>> -> memref<1x128x16xf32, #tpu.memory_space<vmem>>
        %dma_wait3A_319 = tpu.memref_squeeze %dma_wait3A_318 : memref<1x128x16xf32, #tpu.memory_space<vmem>> -> memref<128x16xf32, #tpu.memory_space<vmem>>
        %dma_wait3A_320 = arith.constant 0 : i32
        %dma_wait3A_321 = tpu.memref_slice %arg7[%add3A_313, %dma_wait3A_320] : memref<128x128xi32, #tpu.memory_space<vmem>> -> memref<1x128xi32, #tpu.memory_space<vmem>>
        %dma_wait3A_322 = tpu.memref_squeeze %dma_wait3A_321 : memref<1x128xi32, #tpu.memory_space<vmem>> -> memref<128xi32, #tpu.memory_space<vmem>>
        %dma_wait3A_323 = arith.constant 0 : i32
        %dma_wait3A_324 = arith.constant 0 : i32
        %dma_wait3A_325 = tpu.memref_slice %arg2[%dma_wait3A_323, %dma_wait3A_324] : memref<10000x16xf32, #tpu.memory_space<hbm>> -> memref<10000x16xf32, #tpu.memory_space<hbm>>
        %dma_wait3A_326 = tpu.memref_slice %arg11[%dma_wait3A_315] : memref<8x!tpu.dma_semaphore, #tpu.memory_space<semaphore_mem>> -> memref<1x!tpu.dma_semaphore, #tpu.memory_space<semaphore_mem>>
        %dma_wait3A_327 = tpu.memref_squeeze %dma_wait3A_326 : memref<1x!tpu.dma_semaphore, #tpu.memory_space<semaphore_mem>> -> memref<!tpu.dma_semaphore, #tpu.memory_space<semaphore_mem>>
        tpu.wait_indirect_dma semaphore(%dma_wait3A_327 : memref<!tpu.dma_semaphore, #tpu.memory_space<semaphore_mem>>) src(%dma_wait3A_325 : memref<10000x16xf32, #tpu.memory_space<hbm>>) dst(%dma_wait3A_319 : memref<128x16xf32, #tpu.memory_space<vmem>>)
        %dma_start3A_328 = arith.constant 4 : i32
        %dma_start3A_329 = arith.constant 4 : i32
        %dma_start3A_330 = arith.constant 0 : i32
        %dma_start3A_331 = arith.constant 0 : i32
        %dma_start3A_332 = tpu.memref_slice %arg9[%dma_start3A_328, %dma_start3A_330, %dma_start3A_331] : memref<8x128x16xf32, #tpu.memory_space<vmem>> -> memref<1x128x16xf32, #tpu.memory_space<vmem>>
        %dma_start3A_333 = tpu.memref_squeeze %dma_start3A_332 : memref<1x128x16xf32, #tpu.memory_space<vmem>> -> memref<128x16xf32, #tpu.memory_space<vmem>>
        %dma_start3A_334 = arith.constant 0 : i32
        %dma_start3A_335 = tpu.memref_slice %arg8[%add3A_313, %dma_start3A_334] : memref<128x128xi32, #tpu.memory_space<vmem>> -> memref<1x128xi32, #tpu.memory_space<vmem>>
        %dma_start3A_336 = tpu.memref_squeeze %dma_start3A_335 : memref<1x128xi32, #tpu.memory_space<vmem>> -> memref<128xi32, #tpu.memory_space<vmem>>
        %dma_start3A_337 = arith.constant 0 : i32
        %dma_start3A_338 = arith.constant 0 : i32
        %dma_start3A_339 = tpu.memref_slice %arg6[%dma_start3A_337, %dma_start3A_338] : memref<10240x16xf32, #tpu.memory_space<vmem_shared>> -> memref<10240x16xf32, #tpu.memory_space<vmem_shared>>
        %dma_start3A_340 = tpu.memref_slice %arg12[%dma_start3A_329] : memref<8x!tpu.dma_semaphore, #tpu.memory_space<semaphore_mem>> -> memref<1x!tpu.dma_semaphore, #tpu.memory_space<semaphore_mem>>
        %dma_start3A_341 = tpu.memref_squeeze %dma_start3A_340 : memref<1x!tpu.dma_semaphore, #tpu.memory_space<semaphore_mem>> -> memref<!tpu.dma_semaphore, #tpu.memory_space<semaphore_mem>>
        tpu.enqueue_indirect_dma source(%dma_start3A_333 : memref<128x16xf32, #tpu.memory_space<vmem>>) target(%dma_start3A_339 : memref<10240x16xf32, #tpu.memory_space<vmem_shared>>) offsets(%dma_start3A_336 : memref<128xi32, #tpu.memory_space<vmem>>) semaphore(%dma_start3A_341 : memref<!tpu.dma_semaphore, #tpu.memory_space<semaphore_mem>>) {add = true}
        %ge3A_342 = arith.constant 4 : i32
        %ge3A_343 = arith.cmpi sge, %add3A_313, %ge3A_342 : i32
        %convert_element_type3A_344 = arith.extui %ge3A_343 : i1 to i32
        %cond3A_345 = arith.constant 0 : i32
        %cond3A_346 = arith.cmpi ne, %convert_element_type3A_344, %cond3A_345 : i32
        scf.if %cond3A_346 {
          %sub3A = arith.constant 4 : i32
          %sub3A_480 = arith.subi %add3A_313, %sub3A : i32
          %dma_wait3A_481 = arith.constant 0 : i32
          %dma_wait3A_482 = arith.constant 0 : i32
          %dma_wait3A_483 = arith.constant 0 : i32
          %dma_wait3A_484 = arith.constant 0 : i32
          %dma_wait3A_485 = tpu.memref_slice %arg9[%dma_wait3A_481, %dma_wait3A_483, %dma_wait3A_484] : memref<8x128x16xf32, #tpu.memory_space<vmem>> -> memref<1x128x16xf32, #tpu.memory_space<vmem>>
          %dma_wait3A_486 = tpu.memref_squeeze %dma_wait3A_485 : memref<1x128x16xf32, #tpu.memory_space<vmem>> -> memref<128x16xf32, #tpu.memory_space<vmem>>
          %dma_wait3A_487 = arith.constant 0 : i32
          %dma_wait3A_488 = tpu.memref_slice %arg8[%sub3A_480, %dma_wait3A_487] : memref<128x128xi32, #tpu.memory_space<vmem>> -> memref<1x128xi32, #tpu.memory_space<vmem>>
          %dma_wait3A_489 = tpu.memref_squeeze %dma_wait3A_488 : memref<1x128xi32, #tpu.memory_space<vmem>> -> memref<128xi32, #tpu.memory_space<vmem>>
          %dma_wait3A_490 = arith.constant 0 : i32
          %dma_wait3A_491 = arith.constant 0 : i32
          %dma_wait3A_492 = tpu.memref_slice %arg6[%dma_wait3A_490, %dma_wait3A_491] : memref<10240x16xf32, #tpu.memory_space<vmem_shared>> -> memref<10240x16xf32, #tpu.memory_space<vmem_shared>>
          %dma_wait3A_493 = tpu.memref_slice %arg12[%dma_wait3A_482] : memref<8x!tpu.dma_semaphore, #tpu.memory_space<semaphore_mem>> -> memref<1x!tpu.dma_semaphore, #tpu.memory_space<semaphore_mem>>
          %dma_wait3A_494 = tpu.memref_squeeze %dma_wait3A_493 : memref<1x!tpu.dma_semaphore, #tpu.memory_space<semaphore_mem>> -> memref<!tpu.dma_semaphore, #tpu.memory_space<semaphore_mem>>
          tpu.wait_indirect_dma semaphore(%dma_wait3A_494 : memref<!tpu.dma_semaphore, #tpu.memory_space<semaphore_mem>>) src(%dma_wait3A_486 : memref<128x16xf32, #tpu.memory_space<vmem>>) dst(%dma_wait3A_492 : memref<10240x16xf32, #tpu.memory_space<vmem_shared>>)
        } else {
        }
        %add3A_347 = arith.constant 4 : i32
        %add3A_348 = arith.addi %add3A_313, %add3A_347 : i32
        %lt3A_349 = arith.constant 32 : i32
        %lt3A_350 = arith.cmpi slt, %add3A_348, %lt3A_349 : i32
        %convert_element_type3A_351 = arith.extui %lt3A_350 : i1 to i32
        %cond3A_352 = arith.constant 0 : i32
        %cond3A_353 = arith.cmpi ne, %convert_element_type3A_351, %cond3A_352 : i32
        scf.if %cond3A_353 {
          %add3A_480 = arith.constant 4 : i32
          %add3A_481 = arith.addi %add3A_313, %add3A_480 : i32
          %dma_start3A_482 = arith.constant 0 : i32
          %dma_start3A_483 = arith.constant 0 : i32
          %dma_start3A_484 = arith.constant 0 : i32
          %dma_start3A_485 = arith.constant 0 : i32
          %dma_start3A_486 = tpu.memref_slice %arg9[%dma_start3A_482, %dma_start3A_484, %dma_start3A_485] : memref<8x128x16xf32, #tpu.memory_space<vmem>> -> memref<1x128x16xf32, #tpu.memory_space<vmem>>
          %dma_start3A_487 = tpu.memref_squeeze %dma_start3A_486 : memref<1x128x16xf32, #tpu.memory_space<vmem>> -> memref<128x16xf32, #tpu.memory_space<vmem>>
          %dma_start3A_488 = arith.constant 0 : i32
          %dma_start3A_489 = tpu.memref_slice %arg7[%add3A_481, %dma_start3A_488] : memref<128x128xi32, #tpu.memory_space<vmem>> -> memref<1x128xi32, #tpu.memory_space<vmem>>
          %dma_start3A_490 = tpu.memref_squeeze %dma_start3A_489 : memref<1x128xi32, #tpu.memory_space<vmem>> -> memref<128xi32, #tpu.memory_space<vmem>>
          %dma_start3A_491 = arith.constant 0 : i32
          %dma_start3A_492 = arith.constant 0 : i32
          %dma_start3A_493 = tpu.memref_slice %arg2[%dma_start3A_491, %dma_start3A_492] : memref<10000x16xf32, #tpu.memory_space<hbm>> -> memref<10000x16xf32, #tpu.memory_space<hbm>>
          %dma_start3A_494 = tpu.memref_slice %arg11[%dma_start3A_483] : memref<8x!tpu.dma_semaphore, #tpu.memory_space<semaphore_mem>> -> memref<1x!tpu.dma_semaphore, #tpu.memory_space<semaphore_mem>>
          %dma_start3A_495 = tpu.memref_squeeze %dma_start3A_494 : memref<1x!tpu.dma_semaphore, #tpu.memory_space<semaphore_mem>> -> memref<!tpu.dma_semaphore, #tpu.memory_space<semaphore_mem>>
          tpu.enqueue_indirect_dma source(%dma_start3A_493 : memref<10000x16xf32, #tpu.memory_space<hbm>>) target(%dma_start3A_487 : memref<128x16xf32, #tpu.memory_space<vmem>>) offsets(%dma_start3A_490 : memref<128xi32, #tpu.memory_space<vmem>>) semaphore(%dma_start3A_495 : memref<!tpu.dma_semaphore, #tpu.memory_space<semaphore_mem>>)
        } else {
        }
        %add3A_354 = arith.constant 5 : i32
        %add3A_355 = arith.addi %mul3A_145, %add3A_354 : i32
        %dma_wait3A_356 = arith.constant 5 : i32
        %dma_wait3A_357 = arith.constant 5 : i32
        %dma_wait3A_358 = arith.constant 0 : i32
        %dma_wait3A_359 = arith.constant 0 : i32
        %dma_wait3A_360 = tpu.memref_slice %arg9[%dma_wait3A_356, %dma_wait3A_358, %dma_wait3A_359] : memref<8x128x16xf32, #tpu.memory_space<vmem>> -> memref<1x128x16xf32, #tpu.memory_space<vmem>>
        %dma_wait3A_361 = tpu.memref_squeeze %dma_wait3A_360 : memref<1x128x16xf32, #tpu.memory_space<vmem>> -> memref<128x16xf32, #tpu.memory_space<vmem>>
        %dma_wait3A_362 = arith.constant 0 : i32
        %dma_wait3A_363 = tpu.memref_slice %arg7[%add3A_355, %dma_wait3A_362] : memref<128x128xi32, #tpu.memory_space<vmem>> -> memref<1x128xi32, #tpu.memory_space<vmem>>
        %dma_wait3A_364 = tpu.memref_squeeze %dma_wait3A_363 : memref<1x128xi32, #tpu.memory_space<vmem>> -> memref<128xi32, #tpu.memory_space<vmem>>
        %dma_wait3A_365 = arith.constant 0 : i32
        %dma_wait3A_366 = arith.constant 0 : i32
        %dma_wait3A_367 = tpu.memref_slice %arg2[%dma_wait3A_365, %dma_wait3A_366] : memref<10000x16xf32, #tpu.memory_space<hbm>> -> memref<10000x16xf32, #tpu.memory_space<hbm>>
        %dma_wait3A_368 = tpu.memref_slice %arg11[%dma_wait3A_357] : memref<8x!tpu.dma_semaphore, #tpu.memory_space<semaphore_mem>> -> memref<1x!tpu.dma_semaphore, #tpu.memory_space<semaphore_mem>>
        %dma_wait3A_369 = tpu.memref_squeeze %dma_wait3A_368 : memref<1x!tpu.dma_semaphore, #tpu.memory_space<semaphore_mem>> -> memref<!tpu.dma_semaphore, #tpu.memory_space<semaphore_mem>>
        tpu.wait_indirect_dma semaphore(%dma_wait3A_369 : memref<!tpu.dma_semaphore, #tpu.memory_space<semaphore_mem>>) src(%dma_wait3A_367 : memref<10000x16xf32, #tpu.memory_space<hbm>>) dst(%dma_wait3A_361 : memref<128x16xf32, #tpu.memory_space<vmem>>)
        %dma_start3A_370 = arith.constant 5 : i32
        %dma_start3A_371 = arith.constant 5 : i32
        %dma_start3A_372 = arith.constant 0 : i32
        %dma_start3A_373 = arith.constant 0 : i32
        %dma_start3A_374 = tpu.memref_slice %arg9[%dma_start3A_370, %dma_start3A_372, %dma_start3A_373] : memref<8x128x16xf32, #tpu.memory_space<vmem>> -> memref<1x128x16xf32, #tpu.memory_space<vmem>>
        %dma_start3A_375 = tpu.memref_squeeze %dma_start3A_374 : memref<1x128x16xf32, #tpu.memory_space<vmem>> -> memref<128x16xf32, #tpu.memory_space<vmem>>
        %dma_start3A_376 = arith.constant 0 : i32
        %dma_start3A_377 = tpu.memref_slice %arg8[%add3A_355, %dma_start3A_376] : memref<128x128xi32, #tpu.memory_space<vmem>> -> memref<1x128xi32, #tpu.memory_space<vmem>>
        %dma_start3A_378 = tpu.memref_squeeze %dma_start3A_377 : memref<1x128xi32, #tpu.memory_space<vmem>> -> memref<128xi32, #tpu.memory_space<vmem>>
        %dma_start3A_379 = arith.constant 0 : i32
        %dma_start3A_380 = arith.constant 0 : i32
        %dma_start3A_381 = tpu.memref_slice %arg6[%dma_start3A_379, %dma_start3A_380] : memref<10240x16xf32, #tpu.memory_space<vmem_shared>> -> memref<10240x16xf32, #tpu.memory_space<vmem_shared>>
        %dma_start3A_382 = tpu.memref_slice %arg12[%dma_start3A_371] : memref<8x!tpu.dma_semaphore, #tpu.memory_space<semaphore_mem>> -> memref<1x!tpu.dma_semaphore, #tpu.memory_space<semaphore_mem>>
        %dma_start3A_383 = tpu.memref_squeeze %dma_start3A_382 : memref<1x!tpu.dma_semaphore, #tpu.memory_space<semaphore_mem>> -> memref<!tpu.dma_semaphore, #tpu.memory_space<semaphore_mem>>
        tpu.enqueue_indirect_dma source(%dma_start3A_375 : memref<128x16xf32, #tpu.memory_space<vmem>>) target(%dma_start3A_381 : memref<10240x16xf32, #tpu.memory_space<vmem_shared>>) offsets(%dma_start3A_378 : memref<128xi32, #tpu.memory_space<vmem>>) semaphore(%dma_start3A_383 : memref<!tpu.dma_semaphore, #tpu.memory_space<semaphore_mem>>) {add = true}
        %ge3A_384 = arith.constant 4 : i32
        %ge3A_385 = arith.cmpi sge, %add3A_355, %ge3A_384 : i32
        %convert_element_type3A_386 = arith.extui %ge3A_385 : i1 to i32
        %cond3A_387 = arith.constant 0 : i32
        %cond3A_388 = arith.cmpi ne, %convert_element_type3A_386, %cond3A_387 : i32
        scf.if %cond3A_388 {
          %sub3A = arith.constant 4 : i32
          %sub3A_480 = arith.subi %add3A_355, %sub3A : i32
          %dma_wait3A_481 = arith.constant 1 : i32
          %dma_wait3A_482 = arith.constant 1 : i32
          %dma_wait3A_483 = arith.constant 0 : i32
          %dma_wait3A_484 = arith.constant 0 : i32
          %dma_wait3A_485 = tpu.memref_slice %arg9[%dma_wait3A_481, %dma_wait3A_483, %dma_wait3A_484] : memref<8x128x16xf32, #tpu.memory_space<vmem>> -> memref<1x128x16xf32, #tpu.memory_space<vmem>>
          %dma_wait3A_486 = tpu.memref_squeeze %dma_wait3A_485 : memref<1x128x16xf32, #tpu.memory_space<vmem>> -> memref<128x16xf32, #tpu.memory_space<vmem>>
          %dma_wait3A_487 = arith.constant 0 : i32
          %dma_wait3A_488 = tpu.memref_slice %arg8[%sub3A_480, %dma_wait3A_487] : memref<128x128xi32, #tpu.memory_space<vmem>> -> memref<1x128xi32, #tpu.memory_space<vmem>>
          %dma_wait3A_489 = tpu.memref_squeeze %dma_wait3A_488 : memref<1x128xi32, #tpu.memory_space<vmem>> -> memref<128xi32, #tpu.memory_space<vmem>>
          %dma_wait3A_490 = arith.constant 0 : i32
          %dma_wait3A_491 = arith.constant 0 : i32
          %dma_wait3A_492 = tpu.memref_slice %arg6[%dma_wait3A_490, %dma_wait3A_491] : memref<10240x16xf32, #tpu.memory_space<vmem_shared>> -> memref<10240x16xf32, #tpu.memory_space<vmem_shared>>
          %dma_wait3A_493 = tpu.memref_slice %arg12[%dma_wait3A_482] : memref<8x!tpu.dma_semaphore, #tpu.memory_space<semaphore_mem>> -> memref<1x!tpu.dma_semaphore, #tpu.memory_space<semaphore_mem>>
          %dma_wait3A_494 = tpu.memref_squeeze %dma_wait3A_493 : memref<1x!tpu.dma_semaphore, #tpu.memory_space<semaphore_mem>> -> memref<!tpu.dma_semaphore, #tpu.memory_space<semaphore_mem>>
          tpu.wait_indirect_dma semaphore(%dma_wait3A_494 : memref<!tpu.dma_semaphore, #tpu.memory_space<semaphore_mem>>) src(%dma_wait3A_486 : memref<128x16xf32, #tpu.memory_space<vmem>>) dst(%dma_wait3A_492 : memref<10240x16xf32, #tpu.memory_space<vmem_shared>>)
        } else {
        }
        %add3A_389 = arith.constant 4 : i32
        %add3A_390 = arith.addi %add3A_355, %add3A_389 : i32
        %lt3A_391 = arith.constant 32 : i32
        %lt3A_392 = arith.cmpi slt, %add3A_390, %lt3A_391 : i32
        %convert_element_type3A_393 = arith.extui %lt3A_392 : i1 to i32
        %cond3A_394 = arith.constant 0 : i32
        %cond3A_395 = arith.cmpi ne, %convert_element_type3A_393, %cond3A_394 : i32
        scf.if %cond3A_395 {
          %add3A_480 = arith.constant 4 : i32
          %add3A_481 = arith.addi %add3A_355, %add3A_480 : i32
          %dma_start3A_482 = arith.constant 1 : i32
          %dma_start3A_483 = arith.constant 1 : i32
          %dma_start3A_484 = arith.constant 0 : i32
          %dma_start3A_485 = arith.constant 0 : i32
          %dma_start3A_486 = tpu.memref_slice %arg9[%dma_start3A_482, %dma_start3A_484, %dma_start3A_485] : memref<8x128x16xf32, #tpu.memory_space<vmem>> -> memref<1x128x16xf32, #tpu.memory_space<vmem>>
          %dma_start3A_487 = tpu.memref_squeeze %dma_start3A_486 : memref<1x128x16xf32, #tpu.memory_space<vmem>> -> memref<128x16xf32, #tpu.memory_space<vmem>>
          %dma_start3A_488 = arith.constant 0 : i32
          %dma_start3A_489 = tpu.memref_slice %arg7[%add3A_481, %dma_start3A_488] : memref<128x128xi32, #tpu.memory_space<vmem>> -> memref<1x128xi32, #tpu.memory_space<vmem>>
          %dma_start3A_490 = tpu.memref_squeeze %dma_start3A_489 : memref<1x128xi32, #tpu.memory_space<vmem>> -> memref<128xi32, #tpu.memory_space<vmem>>
          %dma_start3A_491 = arith.constant 0 : i32
          %dma_start3A_492 = arith.constant 0 : i32
          %dma_start3A_493 = tpu.memref_slice %arg2[%dma_start3A_491, %dma_start3A_492] : memref<10000x16xf32, #tpu.memory_space<hbm>> -> memref<10000x16xf32, #tpu.memory_space<hbm>>
          %dma_start3A_494 = tpu.memref_slice %arg11[%dma_start3A_483] : memref<8x!tpu.dma_semaphore, #tpu.memory_space<semaphore_mem>> -> memref<1x!tpu.dma_semaphore, #tpu.memory_space<semaphore_mem>>
          %dma_start3A_495 = tpu.memref_squeeze %dma_start3A_494 : memref<1x!tpu.dma_semaphore, #tpu.memory_space<semaphore_mem>> -> memref<!tpu.dma_semaphore, #tpu.memory_space<semaphore_mem>>
          tpu.enqueue_indirect_dma source(%dma_start3A_493 : memref<10000x16xf32, #tpu.memory_space<hbm>>) target(%dma_start3A_487 : memref<128x16xf32, #tpu.memory_space<vmem>>) offsets(%dma_start3A_490 : memref<128xi32, #tpu.memory_space<vmem>>) semaphore(%dma_start3A_495 : memref<!tpu.dma_semaphore, #tpu.memory_space<semaphore_mem>>)
        } else {
        }
        %add3A_396 = arith.constant 6 : i32
        %add3A_397 = arith.addi %mul3A_145, %add3A_396 : i32
        %dma_wait3A_398 = arith.constant 6 : i32
        %dma_wait3A_399 = arith.constant 6 : i32
        %dma_wait3A_400 = arith.constant 0 : i32
        %dma_wait3A_401 = arith.constant 0 : i32
        %dma_wait3A_402 = tpu.memref_slice %arg9[%dma_wait3A_398, %dma_wait3A_400, %dma_wait3A_401] : memref<8x128x16xf32, #tpu.memory_space<vmem>> -> memref<1x128x16xf32, #tpu.memory_space<vmem>>
        %dma_wait3A_403 = tpu.memref_squeeze %dma_wait3A_402 : memref<1x128x16xf32, #tpu.memory_space<vmem>> -> memref<128x16xf32, #tpu.memory_space<vmem>>
        %dma_wait3A_404 = arith.constant 0 : i32
        %dma_wait3A_405 = tpu.memref_slice %arg7[%add3A_397, %dma_wait3A_404] : memref<128x128xi32, #tpu.memory_space<vmem>> -> memref<1x128xi32, #tpu.memory_space<vmem>>
        %dma_wait3A_406 = tpu.memref_squeeze %dma_wait3A_405 : memref<1x128xi32, #tpu.memory_space<vmem>> -> memref<128xi32, #tpu.memory_space<vmem>>
        %dma_wait3A_407 = arith.constant 0 : i32
        %dma_wait3A_408 = arith.constant 0 : i32
        %dma_wait3A_409 = tpu.memref_slice %arg2[%dma_wait3A_407, %dma_wait3A_408] : memref<10000x16xf32, #tpu.memory_space<hbm>> -> memref<10000x16xf32, #tpu.memory_space<hbm>>
        %dma_wait3A_410 = tpu.memref_slice %arg11[%dma_wait3A_399] : memref<8x!tpu.dma_semaphore, #tpu.memory_space<semaphore_mem>> -> memref<1x!tpu.dma_semaphore, #tpu.memory_space<semaphore_mem>>
        %dma_wait3A_411 = tpu.memref_squeeze %dma_wait3A_410 : memref<1x!tpu.dma_semaphore, #tpu.memory_space<semaphore_mem>> -> memref<!tpu.dma_semaphore, #tpu.memory_space<semaphore_mem>>
        tpu.wait_indirect_dma semaphore(%dma_wait3A_411 : memref<!tpu.dma_semaphore, #tpu.memory_space<semaphore_mem>>) src(%dma_wait3A_409 : memref<10000x16xf32, #tpu.memory_space<hbm>>) dst(%dma_wait3A_403 : memref<128x16xf32, #tpu.memory_space<vmem>>)
        %dma_start3A_412 = arith.constant 6 : i32
        %dma_start3A_413 = arith.constant 6 : i32
        %dma_start3A_414 = arith.constant 0 : i32
        %dma_start3A_415 = arith.constant 0 : i32
        %dma_start3A_416 = tpu.memref_slice %arg9[%dma_start3A_412, %dma_start3A_414, %dma_start3A_415] : memref<8x128x16xf32, #tpu.memory_space<vmem>> -> memref<1x128x16xf32, #tpu.memory_space<vmem>>
        %dma_start3A_417 = tpu.memref_squeeze %dma_start3A_416 : memref<1x128x16xf32, #tpu.memory_space<vmem>> -> memref<128x16xf32, #tpu.memory_space<vmem>>
        %dma_start3A_418 = arith.constant 0 : i32
        %dma_start3A_419 = tpu.memref_slice %arg8[%add3A_397, %dma_start3A_418] : memref<128x128xi32, #tpu.memory_space<vmem>> -> memref<1x128xi32, #tpu.memory_space<vmem>>
        %dma_start3A_420 = tpu.memref_squeeze %dma_start3A_419 : memref<1x128xi32, #tpu.memory_space<vmem>> -> memref<128xi32, #tpu.memory_space<vmem>>
        %dma_start3A_421 = arith.constant 0 : i32
        %dma_start3A_422 = arith.constant 0 : i32
        %dma_start3A_423 = tpu.memref_slice %arg6[%dma_start3A_421, %dma_start3A_422] : memref<10240x16xf32, #tpu.memory_space<vmem_shared>> -> memref<10240x16xf32, #tpu.memory_space<vmem_shared>>
        %dma_start3A_424 = tpu.memref_slice %arg12[%dma_start3A_413] : memref<8x!tpu.dma_semaphore, #tpu.memory_space<semaphore_mem>> -> memref<1x!tpu.dma_semaphore, #tpu.memory_space<semaphore_mem>>
        %dma_start3A_425 = tpu.memref_squeeze %dma_start3A_424 : memref<1x!tpu.dma_semaphore, #tpu.memory_space<semaphore_mem>> -> memref<!tpu.dma_semaphore, #tpu.memory_space<semaphore_mem>>
        tpu.enqueue_indirect_dma source(%dma_start3A_417 : memref<128x16xf32, #tpu.memory_space<vmem>>) target(%dma_start3A_423 : memref<10240x16xf32, #tpu.memory_space<vmem_shared>>) offsets(%dma_start3A_420 : memref<128xi32, #tpu.memory_space<vmem>>) semaphore(%dma_start3A_425 : memref<!tpu.dma_semaphore, #tpu.memory_space<semaphore_mem>>) {add = true}
        %ge3A_426 = arith.constant 4 : i32
        %ge3A_427 = arith.cmpi sge, %add3A_397, %ge3A_426 : i32
        %convert_element_type3A_428 = arith.extui %ge3A_427 : i1 to i32
        %cond3A_429 = arith.constant 0 : i32
        %cond3A_430 = arith.cmpi ne, %convert_element_type3A_428, %cond3A_429 : i32
        scf.if %cond3A_430 {
          %sub3A = arith.constant 4 : i32
          %sub3A_480 = arith.subi %add3A_397, %sub3A : i32
          %dma_wait3A_481 = arith.constant 2 : i32
          %dma_wait3A_482 = arith.constant 2 : i32
          %dma_wait3A_483 = arith.constant 0 : i32
          %dma_wait3A_484 = arith.constant 0 : i32
          %dma_wait3A_485 = tpu.memref_slice %arg9[%dma_wait3A_481, %dma_wait3A_483, %dma_wait3A_484] : memref<8x128x16xf32, #tpu.memory_space<vmem>> -> memref<1x128x16xf32, #tpu.memory_space<vmem>>
          %dma_wait3A_486 = tpu.memref_squeeze %dma_wait3A_485 : memref<1x128x16xf32, #tpu.memory_space<vmem>> -> memref<128x16xf32, #tpu.memory_space<vmem>>
          %dma_wait3A_487 = arith.constant 0 : i32
          %dma_wait3A_488 = tpu.memref_slice %arg8[%sub3A_480, %dma_wait3A_487] : memref<128x128xi32, #tpu.memory_space<vmem>> -> memref<1x128xi32, #tpu.memory_space<vmem>>
          %dma_wait3A_489 = tpu.memref_squeeze %dma_wait3A_488 : memref<1x128xi32, #tpu.memory_space<vmem>> -> memref<128xi32, #tpu.memory_space<vmem>>
          %dma_wait3A_490 = arith.constant 0 : i32
          %dma_wait3A_491 = arith.constant 0 : i32
          %dma_wait3A_492 = tpu.memref_slice %arg6[%dma_wait3A_490, %dma_wait3A_491] : memref<10240x16xf32, #tpu.memory_space<vmem_shared>> -> memref<10240x16xf32, #tpu.memory_space<vmem_shared>>
          %dma_wait3A_493 = tpu.memref_slice %arg12[%dma_wait3A_482] : memref<8x!tpu.dma_semaphore, #tpu.memory_space<semaphore_mem>> -> memref<1x!tpu.dma_semaphore, #tpu.memory_space<semaphore_mem>>
          %dma_wait3A_494 = tpu.memref_squeeze %dma_wait3A_493 : memref<1x!tpu.dma_semaphore, #tpu.memory_space<semaphore_mem>> -> memref<!tpu.dma_semaphore, #tpu.memory_space<semaphore_mem>>
          tpu.wait_indirect_dma semaphore(%dma_wait3A_494 : memref<!tpu.dma_semaphore, #tpu.memory_space<semaphore_mem>>) src(%dma_wait3A_486 : memref<128x16xf32, #tpu.memory_space<vmem>>) dst(%dma_wait3A_492 : memref<10240x16xf32, #tpu.memory_space<vmem_shared>>)
        } else {
        }
        %add3A_431 = arith.constant 4 : i32
        %add3A_432 = arith.addi %add3A_397, %add3A_431 : i32
        %lt3A_433 = arith.constant 32 : i32
        %lt3A_434 = arith.cmpi slt, %add3A_432, %lt3A_433 : i32
        %convert_element_type3A_435 = arith.extui %lt3A_434 : i1 to i32
        %cond3A_436 = arith.constant 0 : i32
        %cond3A_437 = arith.cmpi ne, %convert_element_type3A_435, %cond3A_436 : i32
        scf.if %cond3A_437 {
          %add3A_480 = arith.constant 4 : i32
          %add3A_481 = arith.addi %add3A_397, %add3A_480 : i32
          %dma_start3A_482 = arith.constant 2 : i32
          %dma_start3A_483 = arith.constant 2 : i32
          %dma_start3A_484 = arith.constant 0 : i32
          %dma_start3A_485 = arith.constant 0 : i32
          %dma_start3A_486 = tpu.memref_slice %arg9[%dma_start3A_482, %dma_start3A_484, %dma_start3A_485] : memref<8x128x16xf32, #tpu.memory_space<vmem>> -> memref<1x128x16xf32, #tpu.memory_space<vmem>>
          %dma_start3A_487 = tpu.memref_squeeze %dma_start3A_486 : memref<1x128x16xf32, #tpu.memory_space<vmem>> -> memref<128x16xf32, #tpu.memory_space<vmem>>
          %dma_start3A_488 = arith.constant 0 : i32
          %dma_start3A_489 = tpu.memref_slice %arg7[%add3A_481, %dma_start3A_488] : memref<128x128xi32, #tpu.memory_space<vmem>> -> memref<1x128xi32, #tpu.memory_space<vmem>>
          %dma_start3A_490 = tpu.memref_squeeze %dma_start3A_489 : memref<1x128xi32, #tpu.memory_space<vmem>> -> memref<128xi32, #tpu.memory_space<vmem>>
          %dma_start3A_491 = arith.constant 0 : i32
          %dma_start3A_492 = arith.constant 0 : i32
          %dma_start3A_493 = tpu.memref_slice %arg2[%dma_start3A_491, %dma_start3A_492] : memref<10000x16xf32, #tpu.memory_space<hbm>> -> memref<10000x16xf32, #tpu.memory_space<hbm>>
          %dma_start3A_494 = tpu.memref_slice %arg11[%dma_start3A_483] : memref<8x!tpu.dma_semaphore, #tpu.memory_space<semaphore_mem>> -> memref<1x!tpu.dma_semaphore, #tpu.memory_space<semaphore_mem>>
          %dma_start3A_495 = tpu.memref_squeeze %dma_start3A_494 : memref<1x!tpu.dma_semaphore, #tpu.memory_space<semaphore_mem>> -> memref<!tpu.dma_semaphore, #tpu.memory_space<semaphore_mem>>
          tpu.enqueue_indirect_dma source(%dma_start3A_493 : memref<10000x16xf32, #tpu.memory_space<hbm>>) target(%dma_start3A_487 : memref<128x16xf32, #tpu.memory_space<vmem>>) offsets(%dma_start3A_490 : memref<128xi32, #tpu.memory_space<vmem>>) semaphore(%dma_start3A_495 : memref<!tpu.dma_semaphore, #tpu.memory_space<semaphore_mem>>)
        } else {
        }
        %add3A_438 = arith.constant 7 : i32
        %add3A_439 = arith.addi %mul3A_145, %add3A_438 : i32
        %dma_wait3A_440 = arith.constant 7 : i32
        %dma_wait3A_441 = arith.constant 7 : i32
        %dma_wait3A_442 = arith.constant 0 : i32
        %dma_wait3A_443 = arith.constant 0 : i32
        %dma_wait3A_444 = tpu.memref_slice %arg9[%dma_wait3A_440, %dma_wait3A_442, %dma_wait3A_443] : memref<8x128x16xf32, #tpu.memory_space<vmem>> -> memref<1x128x16xf32, #tpu.memory_space<vmem>>
        %dma_wait3A_445 = tpu.memref_squeeze %dma_wait3A_444 : memref<1x128x16xf32, #tpu.memory_space<vmem>> -> memref<128x16xf32, #tpu.memory_space<vmem>>
        %dma_wait3A_446 = arith.constant 0 : i32
        %dma_wait3A_447 = tpu.memref_slice %arg7[%add3A_439, %dma_wait3A_446] : memref<128x128xi32, #tpu.memory_space<vmem>> -> memref<1x128xi32, #tpu.memory_space<vmem>>
        %dma_wait3A_448 = tpu.memref_squeeze %dma_wait3A_447 : memref<1x128xi32, #tpu.memory_space<vmem>> -> memref<128xi32, #tpu.memory_space<vmem>>
        %dma_wait3A_449 = arith.constant 0 : i32
        %dma_wait3A_450 = arith.constant 0 : i32
        %dma_wait3A_451 = tpu.memref_slice %arg2[%dma_wait3A_449, %dma_wait3A_450] : memref<10000x16xf32, #tpu.memory_space<hbm>> -> memref<10000x16xf32, #tpu.memory_space<hbm>>
        %dma_wait3A_452 = tpu.memref_slice %arg11[%dma_wait3A_441] : memref<8x!tpu.dma_semaphore, #tpu.memory_space<semaphore_mem>> -> memref<1x!tpu.dma_semaphore, #tpu.memory_space<semaphore_mem>>
        %dma_wait3A_453 = tpu.memref_squeeze %dma_wait3A_452 : memref<1x!tpu.dma_semaphore, #tpu.memory_space<semaphore_mem>> -> memref<!tpu.dma_semaphore, #tpu.memory_space<semaphore_mem>>
        tpu.wait_indirect_dma semaphore(%dma_wait3A_453 : memref<!tpu.dma_semaphore, #tpu.memory_space<semaphore_mem>>) src(%dma_wait3A_451 : memref<10000x16xf32, #tpu.memory_space<hbm>>) dst(%dma_wait3A_445 : memref<128x16xf32, #tpu.memory_space<vmem>>)
        %dma_start3A_454 = arith.constant 7 : i32
        %dma_start3A_455 = arith.constant 7 : i32
        %dma_start3A_456 = arith.constant 0 : i32
        %dma_start3A_457 = arith.constant 0 : i32
        %dma_start3A_458 = tpu.memref_slice %arg9[%dma_start3A_454, %dma_start3A_456, %dma_start3A_457] : memref<8x128x16xf32, #tpu.memory_space<vmem>> -> memref<1x128x16xf32, #tpu.memory_space<vmem>>
        %dma_start3A_459 = tpu.memref_squeeze %dma_start3A_458 : memref<1x128x16xf32, #tpu.memory_space<vmem>> -> memref<128x16xf32, #tpu.memory_space<vmem>>
        %dma_start3A_460 = arith.constant 0 : i32
        %dma_start3A_461 = tpu.memref_slice %arg8[%add3A_439, %dma_start3A_460] : memref<128x128xi32, #tpu.memory_space<vmem>> -> memref<1x128xi32, #tpu.memory_space<vmem>>
        %dma_start3A_462 = tpu.memref_squeeze %dma_start3A_461 : memref<1x128xi32, #tpu.memory_space<vmem>> -> memref<128xi32, #tpu.memory_space<vmem>>
        %dma_start3A_463 = arith.constant 0 : i32
        %dma_start3A_464 = arith.constant 0 : i32
        %dma_start3A_465 = tpu.memref_slice %arg6[%dma_start3A_463, %dma_start3A_464] : memref<10240x16xf32, #tpu.memory_space<vmem_shared>> -> memref<10240x16xf32, #tpu.memory_space<vmem_shared>>
        %dma_start3A_466 = tpu.memref_slice %arg12[%dma_start3A_455] : memref<8x!tpu.dma_semaphore, #tpu.memory_space<semaphore_mem>> -> memref<1x!tpu.dma_semaphore, #tpu.memory_space<semaphore_mem>>
        %dma_start3A_467 = tpu.memref_squeeze %dma_start3A_466 : memref<1x!tpu.dma_semaphore, #tpu.memory_space<semaphore_mem>> -> memref<!tpu.dma_semaphore, #tpu.memory_space<semaphore_mem>>
        tpu.enqueue_indirect_dma source(%dma_start3A_459 : memref<128x16xf32, #tpu.memory_space<vmem>>) target(%dma_start3A_465 : memref<10240x16xf32, #tpu.memory_space<vmem_shared>>) offsets(%dma_start3A_462 : memref<128xi32, #tpu.memory_space<vmem>>) semaphore(%dma_start3A_467 : memref<!tpu.dma_semaphore, #tpu.memory_space<semaphore_mem>>) {add = true}
        %ge3A_468 = arith.constant 4 : i32
        %ge3A_469 = arith.cmpi sge, %add3A_439, %ge3A_468 : i32
        %convert_element_type3A_470 = arith.extui %ge3A_469 : i1 to i32
        %cond3A_471 = arith.constant 0 : i32
        %cond3A_472 = arith.cmpi ne, %convert_element_type3A_470, %cond3A_471 : i32
        scf.if %cond3A_472 {
          %sub3A = arith.constant 4 : i32
          %sub3A_480 = arith.subi %add3A_439, %sub3A : i32
          %dma_wait3A_481 = arith.constant 3 : i32
          %dma_wait3A_482 = arith.constant 3 : i32
          %dma_wait3A_483 = arith.constant 0 : i32
          %dma_wait3A_484 = arith.constant 0 : i32
          %dma_wait3A_485 = tpu.memref_slice %arg9[%dma_wait3A_481, %dma_wait3A_483, %dma_wait3A_484] : memref<8x128x16xf32, #tpu.memory_space<vmem>> -> memref<1x128x16xf32, #tpu.memory_space<vmem>>
          %dma_wait3A_486 = tpu.memref_squeeze %dma_wait3A_485 : memref<1x128x16xf32, #tpu.memory_space<vmem>> -> memref<128x16xf32, #tpu.memory_space<vmem>>
          %dma_wait3A_487 = arith.constant 0 : i32
          %dma_wait3A_488 = tpu.memref_slice %arg8[%sub3A_480, %dma_wait3A_487] : memref<128x128xi32, #tpu.memory_space<vmem>> -> memref<1x128xi32, #tpu.memory_space<vmem>>
          %dma_wait3A_489 = tpu.memref_squeeze %dma_wait3A_488 : memref<1x128xi32, #tpu.memory_space<vmem>> -> memref<128xi32, #tpu.memory_space<vmem>>
          %dma_wait3A_490 = arith.constant 0 : i32
          %dma_wait3A_491 = arith.constant 0 : i32
          %dma_wait3A_492 = tpu.memref_slice %arg6[%dma_wait3A_490, %dma_wait3A_491] : memref<10240x16xf32, #tpu.memory_space<vmem_shared>> -> memref<10240x16xf32, #tpu.memory_space<vmem_shared>>
          %dma_wait3A_493 = tpu.memref_slice %arg12[%dma_wait3A_482] : memref<8x!tpu.dma_semaphore, #tpu.memory_space<semaphore_mem>> -> memref<1x!tpu.dma_semaphore, #tpu.memory_space<semaphore_mem>>
          %dma_wait3A_494 = tpu.memref_squeeze %dma_wait3A_493 : memref<1x!tpu.dma_semaphore, #tpu.memory_space<semaphore_mem>> -> memref<!tpu.dma_semaphore, #tpu.memory_space<semaphore_mem>>
          tpu.wait_indirect_dma semaphore(%dma_wait3A_494 : memref<!tpu.dma_semaphore, #tpu.memory_space<semaphore_mem>>) src(%dma_wait3A_486 : memref<128x16xf32, #tpu.memory_space<vmem>>) dst(%dma_wait3A_492 : memref<10240x16xf32, #tpu.memory_space<vmem_shared>>)
        } else {
        }
        %add3A_473 = arith.constant 4 : i32
        %add3A_474 = arith.addi %add3A_439, %add3A_473 : i32
        %lt3A_475 = arith.constant 32 : i32
        %lt3A_476 = arith.cmpi slt, %add3A_474, %lt3A_475 : i32
        %convert_element_type3A_477 = arith.extui %lt3A_476 : i1 to i32
        %cond3A_478 = arith.constant 0 : i32
        %cond3A_479 = arith.cmpi ne, %convert_element_type3A_477, %cond3A_478 : i32
        scf.if %cond3A_479 {
          %add3A_480 = arith.constant 4 : i32
          %add3A_481 = arith.addi %add3A_439, %add3A_480 : i32
          %dma_start3A_482 = arith.constant 3 : i32
          %dma_start3A_483 = arith.constant 3 : i32
          %dma_start3A_484 = arith.constant 0 : i32
          %dma_start3A_485 = arith.constant 0 : i32
          %dma_start3A_486 = tpu.memref_slice %arg9[%dma_start3A_482, %dma_start3A_484, %dma_start3A_485] : memref<8x128x16xf32, #tpu.memory_space<vmem>> -> memref<1x128x16xf32, #tpu.memory_space<vmem>>
          %dma_start3A_487 = tpu.memref_squeeze %dma_start3A_486 : memref<1x128x16xf32, #tpu.memory_space<vmem>> -> memref<128x16xf32, #tpu.memory_space<vmem>>
          %dma_start3A_488 = arith.constant 0 : i32
          %dma_start3A_489 = tpu.memref_slice %arg7[%add3A_481, %dma_start3A_488] : memref<128x128xi32, #tpu.memory_space<vmem>> -> memref<1x128xi32, #tpu.memory_space<vmem>>
          %dma_start3A_490 = tpu.memref_squeeze %dma_start3A_489 : memref<1x128xi32, #tpu.memory_space<vmem>> -> memref<128xi32, #tpu.memory_space<vmem>>
          %dma_start3A_491 = arith.constant 0 : i32
          %dma_start3A_492 = arith.constant 0 : i32
          %dma_start3A_493 = tpu.memref_slice %arg2[%dma_start3A_491, %dma_start3A_492] : memref<10000x16xf32, #tpu.memory_space<hbm>> -> memref<10000x16xf32, #tpu.memory_space<hbm>>
          %dma_start3A_494 = tpu.memref_slice %arg11[%dma_start3A_483] : memref<8x!tpu.dma_semaphore, #tpu.memory_space<semaphore_mem>> -> memref<1x!tpu.dma_semaphore, #tpu.memory_space<semaphore_mem>>
          %dma_start3A_495 = tpu.memref_squeeze %dma_start3A_494 : memref<1x!tpu.dma_semaphore, #tpu.memory_space<semaphore_mem>> -> memref<!tpu.dma_semaphore, #tpu.memory_space<semaphore_mem>>
          tpu.enqueue_indirect_dma source(%dma_start3A_493 : memref<10000x16xf32, #tpu.memory_space<hbm>>) target(%dma_start3A_487 : memref<128x16xf32, #tpu.memory_space<vmem>>) offsets(%dma_start3A_490 : memref<128xi32, #tpu.memory_space<vmem>>) semaphore(%dma_start3A_495 : memref<!tpu.dma_semaphore, #tpu.memory_space<semaphore_mem>>)
        } else {
        }
      }
      %scan3A_83 = arith.constant 4 : i32
      %dma_wait3A = arith.constant 4 : i32
      %dma_wait3A_84 = arith.constant 28 : i32
      %dma_wait3A_85 = arith.constant 4 : i32
      %dma_wait3A_86 = arith.constant 0 : i32
      %dma_wait3A_87 = arith.constant 0 : i32
      %dma_wait3A_88 = tpu.memref_slice %arg9[%dma_wait3A, %dma_wait3A_86, %dma_wait3A_87] : memref<8x128x16xf32, #tpu.memory_space<vmem>> -> memref<1x128x16xf32, #tpu.memory_space<vmem>>
      %dma_wait3A_89 = tpu.memref_squeeze %dma_wait3A_88 : memref<1x128x16xf32, #tpu.memory_space<vmem>> -> memref<128x16xf32, #tpu.memory_space<vmem>>
      %dma_wait3A_90 = arith.constant 0 : i32
      %dma_wait3A_91 = tpu.memref_slice %arg8[%dma_wait3A_84, %dma_wait3A_90] : memref<128x128xi32, #tpu.memory_space<vmem>> -> memref<1x128xi32, #tpu.memory_space<vmem>>
      %dma_wait3A_92 = tpu.memref_squeeze %dma_wait3A_91 : memref<1x128xi32, #tpu.memory_space<vmem>> -> memref<128xi32, #tpu.memory_space<vmem>>
      %dma_wait3A_93 = arith.constant 0 : i32
      %dma_wait3A_94 = arith.constant 0 : i32
      %dma_wait3A_95 = tpu.memref_slice %arg6[%dma_wait3A_93, %dma_wait3A_94] : memref<10240x16xf32, #tpu.memory_space<vmem_shared>> -> memref<10240x16xf32, #tpu.memory_space<vmem_shared>>
      %dma_wait3A_96 = tpu.memref_slice %arg12[%dma_wait3A_85] : memref<8x!tpu.dma_semaphore, #tpu.memory_space<semaphore_mem>> -> memref<1x!tpu.dma_semaphore, #tpu.memory_space<semaphore_mem>>
      %dma_wait3A_97 = tpu.memref_squeeze %dma_wait3A_96 : memref<1x!tpu.dma_semaphore, #tpu.memory_space<semaphore_mem>> -> memref<!tpu.dma_semaphore, #tpu.memory_space<semaphore_mem>>
      tpu.wait_indirect_dma semaphore(%dma_wait3A_97 : memref<!tpu.dma_semaphore, #tpu.memory_space<semaphore_mem>>) src(%dma_wait3A_89 : memref<128x16xf32, #tpu.memory_space<vmem>>) dst(%dma_wait3A_95 : memref<10240x16xf32, #tpu.memory_space<vmem_shared>>)
      %dma_wait3A_98 = arith.constant 5 : i32
      %dma_wait3A_99 = arith.constant 29 : i32
      %dma_wait3A_100 = arith.constant 5 : i32
      %dma_wait3A_101 = arith.constant 0 : i32
      %dma_wait3A_102 = arith.constant 0 : i32
      %dma_wait3A_103 = tpu.memref_slice %arg9[%dma_wait3A_98, %dma_wait3A_101, %dma_wait3A_102] : memref<8x128x16xf32, #tpu.memory_space<vmem>> -> memref<1x128x16xf32, #tpu.memory_space<vmem>>
      %dma_wait3A_104 = tpu.memref_squeeze %dma_wait3A_103 : memref<1x128x16xf32, #tpu.memory_space<vmem>> -> memref<128x16xf32, #tpu.memory_space<vmem>>
      %dma_wait3A_105 = arith.constant 0 : i32
      %dma_wait3A_106 = tpu.memref_slice %arg8[%dma_wait3A_99, %dma_wait3A_105] : memref<128x128xi32, #tpu.memory_space<vmem>> -> memref<1x128xi32, #tpu.memory_space<vmem>>
      %dma_wait3A_107 = tpu.memref_squeeze %dma_wait3A_106 : memref<1x128xi32, #tpu.memory_space<vmem>> -> memref<128xi32, #tpu.memory_space<vmem>>
      %dma_wait3A_108 = arith.constant 0 : i32
      %dma_wait3A_109 = arith.constant 0 : i32
      %dma_wait3A_110 = tpu.memref_slice %arg6[%dma_wait3A_108, %dma_wait3A_109] : memref<10240x16xf32, #tpu.memory_space<vmem_shared>> -> memref<10240x16xf32, #tpu.memory_space<vmem_shared>>
      %dma_wait3A_111 = tpu.memref_slice %arg12[%dma_wait3A_100] : memref<8x!tpu.dma_semaphore, #tpu.memory_space<semaphore_mem>> -> memref<1x!tpu.dma_semaphore, #tpu.memory_space<semaphore_mem>>
      %dma_wait3A_112 = tpu.memref_squeeze %dma_wait3A_111 : memref<1x!tpu.dma_semaphore, #tpu.memory_space<semaphore_mem>> -> memref<!tpu.dma_semaphore, #tpu.memory_space<semaphore_mem>>
      tpu.wait_indirect_dma semaphore(%dma_wait3A_112 : memref<!tpu.dma_semaphore, #tpu.memory_space<semaphore_mem>>) src(%dma_wait3A_104 : memref<128x16xf32, #tpu.memory_space<vmem>>) dst(%dma_wait3A_110 : memref<10240x16xf32, #tpu.memory_space<vmem_shared>>)
      %dma_wait3A_113 = arith.constant 6 : i32
      %dma_wait3A_114 = arith.constant 30 : i32
      %dma_wait3A_115 = arith.constant 6 : i32
      %dma_wait3A_116 = arith.constant 0 : i32
      %dma_wait3A_117 = arith.constant 0 : i32
      %dma_wait3A_118 = tpu.memref_slice %arg9[%dma_wait3A_113, %dma_wait3A_116, %dma_wait3A_117] : memref<8x128x16xf32, #tpu.memory_space<vmem>> -> memref<1x128x16xf32, #tpu.memory_space<vmem>>
      %dma_wait3A_119 = tpu.memref_squeeze %dma_wait3A_118 : memref<1x128x16xf32, #tpu.memory_space<vmem>> -> memref<128x16xf32, #tpu.memory_space<vmem>>
      %dma_wait3A_120 = arith.constant 0 : i32
      %dma_wait3A_121 = tpu.memref_slice %arg8[%dma_wait3A_114, %dma_wait3A_120] : memref<128x128xi32, #tpu.memory_space<vmem>> -> memref<1x128xi32, #tpu.memory_space<vmem>>
      %dma_wait3A_122 = tpu.memref_squeeze %dma_wait3A_121 : memref<1x128xi32, #tpu.memory_space<vmem>> -> memref<128xi32, #tpu.memory_space<vmem>>
      %dma_wait3A_123 = arith.constant 0 : i32
      %dma_wait3A_124 = arith.constant 0 : i32
      %dma_wait3A_125 = tpu.memref_slice %arg6[%dma_wait3A_123, %dma_wait3A_124] : memref<10240x16xf32, #tpu.memory_space<vmem_shared>> -> memref<10240x16xf32, #tpu.memory_space<vmem_shared>>
      %dma_wait3A_126 = tpu.memref_slice %arg12[%dma_wait3A_115] : memref<8x!tpu.dma_semaphore, #tpu.memory_space<semaphore_mem>> -> memref<1x!tpu.dma_semaphore, #tpu.memory_space<semaphore_mem>>
      %dma_wait3A_127 = tpu.memref_squeeze %dma_wait3A_126 : memref<1x!tpu.dma_semaphore, #tpu.memory_space<semaphore_mem>> -> memref<!tpu.dma_semaphore, #tpu.memory_space<semaphore_mem>>
      tpu.wait_indirect_dma semaphore(%dma_wait3A_127 : memref<!tpu.dma_semaphore, #tpu.memory_space<semaphore_mem>>) src(%dma_wait3A_119 : memref<128x16xf32, #tpu.memory_space<vmem>>) dst(%dma_wait3A_125 : memref<10240x16xf32, #tpu.memory_space<vmem_shared>>)
      %dma_wait3A_128 = arith.constant 7 : i32
      %dma_wait3A_129 = arith.constant 31 : i32
      %dma_wait3A_130 = arith.constant 7 : i32
      %dma_wait3A_131 = arith.constant 0 : i32
      %dma_wait3A_132 = arith.constant 0 : i32
      %dma_wait3A_133 = tpu.memref_slice %arg9[%dma_wait3A_128, %dma_wait3A_131, %dma_wait3A_132] : memref<8x128x16xf32, #tpu.memory_space<vmem>> -> memref<1x128x16xf32, #tpu.memory_space<vmem>>
      %dma_wait3A_134 = tpu.memref_squeeze %dma_wait3A_133 : memref<1x128x16xf32, #tpu.memory_space<vmem>> -> memref<128x16xf32, #tpu.memory_space<vmem>>
      %dma_wait3A_135 = arith.constant 0 : i32
      %dma_wait3A_136 = tpu.memref_slice %arg8[%dma_wait3A_129, %dma_wait3A_135] : memref<128x128xi32, #tpu.memory_space<vmem>> -> memref<1x128xi32, #tpu.memory_space<vmem>>
      %dma_wait3A_137 = tpu.memref_squeeze %dma_wait3A_136 : memref<1x128xi32, #tpu.memory_space<vmem>> -> memref<128xi32, #tpu.memory_space<vmem>>
      %dma_wait3A_138 = arith.constant 0 : i32
      %dma_wait3A_139 = arith.constant 0 : i32
      %dma_wait3A_140 = tpu.memref_slice %arg6[%dma_wait3A_138, %dma_wait3A_139] : memref<10240x16xf32, #tpu.memory_space<vmem_shared>> -> memref<10240x16xf32, #tpu.memory_space<vmem_shared>>
      %dma_wait3A_141 = tpu.memref_slice %arg12[%dma_wait3A_130] : memref<8x!tpu.dma_semaphore, #tpu.memory_space<semaphore_mem>> -> memref<1x!tpu.dma_semaphore, #tpu.memory_space<semaphore_mem>>
      %dma_wait3A_142 = tpu.memref_squeeze %dma_wait3A_141 : memref<1x!tpu.dma_semaphore, #tpu.memory_space<semaphore_mem>> -> memref<!tpu.dma_semaphore, #tpu.memory_space<semaphore_mem>>
      tpu.wait_indirect_dma semaphore(%dma_wait3A_142 : memref<!tpu.dma_semaphore, #tpu.memory_space<semaphore_mem>>) src(%dma_wait3A_134 : memref<128x16xf32, #tpu.memory_space<vmem>>) dst(%dma_wait3A_140 : memref<10240x16xf32, #tpu.memory_space<vmem_shared>>)
    } else {
    }
    %barrier3A_12 = arith.constant 0 : index
    tpu.barrier barrier_id(%barrier3A_12)
    %mul3A_13 = arith.constant 640 : i32
    %mul3A_14 = arith.muli %arg1, %mul3A_13 : i32
    %mul3A_15 = arith.constant 640 : i32
    %mul3A_16 = arith.muli %arg1, %mul3A_15 : i32
    "tpu.region"() ({
      %run_scoped3A = tpu.sem_alloc : memref<!tpu.dma_semaphore, #tpu.memory_space<semaphore_mem>>
      %dma_start3A = arith.constant 0 : i32
      %dma_start3A_17 = tpu.memref_slice %arg5[%arg0, %mul3A_16, %dma_start3A] : memref<2x10240x16xf32, #tpu.memory_space<hbm>> -> memref<1x640x16xf32, #tpu.memory_space<hbm>>
      %dma_start3A_18 = tpu.memref_squeeze %dma_start3A_17 : memref<1x640x16xf32, #tpu.memory_space<hbm>> -> memref<640x16xf32, #tpu.memory_space<hbm>>
      %dma_start3A_19 = arith.constant 0 : i32
      %dma_start3A_20 = tpu.memref_slice %arg6[%mul3A_14, %dma_start3A_19] : memref<10240x16xf32, #tpu.memory_space<vmem_shared>> -> memref<640x16xf32, #tpu.memory_space<vmem_shared>>
      tpu.enqueue_dma source(%dma_start3A_20 : memref<640x16xf32, #tpu.memory_space<vmem_shared>>) target(%dma_start3A_18 : memref<640x16xf32, #tpu.memory_space<hbm>>) target_semaphore(%run_scoped3A : memref<!tpu.dma_semaphore, #tpu.memory_space<semaphore_mem>>)
      %dma_wait3A = arith.constant 0 : i32
      %dma_wait3A_21 = tpu.memref_slice %arg5[%arg0, %mul3A_16, %dma_wait3A] : memref<2x10240x16xf32, #tpu.memory_space<hbm>> -> memref<1x640x16xf32, #tpu.memory_space<hbm>>
      %dma_wait3A_22 = tpu.memref_squeeze %dma_wait3A_21 : memref<1x640x16xf32, #tpu.memory_space<hbm>> -> memref<640x16xf32, #tpu.memory_space<hbm>>
      %dma_wait3A_23 = arith.constant 0 : i32
      %dma_wait3A_24 = tpu.memref_slice %arg6[%mul3A_14, %dma_wait3A_23] : memref<10240x16xf32, #tpu.memory_space<vmem_shared>> -> memref<640x16xf32, #tpu.memory_space<vmem_shared>>
      tpu.wait_dma2 semaphore(%run_scoped3A : memref<!tpu.dma_semaphore, #tpu.memory_space<semaphore_mem>>) src(%dma_wait3A_24 : memref<640x16xf32, #tpu.memory_space<vmem_shared>>) dst(%dma_wait3A_22 : memref<640x16xf32, #tpu.memory_space<hbm>>)
      tpu.yield
    }) : () -> ()
    return
  }
}

#map = affine_map<(d0, d1) -> (0, 0)>
#map1 = affine_map<(d0, d1) -> (0, 0, 0)>
module attributes {stable_mosaic.version = 14 : i64} {
  func.func @_sc_propagate(%arg0: i32, %arg1: i32, %arg2: memref<10000x16xf32, #tpu.memory_space<hbm>>, %arg3: memref<2560x128xi32, #tpu.memory_space<hbm>>, %arg4: memref<2560x128xi32, #tpu.memory_space<hbm>>, %arg5: memref<2x10240x16xf32, #tpu.memory_space<hbm>>, %arg6: memref<10240x16xf32, #tpu.memory_space<vmem_shared>>, %arg7: memref<128x128xi32, #tpu.memory_space<vmem>>, %arg8: memref<128x128xi32, #tpu.memory_space<vmem>>, %arg9: memref<8x128x16xf32, #tpu.memory_space<vmem>>, %arg10: memref<640x16xf32, #tpu.memory_space<vmem>>, %arg11: memref<8x!tpu.dma_semaphore, #tpu.memory_space<semaphore_mem>>, %arg12: memref<8x!tpu.dma_semaphore, #tpu.memory_space<semaphore_mem>>) attributes {dimension_semantics = [#tpu.dimension_semantics<core_parallel>, #tpu.dimension_semantics<subcore_parallel>], iteration_bounds = array<i64: 2, 16>, scalar_prefetch = 0 : i64, scratch_operands = 7 : i64, tpu.core_type = #tpu.core_type<sc_vector_subcore>, window_params = [{transform_indices = #map}, {transform_indices = #map}, {transform_indices = #map}, {transform_indices = #map1}]} {
    %scan3A = arith.constant 0 : i32
    %scan3A_0 = arith.constant 640 : i32
    %scan3A_1 = arith.addi %scan3A, %scan3A_0 : i32
    %scan3A_2 = arith.constant 1 : i32
    scf.for %scan3A_17 = %scan3A to %scan3A_1 step %scan3A_2  : i32 {
      %broadcast_in_dim3A = arith.constant 0.000000e+00 : f32
      %broadcast_in_dim3A_18 = vector.broadcast %broadcast_in_dim3A : f32 to vector<16xf32>
      %swap3A = arith.index_cast %scan3A_17 : i32 to index
      %swap3A_19 = arith.constant 0 : index
      %swap3A_20 = tpu.vector_load %arg10[%swap3A, %swap3A_19] {strides = array<i32>} : memref<640x16xf32, #tpu.memory_space<vmem>>, vector<1x16xf32>,
      %swap3A_21 = vector.shape_cast %swap3A_20 : vector<1x16xf32> to vector<16xf32>
      %swap3A_22 = vector.shape_cast %broadcast_in_dim3A_18 : vector<16xf32> to vector<1x16xf32>
      tpu.vector_store %arg10[%swap3A, %swap3A_19], %swap3A_22 {strides = array<i32>} : memref<640x16xf32, #tpu.memory_space<vmem>>, vector<1x16xf32>,
    }
    %scan3A_3 = arith.constant 640 : i32
    %mul3A = arith.constant 640 : i32
    %mul3A_4 = arith.muli %arg1, %mul3A : i32
    "tpu.region"() ({
      %run_scoped3A = tpu.sem_alloc : memref<!tpu.dma_semaphore, #tpu.memory_space<semaphore_mem>>
      %dma_start3A = arith.constant 0 : i32
      %dma_start3A_17 = tpu.memref_slice %arg6[%mul3A_4, %dma_start3A] : memref<10240x16xf32, #tpu.memory_space<vmem_shared>> -> memref<640x16xf32, #tpu.memory_space<vmem_shared>>
      %dma_start3A_18 = arith.constant 0 : i32
      %dma_start3A_19 = tpu.memref_slice %arg6[%mul3A_4, %dma_start3A_18] : memref<10240x16xf32, #tpu.memory_space<vmem_shared>> -> memref<640x16xf32, #tpu.memory_space<vmem_shared>>
      tpu.enqueue_dma source(%arg10 : memref<640x16xf32, #tpu.memory_space<vmem>>) target(%dma_start3A_19 : memref<640x16xf32, #tpu.memory_space<vmem_shared>>) target_semaphore(%run_scoped3A : memref<!tpu.dma_semaphore, #tpu.memory_space<semaphore_mem>>)
      %dma_wait3A = arith.constant 0 : i32
      %dma_wait3A_20 = tpu.memref_slice %arg6[%mul3A_4, %dma_wait3A] : memref<10240x16xf32, #tpu.memory_space<vmem_shared>> -> memref<640x16xf32, #tpu.memory_space<vmem_shared>>
      %dma_wait3A_21 = arith.constant 0 : i32
      %dma_wait3A_22 = tpu.memref_slice %arg6[%mul3A_4, %dma_wait3A_21] : memref<10240x16xf32, #tpu.memory_space<vmem_shared>> -> memref<640x16xf32, #tpu.memory_space<vmem_shared>>
      tpu.wait_dma2 semaphore(%run_scoped3A : memref<!tpu.dma_semaphore, #tpu.memory_space<semaphore_mem>>) src(%arg10 : memref<640x16xf32, #tpu.memory_space<vmem>>) dst(%dma_wait3A_22 : memref<640x16xf32, #tpu.memory_space<vmem_shared>>)
      tpu.yield
    }) : () -> ()
    %barrier3A = arith.constant 0 : index
    tpu.barrier barrier_id(%barrier3A)
    %eq3A = arith.constant 0 : i32
    %eq3A_5 = arith.cmpi eq, %arg0, %eq3A : i32
    %convert_element_type3A = arith.extui %eq3A_5 : i1 to i32
    %cond3A = arith.constant 0 : i32
    %cond3A_6 = arith.cmpi ne, %convert_element_type3A, %cond3A : i32
    scf.if %cond3A_6 {
      %mul3A_17 = arith.constant 128 : i32
      %mul3A_18 = arith.muli %arg1, %mul3A_17 : i32
      "tpu.region"() ({
        %run_scoped3A = tpu.sem_alloc : memref<!tpu.dma_semaphore, #tpu.memory_space<semaphore_mem>>
        %dma_start3A_142 = arith.constant 0 : i32
        %dma_start3A_143 = arith.constant 0 : i32
        %dma_start3A_144 = tpu.memref_slice %arg7[%dma_start3A_142, %dma_start3A_143] : memref<128x128xi32, #tpu.memory_space<vmem>> -> memref<128x128xi32, #tpu.memory_space<vmem>>
        %dma_start3A_145 = arith.constant 0 : i32
        %dma_start3A_146 = tpu.memref_slice %arg3[%mul3A_18, %dma_start3A_145] : memref<2560x128xi32, #tpu.memory_space<hbm>> -> memref<128x128xi32, #tpu.memory_space<hbm>>
        %dma_start3A_147 = arith.constant 0 : i32
        %dma_start3A_148 = arith.constant 0 : i32
        %dma_start3A_149 = tpu.memref_slice %arg7[%dma_start3A_147, %dma_start3A_148] : memref<128x128xi32, #tpu.memory_space<vmem>> -> memref<128x128xi32, #tpu.memory_space<vmem>>
        %dma_start3A_150 = arith.constant 0 : i32
        %dma_start3A_151 = tpu.memref_slice %arg3[%mul3A_18, %dma_start3A_150] : memref<2560x128xi32, #tpu.memory_space<hbm>> -> memref<128x128xi32, #tpu.memory_space<hbm>>
        tpu.enqueue_dma source(%dma_start3A_151 : memref<128x128xi32, #tpu.memory_space<hbm>>) target(%dma_start3A_149 : memref<128x128xi32, #tpu.memory_space<vmem>>) target_semaphore(%run_scoped3A : memref<!tpu.dma_semaphore, #tpu.memory_space<semaphore_mem>>)
        %dma_wait3A_152 = arith.constant 0 : i32
        %dma_wait3A_153 = arith.constant 0 : i32
        %dma_wait3A_154 = tpu.memref_slice %arg7[%dma_wait3A_152, %dma_wait3A_153] : memref<128x128xi32, #tpu.memory_space<vmem>> -> memref<128x128xi32, #tpu.memory_space<vmem>>
        %dma_wait3A_155 = arith.constant 0 : i32
        %dma_wait3A_156 = tpu.memref_slice %arg3[%mul3A_18, %dma_wait3A_155] : memref<2560x128xi32, #tpu.memory_space<hbm>> -> memref<128x128xi32, #tpu.memory_space<hbm>>
        %dma_wait3A_157 = arith.constant 0 : i32
        %dma_wait3A_158 = arith.constant 0 : i32
        %dma_wait3A_159 = tpu.memref_slice %arg7[%dma_wait3A_157, %dma_wait3A_158] : memref<128x128xi32, #tpu.memory_space<vmem>> -> memref<128x128xi32, #tpu.memory_space<vmem>>
        %dma_wait3A_160 = arith.constant 0 : i32
        %dma_wait3A_161 = tpu.memref_slice %arg3[%mul3A_18, %dma_wait3A_160] : memref<2560x128xi32, #tpu.memory_space<hbm>> -> memref<128x128xi32, #tpu.memory_space<hbm>>
        tpu.wait_dma2 semaphore(%run_scoped3A : memref<!tpu.dma_semaphore, #tpu.memory_space<semaphore_mem>>) src(%dma_wait3A_161 : memref<128x128xi32, #tpu.memory_space<hbm>>) dst(%dma_wait3A_159 : memref<128x128xi32, #tpu.memory_space<vmem>>)
        tpu.yield
      }) : () -> ()
      "tpu.region"() ({
        %run_scoped3A = tpu.sem_alloc : memref<!tpu.dma_semaphore, #tpu.memory_space<semaphore_mem>>
        %dma_start3A_142 = arith.constant 0 : i32
        %dma_start3A_143 = arith.constant 0 : i32
        %dma_start3A_144 = tpu.memref_slice %arg8[%dma_start3A_142, %dma_start3A_143] : memref<128x128xi32, #tpu.memory_space<vmem>> -> memref<128x128xi32, #tpu.memory_space<vmem>>
        %dma_start3A_145 = arith.constant 0 : i32
        %dma_start3A_146 = tpu.memref_slice %arg4[%mul3A_18, %dma_start3A_145] : memref<2560x128xi32, #tpu.memory_space<hbm>> -> memref<128x128xi32, #tpu.memory_space<hbm>>
        %dma_start3A_147 = arith.constant 0 : i32
        %dma_start3A_148 = arith.constant 0 : i32
        %dma_start3A_149 = tpu.memref_slice %arg8[%dma_start3A_147, %dma_start3A_148] : memref<128x128xi32, #tpu.memory_space<vmem>> -> memref<128x128xi32, #tpu.memory_space<vmem>>
        %dma_start3A_150 = arith.constant 0 : i32
        %dma_start3A_151 = tpu.memref_slice %arg4[%mul3A_18, %dma_start3A_150] : memref<2560x128xi32, #tpu.memory_space<hbm>> -> memref<128x128xi32, #tpu.memory_space<hbm>>
        tpu.enqueue_dma source(%dma_start3A_151 : memref<128x128xi32, #tpu.memory_space<hbm>>) target(%dma_start3A_149 : memref<128x128xi32, #tpu.memory_space<vmem>>) target_semaphore(%run_scoped3A : memref<!tpu.dma_semaphore, #tpu.memory_space<semaphore_mem>>)
        %dma_wait3A_152 = arith.constant 0 : i32
        %dma_wait3A_153 = arith.constant 0 : i32
        %dma_wait3A_154 = tpu.memref_slice %arg8[%dma_wait3A_152, %dma_wait3A_153] : memref<128x128xi32, #tpu.memory_space<vmem>> -> memref<128x128xi32, #tpu.memory_space<vmem>>
        %dma_wait3A_155 = arith.constant 0 : i32
        %dma_wait3A_156 = tpu.memref_slice %arg4[%mul3A_18, %dma_wait3A_155] : memref<2560x128xi32, #tpu.memory_space<hbm>> -> memref<128x128xi32, #tpu.memory_space<hbm>>
        %dma_wait3A_157 = arith.constant 0 : i32
        %dma_wait3A_158 = arith.constant 0 : i32
        %dma_wait3A_159 = tpu.memref_slice %arg8[%dma_wait3A_157, %dma_wait3A_158] : memref<128x128xi32, #tpu.memory_space<vmem>> -> memref<128x128xi32, #tpu.memory_space<vmem>>
        %dma_wait3A_160 = arith.constant 0 : i32
        %dma_wait3A_161 = tpu.memref_slice %arg4[%mul3A_18, %dma_wait3A_160] : memref<2560x128xi32, #tpu.memory_space<hbm>> -> memref<128x128xi32, #tpu.memory_space<hbm>>
        tpu.wait_dma2 semaphore(%run_scoped3A : memref<!tpu.dma_semaphore, #tpu.memory_space<semaphore_mem>>) src(%dma_wait3A_161 : memref<128x128xi32, #tpu.memory_space<hbm>>) dst(%dma_wait3A_159 : memref<128x128xi32, #tpu.memory_space<vmem>>)
        tpu.yield
      }) : () -> ()
      %dma_start3A = arith.constant 0 : i32
      %dma_start3A_19 = arith.constant 0 : i32
      %dma_start3A_20 = arith.constant 0 : i32
      %dma_start3A_21 = arith.constant 0 : i32
      %dma_start3A_22 = arith.constant 0 : i32
      %dma_start3A_23 = tpu.memref_slice %arg9[%dma_start3A_19, %dma_start3A_21, %dma_start3A_22] : memref<8x128x16xf32, #tpu.memory_space<vmem>> -> memref<1x128x16xf32, #tpu.memory_space<vmem>>
      %dma_start3A_24 = tpu.memref_squeeze %dma_start3A_23 : memref<1x128x16xf32, #tpu.memory_space<vmem>> -> memref<128x16xf32, #tpu.memory_space<vmem>>
      %dma_start3A_25 = arith.constant 0 : i32
      %dma_start3A_26 = tpu.memref_slice %arg7[%dma_start3A, %dma_start3A_25] : memref<128x128xi32, #tpu.memory_space<vmem>> -> memref<1x128xi32, #tpu.memory_space<vmem>>
      %dma_start3A_27 = tpu.memref_squeeze %dma_start3A_26 : memref<1x128xi32, #tpu.memory_space<vmem>> -> memref<128xi32, #tpu.memory_space<vmem>>
      %dma_start3A_28 = arith.constant 0 : i32
      %dma_start3A_29 = arith.constant 0 : i32
      %dma_start3A_30 = tpu.memref_slice %arg2[%dma_start3A_28, %dma_start3A_29] : memref<10000x16xf32, #tpu.memory_space<hbm>> -> memref<10000x16xf32, #tpu.memory_space<hbm>>
      %dma_start3A_31 = tpu.memref_slice %arg11[%dma_start3A_20] : memref<8x!tpu.dma_semaphore, #tpu.memory_space<semaphore_mem>> -> memref<1x!tpu.dma_semaphore, #tpu.memory_space<semaphore_mem>>
      %dma_start3A_32 = tpu.memref_squeeze %dma_start3A_31 : memref<1x!tpu.dma_semaphore, #tpu.memory_space<semaphore_mem>> -> memref<!tpu.dma_semaphore, #tpu.memory_space<semaphore_mem>>
      tpu.enqueue_indirect_dma source(%dma_start3A_30 : memref<10000x16xf32, #tpu.memory_space<hbm>>) target(%dma_start3A_24 : memref<128x16xf32, #tpu.memory_space<vmem>>) offsets(%dma_start3A_27 : memref<128xi32, #tpu.memory_space<vmem>>) semaphore(%dma_start3A_32 : memref<!tpu.dma_semaphore, #tpu.memory_space<semaphore_mem>>)
      %dma_start3A_33 = arith.constant 1 : i32
      %dma_start3A_34 = arith.constant 1 : i32
      %dma_start3A_35 = arith.constant 1 : i32
      %dma_start3A_36 = arith.constant 0 : i32
      %dma_start3A_37 = arith.constant 0 : i32
      %dma_start3A_38 = tpu.memref_slice %arg9[%dma_start3A_34, %dma_start3A_36, %dma_start3A_37] : memref<8x128x16xf32, #tpu.memory_space<vmem>> -> memref<1x128x16xf32, #tpu.memory_space<vmem>>
      %dma_start3A_39 = tpu.memref_squeeze %dma_start3A_38 : memref<1x128x16xf32, #tpu.memory_space<vmem>> -> memref<128x16xf32, #tpu.memory_space<vmem>>
      %dma_start3A_40 = arith.constant 0 : i32
      %dma_start3A_41 = tpu.memref_slice %arg7[%dma_start3A_33, %dma_start3A_40] : memref<128x128xi32, #tpu.memory_space<vmem>> -> memref<1x128xi32, #tpu.memory_space<vmem>>
      %dma_start3A_42 = tpu.memref_squeeze %dma_start3A_41 : memref<1x128xi32, #tpu.memory_space<vmem>> -> memref<128xi32, #tpu.memory_space<vmem>>
      %dma_start3A_43 = arith.constant 0 : i32
      %dma_start3A_44 = arith.constant 0 : i32
      %dma_start3A_45 = tpu.memref_slice %arg2[%dma_start3A_43, %dma_start3A_44] : memref<10000x16xf32, #tpu.memory_space<hbm>> -> memref<10000x16xf32, #tpu.memory_space<hbm>>
      %dma_start3A_46 = tpu.memref_slice %arg11[%dma_start3A_35] : memref<8x!tpu.dma_semaphore, #tpu.memory_space<semaphore_mem>> -> memref<1x!tpu.dma_semaphore, #tpu.memory_space<semaphore_mem>>
      %dma_start3A_47 = tpu.memref_squeeze %dma_start3A_46 : memref<1x!tpu.dma_semaphore, #tpu.memory_space<semaphore_mem>> -> memref<!tpu.dma_semaphore, #tpu.memory_space<semaphore_mem>>
      tpu.enqueue_indirect_dma source(%dma_start3A_45 : memref<10000x16xf32, #tpu.memory_space<hbm>>) target(%dma_start3A_39 : memref<128x16xf32, #tpu.memory_space<vmem>>) offsets(%dma_start3A_42 : memref<128xi32, #tpu.memory_space<vmem>>) semaphore(%dma_start3A_47 : memref<!tpu.dma_semaphore, #tpu.memory_space<semaphore_mem>>)
      %dma_start3A_48 = arith.constant 2 : i32
      %dma_start3A_49 = arith.constant 2 : i32
      %dma_start3A_50 = arith.constant 2 : i32
      %dma_start3A_51 = arith.constant 0 : i32
      %dma_start3A_52 = arith.constant 0 : i32
      %dma_start3A_53 = tpu.memref_slice %arg9[%dma_start3A_49, %dma_start3A_51, %dma_start3A_52] : memref<8x128x16xf32, #tpu.memory_space<vmem>> -> memref<1x128x16xf32, #tpu.memory_space<vmem>>
      %dma_start3A_54 = tpu.memref_squeeze %dma_start3A_53 : memref<1x128x16xf32, #tpu.memory_space<vmem>> -> memref<128x16xf32, #tpu.memory_space<vmem>>
      %dma_start3A_55 = arith.constant 0 : i32
      %dma_start3A_56 = tpu.memref_slice %arg7[%dma_start3A_48, %dma_start3A_55] : memref<128x128xi32, #tpu.memory_space<vmem>> -> memref<1x128xi32, #tpu.memory_space<vmem>>
      %dma_start3A_57 = tpu.memref_squeeze %dma_start3A_56 : memref<1x128xi32, #tpu.memory_space<vmem>> -> memref<128xi32, #tpu.memory_space<vmem>>
      %dma_start3A_58 = arith.constant 0 : i32
      %dma_start3A_59 = arith.constant 0 : i32
      %dma_start3A_60 = tpu.memref_slice %arg2[%dma_start3A_58, %dma_start3A_59] : memref<10000x16xf32, #tpu.memory_space<hbm>> -> memref<10000x16xf32, #tpu.memory_space<hbm>>
      %dma_start3A_61 = tpu.memref_slice %arg11[%dma_start3A_50] : memref<8x!tpu.dma_semaphore, #tpu.memory_space<semaphore_mem>> -> memref<1x!tpu.dma_semaphore, #tpu.memory_space<semaphore_mem>>
      %dma_start3A_62 = tpu.memref_squeeze %dma_start3A_61 : memref<1x!tpu.dma_semaphore, #tpu.memory_space<semaphore_mem>> -> memref<!tpu.dma_semaphore, #tpu.memory_space<semaphore_mem>>
      tpu.enqueue_indirect_dma source(%dma_start3A_60 : memref<10000x16xf32, #tpu.memory_space<hbm>>) target(%dma_start3A_54 : memref<128x16xf32, #tpu.memory_space<vmem>>) offsets(%dma_start3A_57 : memref<128xi32, #tpu.memory_space<vmem>>) semaphore(%dma_start3A_62 : memref<!tpu.dma_semaphore, #tpu.memory_space<semaphore_mem>>)
      %dma_start3A_63 = arith.constant 3 : i32
      %dma_start3A_64 = arith.constant 3 : i32
      %dma_start3A_65 = arith.constant 3 : i32
      %dma_start3A_66 = arith.constant 0 : i32
      %dma_start3A_67 = arith.constant 0 : i32
      %dma_start3A_68 = tpu.memref_slice %arg9[%dma_start3A_64, %dma_start3A_66, %dma_start3A_67] : memref<8x128x16xf32, #tpu.memory_space<vmem>> -> memref<1x128x16xf32, #tpu.memory_space<vmem>>
      %dma_start3A_69 = tpu.memref_squeeze %dma_start3A_68 : memref<1x128x16xf32, #tpu.memory_space<vmem>> -> memref<128x16xf32, #tpu.memory_space<vmem>>
      %dma_start3A_70 = arith.constant 0 : i32
      %dma_start3A_71 = tpu.memref_slice %arg7[%dma_start3A_63, %dma_start3A_70] : memref<128x128xi32, #tpu.memory_space<vmem>> -> memref<1x128xi32, #tpu.memory_space<vmem>>
      %dma_start3A_72 = tpu.memref_squeeze %dma_start3A_71 : memref<1x128xi32, #tpu.memory_space<vmem>> -> memref<128xi32, #tpu.memory_space<vmem>>
      %dma_start3A_73 = arith.constant 0 : i32
      %dma_start3A_74 = arith.constant 0 : i32
      %dma_start3A_75 = tpu.memref_slice %arg2[%dma_start3A_73, %dma_start3A_74] : memref<10000x16xf32, #tpu.memory_space<hbm>> -> memref<10000x16xf32, #tpu.memory_space<hbm>>
      %dma_start3A_76 = tpu.memref_slice %arg11[%dma_start3A_65] : memref<8x!tpu.dma_semaphore, #tpu.memory_space<semaphore_mem>> -> memref<1x!tpu.dma_semaphore, #tpu.memory_space<semaphore_mem>>
      %dma_start3A_77 = tpu.memref_squeeze %dma_start3A_76 : memref<1x!tpu.dma_semaphore, #tpu.memory_space<semaphore_mem>> -> memref<!tpu.dma_semaphore, #tpu.memory_space<semaphore_mem>>
      tpu.enqueue_indirect_dma source(%dma_start3A_75 : memref<10000x16xf32, #tpu.memory_space<hbm>>) target(%dma_start3A_69 : memref<128x16xf32, #tpu.memory_space<vmem>>) offsets(%dma_start3A_72 : memref<128xi32, #tpu.memory_space<vmem>>) semaphore(%dma_start3A_77 : memref<!tpu.dma_semaphore, #tpu.memory_space<semaphore_mem>>)
      %scan3A_78 = arith.constant 0 : i32
      %scan3A_79 = arith.constant 16 : i32
      %scan3A_80 = arith.addi %scan3A_78, %scan3A_79 : i32
      %scan3A_81 = arith.constant 1 : i32
      scf.for %scan3A_142 = %scan3A_78 to %scan3A_80 step %scan3A_81  : i32 {
        %mul3A_143 = arith.constant 8 : i32
        %mul3A_144 = arith.muli %mul3A_143, %scan3A_142 : i32
        %add3A = arith.constant 0 : i32
        %add3A_145 = arith.addi %mul3A_144, %add3A : i32
        %dma_wait3A_146 = arith.constant 0 : i32
        %dma_wait3A_147 = arith.constant 0 : i32
        %dma_wait3A_148 = arith.constant 0 : i32
        %dma_wait3A_149 = arith.constant 0 : i32
        %dma_wait3A_150 = tpu.memref_slice %arg9[%dma_wait3A_146, %dma_wait3A_148, %dma_wait3A_149] : memref<8x128x16xf32, #tpu.memory_space<vmem>> -> memref<1x128x16xf32, #tpu.memory_space<vmem>>
        %dma_wait3A_151 = tpu.memref_squeeze %dma_wait3A_150 : memref<1x128x16xf32, #tpu.memory_space<vmem>> -> memref<128x16xf32, #tpu.memory_space<vmem>>
        %dma_wait3A_152 = arith.constant 0 : i32
        %dma_wait3A_153 = tpu.memref_slice %arg7[%add3A_145, %dma_wait3A_152] : memref<128x128xi32, #tpu.memory_space<vmem>> -> memref<1x128xi32, #tpu.memory_space<vmem>>
        %dma_wait3A_154 = tpu.memref_squeeze %dma_wait3A_153 : memref<1x128xi32, #tpu.memory_space<vmem>> -> memref<128xi32, #tpu.memory_space<vmem>>
        %dma_wait3A_155 = arith.constant 0 : i32
        %dma_wait3A_156 = arith.constant 0 : i32
        %dma_wait3A_157 = tpu.memref_slice %arg2[%dma_wait3A_155, %dma_wait3A_156] : memref<10000x16xf32, #tpu.memory_space<hbm>> -> memref<10000x16xf32, #tpu.memory_space<hbm>>
        %dma_wait3A_158 = tpu.memref_slice %arg11[%dma_wait3A_147] : memref<8x!tpu.dma_semaphore, #tpu.memory_space<semaphore_mem>> -> memref<1x!tpu.dma_semaphore, #tpu.memory_space<semaphore_mem>>
        %dma_wait3A_159 = tpu.memref_squeeze %dma_wait3A_158 : memref<1x!tpu.dma_semaphore, #tpu.memory_space<semaphore_mem>> -> memref<!tpu.dma_semaphore, #tpu.memory_space<semaphore_mem>>
        tpu.wait_indirect_dma semaphore(%dma_wait3A_159 : memref<!tpu.dma_semaphore, #tpu.memory_space<semaphore_mem>>) src(%dma_wait3A_157 : memref<10000x16xf32, #tpu.memory_space<hbm>>) dst(%dma_wait3A_151 : memref<128x16xf32, #tpu.memory_space<vmem>>)
        %dma_start3A_160 = arith.constant 0 : i32
        %dma_start3A_161 = arith.constant 0 : i32
        %dma_start3A_162 = arith.constant 0 : i32
        %dma_start3A_163 = arith.constant 0 : i32
        %dma_start3A_164 = tpu.memref_slice %arg9[%dma_start3A_160, %dma_start3A_162, %dma_start3A_163] : memref<8x128x16xf32, #tpu.memory_space<vmem>> -> memref<1x128x16xf32, #tpu.memory_space<vmem>>
        %dma_start3A_165 = tpu.memref_squeeze %dma_start3A_164 : memref<1x128x16xf32, #tpu.memory_space<vmem>> -> memref<128x16xf32, #tpu.memory_space<vmem>>
        %dma_start3A_166 = arith.constant 0 : i32
        %dma_start3A_167 = tpu.memref_slice %arg8[%add3A_145, %dma_start3A_166] : memref<128x128xi32, #tpu.memory_space<vmem>> -> memref<1x128xi32, #tpu.memory_space<vmem>>
        %dma_start3A_168 = tpu.memref_squeeze %dma_start3A_167 : memref<1x128xi32, #tpu.memory_space<vmem>> -> memref<128xi32, #tpu.memory_space<vmem>>
        %dma_start3A_169 = arith.constant 0 : i32
        %dma_start3A_170 = arith.constant 0 : i32
        %dma_start3A_171 = tpu.memref_slice %arg6[%dma_start3A_169, %dma_start3A_170] : memref<10240x16xf32, #tpu.memory_space<vmem_shared>> -> memref<10240x16xf32, #tpu.memory_space<vmem_shared>>
        %dma_start3A_172 = tpu.memref_slice %arg12[%dma_start3A_161] : memref<8x!tpu.dma_semaphore, #tpu.memory_space<semaphore_mem>> -> memref<1x!tpu.dma_semaphore, #tpu.memory_space<semaphore_mem>>
        %dma_start3A_173 = tpu.memref_squeeze %dma_start3A_172 : memref<1x!tpu.dma_semaphore, #tpu.memory_space<semaphore_mem>> -> memref<!tpu.dma_semaphore, #tpu.memory_space<semaphore_mem>>
        tpu.enqueue_indirect_dma source(%dma_start3A_165 : memref<128x16xf32, #tpu.memory_space<vmem>>) target(%dma_start3A_171 : memref<10240x16xf32, #tpu.memory_space<vmem_shared>>) offsets(%dma_start3A_168 : memref<128xi32, #tpu.memory_space<vmem>>) semaphore(%dma_start3A_173 : memref<!tpu.dma_semaphore, #tpu.memory_space<semaphore_mem>>) {add = true}
        %ge3A = arith.constant 4 : i32
        %ge3A_174 = arith.cmpi sge, %add3A_145, %ge3A : i32
        %convert_element_type3A_175 = arith.extui %ge3A_174 : i1 to i32
        %cond3A_176 = arith.constant 0 : i32
        %cond3A_177 = arith.cmpi ne, %convert_element_type3A_175, %cond3A_176 : i32
        scf.if %cond3A_177 {
          %sub3A = arith.constant 4 : i32
          %sub3A_478 = arith.subi %add3A_145, %sub3A : i32
          %dma_wait3A_479 = arith.constant 4 : i32
          %dma_wait3A_480 = arith.constant 4 : i32
          %dma_wait3A_481 = arith.constant 0 : i32
          %dma_wait3A_482 = arith.constant 0 : i32
          %dma_wait3A_483 = tpu.memref_slice %arg9[%dma_wait3A_479, %dma_wait3A_481, %dma_wait3A_482] : memref<8x128x16xf32, #tpu.memory_space<vmem>> -> memref<1x128x16xf32, #tpu.memory_space<vmem>>
          %dma_wait3A_484 = tpu.memref_squeeze %dma_wait3A_483 : memref<1x128x16xf32, #tpu.memory_space<vmem>> -> memref<128x16xf32, #tpu.memory_space<vmem>>
          %dma_wait3A_485 = arith.constant 0 : i32
          %dma_wait3A_486 = tpu.memref_slice %arg8[%sub3A_478, %dma_wait3A_485] : memref<128x128xi32, #tpu.memory_space<vmem>> -> memref<1x128xi32, #tpu.memory_space<vmem>>
          %dma_wait3A_487 = tpu.memref_squeeze %dma_wait3A_486 : memref<1x128xi32, #tpu.memory_space<vmem>> -> memref<128xi32, #tpu.memory_space<vmem>>
          %dma_wait3A_488 = arith.constant 0 : i32
          %dma_wait3A_489 = arith.constant 0 : i32
          %dma_wait3A_490 = tpu.memref_slice %arg6[%dma_wait3A_488, %dma_wait3A_489] : memref<10240x16xf32, #tpu.memory_space<vmem_shared>> -> memref<10240x16xf32, #tpu.memory_space<vmem_shared>>
          %dma_wait3A_491 = tpu.memref_slice %arg12[%dma_wait3A_480] : memref<8x!tpu.dma_semaphore, #tpu.memory_space<semaphore_mem>> -> memref<1x!tpu.dma_semaphore, #tpu.memory_space<semaphore_mem>>
          %dma_wait3A_492 = tpu.memref_squeeze %dma_wait3A_491 : memref<1x!tpu.dma_semaphore, #tpu.memory_space<semaphore_mem>> -> memref<!tpu.dma_semaphore, #tpu.memory_space<semaphore_mem>>
          tpu.wait_indirect_dma semaphore(%dma_wait3A_492 : memref<!tpu.dma_semaphore, #tpu.memory_space<semaphore_mem>>) src(%dma_wait3A_484 : memref<128x16xf32, #tpu.memory_space<vmem>>) dst(%dma_wait3A_490 : memref<10240x16xf32, #tpu.memory_space<vmem_shared>>)
        } else {
        }
        %add3A_178 = arith.constant 4 : i32
        %add3A_179 = arith.addi %add3A_145, %add3A_178 : i32
        %lt3A = arith.constant 128 : i32
        %lt3A_180 = arith.cmpi slt, %add3A_179, %lt3A : i32
        %convert_element_type3A_181 = arith.extui %lt3A_180 : i1 to i32
        %cond3A_182 = arith.constant 0 : i32
        %cond3A_183 = arith.cmpi ne, %convert_element_type3A_181, %cond3A_182 : i32
        scf.if %cond3A_183 {
          %add3A_478 = arith.constant 4 : i32
          %add3A_479 = arith.addi %add3A_145, %add3A_478 : i32
          %dma_start3A_480 = arith.constant 4 : i32
          %dma_start3A_481 = arith.constant 4 : i32
          %dma_start3A_482 = arith.constant 0 : i32
          %dma_start3A_483 = arith.constant 0 : i32
          %dma_start3A_484 = tpu.memref_slice %arg9[%dma_start3A_480, %dma_start3A_482, %dma_start3A_483] : memref<8x128x16xf32, #tpu.memory_space<vmem>> -> memref<1x128x16xf32, #tpu.memory_space<vmem>>
          %dma_start3A_485 = tpu.memref_squeeze %dma_start3A_484 : memref<1x128x16xf32, #tpu.memory_space<vmem>> -> memref<128x16xf32, #tpu.memory_space<vmem>>
          %dma_start3A_486 = arith.constant 0 : i32
          %dma_start3A_487 = tpu.memref_slice %arg7[%add3A_479, %dma_start3A_486] : memref<128x128xi32, #tpu.memory_space<vmem>> -> memref<1x128xi32, #tpu.memory_space<vmem>>
          %dma_start3A_488 = tpu.memref_squeeze %dma_start3A_487 : memref<1x128xi32, #tpu.memory_space<vmem>> -> memref<128xi32, #tpu.memory_space<vmem>>
          %dma_start3A_489 = arith.constant 0 : i32
          %dma_start3A_490 = arith.constant 0 : i32
          %dma_start3A_491 = tpu.memref_slice %arg2[%dma_start3A_489, %dma_start3A_490] : memref<10000x16xf32, #tpu.memory_space<hbm>> -> memref<10000x16xf32, #tpu.memory_space<hbm>>
          %dma_start3A_492 = tpu.memref_slice %arg11[%dma_start3A_481] : memref<8x!tpu.dma_semaphore, #tpu.memory_space<semaphore_mem>> -> memref<1x!tpu.dma_semaphore, #tpu.memory_space<semaphore_mem>>
          %dma_start3A_493 = tpu.memref_squeeze %dma_start3A_492 : memref<1x!tpu.dma_semaphore, #tpu.memory_space<semaphore_mem>> -> memref<!tpu.dma_semaphore, #tpu.memory_space<semaphore_mem>>
          tpu.enqueue_indirect_dma source(%dma_start3A_491 : memref<10000x16xf32, #tpu.memory_space<hbm>>) target(%dma_start3A_485 : memref<128x16xf32, #tpu.memory_space<vmem>>) offsets(%dma_start3A_488 : memref<128xi32, #tpu.memory_space<vmem>>) semaphore(%dma_start3A_493 : memref<!tpu.dma_semaphore, #tpu.memory_space<semaphore_mem>>)
        } else {
        }
        %add3A_184 = arith.constant 1 : i32
        %add3A_185 = arith.addi %mul3A_144, %add3A_184 : i32
        %dma_wait3A_186 = arith.constant 1 : i32
        %dma_wait3A_187 = arith.constant 1 : i32
        %dma_wait3A_188 = arith.constant 0 : i32
        %dma_wait3A_189 = arith.constant 0 : i32
        %dma_wait3A_190 = tpu.memref_slice %arg9[%dma_wait3A_186, %dma_wait3A_188, %dma_wait3A_189] : memref<8x128x16xf32, #tpu.memory_space<vmem>> -> memref<1x128x16xf32, #tpu.memory_space<vmem>>
        %dma_wait3A_191 = tpu.memref_squeeze %dma_wait3A_190 : memref<1x128x16xf32, #tpu.memory_space<vmem>> -> memref<128x16xf32, #tpu.memory_space<vmem>>
        %dma_wait3A_192 = arith.constant 0 : i32
        %dma_wait3A_193 = tpu.memref_slice %arg7[%add3A_185, %dma_wait3A_192] : memref<128x128xi32, #tpu.memory_space<vmem>> -> memref<1x128xi32, #tpu.memory_space<vmem>>
        %dma_wait3A_194 = tpu.memref_squeeze %dma_wait3A_193 : memref<1x128xi32, #tpu.memory_space<vmem>> -> memref<128xi32, #tpu.memory_space<vmem>>
        %dma_wait3A_195 = arith.constant 0 : i32
        %dma_wait3A_196 = arith.constant 0 : i32
        %dma_wait3A_197 = tpu.memref_slice %arg2[%dma_wait3A_195, %dma_wait3A_196] : memref<10000x16xf32, #tpu.memory_space<hbm>> -> memref<10000x16xf32, #tpu.memory_space<hbm>>
        %dma_wait3A_198 = tpu.memref_slice %arg11[%dma_wait3A_187] : memref<8x!tpu.dma_semaphore, #tpu.memory_space<semaphore_mem>> -> memref<1x!tpu.dma_semaphore, #tpu.memory_space<semaphore_mem>>
        %dma_wait3A_199 = tpu.memref_squeeze %dma_wait3A_198 : memref<1x!tpu.dma_semaphore, #tpu.memory_space<semaphore_mem>> -> memref<!tpu.dma_semaphore, #tpu.memory_space<semaphore_mem>>
        tpu.wait_indirect_dma semaphore(%dma_wait3A_199 : memref<!tpu.dma_semaphore, #tpu.memory_space<semaphore_mem>>) src(%dma_wait3A_197 : memref<10000x16xf32, #tpu.memory_space<hbm>>) dst(%dma_wait3A_191 : memref<128x16xf32, #tpu.memory_space<vmem>>)
        %dma_start3A_200 = arith.constant 1 : i32
        %dma_start3A_201 = arith.constant 1 : i32
        %dma_start3A_202 = arith.constant 0 : i32
        %dma_start3A_203 = arith.constant 0 : i32
        %dma_start3A_204 = tpu.memref_slice %arg9[%dma_start3A_200, %dma_start3A_202, %dma_start3A_203] : memref<8x128x16xf32, #tpu.memory_space<vmem>> -> memref<1x128x16xf32, #tpu.memory_space<vmem>>
        %dma_start3A_205 = tpu.memref_squeeze %dma_start3A_204 : memref<1x128x16xf32, #tpu.memory_space<vmem>> -> memref<128x16xf32, #tpu.memory_space<vmem>>
        %dma_start3A_206 = arith.constant 0 : i32
        %dma_start3A_207 = tpu.memref_slice %arg8[%add3A_185, %dma_start3A_206] : memref<128x128xi32, #tpu.memory_space<vmem>> -> memref<1x128xi32, #tpu.memory_space<vmem>>
        %dma_start3A_208 = tpu.memref_squeeze %dma_start3A_207 : memref<1x128xi32, #tpu.memory_space<vmem>> -> memref<128xi32, #tpu.memory_space<vmem>>
        %dma_start3A_209 = arith.constant 0 : i32
        %dma_start3A_210 = arith.constant 0 : i32
        %dma_start3A_211 = tpu.memref_slice %arg6[%dma_start3A_209, %dma_start3A_210] : memref<10240x16xf32, #tpu.memory_space<vmem_shared>> -> memref<10240x16xf32, #tpu.memory_space<vmem_shared>>
        %dma_start3A_212 = tpu.memref_slice %arg12[%dma_start3A_201] : memref<8x!tpu.dma_semaphore, #tpu.memory_space<semaphore_mem>> -> memref<1x!tpu.dma_semaphore, #tpu.memory_space<semaphore_mem>>
        %dma_start3A_213 = tpu.memref_squeeze %dma_start3A_212 : memref<1x!tpu.dma_semaphore, #tpu.memory_space<semaphore_mem>> -> memref<!tpu.dma_semaphore, #tpu.memory_space<semaphore_mem>>
        tpu.enqueue_indirect_dma source(%dma_start3A_205 : memref<128x16xf32, #tpu.memory_space<vmem>>) target(%dma_start3A_211 : memref<10240x16xf32, #tpu.memory_space<vmem_shared>>) offsets(%dma_start3A_208 : memref<128xi32, #tpu.memory_space<vmem>>) semaphore(%dma_start3A_213 : memref<!tpu.dma_semaphore, #tpu.memory_space<semaphore_mem>>) {add = true}
        %ge3A_214 = arith.constant 4 : i32
        %ge3A_215 = arith.cmpi sge, %add3A_185, %ge3A_214 : i32
        %convert_element_type3A_216 = arith.extui %ge3A_215 : i1 to i32
        %cond3A_217 = arith.constant 0 : i32
        %cond3A_218 = arith.cmpi ne, %convert_element_type3A_216, %cond3A_217 : i32
        scf.if %cond3A_218 {
          %sub3A = arith.constant 4 : i32
          %sub3A_478 = arith.subi %add3A_185, %sub3A : i32
          %dma_wait3A_479 = arith.constant 5 : i32
          %dma_wait3A_480 = arith.constant 5 : i32
          %dma_wait3A_481 = arith.constant 0 : i32
          %dma_wait3A_482 = arith.constant 0 : i32
          %dma_wait3A_483 = tpu.memref_slice %arg9[%dma_wait3A_479, %dma_wait3A_481, %dma_wait3A_482] : memref<8x128x16xf32, #tpu.memory_space<vmem>> -> memref<1x128x16xf32, #tpu.memory_space<vmem>>
          %dma_wait3A_484 = tpu.memref_squeeze %dma_wait3A_483 : memref<1x128x16xf32, #tpu.memory_space<vmem>> -> memref<128x16xf32, #tpu.memory_space<vmem>>
          %dma_wait3A_485 = arith.constant 0 : i32
          %dma_wait3A_486 = tpu.memref_slice %arg8[%sub3A_478, %dma_wait3A_485] : memref<128x128xi32, #tpu.memory_space<vmem>> -> memref<1x128xi32, #tpu.memory_space<vmem>>
          %dma_wait3A_487 = tpu.memref_squeeze %dma_wait3A_486 : memref<1x128xi32, #tpu.memory_space<vmem>> -> memref<128xi32, #tpu.memory_space<vmem>>
          %dma_wait3A_488 = arith.constant 0 : i32
          %dma_wait3A_489 = arith.constant 0 : i32
          %dma_wait3A_490 = tpu.memref_slice %arg6[%dma_wait3A_488, %dma_wait3A_489] : memref<10240x16xf32, #tpu.memory_space<vmem_shared>> -> memref<10240x16xf32, #tpu.memory_space<vmem_shared>>
          %dma_wait3A_491 = tpu.memref_slice %arg12[%dma_wait3A_480] : memref<8x!tpu.dma_semaphore, #tpu.memory_space<semaphore_mem>> -> memref<1x!tpu.dma_semaphore, #tpu.memory_space<semaphore_mem>>
          %dma_wait3A_492 = tpu.memref_squeeze %dma_wait3A_491 : memref<1x!tpu.dma_semaphore, #tpu.memory_space<semaphore_mem>> -> memref<!tpu.dma_semaphore, #tpu.memory_space<semaphore_mem>>
          tpu.wait_indirect_dma semaphore(%dma_wait3A_492 : memref<!tpu.dma_semaphore, #tpu.memory_space<semaphore_mem>>) src(%dma_wait3A_484 : memref<128x16xf32, #tpu.memory_space<vmem>>) dst(%dma_wait3A_490 : memref<10240x16xf32, #tpu.memory_space<vmem_shared>>)
        } else {
        }
        %add3A_219 = arith.constant 4 : i32
        %add3A_220 = arith.addi %add3A_185, %add3A_219 : i32
        %lt3A_221 = arith.constant 128 : i32
        %lt3A_222 = arith.cmpi slt, %add3A_220, %lt3A_221 : i32
        %convert_element_type3A_223 = arith.extui %lt3A_222 : i1 to i32
        %cond3A_224 = arith.constant 0 : i32
        %cond3A_225 = arith.cmpi ne, %convert_element_type3A_223, %cond3A_224 : i32
        scf.if %cond3A_225 {
          %add3A_478 = arith.constant 4 : i32
          %add3A_479 = arith.addi %add3A_185, %add3A_478 : i32
          %dma_start3A_480 = arith.constant 5 : i32
          %dma_start3A_481 = arith.constant 5 : i32
          %dma_start3A_482 = arith.constant 0 : i32
          %dma_start3A_483 = arith.constant 0 : i32
          %dma_start3A_484 = tpu.memref_slice %arg9[%dma_start3A_480, %dma_start3A_482, %dma_start3A_483] : memref<8x128x16xf32, #tpu.memory_space<vmem>> -> memref<1x128x16xf32, #tpu.memory_space<vmem>>
          %dma_start3A_485 = tpu.memref_squeeze %dma_start3A_484 : memref<1x128x16xf32, #tpu.memory_space<vmem>> -> memref<128x16xf32, #tpu.memory_space<vmem>>
          %dma_start3A_486 = arith.constant 0 : i32
          %dma_start3A_487 = tpu.memref_slice %arg7[%add3A_479, %dma_start3A_486] : memref<128x128xi32, #tpu.memory_space<vmem>> -> memref<1x128xi32, #tpu.memory_space<vmem>>
          %dma_start3A_488 = tpu.memref_squeeze %dma_start3A_487 : memref<1x128xi32, #tpu.memory_space<vmem>> -> memref<128xi32, #tpu.memory_space<vmem>>
          %dma_start3A_489 = arith.constant 0 : i32
          %dma_start3A_490 = arith.constant 0 : i32
          %dma_start3A_491 = tpu.memref_slice %arg2[%dma_start3A_489, %dma_start3A_490] : memref<10000x16xf32, #tpu.memory_space<hbm>> -> memref<10000x16xf32, #tpu.memory_space<hbm>>
          %dma_start3A_492 = tpu.memref_slice %arg11[%dma_start3A_481] : memref<8x!tpu.dma_semaphore, #tpu.memory_space<semaphore_mem>> -> memref<1x!tpu.dma_semaphore, #tpu.memory_space<semaphore_mem>>
          %dma_start3A_493 = tpu.memref_squeeze %dma_start3A_492 : memref<1x!tpu.dma_semaphore, #tpu.memory_space<semaphore_mem>> -> memref<!tpu.dma_semaphore, #tpu.memory_space<semaphore_mem>>
          tpu.enqueue_indirect_dma source(%dma_start3A_491 : memref<10000x16xf32, #tpu.memory_space<hbm>>) target(%dma_start3A_485 : memref<128x16xf32, #tpu.memory_space<vmem>>) offsets(%dma_start3A_488 : memref<128xi32, #tpu.memory_space<vmem>>) semaphore(%dma_start3A_493 : memref<!tpu.dma_semaphore, #tpu.memory_space<semaphore_mem>>)
        } else {
        }
        %add3A_226 = arith.constant 2 : i32
        %add3A_227 = arith.addi %mul3A_144, %add3A_226 : i32
        %dma_wait3A_228 = arith.constant 2 : i32
        %dma_wait3A_229 = arith.constant 2 : i32
        %dma_wait3A_230 = arith.constant 0 : i32
        %dma_wait3A_231 = arith.constant 0 : i32
        %dma_wait3A_232 = tpu.memref_slice %arg9[%dma_wait3A_228, %dma_wait3A_230, %dma_wait3A_231] : memref<8x128x16xf32, #tpu.memory_space<vmem>> -> memref<1x128x16xf32, #tpu.memory_space<vmem>>
        %dma_wait3A_233 = tpu.memref_squeeze %dma_wait3A_232 : memref<1x128x16xf32, #tpu.memory_space<vmem>> -> memref<128x16xf32, #tpu.memory_space<vmem>>
        %dma_wait3A_234 = arith.constant 0 : i32
        %dma_wait3A_235 = tpu.memref_slice %arg7[%add3A_227, %dma_wait3A_234] : memref<128x128xi32, #tpu.memory_space<vmem>> -> memref<1x128xi32, #tpu.memory_space<vmem>>
        %dma_wait3A_236 = tpu.memref_squeeze %dma_wait3A_235 : memref<1x128xi32, #tpu.memory_space<vmem>> -> memref<128xi32, #tpu.memory_space<vmem>>
        %dma_wait3A_237 = arith.constant 0 : i32
        %dma_wait3A_238 = arith.constant 0 : i32
        %dma_wait3A_239 = tpu.memref_slice %arg2[%dma_wait3A_237, %dma_wait3A_238] : memref<10000x16xf32, #tpu.memory_space<hbm>> -> memref<10000x16xf32, #tpu.memory_space<hbm>>
        %dma_wait3A_240 = tpu.memref_slice %arg11[%dma_wait3A_229] : memref<8x!tpu.dma_semaphore, #tpu.memory_space<semaphore_mem>> -> memref<1x!tpu.dma_semaphore, #tpu.memory_space<semaphore_mem>>
        %dma_wait3A_241 = tpu.memref_squeeze %dma_wait3A_240 : memref<1x!tpu.dma_semaphore, #tpu.memory_space<semaphore_mem>> -> memref<!tpu.dma_semaphore, #tpu.memory_space<semaphore_mem>>
        tpu.wait_indirect_dma semaphore(%dma_wait3A_241 : memref<!tpu.dma_semaphore, #tpu.memory_space<semaphore_mem>>) src(%dma_wait3A_239 : memref<10000x16xf32, #tpu.memory_space<hbm>>) dst(%dma_wait3A_233 : memref<128x16xf32, #tpu.memory_space<vmem>>)
        %dma_start3A_242 = arith.constant 2 : i32
        %dma_start3A_243 = arith.constant 2 : i32
        %dma_start3A_244 = arith.constant 0 : i32
        %dma_start3A_245 = arith.constant 0 : i32
        %dma_start3A_246 = tpu.memref_slice %arg9[%dma_start3A_242, %dma_start3A_244, %dma_start3A_245] : memref<8x128x16xf32, #tpu.memory_space<vmem>> -> memref<1x128x16xf32, #tpu.memory_space<vmem>>
        %dma_start3A_247 = tpu.memref_squeeze %dma_start3A_246 : memref<1x128x16xf32, #tpu.memory_space<vmem>> -> memref<128x16xf32, #tpu.memory_space<vmem>>
        %dma_start3A_248 = arith.constant 0 : i32
        %dma_start3A_249 = tpu.memref_slice %arg8[%add3A_227, %dma_start3A_248] : memref<128x128xi32, #tpu.memory_space<vmem>> -> memref<1x128xi32, #tpu.memory_space<vmem>>
        %dma_start3A_250 = tpu.memref_squeeze %dma_start3A_249 : memref<1x128xi32, #tpu.memory_space<vmem>> -> memref<128xi32, #tpu.memory_space<vmem>>
        %dma_start3A_251 = arith.constant 0 : i32
        %dma_start3A_252 = arith.constant 0 : i32
        %dma_start3A_253 = tpu.memref_slice %arg6[%dma_start3A_251, %dma_start3A_252] : memref<10240x16xf32, #tpu.memory_space<vmem_shared>> -> memref<10240x16xf32, #tpu.memory_space<vmem_shared>>
        %dma_start3A_254 = tpu.memref_slice %arg12[%dma_start3A_243] : memref<8x!tpu.dma_semaphore, #tpu.memory_space<semaphore_mem>> -> memref<1x!tpu.dma_semaphore, #tpu.memory_space<semaphore_mem>>
        %dma_start3A_255 = tpu.memref_squeeze %dma_start3A_254 : memref<1x!tpu.dma_semaphore, #tpu.memory_space<semaphore_mem>> -> memref<!tpu.dma_semaphore, #tpu.memory_space<semaphore_mem>>
        tpu.enqueue_indirect_dma source(%dma_start3A_247 : memref<128x16xf32, #tpu.memory_space<vmem>>) target(%dma_start3A_253 : memref<10240x16xf32, #tpu.memory_space<vmem_shared>>) offsets(%dma_start3A_250 : memref<128xi32, #tpu.memory_space<vmem>>) semaphore(%dma_start3A_255 : memref<!tpu.dma_semaphore, #tpu.memory_space<semaphore_mem>>) {add = true}
        %ge3A_256 = arith.constant 4 : i32
        %ge3A_257 = arith.cmpi sge, %add3A_227, %ge3A_256 : i32
        %convert_element_type3A_258 = arith.extui %ge3A_257 : i1 to i32
        %cond3A_259 = arith.constant 0 : i32
        %cond3A_260 = arith.cmpi ne, %convert_element_type3A_258, %cond3A_259 : i32
        scf.if %cond3A_260 {
          %sub3A = arith.constant 4 : i32
          %sub3A_478 = arith.subi %add3A_227, %sub3A : i32
          %dma_wait3A_479 = arith.constant 6 : i32
          %dma_wait3A_480 = arith.constant 6 : i32
          %dma_wait3A_481 = arith.constant 0 : i32
          %dma_wait3A_482 = arith.constant 0 : i32
          %dma_wait3A_483 = tpu.memref_slice %arg9[%dma_wait3A_479, %dma_wait3A_481, %dma_wait3A_482] : memref<8x128x16xf32, #tpu.memory_space<vmem>> -> memref<1x128x16xf32, #tpu.memory_space<vmem>>
          %dma_wait3A_484 = tpu.memref_squeeze %dma_wait3A_483 : memref<1x128x16xf32, #tpu.memory_space<vmem>> -> memref<128x16xf32, #tpu.memory_space<vmem>>
          %dma_wait3A_485 = arith.constant 0 : i32
          %dma_wait3A_486 = tpu.memref_slice %arg8[%sub3A_478, %dma_wait3A_485] : memref<128x128xi32, #tpu.memory_space<vmem>> -> memref<1x128xi32, #tpu.memory_space<vmem>>
          %dma_wait3A_487 = tpu.memref_squeeze %dma_wait3A_486 : memref<1x128xi32, #tpu.memory_space<vmem>> -> memref<128xi32, #tpu.memory_space<vmem>>
          %dma_wait3A_488 = arith.constant 0 : i32
          %dma_wait3A_489 = arith.constant 0 : i32
          %dma_wait3A_490 = tpu.memref_slice %arg6[%dma_wait3A_488, %dma_wait3A_489] : memref<10240x16xf32, #tpu.memory_space<vmem_shared>> -> memref<10240x16xf32, #tpu.memory_space<vmem_shared>>
          %dma_wait3A_491 = tpu.memref_slice %arg12[%dma_wait3A_480] : memref<8x!tpu.dma_semaphore, #tpu.memory_space<semaphore_mem>> -> memref<1x!tpu.dma_semaphore, #tpu.memory_space<semaphore_mem>>
          %dma_wait3A_492 = tpu.memref_squeeze %dma_wait3A_491 : memref<1x!tpu.dma_semaphore, #tpu.memory_space<semaphore_mem>> -> memref<!tpu.dma_semaphore, #tpu.memory_space<semaphore_mem>>
          tpu.wait_indirect_dma semaphore(%dma_wait3A_492 : memref<!tpu.dma_semaphore, #tpu.memory_space<semaphore_mem>>) src(%dma_wait3A_484 : memref<128x16xf32, #tpu.memory_space<vmem>>) dst(%dma_wait3A_490 : memref<10240x16xf32, #tpu.memory_space<vmem_shared>>)
        } else {
        }
        %add3A_261 = arith.constant 4 : i32
        %add3A_262 = arith.addi %add3A_227, %add3A_261 : i32
        %lt3A_263 = arith.constant 128 : i32
        %lt3A_264 = arith.cmpi slt, %add3A_262, %lt3A_263 : i32
        %convert_element_type3A_265 = arith.extui %lt3A_264 : i1 to i32
        %cond3A_266 = arith.constant 0 : i32
        %cond3A_267 = arith.cmpi ne, %convert_element_type3A_265, %cond3A_266 : i32
        scf.if %cond3A_267 {
          %add3A_478 = arith.constant 4 : i32
          %add3A_479 = arith.addi %add3A_227, %add3A_478 : i32
          %dma_start3A_480 = arith.constant 6 : i32
          %dma_start3A_481 = arith.constant 6 : i32
          %dma_start3A_482 = arith.constant 0 : i32
          %dma_start3A_483 = arith.constant 0 : i32
          %dma_start3A_484 = tpu.memref_slice %arg9[%dma_start3A_480, %dma_start3A_482, %dma_start3A_483] : memref<8x128x16xf32, #tpu.memory_space<vmem>> -> memref<1x128x16xf32, #tpu.memory_space<vmem>>
          %dma_start3A_485 = tpu.memref_squeeze %dma_start3A_484 : memref<1x128x16xf32, #tpu.memory_space<vmem>> -> memref<128x16xf32, #tpu.memory_space<vmem>>
          %dma_start3A_486 = arith.constant 0 : i32
          %dma_start3A_487 = tpu.memref_slice %arg7[%add3A_479, %dma_start3A_486] : memref<128x128xi32, #tpu.memory_space<vmem>> -> memref<1x128xi32, #tpu.memory_space<vmem>>
          %dma_start3A_488 = tpu.memref_squeeze %dma_start3A_487 : memref<1x128xi32, #tpu.memory_space<vmem>> -> memref<128xi32, #tpu.memory_space<vmem>>
          %dma_start3A_489 = arith.constant 0 : i32
          %dma_start3A_490 = arith.constant 0 : i32
          %dma_start3A_491 = tpu.memref_slice %arg2[%dma_start3A_489, %dma_start3A_490] : memref<10000x16xf32, #tpu.memory_space<hbm>> -> memref<10000x16xf32, #tpu.memory_space<hbm>>
          %dma_start3A_492 = tpu.memref_slice %arg11[%dma_start3A_481] : memref<8x!tpu.dma_semaphore, #tpu.memory_space<semaphore_mem>> -> memref<1x!tpu.dma_semaphore, #tpu.memory_space<semaphore_mem>>
          %dma_start3A_493 = tpu.memref_squeeze %dma_start3A_492 : memref<1x!tpu.dma_semaphore, #tpu.memory_space<semaphore_mem>> -> memref<!tpu.dma_semaphore, #tpu.memory_space<semaphore_mem>>
          tpu.enqueue_indirect_dma source(%dma_start3A_491 : memref<10000x16xf32, #tpu.memory_space<hbm>>) target(%dma_start3A_485 : memref<128x16xf32, #tpu.memory_space<vmem>>) offsets(%dma_start3A_488 : memref<128xi32, #tpu.memory_space<vmem>>) semaphore(%dma_start3A_493 : memref<!tpu.dma_semaphore, #tpu.memory_space<semaphore_mem>>)
        } else {
        }
        %add3A_268 = arith.constant 3 : i32
        %add3A_269 = arith.addi %mul3A_144, %add3A_268 : i32
        %dma_wait3A_270 = arith.constant 3 : i32
        %dma_wait3A_271 = arith.constant 3 : i32
        %dma_wait3A_272 = arith.constant 0 : i32
        %dma_wait3A_273 = arith.constant 0 : i32
        %dma_wait3A_274 = tpu.memref_slice %arg9[%dma_wait3A_270, %dma_wait3A_272, %dma_wait3A_273] : memref<8x128x16xf32, #tpu.memory_space<vmem>> -> memref<1x128x16xf32, #tpu.memory_space<vmem>>
        %dma_wait3A_275 = tpu.memref_squeeze %dma_wait3A_274 : memref<1x128x16xf32, #tpu.memory_space<vmem>> -> memref<128x16xf32, #tpu.memory_space<vmem>>
        %dma_wait3A_276 = arith.constant 0 : i32
        %dma_wait3A_277 = tpu.memref_slice %arg7[%add3A_269, %dma_wait3A_276] : memref<128x128xi32, #tpu.memory_space<vmem>> -> memref<1x128xi32, #tpu.memory_space<vmem>>
        %dma_wait3A_278 = tpu.memref_squeeze %dma_wait3A_277 : memref<1x128xi32, #tpu.memory_space<vmem>> -> memref<128xi32, #tpu.memory_space<vmem>>
        %dma_wait3A_279 = arith.constant 0 : i32
        %dma_wait3A_280 = arith.constant 0 : i32
        %dma_wait3A_281 = tpu.memref_slice %arg2[%dma_wait3A_279, %dma_wait3A_280] : memref<10000x16xf32, #tpu.memory_space<hbm>> -> memref<10000x16xf32, #tpu.memory_space<hbm>>
        %dma_wait3A_282 = tpu.memref_slice %arg11[%dma_wait3A_271] : memref<8x!tpu.dma_semaphore, #tpu.memory_space<semaphore_mem>> -> memref<1x!tpu.dma_semaphore, #tpu.memory_space<semaphore_mem>>
        %dma_wait3A_283 = tpu.memref_squeeze %dma_wait3A_282 : memref<1x!tpu.dma_semaphore, #tpu.memory_space<semaphore_mem>> -> memref<!tpu.dma_semaphore, #tpu.memory_space<semaphore_mem>>
        tpu.wait_indirect_dma semaphore(%dma_wait3A_283 : memref<!tpu.dma_semaphore, #tpu.memory_space<semaphore_mem>>) src(%dma_wait3A_281 : memref<10000x16xf32, #tpu.memory_space<hbm>>) dst(%dma_wait3A_275 : memref<128x16xf32, #tpu.memory_space<vmem>>)
        %dma_start3A_284 = arith.constant 3 : i32
        %dma_start3A_285 = arith.constant 3 : i32
        %dma_start3A_286 = arith.constant 0 : i32
        %dma_start3A_287 = arith.constant 0 : i32
        %dma_start3A_288 = tpu.memref_slice %arg9[%dma_start3A_284, %dma_start3A_286, %dma_start3A_287] : memref<8x128x16xf32, #tpu.memory_space<vmem>> -> memref<1x128x16xf32, #tpu.memory_space<vmem>>
        %dma_start3A_289 = tpu.memref_squeeze %dma_start3A_288 : memref<1x128x16xf32, #tpu.memory_space<vmem>> -> memref<128x16xf32, #tpu.memory_space<vmem>>
        %dma_start3A_290 = arith.constant 0 : i32
        %dma_start3A_291 = tpu.memref_slice %arg8[%add3A_269, %dma_start3A_290] : memref<128x128xi32, #tpu.memory_space<vmem>> -> memref<1x128xi32, #tpu.memory_space<vmem>>
        %dma_start3A_292 = tpu.memref_squeeze %dma_start3A_291 : memref<1x128xi32, #tpu.memory_space<vmem>> -> memref<128xi32, #tpu.memory_space<vmem>>
        %dma_start3A_293 = arith.constant 0 : i32
        %dma_start3A_294 = arith.constant 0 : i32
        %dma_start3A_295 = tpu.memref_slice %arg6[%dma_start3A_293, %dma_start3A_294] : memref<10240x16xf32, #tpu.memory_space<vmem_shared>> -> memref<10240x16xf32, #tpu.memory_space<vmem_shared>>
        %dma_start3A_296 = tpu.memref_slice %arg12[%dma_start3A_285] : memref<8x!tpu.dma_semaphore, #tpu.memory_space<semaphore_mem>> -> memref<1x!tpu.dma_semaphore, #tpu.memory_space<semaphore_mem>>
        %dma_start3A_297 = tpu.memref_squeeze %dma_start3A_296 : memref<1x!tpu.dma_semaphore, #tpu.memory_space<semaphore_mem>> -> memref<!tpu.dma_semaphore, #tpu.memory_space<semaphore_mem>>
        tpu.enqueue_indirect_dma source(%dma_start3A_289 : memref<128x16xf32, #tpu.memory_space<vmem>>) target(%dma_start3A_295 : memref<10240x16xf32, #tpu.memory_space<vmem_shared>>) offsets(%dma_start3A_292 : memref<128xi32, #tpu.memory_space<vmem>>) semaphore(%dma_start3A_297 : memref<!tpu.dma_semaphore, #tpu.memory_space<semaphore_mem>>) {add = true}
        %ge3A_298 = arith.constant 4 : i32
        %ge3A_299 = arith.cmpi sge, %add3A_269, %ge3A_298 : i32
        %convert_element_type3A_300 = arith.extui %ge3A_299 : i1 to i32
        %cond3A_301 = arith.constant 0 : i32
        %cond3A_302 = arith.cmpi ne, %convert_element_type3A_300, %cond3A_301 : i32
        scf.if %cond3A_302 {
          %sub3A = arith.constant 4 : i32
          %sub3A_478 = arith.subi %add3A_269, %sub3A : i32
          %dma_wait3A_479 = arith.constant 7 : i32
          %dma_wait3A_480 = arith.constant 7 : i32
          %dma_wait3A_481 = arith.constant 0 : i32
          %dma_wait3A_482 = arith.constant 0 : i32
          %dma_wait3A_483 = tpu.memref_slice %arg9[%dma_wait3A_479, %dma_wait3A_481, %dma_wait3A_482] : memref<8x128x16xf32, #tpu.memory_space<vmem>> -> memref<1x128x16xf32, #tpu.memory_space<vmem>>
          %dma_wait3A_484 = tpu.memref_squeeze %dma_wait3A_483 : memref<1x128x16xf32, #tpu.memory_space<vmem>> -> memref<128x16xf32, #tpu.memory_space<vmem>>
          %dma_wait3A_485 = arith.constant 0 : i32
          %dma_wait3A_486 = tpu.memref_slice %arg8[%sub3A_478, %dma_wait3A_485] : memref<128x128xi32, #tpu.memory_space<vmem>> -> memref<1x128xi32, #tpu.memory_space<vmem>>
          %dma_wait3A_487 = tpu.memref_squeeze %dma_wait3A_486 : memref<1x128xi32, #tpu.memory_space<vmem>> -> memref<128xi32, #tpu.memory_space<vmem>>
          %dma_wait3A_488 = arith.constant 0 : i32
          %dma_wait3A_489 = arith.constant 0 : i32
          %dma_wait3A_490 = tpu.memref_slice %arg6[%dma_wait3A_488, %dma_wait3A_489] : memref<10240x16xf32, #tpu.memory_space<vmem_shared>> -> memref<10240x16xf32, #tpu.memory_space<vmem_shared>>
          %dma_wait3A_491 = tpu.memref_slice %arg12[%dma_wait3A_480] : memref<8x!tpu.dma_semaphore, #tpu.memory_space<semaphore_mem>> -> memref<1x!tpu.dma_semaphore, #tpu.memory_space<semaphore_mem>>
          %dma_wait3A_492 = tpu.memref_squeeze %dma_wait3A_491 : memref<1x!tpu.dma_semaphore, #tpu.memory_space<semaphore_mem>> -> memref<!tpu.dma_semaphore, #tpu.memory_space<semaphore_mem>>
          tpu.wait_indirect_dma semaphore(%dma_wait3A_492 : memref<!tpu.dma_semaphore, #tpu.memory_space<semaphore_mem>>) src(%dma_wait3A_484 : memref<128x16xf32, #tpu.memory_space<vmem>>) dst(%dma_wait3A_490 : memref<10240x16xf32, #tpu.memory_space<vmem_shared>>)
        } else {
        }
        %add3A_303 = arith.constant 4 : i32
        %add3A_304 = arith.addi %add3A_269, %add3A_303 : i32
        %lt3A_305 = arith.constant 128 : i32
        %lt3A_306 = arith.cmpi slt, %add3A_304, %lt3A_305 : i32
        %convert_element_type3A_307 = arith.extui %lt3A_306 : i1 to i32
        %cond3A_308 = arith.constant 0 : i32
        %cond3A_309 = arith.cmpi ne, %convert_element_type3A_307, %cond3A_308 : i32
        scf.if %cond3A_309 {
          %add3A_478 = arith.constant 4 : i32
          %add3A_479 = arith.addi %add3A_269, %add3A_478 : i32
          %dma_start3A_480 = arith.constant 7 : i32
          %dma_start3A_481 = arith.constant 7 : i32
          %dma_start3A_482 = arith.constant 0 : i32
          %dma_start3A_483 = arith.constant 0 : i32
          %dma_start3A_484 = tpu.memref_slice %arg9[%dma_start3A_480, %dma_start3A_482, %dma_start3A_483] : memref<8x128x16xf32, #tpu.memory_space<vmem>> -> memref<1x128x16xf32, #tpu.memory_space<vmem>>
          %dma_start3A_485 = tpu.memref_squeeze %dma_start3A_484 : memref<1x128x16xf32, #tpu.memory_space<vmem>> -> memref<128x16xf32, #tpu.memory_space<vmem>>
          %dma_start3A_486 = arith.constant 0 : i32
          %dma_start3A_487 = tpu.memref_slice %arg7[%add3A_479, %dma_start3A_486] : memref<128x128xi32, #tpu.memory_space<vmem>> -> memref<1x128xi32, #tpu.memory_space<vmem>>
          %dma_start3A_488 = tpu.memref_squeeze %dma_start3A_487 : memref<1x128xi32, #tpu.memory_space<vmem>> -> memref<128xi32, #tpu.memory_space<vmem>>
          %dma_start3A_489 = arith.constant 0 : i32
          %dma_start3A_490 = arith.constant 0 : i32
          %dma_start3A_491 = tpu.memref_slice %arg2[%dma_start3A_489, %dma_start3A_490] : memref<10000x16xf32, #tpu.memory_space<hbm>> -> memref<10000x16xf32, #tpu.memory_space<hbm>>
          %dma_start3A_492 = tpu.memref_slice %arg11[%dma_start3A_481] : memref<8x!tpu.dma_semaphore, #tpu.memory_space<semaphore_mem>> -> memref<1x!tpu.dma_semaphore, #tpu.memory_space<semaphore_mem>>
          %dma_start3A_493 = tpu.memref_squeeze %dma_start3A_492 : memref<1x!tpu.dma_semaphore, #tpu.memory_space<semaphore_mem>> -> memref<!tpu.dma_semaphore, #tpu.memory_space<semaphore_mem>>
          tpu.enqueue_indirect_dma source(%dma_start3A_491 : memref<10000x16xf32, #tpu.memory_space<hbm>>) target(%dma_start3A_485 : memref<128x16xf32, #tpu.memory_space<vmem>>) offsets(%dma_start3A_488 : memref<128xi32, #tpu.memory_space<vmem>>) semaphore(%dma_start3A_493 : memref<!tpu.dma_semaphore, #tpu.memory_space<semaphore_mem>>)
        } else {
        }
        %add3A_310 = arith.constant 4 : i32
        %add3A_311 = arith.addi %mul3A_144, %add3A_310 : i32
        %dma_wait3A_312 = arith.constant 4 : i32
        %dma_wait3A_313 = arith.constant 4 : i32
        %dma_wait3A_314 = arith.constant 0 : i32
        %dma_wait3A_315 = arith.constant 0 : i32
        %dma_wait3A_316 = tpu.memref_slice %arg9[%dma_wait3A_312, %dma_wait3A_314, %dma_wait3A_315] : memref<8x128x16xf32, #tpu.memory_space<vmem>> -> memref<1x128x16xf32, #tpu.memory_space<vmem>>
        %dma_wait3A_317 = tpu.memref_squeeze %dma_wait3A_316 : memref<1x128x16xf32, #tpu.memory_space<vmem>> -> memref<128x16xf32, #tpu.memory_space<vmem>>
        %dma_wait3A_318 = arith.constant 0 : i32
        %dma_wait3A_319 = tpu.memref_slice %arg7[%add3A_311, %dma_wait3A_318] : memref<128x128xi32, #tpu.memory_space<vmem>> -> memref<1x128xi32, #tpu.memory_space<vmem>>
        %dma_wait3A_320 = tpu.memref_squeeze %dma_wait3A_319 : memref<1x128xi32, #tpu.memory_space<vmem>> -> memref<128xi32, #tpu.memory_space<vmem>>
        %dma_wait3A_321 = arith.constant 0 : i32
        %dma_wait3A_322 = arith.constant 0 : i32
        %dma_wait3A_323 = tpu.memref_slice %arg2[%dma_wait3A_321, %dma_wait3A_322] : memref<10000x16xf32, #tpu.memory_space<hbm>> -> memref<10000x16xf32, #tpu.memory_space<hbm>>
        %dma_wait3A_324 = tpu.memref_slice %arg11[%dma_wait3A_313] : memref<8x!tpu.dma_semaphore, #tpu.memory_space<semaphore_mem>> -> memref<1x!tpu.dma_semaphore, #tpu.memory_space<semaphore_mem>>
        %dma_wait3A_325 = tpu.memref_squeeze %dma_wait3A_324 : memref<1x!tpu.dma_semaphore, #tpu.memory_space<semaphore_mem>> -> memref<!tpu.dma_semaphore, #tpu.memory_space<semaphore_mem>>
        tpu.wait_indirect_dma semaphore(%dma_wait3A_325 : memref<!tpu.dma_semaphore, #tpu.memory_space<semaphore_mem>>) src(%dma_wait3A_323 : memref<10000x16xf32, #tpu.memory_space<hbm>>) dst(%dma_wait3A_317 : memref<128x16xf32, #tpu.memory_space<vmem>>)
        %dma_start3A_326 = arith.constant 4 : i32
        %dma_start3A_327 = arith.constant 4 : i32
        %dma_start3A_328 = arith.constant 0 : i32
        %dma_start3A_329 = arith.constant 0 : i32
        %dma_start3A_330 = tpu.memref_slice %arg9[%dma_start3A_326, %dma_start3A_328, %dma_start3A_329] : memref<8x128x16xf32, #tpu.memory_space<vmem>> -> memref<1x128x16xf32, #tpu.memory_space<vmem>>
        %dma_start3A_331 = tpu.memref_squeeze %dma_start3A_330 : memref<1x128x16xf32, #tpu.memory_space<vmem>> -> memref<128x16xf32, #tpu.memory_space<vmem>>
        %dma_start3A_332 = arith.constant 0 : i32
        %dma_start3A_333 = tpu.memref_slice %arg8[%add3A_311, %dma_start3A_332] : memref<128x128xi32, #tpu.memory_space<vmem>> -> memref<1x128xi32, #tpu.memory_space<vmem>>
        %dma_start3A_334 = tpu.memref_squeeze %dma_start3A_333 : memref<1x128xi32, #tpu.memory_space<vmem>> -> memref<128xi32, #tpu.memory_space<vmem>>
        %dma_start3A_335 = arith.constant 0 : i32
        %dma_start3A_336 = arith.constant 0 : i32
        %dma_start3A_337 = tpu.memref_slice %arg6[%dma_start3A_335, %dma_start3A_336] : memref<10240x16xf32, #tpu.memory_space<vmem_shared>> -> memref<10240x16xf32, #tpu.memory_space<vmem_shared>>
        %dma_start3A_338 = tpu.memref_slice %arg12[%dma_start3A_327] : memref<8x!tpu.dma_semaphore, #tpu.memory_space<semaphore_mem>> -> memref<1x!tpu.dma_semaphore, #tpu.memory_space<semaphore_mem>>
        %dma_start3A_339 = tpu.memref_squeeze %dma_start3A_338 : memref<1x!tpu.dma_semaphore, #tpu.memory_space<semaphore_mem>> -> memref<!tpu.dma_semaphore, #tpu.memory_space<semaphore_mem>>
        tpu.enqueue_indirect_dma source(%dma_start3A_331 : memref<128x16xf32, #tpu.memory_space<vmem>>) target(%dma_start3A_337 : memref<10240x16xf32, #tpu.memory_space<vmem_shared>>) offsets(%dma_start3A_334 : memref<128xi32, #tpu.memory_space<vmem>>) semaphore(%dma_start3A_339 : memref<!tpu.dma_semaphore, #tpu.memory_space<semaphore_mem>>) {add = true}
        %ge3A_340 = arith.constant 4 : i32
        %ge3A_341 = arith.cmpi sge, %add3A_311, %ge3A_340 : i32
        %convert_element_type3A_342 = arith.extui %ge3A_341 : i1 to i32
        %cond3A_343 = arith.constant 0 : i32
        %cond3A_344 = arith.cmpi ne, %convert_element_type3A_342, %cond3A_343 : i32
        scf.if %cond3A_344 {
          %sub3A = arith.constant 4 : i32
          %sub3A_478 = arith.subi %add3A_311, %sub3A : i32
          %dma_wait3A_479 = arith.constant 0 : i32
          %dma_wait3A_480 = arith.constant 0 : i32
          %dma_wait3A_481 = arith.constant 0 : i32
          %dma_wait3A_482 = arith.constant 0 : i32
          %dma_wait3A_483 = tpu.memref_slice %arg9[%dma_wait3A_479, %dma_wait3A_481, %dma_wait3A_482] : memref<8x128x16xf32, #tpu.memory_space<vmem>> -> memref<1x128x16xf32, #tpu.memory_space<vmem>>
          %dma_wait3A_484 = tpu.memref_squeeze %dma_wait3A_483 : memref<1x128x16xf32, #tpu.memory_space<vmem>> -> memref<128x16xf32, #tpu.memory_space<vmem>>
          %dma_wait3A_485 = arith.constant 0 : i32
          %dma_wait3A_486 = tpu.memref_slice %arg8[%sub3A_478, %dma_wait3A_485] : memref<128x128xi32, #tpu.memory_space<vmem>> -> memref<1x128xi32, #tpu.memory_space<vmem>>
          %dma_wait3A_487 = tpu.memref_squeeze %dma_wait3A_486 : memref<1x128xi32, #tpu.memory_space<vmem>> -> memref<128xi32, #tpu.memory_space<vmem>>
          %dma_wait3A_488 = arith.constant 0 : i32
          %dma_wait3A_489 = arith.constant 0 : i32
          %dma_wait3A_490 = tpu.memref_slice %arg6[%dma_wait3A_488, %dma_wait3A_489] : memref<10240x16xf32, #tpu.memory_space<vmem_shared>> -> memref<10240x16xf32, #tpu.memory_space<vmem_shared>>
          %dma_wait3A_491 = tpu.memref_slice %arg12[%dma_wait3A_480] : memref<8x!tpu.dma_semaphore, #tpu.memory_space<semaphore_mem>> -> memref<1x!tpu.dma_semaphore, #tpu.memory_space<semaphore_mem>>
          %dma_wait3A_492 = tpu.memref_squeeze %dma_wait3A_491 : memref<1x!tpu.dma_semaphore, #tpu.memory_space<semaphore_mem>> -> memref<!tpu.dma_semaphore, #tpu.memory_space<semaphore_mem>>
          tpu.wait_indirect_dma semaphore(%dma_wait3A_492 : memref<!tpu.dma_semaphore, #tpu.memory_space<semaphore_mem>>) src(%dma_wait3A_484 : memref<128x16xf32, #tpu.memory_space<vmem>>) dst(%dma_wait3A_490 : memref<10240x16xf32, #tpu.memory_space<vmem_shared>>)
        } else {
        }
        %add3A_345 = arith.constant 4 : i32
        %add3A_346 = arith.addi %add3A_311, %add3A_345 : i32
        %lt3A_347 = arith.constant 128 : i32
        %lt3A_348 = arith.cmpi slt, %add3A_346, %lt3A_347 : i32
        %convert_element_type3A_349 = arith.extui %lt3A_348 : i1 to i32
        %cond3A_350 = arith.constant 0 : i32
        %cond3A_351 = arith.cmpi ne, %convert_element_type3A_349, %cond3A_350 : i32
        scf.if %cond3A_351 {
          %add3A_478 = arith.constant 4 : i32
          %add3A_479 = arith.addi %add3A_311, %add3A_478 : i32
          %dma_start3A_480 = arith.constant 0 : i32
          %dma_start3A_481 = arith.constant 0 : i32
          %dma_start3A_482 = arith.constant 0 : i32
          %dma_start3A_483 = arith.constant 0 : i32
          %dma_start3A_484 = tpu.memref_slice %arg9[%dma_start3A_480, %dma_start3A_482, %dma_start3A_483] : memref<8x128x16xf32, #tpu.memory_space<vmem>> -> memref<1x128x16xf32, #tpu.memory_space<vmem>>
          %dma_start3A_485 = tpu.memref_squeeze %dma_start3A_484 : memref<1x128x16xf32, #tpu.memory_space<vmem>> -> memref<128x16xf32, #tpu.memory_space<vmem>>
          %dma_start3A_486 = arith.constant 0 : i32
          %dma_start3A_487 = tpu.memref_slice %arg7[%add3A_479, %dma_start3A_486] : memref<128x128xi32, #tpu.memory_space<vmem>> -> memref<1x128xi32, #tpu.memory_space<vmem>>
          %dma_start3A_488 = tpu.memref_squeeze %dma_start3A_487 : memref<1x128xi32, #tpu.memory_space<vmem>> -> memref<128xi32, #tpu.memory_space<vmem>>
          %dma_start3A_489 = arith.constant 0 : i32
          %dma_start3A_490 = arith.constant 0 : i32
          %dma_start3A_491 = tpu.memref_slice %arg2[%dma_start3A_489, %dma_start3A_490] : memref<10000x16xf32, #tpu.memory_space<hbm>> -> memref<10000x16xf32, #tpu.memory_space<hbm>>
          %dma_start3A_492 = tpu.memref_slice %arg11[%dma_start3A_481] : memref<8x!tpu.dma_semaphore, #tpu.memory_space<semaphore_mem>> -> memref<1x!tpu.dma_semaphore, #tpu.memory_space<semaphore_mem>>
          %dma_start3A_493 = tpu.memref_squeeze %dma_start3A_492 : memref<1x!tpu.dma_semaphore, #tpu.memory_space<semaphore_mem>> -> memref<!tpu.dma_semaphore, #tpu.memory_space<semaphore_mem>>
          tpu.enqueue_indirect_dma source(%dma_start3A_491 : memref<10000x16xf32, #tpu.memory_space<hbm>>) target(%dma_start3A_485 : memref<128x16xf32, #tpu.memory_space<vmem>>) offsets(%dma_start3A_488 : memref<128xi32, #tpu.memory_space<vmem>>) semaphore(%dma_start3A_493 : memref<!tpu.dma_semaphore, #tpu.memory_space<semaphore_mem>>)
        } else {
        }
        %add3A_352 = arith.constant 5 : i32
        %add3A_353 = arith.addi %mul3A_144, %add3A_352 : i32
        %dma_wait3A_354 = arith.constant 5 : i32
        %dma_wait3A_355 = arith.constant 5 : i32
        %dma_wait3A_356 = arith.constant 0 : i32
        %dma_wait3A_357 = arith.constant 0 : i32
        %dma_wait3A_358 = tpu.memref_slice %arg9[%dma_wait3A_354, %dma_wait3A_356, %dma_wait3A_357] : memref<8x128x16xf32, #tpu.memory_space<vmem>> -> memref<1x128x16xf32, #tpu.memory_space<vmem>>
        %dma_wait3A_359 = tpu.memref_squeeze %dma_wait3A_358 : memref<1x128x16xf32, #tpu.memory_space<vmem>> -> memref<128x16xf32, #tpu.memory_space<vmem>>
        %dma_wait3A_360 = arith.constant 0 : i32
        %dma_wait3A_361 = tpu.memref_slice %arg7[%add3A_353, %dma_wait3A_360] : memref<128x128xi32, #tpu.memory_space<vmem>> -> memref<1x128xi32, #tpu.memory_space<vmem>>
        %dma_wait3A_362 = tpu.memref_squeeze %dma_wait3A_361 : memref<1x128xi32, #tpu.memory_space<vmem>> -> memref<128xi32, #tpu.memory_space<vmem>>
        %dma_wait3A_363 = arith.constant 0 : i32
        %dma_wait3A_364 = arith.constant 0 : i32
        %dma_wait3A_365 = tpu.memref_slice %arg2[%dma_wait3A_363, %dma_wait3A_364] : memref<10000x16xf32, #tpu.memory_space<hbm>> -> memref<10000x16xf32, #tpu.memory_space<hbm>>
        %dma_wait3A_366 = tpu.memref_slice %arg11[%dma_wait3A_355] : memref<8x!tpu.dma_semaphore, #tpu.memory_space<semaphore_mem>> -> memref<1x!tpu.dma_semaphore, #tpu.memory_space<semaphore_mem>>
        %dma_wait3A_367 = tpu.memref_squeeze %dma_wait3A_366 : memref<1x!tpu.dma_semaphore, #tpu.memory_space<semaphore_mem>> -> memref<!tpu.dma_semaphore, #tpu.memory_space<semaphore_mem>>
        tpu.wait_indirect_dma semaphore(%dma_wait3A_367 : memref<!tpu.dma_semaphore, #tpu.memory_space<semaphore_mem>>) src(%dma_wait3A_365 : memref<10000x16xf32, #tpu.memory_space<hbm>>) dst(%dma_wait3A_359 : memref<128x16xf32, #tpu.memory_space<vmem>>)
        %dma_start3A_368 = arith.constant 5 : i32
        %dma_start3A_369 = arith.constant 5 : i32
        %dma_start3A_370 = arith.constant 0 : i32
        %dma_start3A_371 = arith.constant 0 : i32
        %dma_start3A_372 = tpu.memref_slice %arg9[%dma_start3A_368, %dma_start3A_370, %dma_start3A_371] : memref<8x128x16xf32, #tpu.memory_space<vmem>> -> memref<1x128x16xf32, #tpu.memory_space<vmem>>
        %dma_start3A_373 = tpu.memref_squeeze %dma_start3A_372 : memref<1x128x16xf32, #tpu.memory_space<vmem>> -> memref<128x16xf32, #tpu.memory_space<vmem>>
        %dma_start3A_374 = arith.constant 0 : i32
        %dma_start3A_375 = tpu.memref_slice %arg8[%add3A_353, %dma_start3A_374] : memref<128x128xi32, #tpu.memory_space<vmem>> -> memref<1x128xi32, #tpu.memory_space<vmem>>
        %dma_start3A_376 = tpu.memref_squeeze %dma_start3A_375 : memref<1x128xi32, #tpu.memory_space<vmem>> -> memref<128xi32, #tpu.memory_space<vmem>>
        %dma_start3A_377 = arith.constant 0 : i32
        %dma_start3A_378 = arith.constant 0 : i32
        %dma_start3A_379 = tpu.memref_slice %arg6[%dma_start3A_377, %dma_start3A_378] : memref<10240x16xf32, #tpu.memory_space<vmem_shared>> -> memref<10240x16xf32, #tpu.memory_space<vmem_shared>>
        %dma_start3A_380 = tpu.memref_slice %arg12[%dma_start3A_369] : memref<8x!tpu.dma_semaphore, #tpu.memory_space<semaphore_mem>> -> memref<1x!tpu.dma_semaphore, #tpu.memory_space<semaphore_mem>>
        %dma_start3A_381 = tpu.memref_squeeze %dma_start3A_380 : memref<1x!tpu.dma_semaphore, #tpu.memory_space<semaphore_mem>> -> memref<!tpu.dma_semaphore, #tpu.memory_space<semaphore_mem>>
        tpu.enqueue_indirect_dma source(%dma_start3A_373 : memref<128x16xf32, #tpu.memory_space<vmem>>) target(%dma_start3A_379 : memref<10240x16xf32, #tpu.memory_space<vmem_shared>>) offsets(%dma_start3A_376 : memref<128xi32, #tpu.memory_space<vmem>>) semaphore(%dma_start3A_381 : memref<!tpu.dma_semaphore, #tpu.memory_space<semaphore_mem>>) {add = true}
        %ge3A_382 = arith.constant 4 : i32
        %ge3A_383 = arith.cmpi sge, %add3A_353, %ge3A_382 : i32
        %convert_element_type3A_384 = arith.extui %ge3A_383 : i1 to i32
        %cond3A_385 = arith.constant 0 : i32
        %cond3A_386 = arith.cmpi ne, %convert_element_type3A_384, %cond3A_385 : i32
        scf.if %cond3A_386 {
          %sub3A = arith.constant 4 : i32
          %sub3A_478 = arith.subi %add3A_353, %sub3A : i32
          %dma_wait3A_479 = arith.constant 1 : i32
          %dma_wait3A_480 = arith.constant 1 : i32
          %dma_wait3A_481 = arith.constant 0 : i32
          %dma_wait3A_482 = arith.constant 0 : i32
          %dma_wait3A_483 = tpu.memref_slice %arg9[%dma_wait3A_479, %dma_wait3A_481, %dma_wait3A_482] : memref<8x128x16xf32, #tpu.memory_space<vmem>> -> memref<1x128x16xf32, #tpu.memory_space<vmem>>
          %dma_wait3A_484 = tpu.memref_squeeze %dma_wait3A_483 : memref<1x128x16xf32, #tpu.memory_space<vmem>> -> memref<128x16xf32, #tpu.memory_space<vmem>>
          %dma_wait3A_485 = arith.constant 0 : i32
          %dma_wait3A_486 = tpu.memref_slice %arg8[%sub3A_478, %dma_wait3A_485] : memref<128x128xi32, #tpu.memory_space<vmem>> -> memref<1x128xi32, #tpu.memory_space<vmem>>
          %dma_wait3A_487 = tpu.memref_squeeze %dma_wait3A_486 : memref<1x128xi32, #tpu.memory_space<vmem>> -> memref<128xi32, #tpu.memory_space<vmem>>
          %dma_wait3A_488 = arith.constant 0 : i32
          %dma_wait3A_489 = arith.constant 0 : i32
          %dma_wait3A_490 = tpu.memref_slice %arg6[%dma_wait3A_488, %dma_wait3A_489] : memref<10240x16xf32, #tpu.memory_space<vmem_shared>> -> memref<10240x16xf32, #tpu.memory_space<vmem_shared>>
          %dma_wait3A_491 = tpu.memref_slice %arg12[%dma_wait3A_480] : memref<8x!tpu.dma_semaphore, #tpu.memory_space<semaphore_mem>> -> memref<1x!tpu.dma_semaphore, #tpu.memory_space<semaphore_mem>>
          %dma_wait3A_492 = tpu.memref_squeeze %dma_wait3A_491 : memref<1x!tpu.dma_semaphore, #tpu.memory_space<semaphore_mem>> -> memref<!tpu.dma_semaphore, #tpu.memory_space<semaphore_mem>>
          tpu.wait_indirect_dma semaphore(%dma_wait3A_492 : memref<!tpu.dma_semaphore, #tpu.memory_space<semaphore_mem>>) src(%dma_wait3A_484 : memref<128x16xf32, #tpu.memory_space<vmem>>) dst(%dma_wait3A_490 : memref<10240x16xf32, #tpu.memory_space<vmem_shared>>)
        } else {
        }
        %add3A_387 = arith.constant 4 : i32
        %add3A_388 = arith.addi %add3A_353, %add3A_387 : i32
        %lt3A_389 = arith.constant 128 : i32
        %lt3A_390 = arith.cmpi slt, %add3A_388, %lt3A_389 : i32
        %convert_element_type3A_391 = arith.extui %lt3A_390 : i1 to i32
        %cond3A_392 = arith.constant 0 : i32
        %cond3A_393 = arith.cmpi ne, %convert_element_type3A_391, %cond3A_392 : i32
        scf.if %cond3A_393 {
          %add3A_478 = arith.constant 4 : i32
          %add3A_479 = arith.addi %add3A_353, %add3A_478 : i32
          %dma_start3A_480 = arith.constant 1 : i32
          %dma_start3A_481 = arith.constant 1 : i32
          %dma_start3A_482 = arith.constant 0 : i32
          %dma_start3A_483 = arith.constant 0 : i32
          %dma_start3A_484 = tpu.memref_slice %arg9[%dma_start3A_480, %dma_start3A_482, %dma_start3A_483] : memref<8x128x16xf32, #tpu.memory_space<vmem>> -> memref<1x128x16xf32, #tpu.memory_space<vmem>>
          %dma_start3A_485 = tpu.memref_squeeze %dma_start3A_484 : memref<1x128x16xf32, #tpu.memory_space<vmem>> -> memref<128x16xf32, #tpu.memory_space<vmem>>
          %dma_start3A_486 = arith.constant 0 : i32
          %dma_start3A_487 = tpu.memref_slice %arg7[%add3A_479, %dma_start3A_486] : memref<128x128xi32, #tpu.memory_space<vmem>> -> memref<1x128xi32, #tpu.memory_space<vmem>>
          %dma_start3A_488 = tpu.memref_squeeze %dma_start3A_487 : memref<1x128xi32, #tpu.memory_space<vmem>> -> memref<128xi32, #tpu.memory_space<vmem>>
          %dma_start3A_489 = arith.constant 0 : i32
          %dma_start3A_490 = arith.constant 0 : i32
          %dma_start3A_491 = tpu.memref_slice %arg2[%dma_start3A_489, %dma_start3A_490] : memref<10000x16xf32, #tpu.memory_space<hbm>> -> memref<10000x16xf32, #tpu.memory_space<hbm>>
          %dma_start3A_492 = tpu.memref_slice %arg11[%dma_start3A_481] : memref<8x!tpu.dma_semaphore, #tpu.memory_space<semaphore_mem>> -> memref<1x!tpu.dma_semaphore, #tpu.memory_space<semaphore_mem>>
          %dma_start3A_493 = tpu.memref_squeeze %dma_start3A_492 : memref<1x!tpu.dma_semaphore, #tpu.memory_space<semaphore_mem>> -> memref<!tpu.dma_semaphore, #tpu.memory_space<semaphore_mem>>
          tpu.enqueue_indirect_dma source(%dma_start3A_491 : memref<10000x16xf32, #tpu.memory_space<hbm>>) target(%dma_start3A_485 : memref<128x16xf32, #tpu.memory_space<vmem>>) offsets(%dma_start3A_488 : memref<128xi32, #tpu.memory_space<vmem>>) semaphore(%dma_start3A_493 : memref<!tpu.dma_semaphore, #tpu.memory_space<semaphore_mem>>)
        } else {
        }
        %add3A_394 = arith.constant 6 : i32
        %add3A_395 = arith.addi %mul3A_144, %add3A_394 : i32
        %dma_wait3A_396 = arith.constant 6 : i32
        %dma_wait3A_397 = arith.constant 6 : i32
        %dma_wait3A_398 = arith.constant 0 : i32
        %dma_wait3A_399 = arith.constant 0 : i32
        %dma_wait3A_400 = tpu.memref_slice %arg9[%dma_wait3A_396, %dma_wait3A_398, %dma_wait3A_399] : memref<8x128x16xf32, #tpu.memory_space<vmem>> -> memref<1x128x16xf32, #tpu.memory_space<vmem>>
        %dma_wait3A_401 = tpu.memref_squeeze %dma_wait3A_400 : memref<1x128x16xf32, #tpu.memory_space<vmem>> -> memref<128x16xf32, #tpu.memory_space<vmem>>
        %dma_wait3A_402 = arith.constant 0 : i32
        %dma_wait3A_403 = tpu.memref_slice %arg7[%add3A_395, %dma_wait3A_402] : memref<128x128xi32, #tpu.memory_space<vmem>> -> memref<1x128xi32, #tpu.memory_space<vmem>>
        %dma_wait3A_404 = tpu.memref_squeeze %dma_wait3A_403 : memref<1x128xi32, #tpu.memory_space<vmem>> -> memref<128xi32, #tpu.memory_space<vmem>>
        %dma_wait3A_405 = arith.constant 0 : i32
        %dma_wait3A_406 = arith.constant 0 : i32
        %dma_wait3A_407 = tpu.memref_slice %arg2[%dma_wait3A_405, %dma_wait3A_406] : memref<10000x16xf32, #tpu.memory_space<hbm>> -> memref<10000x16xf32, #tpu.memory_space<hbm>>
        %dma_wait3A_408 = tpu.memref_slice %arg11[%dma_wait3A_397] : memref<8x!tpu.dma_semaphore, #tpu.memory_space<semaphore_mem>> -> memref<1x!tpu.dma_semaphore, #tpu.memory_space<semaphore_mem>>
        %dma_wait3A_409 = tpu.memref_squeeze %dma_wait3A_408 : memref<1x!tpu.dma_semaphore, #tpu.memory_space<semaphore_mem>> -> memref<!tpu.dma_semaphore, #tpu.memory_space<semaphore_mem>>
        tpu.wait_indirect_dma semaphore(%dma_wait3A_409 : memref<!tpu.dma_semaphore, #tpu.memory_space<semaphore_mem>>) src(%dma_wait3A_407 : memref<10000x16xf32, #tpu.memory_space<hbm>>) dst(%dma_wait3A_401 : memref<128x16xf32, #tpu.memory_space<vmem>>)
        %dma_start3A_410 = arith.constant 6 : i32
        %dma_start3A_411 = arith.constant 6 : i32
        %dma_start3A_412 = arith.constant 0 : i32
        %dma_start3A_413 = arith.constant 0 : i32
        %dma_start3A_414 = tpu.memref_slice %arg9[%dma_start3A_410, %dma_start3A_412, %dma_start3A_413] : memref<8x128x16xf32, #tpu.memory_space<vmem>> -> memref<1x128x16xf32, #tpu.memory_space<vmem>>
        %dma_start3A_415 = tpu.memref_squeeze %dma_start3A_414 : memref<1x128x16xf32, #tpu.memory_space<vmem>> -> memref<128x16xf32, #tpu.memory_space<vmem>>
        %dma_start3A_416 = arith.constant 0 : i32
        %dma_start3A_417 = tpu.memref_slice %arg8[%add3A_395, %dma_start3A_416] : memref<128x128xi32, #tpu.memory_space<vmem>> -> memref<1x128xi32, #tpu.memory_space<vmem>>
        %dma_start3A_418 = tpu.memref_squeeze %dma_start3A_417 : memref<1x128xi32, #tpu.memory_space<vmem>> -> memref<128xi32, #tpu.memory_space<vmem>>
        %dma_start3A_419 = arith.constant 0 : i32
        %dma_start3A_420 = arith.constant 0 : i32
        %dma_start3A_421 = tpu.memref_slice %arg6[%dma_start3A_419, %dma_start3A_420] : memref<10240x16xf32, #tpu.memory_space<vmem_shared>> -> memref<10240x16xf32, #tpu.memory_space<vmem_shared>>
        %dma_start3A_422 = tpu.memref_slice %arg12[%dma_start3A_411] : memref<8x!tpu.dma_semaphore, #tpu.memory_space<semaphore_mem>> -> memref<1x!tpu.dma_semaphore, #tpu.memory_space<semaphore_mem>>
        %dma_start3A_423 = tpu.memref_squeeze %dma_start3A_422 : memref<1x!tpu.dma_semaphore, #tpu.memory_space<semaphore_mem>> -> memref<!tpu.dma_semaphore, #tpu.memory_space<semaphore_mem>>
        tpu.enqueue_indirect_dma source(%dma_start3A_415 : memref<128x16xf32, #tpu.memory_space<vmem>>) target(%dma_start3A_421 : memref<10240x16xf32, #tpu.memory_space<vmem_shared>>) offsets(%dma_start3A_418 : memref<128xi32, #tpu.memory_space<vmem>>) semaphore(%dma_start3A_423 : memref<!tpu.dma_semaphore, #tpu.memory_space<semaphore_mem>>) {add = true}
        %ge3A_424 = arith.constant 4 : i32
        %ge3A_425 = arith.cmpi sge, %add3A_395, %ge3A_424 : i32
        %convert_element_type3A_426 = arith.extui %ge3A_425 : i1 to i32
        %cond3A_427 = arith.constant 0 : i32
        %cond3A_428 = arith.cmpi ne, %convert_element_type3A_426, %cond3A_427 : i32
        scf.if %cond3A_428 {
          %sub3A = arith.constant 4 : i32
          %sub3A_478 = arith.subi %add3A_395, %sub3A : i32
          %dma_wait3A_479 = arith.constant 2 : i32
          %dma_wait3A_480 = arith.constant 2 : i32
          %dma_wait3A_481 = arith.constant 0 : i32
          %dma_wait3A_482 = arith.constant 0 : i32
          %dma_wait3A_483 = tpu.memref_slice %arg9[%dma_wait3A_479, %dma_wait3A_481, %dma_wait3A_482] : memref<8x128x16xf32, #tpu.memory_space<vmem>> -> memref<1x128x16xf32, #tpu.memory_space<vmem>>
          %dma_wait3A_484 = tpu.memref_squeeze %dma_wait3A_483 : memref<1x128x16xf32, #tpu.memory_space<vmem>> -> memref<128x16xf32, #tpu.memory_space<vmem>>
          %dma_wait3A_485 = arith.constant 0 : i32
          %dma_wait3A_486 = tpu.memref_slice %arg8[%sub3A_478, %dma_wait3A_485] : memref<128x128xi32, #tpu.memory_space<vmem>> -> memref<1x128xi32, #tpu.memory_space<vmem>>
          %dma_wait3A_487 = tpu.memref_squeeze %dma_wait3A_486 : memref<1x128xi32, #tpu.memory_space<vmem>> -> memref<128xi32, #tpu.memory_space<vmem>>
          %dma_wait3A_488 = arith.constant 0 : i32
          %dma_wait3A_489 = arith.constant 0 : i32
          %dma_wait3A_490 = tpu.memref_slice %arg6[%dma_wait3A_488, %dma_wait3A_489] : memref<10240x16xf32, #tpu.memory_space<vmem_shared>> -> memref<10240x16xf32, #tpu.memory_space<vmem_shared>>
          %dma_wait3A_491 = tpu.memref_slice %arg12[%dma_wait3A_480] : memref<8x!tpu.dma_semaphore, #tpu.memory_space<semaphore_mem>> -> memref<1x!tpu.dma_semaphore, #tpu.memory_space<semaphore_mem>>
          %dma_wait3A_492 = tpu.memref_squeeze %dma_wait3A_491 : memref<1x!tpu.dma_semaphore, #tpu.memory_space<semaphore_mem>> -> memref<!tpu.dma_semaphore, #tpu.memory_space<semaphore_mem>>
          tpu.wait_indirect_dma semaphore(%dma_wait3A_492 : memref<!tpu.dma_semaphore, #tpu.memory_space<semaphore_mem>>) src(%dma_wait3A_484 : memref<128x16xf32, #tpu.memory_space<vmem>>) dst(%dma_wait3A_490 : memref<10240x16xf32, #tpu.memory_space<vmem_shared>>)
        } else {
        }
        %add3A_429 = arith.constant 4 : i32
        %add3A_430 = arith.addi %add3A_395, %add3A_429 : i32
        %lt3A_431 = arith.constant 128 : i32
        %lt3A_432 = arith.cmpi slt, %add3A_430, %lt3A_431 : i32
        %convert_element_type3A_433 = arith.extui %lt3A_432 : i1 to i32
        %cond3A_434 = arith.constant 0 : i32
        %cond3A_435 = arith.cmpi ne, %convert_element_type3A_433, %cond3A_434 : i32
        scf.if %cond3A_435 {
          %add3A_478 = arith.constant 4 : i32
          %add3A_479 = arith.addi %add3A_395, %add3A_478 : i32
          %dma_start3A_480 = arith.constant 2 : i32
          %dma_start3A_481 = arith.constant 2 : i32
          %dma_start3A_482 = arith.constant 0 : i32
          %dma_start3A_483 = arith.constant 0 : i32
          %dma_start3A_484 = tpu.memref_slice %arg9[%dma_start3A_480, %dma_start3A_482, %dma_start3A_483] : memref<8x128x16xf32, #tpu.memory_space<vmem>> -> memref<1x128x16xf32, #tpu.memory_space<vmem>>
          %dma_start3A_485 = tpu.memref_squeeze %dma_start3A_484 : memref<1x128x16xf32, #tpu.memory_space<vmem>> -> memref<128x16xf32, #tpu.memory_space<vmem>>
          %dma_start3A_486 = arith.constant 0 : i32
          %dma_start3A_487 = tpu.memref_slice %arg7[%add3A_479, %dma_start3A_486] : memref<128x128xi32, #tpu.memory_space<vmem>> -> memref<1x128xi32, #tpu.memory_space<vmem>>
          %dma_start3A_488 = tpu.memref_squeeze %dma_start3A_487 : memref<1x128xi32, #tpu.memory_space<vmem>> -> memref<128xi32, #tpu.memory_space<vmem>>
          %dma_start3A_489 = arith.constant 0 : i32
          %dma_start3A_490 = arith.constant 0 : i32
          %dma_start3A_491 = tpu.memref_slice %arg2[%dma_start3A_489, %dma_start3A_490] : memref<10000x16xf32, #tpu.memory_space<hbm>> -> memref<10000x16xf32, #tpu.memory_space<hbm>>
          %dma_start3A_492 = tpu.memref_slice %arg11[%dma_start3A_481] : memref<8x!tpu.dma_semaphore, #tpu.memory_space<semaphore_mem>> -> memref<1x!tpu.dma_semaphore, #tpu.memory_space<semaphore_mem>>
          %dma_start3A_493 = tpu.memref_squeeze %dma_start3A_492 : memref<1x!tpu.dma_semaphore, #tpu.memory_space<semaphore_mem>> -> memref<!tpu.dma_semaphore, #tpu.memory_space<semaphore_mem>>
          tpu.enqueue_indirect_dma source(%dma_start3A_491 : memref<10000x16xf32, #tpu.memory_space<hbm>>) target(%dma_start3A_485 : memref<128x16xf32, #tpu.memory_space<vmem>>) offsets(%dma_start3A_488 : memref<128xi32, #tpu.memory_space<vmem>>) semaphore(%dma_start3A_493 : memref<!tpu.dma_semaphore, #tpu.memory_space<semaphore_mem>>)
        } else {
        }
        %add3A_436 = arith.constant 7 : i32
        %add3A_437 = arith.addi %mul3A_144, %add3A_436 : i32
        %dma_wait3A_438 = arith.constant 7 : i32
        %dma_wait3A_439 = arith.constant 7 : i32
        %dma_wait3A_440 = arith.constant 0 : i32
        %dma_wait3A_441 = arith.constant 0 : i32
        %dma_wait3A_442 = tpu.memref_slice %arg9[%dma_wait3A_438, %dma_wait3A_440, %dma_wait3A_441] : memref<8x128x16xf32, #tpu.memory_space<vmem>> -> memref<1x128x16xf32, #tpu.memory_space<vmem>>
        %dma_wait3A_443 = tpu.memref_squeeze %dma_wait3A_442 : memref<1x128x16xf32, #tpu.memory_space<vmem>> -> memref<128x16xf32, #tpu.memory_space<vmem>>
        %dma_wait3A_444 = arith.constant 0 : i32
        %dma_wait3A_445 = tpu.memref_slice %arg7[%add3A_437, %dma_wait3A_444] : memref<128x128xi32, #tpu.memory_space<vmem>> -> memref<1x128xi32, #tpu.memory_space<vmem>>
        %dma_wait3A_446 = tpu.memref_squeeze %dma_wait3A_445 : memref<1x128xi32, #tpu.memory_space<vmem>> -> memref<128xi32, #tpu.memory_space<vmem>>
        %dma_wait3A_447 = arith.constant 0 : i32
        %dma_wait3A_448 = arith.constant 0 : i32
        %dma_wait3A_449 = tpu.memref_slice %arg2[%dma_wait3A_447, %dma_wait3A_448] : memref<10000x16xf32, #tpu.memory_space<hbm>> -> memref<10000x16xf32, #tpu.memory_space<hbm>>
        %dma_wait3A_450 = tpu.memref_slice %arg11[%dma_wait3A_439] : memref<8x!tpu.dma_semaphore, #tpu.memory_space<semaphore_mem>> -> memref<1x!tpu.dma_semaphore, #tpu.memory_space<semaphore_mem>>
        %dma_wait3A_451 = tpu.memref_squeeze %dma_wait3A_450 : memref<1x!tpu.dma_semaphore, #tpu.memory_space<semaphore_mem>> -> memref<!tpu.dma_semaphore, #tpu.memory_space<semaphore_mem>>
        tpu.wait_indirect_dma semaphore(%dma_wait3A_451 : memref<!tpu.dma_semaphore, #tpu.memory_space<semaphore_mem>>) src(%dma_wait3A_449 : memref<10000x16xf32, #tpu.memory_space<hbm>>) dst(%dma_wait3A_443 : memref<128x16xf32, #tpu.memory_space<vmem>>)
        %dma_start3A_452 = arith.constant 7 : i32
        %dma_start3A_453 = arith.constant 7 : i32
        %dma_start3A_454 = arith.constant 0 : i32
        %dma_start3A_455 = arith.constant 0 : i32
        %dma_start3A_456 = tpu.memref_slice %arg9[%dma_start3A_452, %dma_start3A_454, %dma_start3A_455] : memref<8x128x16xf32, #tpu.memory_space<vmem>> -> memref<1x128x16xf32, #tpu.memory_space<vmem>>
        %dma_start3A_457 = tpu.memref_squeeze %dma_start3A_456 : memref<1x128x16xf32, #tpu.memory_space<vmem>> -> memref<128x16xf32, #tpu.memory_space<vmem>>
        %dma_start3A_458 = arith.constant 0 : i32
        %dma_start3A_459 = tpu.memref_slice %arg8[%add3A_437, %dma_start3A_458] : memref<128x128xi32, #tpu.memory_space<vmem>> -> memref<1x128xi32, #tpu.memory_space<vmem>>
        %dma_start3A_460 = tpu.memref_squeeze %dma_start3A_459 : memref<1x128xi32, #tpu.memory_space<vmem>> -> memref<128xi32, #tpu.memory_space<vmem>>
        %dma_start3A_461 = arith.constant 0 : i32
        %dma_start3A_462 = arith.constant 0 : i32
        %dma_start3A_463 = tpu.memref_slice %arg6[%dma_start3A_461, %dma_start3A_462] : memref<10240x16xf32, #tpu.memory_space<vmem_shared>> -> memref<10240x16xf32, #tpu.memory_space<vmem_shared>>
        %dma_start3A_464 = tpu.memref_slice %arg12[%dma_start3A_453] : memref<8x!tpu.dma_semaphore, #tpu.memory_space<semaphore_mem>> -> memref<1x!tpu.dma_semaphore, #tpu.memory_space<semaphore_mem>>
        %dma_start3A_465 = tpu.memref_squeeze %dma_start3A_464 : memref<1x!tpu.dma_semaphore, #tpu.memory_space<semaphore_mem>> -> memref<!tpu.dma_semaphore, #tpu.memory_space<semaphore_mem>>
        tpu.enqueue_indirect_dma source(%dma_start3A_457 : memref<128x16xf32, #tpu.memory_space<vmem>>) target(%dma_start3A_463 : memref<10240x16xf32, #tpu.memory_space<vmem_shared>>) offsets(%dma_start3A_460 : memref<128xi32, #tpu.memory_space<vmem>>) semaphore(%dma_start3A_465 : memref<!tpu.dma_semaphore, #tpu.memory_space<semaphore_mem>>) {add = true}
        %ge3A_466 = arith.constant 4 : i32
        %ge3A_467 = arith.cmpi sge, %add3A_437, %ge3A_466 : i32
        %convert_element_type3A_468 = arith.extui %ge3A_467 : i1 to i32
        %cond3A_469 = arith.constant 0 : i32
        %cond3A_470 = arith.cmpi ne, %convert_element_type3A_468, %cond3A_469 : i32
        scf.if %cond3A_470 {
          %sub3A = arith.constant 4 : i32
          %sub3A_478 = arith.subi %add3A_437, %sub3A : i32
          %dma_wait3A_479 = arith.constant 3 : i32
          %dma_wait3A_480 = arith.constant 3 : i32
          %dma_wait3A_481 = arith.constant 0 : i32
          %dma_wait3A_482 = arith.constant 0 : i32
          %dma_wait3A_483 = tpu.memref_slice %arg9[%dma_wait3A_479, %dma_wait3A_481, %dma_wait3A_482] : memref<8x128x16xf32, #tpu.memory_space<vmem>> -> memref<1x128x16xf32, #tpu.memory_space<vmem>>
          %dma_wait3A_484 = tpu.memref_squeeze %dma_wait3A_483 : memref<1x128x16xf32, #tpu.memory_space<vmem>> -> memref<128x16xf32, #tpu.memory_space<vmem>>
          %dma_wait3A_485 = arith.constant 0 : i32
          %dma_wait3A_486 = tpu.memref_slice %arg8[%sub3A_478, %dma_wait3A_485] : memref<128x128xi32, #tpu.memory_space<vmem>> -> memref<1x128xi32, #tpu.memory_space<vmem>>
          %dma_wait3A_487 = tpu.memref_squeeze %dma_wait3A_486 : memref<1x128xi32, #tpu.memory_space<vmem>> -> memref<128xi32, #tpu.memory_space<vmem>>
          %dma_wait3A_488 = arith.constant 0 : i32
          %dma_wait3A_489 = arith.constant 0 : i32
          %dma_wait3A_490 = tpu.memref_slice %arg6[%dma_wait3A_488, %dma_wait3A_489] : memref<10240x16xf32, #tpu.memory_space<vmem_shared>> -> memref<10240x16xf32, #tpu.memory_space<vmem_shared>>
          %dma_wait3A_491 = tpu.memref_slice %arg12[%dma_wait3A_480] : memref<8x!tpu.dma_semaphore, #tpu.memory_space<semaphore_mem>> -> memref<1x!tpu.dma_semaphore, #tpu.memory_space<semaphore_mem>>
          %dma_wait3A_492 = tpu.memref_squeeze %dma_wait3A_491 : memref<1x!tpu.dma_semaphore, #tpu.memory_space<semaphore_mem>> -> memref<!tpu.dma_semaphore, #tpu.memory_space<semaphore_mem>>
          tpu.wait_indirect_dma semaphore(%dma_wait3A_492 : memref<!tpu.dma_semaphore, #tpu.memory_space<semaphore_mem>>) src(%dma_wait3A_484 : memref<128x16xf32, #tpu.memory_space<vmem>>) dst(%dma_wait3A_490 : memref<10240x16xf32, #tpu.memory_space<vmem_shared>>)
        } else {
        }
        %add3A_471 = arith.constant 4 : i32
        %add3A_472 = arith.addi %add3A_437, %add3A_471 : i32
        %lt3A_473 = arith.constant 128 : i32
        %lt3A_474 = arith.cmpi slt, %add3A_472, %lt3A_473 : i32
        %convert_element_type3A_475 = arith.extui %lt3A_474 : i1 to i32
        %cond3A_476 = arith.constant 0 : i32
        %cond3A_477 = arith.cmpi ne, %convert_element_type3A_475, %cond3A_476 : i32
        scf.if %cond3A_477 {
          %add3A_478 = arith.constant 4 : i32
          %add3A_479 = arith.addi %add3A_437, %add3A_478 : i32
          %dma_start3A_480 = arith.constant 3 : i32
          %dma_start3A_481 = arith.constant 3 : i32
          %dma_start3A_482 = arith.constant 0 : i32
          %dma_start3A_483 = arith.constant 0 : i32
          %dma_start3A_484 = tpu.memref_slice %arg9[%dma_start3A_480, %dma_start3A_482, %dma_start3A_483] : memref<8x128x16xf32, #tpu.memory_space<vmem>> -> memref<1x128x16xf32, #tpu.memory_space<vmem>>
          %dma_start3A_485 = tpu.memref_squeeze %dma_start3A_484 : memref<1x128x16xf32, #tpu.memory_space<vmem>> -> memref<128x16xf32, #tpu.memory_space<vmem>>
          %dma_start3A_486 = arith.constant 0 : i32
          %dma_start3A_487 = tpu.memref_slice %arg7[%add3A_479, %dma_start3A_486] : memref<128x128xi32, #tpu.memory_space<vmem>> -> memref<1x128xi32, #tpu.memory_space<vmem>>
          %dma_start3A_488 = tpu.memref_squeeze %dma_start3A_487 : memref<1x128xi32, #tpu.memory_space<vmem>> -> memref<128xi32, #tpu.memory_space<vmem>>
          %dma_start3A_489 = arith.constant 0 : i32
          %dma_start3A_490 = arith.constant 0 : i32
          %dma_start3A_491 = tpu.memref_slice %arg2[%dma_start3A_489, %dma_start3A_490] : memref<10000x16xf32, #tpu.memory_space<hbm>> -> memref<10000x16xf32, #tpu.memory_space<hbm>>
          %dma_start3A_492 = tpu.memref_slice %arg11[%dma_start3A_481] : memref<8x!tpu.dma_semaphore, #tpu.memory_space<semaphore_mem>> -> memref<1x!tpu.dma_semaphore, #tpu.memory_space<semaphore_mem>>
          %dma_start3A_493 = tpu.memref_squeeze %dma_start3A_492 : memref<1x!tpu.dma_semaphore, #tpu.memory_space<semaphore_mem>> -> memref<!tpu.dma_semaphore, #tpu.memory_space<semaphore_mem>>
          tpu.enqueue_indirect_dma source(%dma_start3A_491 : memref<10000x16xf32, #tpu.memory_space<hbm>>) target(%dma_start3A_485 : memref<128x16xf32, #tpu.memory_space<vmem>>) offsets(%dma_start3A_488 : memref<128xi32, #tpu.memory_space<vmem>>) semaphore(%dma_start3A_493 : memref<!tpu.dma_semaphore, #tpu.memory_space<semaphore_mem>>)
        } else {
        }
      }
      %scan3A_82 = arith.constant 16 : i32
      %dma_wait3A = arith.constant 4 : i32
      %dma_wait3A_83 = arith.constant 124 : i32
      %dma_wait3A_84 = arith.constant 4 : i32
      %dma_wait3A_85 = arith.constant 0 : i32
      %dma_wait3A_86 = arith.constant 0 : i32
      %dma_wait3A_87 = tpu.memref_slice %arg9[%dma_wait3A, %dma_wait3A_85, %dma_wait3A_86] : memref<8x128x16xf32, #tpu.memory_space<vmem>> -> memref<1x128x16xf32, #tpu.memory_space<vmem>>
      %dma_wait3A_88 = tpu.memref_squeeze %dma_wait3A_87 : memref<1x128x16xf32, #tpu.memory_space<vmem>> -> memref<128x16xf32, #tpu.memory_space<vmem>>
      %dma_wait3A_89 = arith.constant 0 : i32
      %dma_wait3A_90 = tpu.memref_slice %arg8[%dma_wait3A_83, %dma_wait3A_89] : memref<128x128xi32, #tpu.memory_space<vmem>> -> memref<1x128xi32, #tpu.memory_space<vmem>>
      %dma_wait3A_91 = tpu.memref_squeeze %dma_wait3A_90 : memref<1x128xi32, #tpu.memory_space<vmem>> -> memref<128xi32, #tpu.memory_space<vmem>>
      %dma_wait3A_92 = arith.constant 0 : i32
      %dma_wait3A_93 = arith.constant 0 : i32
      %dma_wait3A_94 = tpu.memref_slice %arg6[%dma_wait3A_92, %dma_wait3A_93] : memref<10240x16xf32, #tpu.memory_space<vmem_shared>> -> memref<10240x16xf32, #tpu.memory_space<vmem_shared>>
      %dma_wait3A_95 = tpu.memref_slice %arg12[%dma_wait3A_84] : memref<8x!tpu.dma_semaphore, #tpu.memory_space<semaphore_mem>> -> memref<1x!tpu.dma_semaphore, #tpu.memory_space<semaphore_mem>>
      %dma_wait3A_96 = tpu.memref_squeeze %dma_wait3A_95 : memref<1x!tpu.dma_semaphore, #tpu.memory_space<semaphore_mem>> -> memref<!tpu.dma_semaphore, #tpu.memory_space<semaphore_mem>>
      tpu.wait_indirect_dma semaphore(%dma_wait3A_96 : memref<!tpu.dma_semaphore, #tpu.memory_space<semaphore_mem>>) src(%dma_wait3A_88 : memref<128x16xf32, #tpu.memory_space<vmem>>) dst(%dma_wait3A_94 : memref<10240x16xf32, #tpu.memory_space<vmem_shared>>)
      %dma_wait3A_97 = arith.constant 5 : i32
      %dma_wait3A_98 = arith.constant 125 : i32
      %dma_wait3A_99 = arith.constant 5 : i32
      %dma_wait3A_100 = arith.constant 0 : i32
      %dma_wait3A_101 = arith.constant 0 : i32
      %dma_wait3A_102 = tpu.memref_slice %arg9[%dma_wait3A_97, %dma_wait3A_100, %dma_wait3A_101] : memref<8x128x16xf32, #tpu.memory_space<vmem>> -> memref<1x128x16xf32, #tpu.memory_space<vmem>>
      %dma_wait3A_103 = tpu.memref_squeeze %dma_wait3A_102 : memref<1x128x16xf32, #tpu.memory_space<vmem>> -> memref<128x16xf32, #tpu.memory_space<vmem>>
      %dma_wait3A_104 = arith.constant 0 : i32
      %dma_wait3A_105 = tpu.memref_slice %arg8[%dma_wait3A_98, %dma_wait3A_104] : memref<128x128xi32, #tpu.memory_space<vmem>> -> memref<1x128xi32, #tpu.memory_space<vmem>>
      %dma_wait3A_106 = tpu.memref_squeeze %dma_wait3A_105 : memref<1x128xi32, #tpu.memory_space<vmem>> -> memref<128xi32, #tpu.memory_space<vmem>>
      %dma_wait3A_107 = arith.constant 0 : i32
      %dma_wait3A_108 = arith.constant 0 : i32
      %dma_wait3A_109 = tpu.memref_slice %arg6[%dma_wait3A_107, %dma_wait3A_108] : memref<10240x16xf32, #tpu.memory_space<vmem_shared>> -> memref<10240x16xf32, #tpu.memory_space<vmem_shared>>
      %dma_wait3A_110 = tpu.memref_slice %arg12[%dma_wait3A_99] : memref<8x!tpu.dma_semaphore, #tpu.memory_space<semaphore_mem>> -> memref<1x!tpu.dma_semaphore, #tpu.memory_space<semaphore_mem>>
      %dma_wait3A_111 = tpu.memref_squeeze %dma_wait3A_110 : memref<1x!tpu.dma_semaphore, #tpu.memory_space<semaphore_mem>> -> memref<!tpu.dma_semaphore, #tpu.memory_space<semaphore_mem>>
      tpu.wait_indirect_dma semaphore(%dma_wait3A_111 : memref<!tpu.dma_semaphore, #tpu.memory_space<semaphore_mem>>) src(%dma_wait3A_103 : memref<128x16xf32, #tpu.memory_space<vmem>>) dst(%dma_wait3A_109 : memref<10240x16xf32, #tpu.memory_space<vmem_shared>>)
      %dma_wait3A_112 = arith.constant 6 : i32
      %dma_wait3A_113 = arith.constant 126 : i32
      %dma_wait3A_114 = arith.constant 6 : i32
      %dma_wait3A_115 = arith.constant 0 : i32
      %dma_wait3A_116 = arith.constant 0 : i32
      %dma_wait3A_117 = tpu.memref_slice %arg9[%dma_wait3A_112, %dma_wait3A_115, %dma_wait3A_116] : memref<8x128x16xf32, #tpu.memory_space<vmem>> -> memref<1x128x16xf32, #tpu.memory_space<vmem>>
      %dma_wait3A_118 = tpu.memref_squeeze %dma_wait3A_117 : memref<1x128x16xf32, #tpu.memory_space<vmem>> -> memref<128x16xf32, #tpu.memory_space<vmem>>
      %dma_wait3A_119 = arith.constant 0 : i32
      %dma_wait3A_120 = tpu.memref_slice %arg8[%dma_wait3A_113, %dma_wait3A_119] : memref<128x128xi32, #tpu.memory_space<vmem>> -> memref<1x128xi32, #tpu.memory_space<vmem>>
      %dma_wait3A_121 = tpu.memref_squeeze %dma_wait3A_120 : memref<1x128xi32, #tpu.memory_space<vmem>> -> memref<128xi32, #tpu.memory_space<vmem>>
      %dma_wait3A_122 = arith.constant 0 : i32
      %dma_wait3A_123 = arith.constant 0 : i32
      %dma_wait3A_124 = tpu.memref_slice %arg6[%dma_wait3A_122, %dma_wait3A_123] : memref<10240x16xf32, #tpu.memory_space<vmem_shared>> -> memref<10240x16xf32, #tpu.memory_space<vmem_shared>>
      %dma_wait3A_125 = tpu.memref_slice %arg12[%dma_wait3A_114] : memref<8x!tpu.dma_semaphore, #tpu.memory_space<semaphore_mem>> -> memref<1x!tpu.dma_semaphore, #tpu.memory_space<semaphore_mem>>
      %dma_wait3A_126 = tpu.memref_squeeze %dma_wait3A_125 : memref<1x!tpu.dma_semaphore, #tpu.memory_space<semaphore_mem>> -> memref<!tpu.dma_semaphore, #tpu.memory_space<semaphore_mem>>
      tpu.wait_indirect_dma semaphore(%dma_wait3A_126 : memref<!tpu.dma_semaphore, #tpu.memory_space<semaphore_mem>>) src(%dma_wait3A_118 : memref<128x16xf32, #tpu.memory_space<vmem>>) dst(%dma_wait3A_124 : memref<10240x16xf32, #tpu.memory_space<vmem_shared>>)
      %dma_wait3A_127 = arith.constant 7 : i32
      %dma_wait3A_128 = arith.constant 127 : i32
      %dma_wait3A_129 = arith.constant 7 : i32
      %dma_wait3A_130 = arith.constant 0 : i32
      %dma_wait3A_131 = arith.constant 0 : i32
      %dma_wait3A_132 = tpu.memref_slice %arg9[%dma_wait3A_127, %dma_wait3A_130, %dma_wait3A_131] : memref<8x128x16xf32, #tpu.memory_space<vmem>> -> memref<1x128x16xf32, #tpu.memory_space<vmem>>
      %dma_wait3A_133 = tpu.memref_squeeze %dma_wait3A_132 : memref<1x128x16xf32, #tpu.memory_space<vmem>> -> memref<128x16xf32, #tpu.memory_space<vmem>>
      %dma_wait3A_134 = arith.constant 0 : i32
      %dma_wait3A_135 = tpu.memref_slice %arg8[%dma_wait3A_128, %dma_wait3A_134] : memref<128x128xi32, #tpu.memory_space<vmem>> -> memref<1x128xi32, #tpu.memory_space<vmem>>
      %dma_wait3A_136 = tpu.memref_squeeze %dma_wait3A_135 : memref<1x128xi32, #tpu.memory_space<vmem>> -> memref<128xi32, #tpu.memory_space<vmem>>
      %dma_wait3A_137 = arith.constant 0 : i32
      %dma_wait3A_138 = arith.constant 0 : i32
      %dma_wait3A_139 = tpu.memref_slice %arg6[%dma_wait3A_137, %dma_wait3A_138] : memref<10240x16xf32, #tpu.memory_space<vmem_shared>> -> memref<10240x16xf32, #tpu.memory_space<vmem_shared>>
      %dma_wait3A_140 = tpu.memref_slice %arg12[%dma_wait3A_129] : memref<8x!tpu.dma_semaphore, #tpu.memory_space<semaphore_mem>> -> memref<1x!tpu.dma_semaphore, #tpu.memory_space<semaphore_mem>>
      %dma_wait3A_141 = tpu.memref_squeeze %dma_wait3A_140 : memref<1x!tpu.dma_semaphore, #tpu.memory_space<semaphore_mem>> -> memref<!tpu.dma_semaphore, #tpu.memory_space<semaphore_mem>>
      tpu.wait_indirect_dma semaphore(%dma_wait3A_141 : memref<!tpu.dma_semaphore, #tpu.memory_space<semaphore_mem>>) src(%dma_wait3A_133 : memref<128x16xf32, #tpu.memory_space<vmem>>) dst(%dma_wait3A_139 : memref<10240x16xf32, #tpu.memory_space<vmem_shared>>)
    } else {
    }
    %eq3A_7 = arith.constant 1 : i32
    %eq3A_8 = arith.cmpi eq, %arg0, %eq3A_7 : i32
    %convert_element_type3A_9 = arith.extui %eq3A_8 : i1 to i32
    %cond3A_10 = arith.constant 0 : i32
    %cond3A_11 = arith.cmpi ne, %convert_element_type3A_9, %cond3A_10 : i32
    scf.if %cond3A_11 {
      %mul3A_17 = arith.constant 32 : i32
      %mul3A_18 = arith.muli %arg1, %mul3A_17 : i32
      %add3A = arith.constant 2048 : i32
      %add3A_19 = arith.addi %add3A, %mul3A_18 : i32
      "tpu.region"() ({
        %run_scoped3A = tpu.sem_alloc : memref<!tpu.dma_semaphore, #tpu.memory_space<semaphore_mem>>
        %dma_start3A_143 = arith.constant 0 : i32
        %dma_start3A_144 = arith.constant 0 : i32
        %dma_start3A_145 = tpu.memref_slice %arg7[%dma_start3A_143, %dma_start3A_144] : memref<128x128xi32, #tpu.memory_space<vmem>> -> memref<32x128xi32, #tpu.memory_space<vmem>>
        %dma_start3A_146 = arith.constant 0 : i32
        %dma_start3A_147 = tpu.memref_slice %arg3[%add3A_19, %dma_start3A_146] : memref<2560x128xi32, #tpu.memory_space<hbm>> -> memref<32x128xi32, #tpu.memory_space<hbm>>
        %dma_start3A_148 = arith.constant 0 : i32
        %dma_start3A_149 = arith.constant 0 : i32
        %dma_start3A_150 = tpu.memref_slice %arg7[%dma_start3A_148, %dma_start3A_149] : memref<128x128xi32, #tpu.memory_space<vmem>> -> memref<32x128xi32, #tpu.memory_space<vmem>>
        %dma_start3A_151 = arith.constant 0 : i32
        %dma_start3A_152 = tpu.memref_slice %arg3[%add3A_19, %dma_start3A_151] : memref<2560x128xi32, #tpu.memory_space<hbm>> -> memref<32x128xi32, #tpu.memory_space<hbm>>
        tpu.enqueue_dma source(%dma_start3A_152 : memref<32x128xi32, #tpu.memory_space<hbm>>) target(%dma_start3A_150 : memref<32x128xi32, #tpu.memory_space<vmem>>) target_semaphore(%run_scoped3A : memref<!tpu.dma_semaphore, #tpu.memory_space<semaphore_mem>>)
        %dma_wait3A_153 = arith.constant 0 : i32
        %dma_wait3A_154 = arith.constant 0 : i32
        %dma_wait3A_155 = tpu.memref_slice %arg7[%dma_wait3A_153, %dma_wait3A_154] : memref<128x128xi32, #tpu.memory_space<vmem>> -> memref<32x128xi32, #tpu.memory_space<vmem>>
        %dma_wait3A_156 = arith.constant 0 : i32
        %dma_wait3A_157 = tpu.memref_slice %arg3[%add3A_19, %dma_wait3A_156] : memref<2560x128xi32, #tpu.memory_space<hbm>> -> memref<32x128xi32, #tpu.memory_space<hbm>>
        %dma_wait3A_158 = arith.constant 0 : i32
        %dma_wait3A_159 = arith.constant 0 : i32
        %dma_wait3A_160 = tpu.memref_slice %arg7[%dma_wait3A_158, %dma_wait3A_159] : memref<128x128xi32, #tpu.memory_space<vmem>> -> memref<32x128xi32, #tpu.memory_space<vmem>>
        %dma_wait3A_161 = arith.constant 0 : i32
        %dma_wait3A_162 = tpu.memref_slice %arg3[%add3A_19, %dma_wait3A_161] : memref<2560x128xi32, #tpu.memory_space<hbm>> -> memref<32x128xi32, #tpu.memory_space<hbm>>
        tpu.wait_dma2 semaphore(%run_scoped3A : memref<!tpu.dma_semaphore, #tpu.memory_space<semaphore_mem>>) src(%dma_wait3A_162 : memref<32x128xi32, #tpu.memory_space<hbm>>) dst(%dma_wait3A_160 : memref<32x128xi32, #tpu.memory_space<vmem>>)
        tpu.yield
      }) : () -> ()
      "tpu.region"() ({
        %run_scoped3A = tpu.sem_alloc : memref<!tpu.dma_semaphore, #tpu.memory_space<semaphore_mem>>
        %dma_start3A_143 = arith.constant 0 : i32
        %dma_start3A_144 = arith.constant 0 : i32
        %dma_start3A_145 = tpu.memref_slice %arg8[%dma_start3A_143, %dma_start3A_144] : memref<128x128xi32, #tpu.memory_space<vmem>> -> memref<32x128xi32, #tpu.memory_space<vmem>>
        %dma_start3A_146 = arith.constant 0 : i32
        %dma_start3A_147 = tpu.memref_slice %arg4[%add3A_19, %dma_start3A_146] : memref<2560x128xi32, #tpu.memory_space<hbm>> -> memref<32x128xi32, #tpu.memory_space<hbm>>
        %dma_start3A_148 = arith.constant 0 : i32
        %dma_start3A_149 = arith.constant 0 : i32
        %dma_start3A_150 = tpu.memref_slice %arg8[%dma_start3A_148, %dma_start3A_149] : memref<128x128xi32, #tpu.memory_space<vmem>> -> memref<32x128xi32, #tpu.memory_space<vmem>>
        %dma_start3A_151 = arith.constant 0 : i32
        %dma_start3A_152 = tpu.memref_slice %arg4[%add3A_19, %dma_start3A_151] : memref<2560x128xi32, #tpu.memory_space<hbm>> -> memref<32x128xi32, #tpu.memory_space<hbm>>
        tpu.enqueue_dma source(%dma_start3A_152 : memref<32x128xi32, #tpu.memory_space<hbm>>) target(%dma_start3A_150 : memref<32x128xi32, #tpu.memory_space<vmem>>) target_semaphore(%run_scoped3A : memref<!tpu.dma_semaphore, #tpu.memory_space<semaphore_mem>>)
        %dma_wait3A_153 = arith.constant 0 : i32
        %dma_wait3A_154 = arith.constant 0 : i32
        %dma_wait3A_155 = tpu.memref_slice %arg8[%dma_wait3A_153, %dma_wait3A_154] : memref<128x128xi32, #tpu.memory_space<vmem>> -> memref<32x128xi32, #tpu.memory_space<vmem>>
        %dma_wait3A_156 = arith.constant 0 : i32
        %dma_wait3A_157 = tpu.memref_slice %arg4[%add3A_19, %dma_wait3A_156] : memref<2560x128xi32, #tpu.memory_space<hbm>> -> memref<32x128xi32, #tpu.memory_space<hbm>>
        %dma_wait3A_158 = arith.constant 0 : i32
        %dma_wait3A_159 = arith.constant 0 : i32
        %dma_wait3A_160 = tpu.memref_slice %arg8[%dma_wait3A_158, %dma_wait3A_159] : memref<128x128xi32, #tpu.memory_space<vmem>> -> memref<32x128xi32, #tpu.memory_space<vmem>>
        %dma_wait3A_161 = arith.constant 0 : i32
        %dma_wait3A_162 = tpu.memref_slice %arg4[%add3A_19, %dma_wait3A_161] : memref<2560x128xi32, #tpu.memory_space<hbm>> -> memref<32x128xi32, #tpu.memory_space<hbm>>
        tpu.wait_dma2 semaphore(%run_scoped3A : memref<!tpu.dma_semaphore, #tpu.memory_space<semaphore_mem>>) src(%dma_wait3A_162 : memref<32x128xi32, #tpu.memory_space<hbm>>) dst(%dma_wait3A_160 : memref<32x128xi32, #tpu.memory_space<vmem>>)
        tpu.yield
      }) : () -> ()
      %dma_start3A = arith.constant 0 : i32
      %dma_start3A_20 = arith.constant 0 : i32
      %dma_start3A_21 = arith.constant 0 : i32
      %dma_start3A_22 = arith.constant 0 : i32
      %dma_start3A_23 = arith.constant 0 : i32
      %dma_start3A_24 = tpu.memref_slice %arg9[%dma_start3A_20, %dma_start3A_22, %dma_start3A_23] : memref<8x128x16xf32, #tpu.memory_space<vmem>> -> memref<1x128x16xf32, #tpu.memory_space<vmem>>
      %dma_start3A_25 = tpu.memref_squeeze %dma_start3A_24 : memref<1x128x16xf32, #tpu.memory_space<vmem>> -> memref<128x16xf32, #tpu.memory_space<vmem>>
      %dma_start3A_26 = arith.constant 0 : i32
      %dma_start3A_27 = tpu.memref_slice %arg7[%dma_start3A, %dma_start3A_26] : memref<128x128xi32, #tpu.memory_space<vmem>> -> memref<1x128xi32, #tpu.memory_space<vmem>>
      %dma_start3A_28 = tpu.memref_squeeze %dma_start3A_27 : memref<1x128xi32, #tpu.memory_space<vmem>> -> memref<128xi32, #tpu.memory_space<vmem>>
      %dma_start3A_29 = arith.constant 0 : i32
      %dma_start3A_30 = arith.constant 0 : i32
      %dma_start3A_31 = tpu.memref_slice %arg2[%dma_start3A_29, %dma_start3A_30] : memref<10000x16xf32, #tpu.memory_space<hbm>> -> memref<10000x16xf32, #tpu.memory_space<hbm>>
      %dma_start3A_32 = tpu.memref_slice %arg11[%dma_start3A_21] : memref<8x!tpu.dma_semaphore, #tpu.memory_space<semaphore_mem>> -> memref<1x!tpu.dma_semaphore, #tpu.memory_space<semaphore_mem>>
      %dma_start3A_33 = tpu.memref_squeeze %dma_start3A_32 : memref<1x!tpu.dma_semaphore, #tpu.memory_space<semaphore_mem>> -> memref<!tpu.dma_semaphore, #tpu.memory_space<semaphore_mem>>
      tpu.enqueue_indirect_dma source(%dma_start3A_31 : memref<10000x16xf32, #tpu.memory_space<hbm>>) target(%dma_start3A_25 : memref<128x16xf32, #tpu.memory_space<vmem>>) offsets(%dma_start3A_28 : memref<128xi32, #tpu.memory_space<vmem>>) semaphore(%dma_start3A_33 : memref<!tpu.dma_semaphore, #tpu.memory_space<semaphore_mem>>)
      %dma_start3A_34 = arith.constant 1 : i32
      %dma_start3A_35 = arith.constant 1 : i32
      %dma_start3A_36 = arith.constant 1 : i32
      %dma_start3A_37 = arith.constant 0 : i32
      %dma_start3A_38 = arith.constant 0 : i32
      %dma_start3A_39 = tpu.memref_slice %arg9[%dma_start3A_35, %dma_start3A_37, %dma_start3A_38] : memref<8x128x16xf32, #tpu.memory_space<vmem>> -> memref<1x128x16xf32, #tpu.memory_space<vmem>>
      %dma_start3A_40 = tpu.memref_squeeze %dma_start3A_39 : memref<1x128x16xf32, #tpu.memory_space<vmem>> -> memref<128x16xf32, #tpu.memory_space<vmem>>
      %dma_start3A_41 = arith.constant 0 : i32
      %dma_start3A_42 = tpu.memref_slice %arg7[%dma_start3A_34, %dma_start3A_41] : memref<128x128xi32, #tpu.memory_space<vmem>> -> memref<1x128xi32, #tpu.memory_space<vmem>>
      %dma_start3A_43 = tpu.memref_squeeze %dma_start3A_42 : memref<1x128xi32, #tpu.memory_space<vmem>> -> memref<128xi32, #tpu.memory_space<vmem>>
      %dma_start3A_44 = arith.constant 0 : i32
      %dma_start3A_45 = arith.constant 0 : i32
      %dma_start3A_46 = tpu.memref_slice %arg2[%dma_start3A_44, %dma_start3A_45] : memref<10000x16xf32, #tpu.memory_space<hbm>> -> memref<10000x16xf32, #tpu.memory_space<hbm>>
      %dma_start3A_47 = tpu.memref_slice %arg11[%dma_start3A_36] : memref<8x!tpu.dma_semaphore, #tpu.memory_space<semaphore_mem>> -> memref<1x!tpu.dma_semaphore, #tpu.memory_space<semaphore_mem>>
      %dma_start3A_48 = tpu.memref_squeeze %dma_start3A_47 : memref<1x!tpu.dma_semaphore, #tpu.memory_space<semaphore_mem>> -> memref<!tpu.dma_semaphore, #tpu.memory_space<semaphore_mem>>
      tpu.enqueue_indirect_dma source(%dma_start3A_46 : memref<10000x16xf32, #tpu.memory_space<hbm>>) target(%dma_start3A_40 : memref<128x16xf32, #tpu.memory_space<vmem>>) offsets(%dma_start3A_43 : memref<128xi32, #tpu.memory_space<vmem>>) semaphore(%dma_start3A_48 : memref<!tpu.dma_semaphore, #tpu.memory_space<semaphore_mem>>)
      %dma_start3A_49 = arith.constant 2 : i32
      %dma_start3A_50 = arith.constant 2 : i32
      %dma_start3A_51 = arith.constant 2 : i32
      %dma_start3A_52 = arith.constant 0 : i32
      %dma_start3A_53 = arith.constant 0 : i32
      %dma_start3A_54 = tpu.memref_slice %arg9[%dma_start3A_50, %dma_start3A_52, %dma_start3A_53] : memref<8x128x16xf32, #tpu.memory_space<vmem>> -> memref<1x128x16xf32, #tpu.memory_space<vmem>>
      %dma_start3A_55 = tpu.memref_squeeze %dma_start3A_54 : memref<1x128x16xf32, #tpu.memory_space<vmem>> -> memref<128x16xf32, #tpu.memory_space<vmem>>
      %dma_start3A_56 = arith.constant 0 : i32
      %dma_start3A_57 = tpu.memref_slice %arg7[%dma_start3A_49, %dma_start3A_56] : memref<128x128xi32, #tpu.memory_space<vmem>> -> memref<1x128xi32, #tpu.memory_space<vmem>>
      %dma_start3A_58 = tpu.memref_squeeze %dma_start3A_57 : memref<1x128xi32, #tpu.memory_space<vmem>> -> memref<128xi32, #tpu.memory_space<vmem>>
      %dma_start3A_59 = arith.constant 0 : i32
      %dma_start3A_60 = arith.constant 0 : i32
      %dma_start3A_61 = tpu.memref_slice %arg2[%dma_start3A_59, %dma_start3A_60] : memref<10000x16xf32, #tpu.memory_space<hbm>> -> memref<10000x16xf32, #tpu.memory_space<hbm>>
      %dma_start3A_62 = tpu.memref_slice %arg11[%dma_start3A_51] : memref<8x!tpu.dma_semaphore, #tpu.memory_space<semaphore_mem>> -> memref<1x!tpu.dma_semaphore, #tpu.memory_space<semaphore_mem>>
      %dma_start3A_63 = tpu.memref_squeeze %dma_start3A_62 : memref<1x!tpu.dma_semaphore, #tpu.memory_space<semaphore_mem>> -> memref<!tpu.dma_semaphore, #tpu.memory_space<semaphore_mem>>
      tpu.enqueue_indirect_dma source(%dma_start3A_61 : memref<10000x16xf32, #tpu.memory_space<hbm>>) target(%dma_start3A_55 : memref<128x16xf32, #tpu.memory_space<vmem>>) offsets(%dma_start3A_58 : memref<128xi32, #tpu.memory_space<vmem>>) semaphore(%dma_start3A_63 : memref<!tpu.dma_semaphore, #tpu.memory_space<semaphore_mem>>)
      %dma_start3A_64 = arith.constant 3 : i32
      %dma_start3A_65 = arith.constant 3 : i32
      %dma_start3A_66 = arith.constant 3 : i32
      %dma_start3A_67 = arith.constant 0 : i32
      %dma_start3A_68 = arith.constant 0 : i32
      %dma_start3A_69 = tpu.memref_slice %arg9[%dma_start3A_65, %dma_start3A_67, %dma_start3A_68] : memref<8x128x16xf32, #tpu.memory_space<vmem>> -> memref<1x128x16xf32, #tpu.memory_space<vmem>>
      %dma_start3A_70 = tpu.memref_squeeze %dma_start3A_69 : memref<1x128x16xf32, #tpu.memory_space<vmem>> -> memref<128x16xf32, #tpu.memory_space<vmem>>
      %dma_start3A_71 = arith.constant 0 : i32
      %dma_start3A_72 = tpu.memref_slice %arg7[%dma_start3A_64, %dma_start3A_71] : memref<128x128xi32, #tpu.memory_space<vmem>> -> memref<1x128xi32, #tpu.memory_space<vmem>>
      %dma_start3A_73 = tpu.memref_squeeze %dma_start3A_72 : memref<1x128xi32, #tpu.memory_space<vmem>> -> memref<128xi32, #tpu.memory_space<vmem>>
      %dma_start3A_74 = arith.constant 0 : i32
      %dma_start3A_75 = arith.constant 0 : i32
      %dma_start3A_76 = tpu.memref_slice %arg2[%dma_start3A_74, %dma_start3A_75] : memref<10000x16xf32, #tpu.memory_space<hbm>> -> memref<10000x16xf32, #tpu.memory_space<hbm>>
      %dma_start3A_77 = tpu.memref_slice %arg11[%dma_start3A_66] : memref<8x!tpu.dma_semaphore, #tpu.memory_space<semaphore_mem>> -> memref<1x!tpu.dma_semaphore, #tpu.memory_space<semaphore_mem>>
      %dma_start3A_78 = tpu.memref_squeeze %dma_start3A_77 : memref<1x!tpu.dma_semaphore, #tpu.memory_space<semaphore_mem>> -> memref<!tpu.dma_semaphore, #tpu.memory_space<semaphore_mem>>
      tpu.enqueue_indirect_dma source(%dma_start3A_76 : memref<10000x16xf32, #tpu.memory_space<hbm>>) target(%dma_start3A_70 : memref<128x16xf32, #tpu.memory_space<vmem>>) offsets(%dma_start3A_73 : memref<128xi32, #tpu.memory_space<vmem>>) semaphore(%dma_start3A_78 : memref<!tpu.dma_semaphore, #tpu.memory_space<semaphore_mem>>)
      %scan3A_79 = arith.constant 0 : i32
      %scan3A_80 = arith.constant 4 : i32
      %scan3A_81 = arith.addi %scan3A_79, %scan3A_80 : i32
      %scan3A_82 = arith.constant 1 : i32
      scf.for %scan3A_143 = %scan3A_79 to %scan3A_81 step %scan3A_82  : i32 {
        %mul3A_144 = arith.constant 8 : i32
        %mul3A_145 = arith.muli %mul3A_144, %scan3A_143 : i32
        %add3A_146 = arith.constant 0 : i32
        %add3A_147 = arith.addi %mul3A_145, %add3A_146 : i32
        %dma_wait3A_148 = arith.constant 0 : i32
        %dma_wait3A_149 = arith.constant 0 : i32
        %dma_wait3A_150 = arith.constant 0 : i32
        %dma_wait3A_151 = arith.constant 0 : i32
        %dma_wait3A_152 = tpu.memref_slice %arg9[%dma_wait3A_148, %dma_wait3A_150, %dma_wait3A_151] : memref<8x128x16xf32, #tpu.memory_space<vmem>> -> memref<1x128x16xf32, #tpu.memory_space<vmem>>
        %dma_wait3A_153 = tpu.memref_squeeze %dma_wait3A_152 : memref<1x128x16xf32, #tpu.memory_space<vmem>> -> memref<128x16xf32, #tpu.memory_space<vmem>>
        %dma_wait3A_154 = arith.constant 0 : i32
        %dma_wait3A_155 = tpu.memref_slice %arg7[%add3A_147, %dma_wait3A_154] : memref<128x128xi32, #tpu.memory_space<vmem>> -> memref<1x128xi32, #tpu.memory_space<vmem>>
        %dma_wait3A_156 = tpu.memref_squeeze %dma_wait3A_155 : memref<1x128xi32, #tpu.memory_space<vmem>> -> memref<128xi32, #tpu.memory_space<vmem>>
        %dma_wait3A_157 = arith.constant 0 : i32
        %dma_wait3A_158 = arith.constant 0 : i32
        %dma_wait3A_159 = tpu.memref_slice %arg2[%dma_wait3A_157, %dma_wait3A_158] : memref<10000x16xf32, #tpu.memory_space<hbm>> -> memref<10000x16xf32, #tpu.memory_space<hbm>>
        %dma_wait3A_160 = tpu.memref_slice %arg11[%dma_wait3A_149] : memref<8x!tpu.dma_semaphore, #tpu.memory_space<semaphore_mem>> -> memref<1x!tpu.dma_semaphore, #tpu.memory_space<semaphore_mem>>
        %dma_wait3A_161 = tpu.memref_squeeze %dma_wait3A_160 : memref<1x!tpu.dma_semaphore, #tpu.memory_space<semaphore_mem>> -> memref<!tpu.dma_semaphore, #tpu.memory_space<semaphore_mem>>
        tpu.wait_indirect_dma semaphore(%dma_wait3A_161 : memref<!tpu.dma_semaphore, #tpu.memory_space<semaphore_mem>>) src(%dma_wait3A_159 : memref<10000x16xf32, #tpu.memory_space<hbm>>) dst(%dma_wait3A_153 : memref<128x16xf32, #tpu.memory_space<vmem>>)
        %dma_start3A_162 = arith.constant 0 : i32
        %dma_start3A_163 = arith.constant 0 : i32
        %dma_start3A_164 = arith.constant 0 : i32
        %dma_start3A_165 = arith.constant 0 : i32
        %dma_start3A_166 = tpu.memref_slice %arg9[%dma_start3A_162, %dma_start3A_164, %dma_start3A_165] : memref<8x128x16xf32, #tpu.memory_space<vmem>> -> memref<1x128x16xf32, #tpu.memory_space<vmem>>
        %dma_start3A_167 = tpu.memref_squeeze %dma_start3A_166 : memref<1x128x16xf32, #tpu.memory_space<vmem>> -> memref<128x16xf32, #tpu.memory_space<vmem>>
        %dma_start3A_168 = arith.constant 0 : i32
        %dma_start3A_169 = tpu.memref_slice %arg8[%add3A_147, %dma_start3A_168] : memref<128x128xi32, #tpu.memory_space<vmem>> -> memref<1x128xi32, #tpu.memory_space<vmem>>
        %dma_start3A_170 = tpu.memref_squeeze %dma_start3A_169 : memref<1x128xi32, #tpu.memory_space<vmem>> -> memref<128xi32, #tpu.memory_space<vmem>>
        %dma_start3A_171 = arith.constant 0 : i32
        %dma_start3A_172 = arith.constant 0 : i32
        %dma_start3A_173 = tpu.memref_slice %arg6[%dma_start3A_171, %dma_start3A_172] : memref<10240x16xf32, #tpu.memory_space<vmem_shared>> -> memref<10240x16xf32, #tpu.memory_space<vmem_shared>>
        %dma_start3A_174 = tpu.memref_slice %arg12[%dma_start3A_163] : memref<8x!tpu.dma_semaphore, #tpu.memory_space<semaphore_mem>> -> memref<1x!tpu.dma_semaphore, #tpu.memory_space<semaphore_mem>>
        %dma_start3A_175 = tpu.memref_squeeze %dma_start3A_174 : memref<1x!tpu.dma_semaphore, #tpu.memory_space<semaphore_mem>> -> memref<!tpu.dma_semaphore, #tpu.memory_space<semaphore_mem>>
        tpu.enqueue_indirect_dma source(%dma_start3A_167 : memref<128x16xf32, #tpu.memory_space<vmem>>) target(%dma_start3A_173 : memref<10240x16xf32, #tpu.memory_space<vmem_shared>>) offsets(%dma_start3A_170 : memref<128xi32, #tpu.memory_space<vmem>>) semaphore(%dma_start3A_175 : memref<!tpu.dma_semaphore, #tpu.memory_space<semaphore_mem>>) {add = true}
        %ge3A = arith.constant 4 : i32
        %ge3A_176 = arith.cmpi sge, %add3A_147, %ge3A : i32
        %convert_element_type3A_177 = arith.extui %ge3A_176 : i1 to i32
        %cond3A_178 = arith.constant 0 : i32
        %cond3A_179 = arith.cmpi ne, %convert_element_type3A_177, %cond3A_178 : i32
        scf.if %cond3A_179 {
          %sub3A = arith.constant 4 : i32
          %sub3A_480 = arith.subi %add3A_147, %sub3A : i32
          %dma_wait3A_481 = arith.constant 4 : i32
          %dma_wait3A_482 = arith.constant 4 : i32
          %dma_wait3A_483 = arith.constant 0 : i32
          %dma_wait3A_484 = arith.constant 0 : i32
          %dma_wait3A_485 = tpu.memref_slice %arg9[%dma_wait3A_481, %dma_wait3A_483, %dma_wait3A_484] : memref<8x128x16xf32, #tpu.memory_space<vmem>> -> memref<1x128x16xf32, #tpu.memory_space<vmem>>
          %dma_wait3A_486 = tpu.memref_squeeze %dma_wait3A_485 : memref<1x128x16xf32, #tpu.memory_space<vmem>> -> memref<128x16xf32, #tpu.memory_space<vmem>>
          %dma_wait3A_487 = arith.constant 0 : i32
          %dma_wait3A_488 = tpu.memref_slice %arg8[%sub3A_480, %dma_wait3A_487] : memref<128x128xi32, #tpu.memory_space<vmem>> -> memref<1x128xi32, #tpu.memory_space<vmem>>
          %dma_wait3A_489 = tpu.memref_squeeze %dma_wait3A_488 : memref<1x128xi32, #tpu.memory_space<vmem>> -> memref<128xi32, #tpu.memory_space<vmem>>
          %dma_wait3A_490 = arith.constant 0 : i32
          %dma_wait3A_491 = arith.constant 0 : i32
          %dma_wait3A_492 = tpu.memref_slice %arg6[%dma_wait3A_490, %dma_wait3A_491] : memref<10240x16xf32, #tpu.memory_space<vmem_shared>> -> memref<10240x16xf32, #tpu.memory_space<vmem_shared>>
          %dma_wait3A_493 = tpu.memref_slice %arg12[%dma_wait3A_482] : memref<8x!tpu.dma_semaphore, #tpu.memory_space<semaphore_mem>> -> memref<1x!tpu.dma_semaphore, #tpu.memory_space<semaphore_mem>>
          %dma_wait3A_494 = tpu.memref_squeeze %dma_wait3A_493 : memref<1x!tpu.dma_semaphore, #tpu.memory_space<semaphore_mem>> -> memref<!tpu.dma_semaphore, #tpu.memory_space<semaphore_mem>>
          tpu.wait_indirect_dma semaphore(%dma_wait3A_494 : memref<!tpu.dma_semaphore, #tpu.memory_space<semaphore_mem>>) src(%dma_wait3A_486 : memref<128x16xf32, #tpu.memory_space<vmem>>) dst(%dma_wait3A_492 : memref<10240x16xf32, #tpu.memory_space<vmem_shared>>)
        } else {
        }
        %add3A_180 = arith.constant 4 : i32
        %add3A_181 = arith.addi %add3A_147, %add3A_180 : i32
        %lt3A = arith.constant 32 : i32
        %lt3A_182 = arith.cmpi slt, %add3A_181, %lt3A : i32
        %convert_element_type3A_183 = arith.extui %lt3A_182 : i1 to i32
        %cond3A_184 = arith.constant 0 : i32
        %cond3A_185 = arith.cmpi ne, %convert_element_type3A_183, %cond3A_184 : i32
        scf.if %cond3A_185 {
          %add3A_480 = arith.constant 4 : i32
          %add3A_481 = arith.addi %add3A_147, %add3A_480 : i32
          %dma_start3A_482 = arith.constant 4 : i32
          %dma_start3A_483 = arith.constant 4 : i32
          %dma_start3A_484 = arith.constant 0 : i32
          %dma_start3A_485 = arith.constant 0 : i32
          %dma_start3A_486 = tpu.memref_slice %arg9[%dma_start3A_482, %dma_start3A_484, %dma_start3A_485] : memref<8x128x16xf32, #tpu.memory_space<vmem>> -> memref<1x128x16xf32, #tpu.memory_space<vmem>>
          %dma_start3A_487 = tpu.memref_squeeze %dma_start3A_486 : memref<1x128x16xf32, #tpu.memory_space<vmem>> -> memref<128x16xf32, #tpu.memory_space<vmem>>
          %dma_start3A_488 = arith.constant 0 : i32
          %dma_start3A_489 = tpu.memref_slice %arg7[%add3A_481, %dma_start3A_488] : memref<128x128xi32, #tpu.memory_space<vmem>> -> memref<1x128xi32, #tpu.memory_space<vmem>>
          %dma_start3A_490 = tpu.memref_squeeze %dma_start3A_489 : memref<1x128xi32, #tpu.memory_space<vmem>> -> memref<128xi32, #tpu.memory_space<vmem>>
          %dma_start3A_491 = arith.constant 0 : i32
          %dma_start3A_492 = arith.constant 0 : i32
          %dma_start3A_493 = tpu.memref_slice %arg2[%dma_start3A_491, %dma_start3A_492] : memref<10000x16xf32, #tpu.memory_space<hbm>> -> memref<10000x16xf32, #tpu.memory_space<hbm>>
          %dma_start3A_494 = tpu.memref_slice %arg11[%dma_start3A_483] : memref<8x!tpu.dma_semaphore, #tpu.memory_space<semaphore_mem>> -> memref<1x!tpu.dma_semaphore, #tpu.memory_space<semaphore_mem>>
          %dma_start3A_495 = tpu.memref_squeeze %dma_start3A_494 : memref<1x!tpu.dma_semaphore, #tpu.memory_space<semaphore_mem>> -> memref<!tpu.dma_semaphore, #tpu.memory_space<semaphore_mem>>
          tpu.enqueue_indirect_dma source(%dma_start3A_493 : memref<10000x16xf32, #tpu.memory_space<hbm>>) target(%dma_start3A_487 : memref<128x16xf32, #tpu.memory_space<vmem>>) offsets(%dma_start3A_490 : memref<128xi32, #tpu.memory_space<vmem>>) semaphore(%dma_start3A_495 : memref<!tpu.dma_semaphore, #tpu.memory_space<semaphore_mem>>)
        } else {
        }
        %add3A_186 = arith.constant 1 : i32
        %add3A_187 = arith.addi %mul3A_145, %add3A_186 : i32
        %dma_wait3A_188 = arith.constant 1 : i32
        %dma_wait3A_189 = arith.constant 1 : i32
        %dma_wait3A_190 = arith.constant 0 : i32
        %dma_wait3A_191 = arith.constant 0 : i32
        %dma_wait3A_192 = tpu.memref_slice %arg9[%dma_wait3A_188, %dma_wait3A_190, %dma_wait3A_191] : memref<8x128x16xf32, #tpu.memory_space<vmem>> -> memref<1x128x16xf32, #tpu.memory_space<vmem>>
        %dma_wait3A_193 = tpu.memref_squeeze %dma_wait3A_192 : memref<1x128x16xf32, #tpu.memory_space<vmem>> -> memref<128x16xf32, #tpu.memory_space<vmem>>
        %dma_wait3A_194 = arith.constant 0 : i32
        %dma_wait3A_195 = tpu.memref_slice %arg7[%add3A_187, %dma_wait3A_194] : memref<128x128xi32, #tpu.memory_space<vmem>> -> memref<1x128xi32, #tpu.memory_space<vmem>>
        %dma_wait3A_196 = tpu.memref_squeeze %dma_wait3A_195 : memref<1x128xi32, #tpu.memory_space<vmem>> -> memref<128xi32, #tpu.memory_space<vmem>>
        %dma_wait3A_197 = arith.constant 0 : i32
        %dma_wait3A_198 = arith.constant 0 : i32
        %dma_wait3A_199 = tpu.memref_slice %arg2[%dma_wait3A_197, %dma_wait3A_198] : memref<10000x16xf32, #tpu.memory_space<hbm>> -> memref<10000x16xf32, #tpu.memory_space<hbm>>
        %dma_wait3A_200 = tpu.memref_slice %arg11[%dma_wait3A_189] : memref<8x!tpu.dma_semaphore, #tpu.memory_space<semaphore_mem>> -> memref<1x!tpu.dma_semaphore, #tpu.memory_space<semaphore_mem>>
        %dma_wait3A_201 = tpu.memref_squeeze %dma_wait3A_200 : memref<1x!tpu.dma_semaphore, #tpu.memory_space<semaphore_mem>> -> memref<!tpu.dma_semaphore, #tpu.memory_space<semaphore_mem>>
        tpu.wait_indirect_dma semaphore(%dma_wait3A_201 : memref<!tpu.dma_semaphore, #tpu.memory_space<semaphore_mem>>) src(%dma_wait3A_199 : memref<10000x16xf32, #tpu.memory_space<hbm>>) dst(%dma_wait3A_193 : memref<128x16xf32, #tpu.memory_space<vmem>>)
        %dma_start3A_202 = arith.constant 1 : i32
        %dma_start3A_203 = arith.constant 1 : i32
        %dma_start3A_204 = arith.constant 0 : i32
        %dma_start3A_205 = arith.constant 0 : i32
        %dma_start3A_206 = tpu.memref_slice %arg9[%dma_start3A_202, %dma_start3A_204, %dma_start3A_205] : memref<8x128x16xf32, #tpu.memory_space<vmem>> -> memref<1x128x16xf32, #tpu.memory_space<vmem>>
        %dma_start3A_207 = tpu.memref_squeeze %dma_start3A_206 : memref<1x128x16xf32, #tpu.memory_space<vmem>> -> memref<128x16xf32, #tpu.memory_space<vmem>>
        %dma_start3A_208 = arith.constant 0 : i32
        %dma_start3A_209 = tpu.memref_slice %arg8[%add3A_187, %dma_start3A_208] : memref<128x128xi32, #tpu.memory_space<vmem>> -> memref<1x128xi32, #tpu.memory_space<vmem>>
        %dma_start3A_210 = tpu.memref_squeeze %dma_start3A_209 : memref<1x128xi32, #tpu.memory_space<vmem>> -> memref<128xi32, #tpu.memory_space<vmem>>
        %dma_start3A_211 = arith.constant 0 : i32
        %dma_start3A_212 = arith.constant 0 : i32
        %dma_start3A_213 = tpu.memref_slice %arg6[%dma_start3A_211, %dma_start3A_212] : memref<10240x16xf32, #tpu.memory_space<vmem_shared>> -> memref<10240x16xf32, #tpu.memory_space<vmem_shared>>
        %dma_start3A_214 = tpu.memref_slice %arg12[%dma_start3A_203] : memref<8x!tpu.dma_semaphore, #tpu.memory_space<semaphore_mem>> -> memref<1x!tpu.dma_semaphore, #tpu.memory_space<semaphore_mem>>
        %dma_start3A_215 = tpu.memref_squeeze %dma_start3A_214 : memref<1x!tpu.dma_semaphore, #tpu.memory_space<semaphore_mem>> -> memref<!tpu.dma_semaphore, #tpu.memory_space<semaphore_mem>>
        tpu.enqueue_indirect_dma source(%dma_start3A_207 : memref<128x16xf32, #tpu.memory_space<vmem>>) target(%dma_start3A_213 : memref<10240x16xf32, #tpu.memory_space<vmem_shared>>) offsets(%dma_start3A_210 : memref<128xi32, #tpu.memory_space<vmem>>) semaphore(%dma_start3A_215 : memref<!tpu.dma_semaphore, #tpu.memory_space<semaphore_mem>>) {add = true}
        %ge3A_216 = arith.constant 4 : i32
        %ge3A_217 = arith.cmpi sge, %add3A_187, %ge3A_216 : i32
        %convert_element_type3A_218 = arith.extui %ge3A_217 : i1 to i32
        %cond3A_219 = arith.constant 0 : i32
        %cond3A_220 = arith.cmpi ne, %convert_element_type3A_218, %cond3A_219 : i32
        scf.if %cond3A_220 {
          %sub3A = arith.constant 4 : i32
          %sub3A_480 = arith.subi %add3A_187, %sub3A : i32
          %dma_wait3A_481 = arith.constant 5 : i32
          %dma_wait3A_482 = arith.constant 5 : i32
          %dma_wait3A_483 = arith.constant 0 : i32
          %dma_wait3A_484 = arith.constant 0 : i32
          %dma_wait3A_485 = tpu.memref_slice %arg9[%dma_wait3A_481, %dma_wait3A_483, %dma_wait3A_484] : memref<8x128x16xf32, #tpu.memory_space<vmem>> -> memref<1x128x16xf32, #tpu.memory_space<vmem>>
          %dma_wait3A_486 = tpu.memref_squeeze %dma_wait3A_485 : memref<1x128x16xf32, #tpu.memory_space<vmem>> -> memref<128x16xf32, #tpu.memory_space<vmem>>
          %dma_wait3A_487 = arith.constant 0 : i32
          %dma_wait3A_488 = tpu.memref_slice %arg8[%sub3A_480, %dma_wait3A_487] : memref<128x128xi32, #tpu.memory_space<vmem>> -> memref<1x128xi32, #tpu.memory_space<vmem>>
          %dma_wait3A_489 = tpu.memref_squeeze %dma_wait3A_488 : memref<1x128xi32, #tpu.memory_space<vmem>> -> memref<128xi32, #tpu.memory_space<vmem>>
          %dma_wait3A_490 = arith.constant 0 : i32
          %dma_wait3A_491 = arith.constant 0 : i32
          %dma_wait3A_492 = tpu.memref_slice %arg6[%dma_wait3A_490, %dma_wait3A_491] : memref<10240x16xf32, #tpu.memory_space<vmem_shared>> -> memref<10240x16xf32, #tpu.memory_space<vmem_shared>>
          %dma_wait3A_493 = tpu.memref_slice %arg12[%dma_wait3A_482] : memref<8x!tpu.dma_semaphore, #tpu.memory_space<semaphore_mem>> -> memref<1x!tpu.dma_semaphore, #tpu.memory_space<semaphore_mem>>
          %dma_wait3A_494 = tpu.memref_squeeze %dma_wait3A_493 : memref<1x!tpu.dma_semaphore, #tpu.memory_space<semaphore_mem>> -> memref<!tpu.dma_semaphore, #tpu.memory_space<semaphore_mem>>
          tpu.wait_indirect_dma semaphore(%dma_wait3A_494 : memref<!tpu.dma_semaphore, #tpu.memory_space<semaphore_mem>>) src(%dma_wait3A_486 : memref<128x16xf32, #tpu.memory_space<vmem>>) dst(%dma_wait3A_492 : memref<10240x16xf32, #tpu.memory_space<vmem_shared>>)
        } else {
        }
        %add3A_221 = arith.constant 4 : i32
        %add3A_222 = arith.addi %add3A_187, %add3A_221 : i32
        %lt3A_223 = arith.constant 32 : i32
        %lt3A_224 = arith.cmpi slt, %add3A_222, %lt3A_223 : i32
        %convert_element_type3A_225 = arith.extui %lt3A_224 : i1 to i32
        %cond3A_226 = arith.constant 0 : i32
        %cond3A_227 = arith.cmpi ne, %convert_element_type3A_225, %cond3A_226 : i32
        scf.if %cond3A_227 {
          %add3A_480 = arith.constant 4 : i32
          %add3A_481 = arith.addi %add3A_187, %add3A_480 : i32
          %dma_start3A_482 = arith.constant 5 : i32
          %dma_start3A_483 = arith.constant 5 : i32
          %dma_start3A_484 = arith.constant 0 : i32
          %dma_start3A_485 = arith.constant 0 : i32
          %dma_start3A_486 = tpu.memref_slice %arg9[%dma_start3A_482, %dma_start3A_484, %dma_start3A_485] : memref<8x128x16xf32, #tpu.memory_space<vmem>> -> memref<1x128x16xf32, #tpu.memory_space<vmem>>
          %dma_start3A_487 = tpu.memref_squeeze %dma_start3A_486 : memref<1x128x16xf32, #tpu.memory_space<vmem>> -> memref<128x16xf32, #tpu.memory_space<vmem>>
          %dma_start3A_488 = arith.constant 0 : i32
          %dma_start3A_489 = tpu.memref_slice %arg7[%add3A_481, %dma_start3A_488] : memref<128x128xi32, #tpu.memory_space<vmem>> -> memref<1x128xi32, #tpu.memory_space<vmem>>
          %dma_start3A_490 = tpu.memref_squeeze %dma_start3A_489 : memref<1x128xi32, #tpu.memory_space<vmem>> -> memref<128xi32, #tpu.memory_space<vmem>>
          %dma_start3A_491 = arith.constant 0 : i32
          %dma_start3A_492 = arith.constant 0 : i32
          %dma_start3A_493 = tpu.memref_slice %arg2[%dma_start3A_491, %dma_start3A_492] : memref<10000x16xf32, #tpu.memory_space<hbm>> -> memref<10000x16xf32, #tpu.memory_space<hbm>>
          %dma_start3A_494 = tpu.memref_slice %arg11[%dma_start3A_483] : memref<8x!tpu.dma_semaphore, #tpu.memory_space<semaphore_mem>> -> memref<1x!tpu.dma_semaphore, #tpu.memory_space<semaphore_mem>>
          %dma_start3A_495 = tpu.memref_squeeze %dma_start3A_494 : memref<1x!tpu.dma_semaphore, #tpu.memory_space<semaphore_mem>> -> memref<!tpu.dma_semaphore, #tpu.memory_space<semaphore_mem>>
          tpu.enqueue_indirect_dma source(%dma_start3A_493 : memref<10000x16xf32, #tpu.memory_space<hbm>>) target(%dma_start3A_487 : memref<128x16xf32, #tpu.memory_space<vmem>>) offsets(%dma_start3A_490 : memref<128xi32, #tpu.memory_space<vmem>>) semaphore(%dma_start3A_495 : memref<!tpu.dma_semaphore, #tpu.memory_space<semaphore_mem>>)
        } else {
        }
        %add3A_228 = arith.constant 2 : i32
        %add3A_229 = arith.addi %mul3A_145, %add3A_228 : i32
        %dma_wait3A_230 = arith.constant 2 : i32
        %dma_wait3A_231 = arith.constant 2 : i32
        %dma_wait3A_232 = arith.constant 0 : i32
        %dma_wait3A_233 = arith.constant 0 : i32
        %dma_wait3A_234 = tpu.memref_slice %arg9[%dma_wait3A_230, %dma_wait3A_232, %dma_wait3A_233] : memref<8x128x16xf32, #tpu.memory_space<vmem>> -> memref<1x128x16xf32, #tpu.memory_space<vmem>>
        %dma_wait3A_235 = tpu.memref_squeeze %dma_wait3A_234 : memref<1x128x16xf32, #tpu.memory_space<vmem>> -> memref<128x16xf32, #tpu.memory_space<vmem>>
        %dma_wait3A_236 = arith.constant 0 : i32
        %dma_wait3A_237 = tpu.memref_slice %arg7[%add3A_229, %dma_wait3A_236] : memref<128x128xi32, #tpu.memory_space<vmem>> -> memref<1x128xi32, #tpu.memory_space<vmem>>
        %dma_wait3A_238 = tpu.memref_squeeze %dma_wait3A_237 : memref<1x128xi32, #tpu.memory_space<vmem>> -> memref<128xi32, #tpu.memory_space<vmem>>
        %dma_wait3A_239 = arith.constant 0 : i32
        %dma_wait3A_240 = arith.constant 0 : i32
        %dma_wait3A_241 = tpu.memref_slice %arg2[%dma_wait3A_239, %dma_wait3A_240] : memref<10000x16xf32, #tpu.memory_space<hbm>> -> memref<10000x16xf32, #tpu.memory_space<hbm>>
        %dma_wait3A_242 = tpu.memref_slice %arg11[%dma_wait3A_231] : memref<8x!tpu.dma_semaphore, #tpu.memory_space<semaphore_mem>> -> memref<1x!tpu.dma_semaphore, #tpu.memory_space<semaphore_mem>>
        %dma_wait3A_243 = tpu.memref_squeeze %dma_wait3A_242 : memref<1x!tpu.dma_semaphore, #tpu.memory_space<semaphore_mem>> -> memref<!tpu.dma_semaphore, #tpu.memory_space<semaphore_mem>>
        tpu.wait_indirect_dma semaphore(%dma_wait3A_243 : memref<!tpu.dma_semaphore, #tpu.memory_space<semaphore_mem>>) src(%dma_wait3A_241 : memref<10000x16xf32, #tpu.memory_space<hbm>>) dst(%dma_wait3A_235 : memref<128x16xf32, #tpu.memory_space<vmem>>)
        %dma_start3A_244 = arith.constant 2 : i32
        %dma_start3A_245 = arith.constant 2 : i32
        %dma_start3A_246 = arith.constant 0 : i32
        %dma_start3A_247 = arith.constant 0 : i32
        %dma_start3A_248 = tpu.memref_slice %arg9[%dma_start3A_244, %dma_start3A_246, %dma_start3A_247] : memref<8x128x16xf32, #tpu.memory_space<vmem>> -> memref<1x128x16xf32, #tpu.memory_space<vmem>>
        %dma_start3A_249 = tpu.memref_squeeze %dma_start3A_248 : memref<1x128x16xf32, #tpu.memory_space<vmem>> -> memref<128x16xf32, #tpu.memory_space<vmem>>
        %dma_start3A_250 = arith.constant 0 : i32
        %dma_start3A_251 = tpu.memref_slice %arg8[%add3A_229, %dma_start3A_250] : memref<128x128xi32, #tpu.memory_space<vmem>> -> memref<1x128xi32, #tpu.memory_space<vmem>>
        %dma_start3A_252 = tpu.memref_squeeze %dma_start3A_251 : memref<1x128xi32, #tpu.memory_space<vmem>> -> memref<128xi32, #tpu.memory_space<vmem>>
        %dma_start3A_253 = arith.constant 0 : i32
        %dma_start3A_254 = arith.constant 0 : i32
        %dma_start3A_255 = tpu.memref_slice %arg6[%dma_start3A_253, %dma_start3A_254] : memref<10240x16xf32, #tpu.memory_space<vmem_shared>> -> memref<10240x16xf32, #tpu.memory_space<vmem_shared>>
        %dma_start3A_256 = tpu.memref_slice %arg12[%dma_start3A_245] : memref<8x!tpu.dma_semaphore, #tpu.memory_space<semaphore_mem>> -> memref<1x!tpu.dma_semaphore, #tpu.memory_space<semaphore_mem>>
        %dma_start3A_257 = tpu.memref_squeeze %dma_start3A_256 : memref<1x!tpu.dma_semaphore, #tpu.memory_space<semaphore_mem>> -> memref<!tpu.dma_semaphore, #tpu.memory_space<semaphore_mem>>
        tpu.enqueue_indirect_dma source(%dma_start3A_249 : memref<128x16xf32, #tpu.memory_space<vmem>>) target(%dma_start3A_255 : memref<10240x16xf32, #tpu.memory_space<vmem_shared>>) offsets(%dma_start3A_252 : memref<128xi32, #tpu.memory_space<vmem>>) semaphore(%dma_start3A_257 : memref<!tpu.dma_semaphore, #tpu.memory_space<semaphore_mem>>) {add = true}
        %ge3A_258 = arith.constant 4 : i32
        %ge3A_259 = arith.cmpi sge, %add3A_229, %ge3A_258 : i32
        %convert_element_type3A_260 = arith.extui %ge3A_259 : i1 to i32
        %cond3A_261 = arith.constant 0 : i32
        %cond3A_262 = arith.cmpi ne, %convert_element_type3A_260, %cond3A_261 : i32
        scf.if %cond3A_262 {
          %sub3A = arith.constant 4 : i32
          %sub3A_480 = arith.subi %add3A_229, %sub3A : i32
          %dma_wait3A_481 = arith.constant 6 : i32
          %dma_wait3A_482 = arith.constant 6 : i32
          %dma_wait3A_483 = arith.constant 0 : i32
          %dma_wait3A_484 = arith.constant 0 : i32
          %dma_wait3A_485 = tpu.memref_slice %arg9[%dma_wait3A_481, %dma_wait3A_483, %dma_wait3A_484] : memref<8x128x16xf32, #tpu.memory_space<vmem>> -> memref<1x128x16xf32, #tpu.memory_space<vmem>>
          %dma_wait3A_486 = tpu.memref_squeeze %dma_wait3A_485 : memref<1x128x16xf32, #tpu.memory_space<vmem>> -> memref<128x16xf32, #tpu.memory_space<vmem>>
          %dma_wait3A_487 = arith.constant 0 : i32
          %dma_wait3A_488 = tpu.memref_slice %arg8[%sub3A_480, %dma_wait3A_487] : memref<128x128xi32, #tpu.memory_space<vmem>> -> memref<1x128xi32, #tpu.memory_space<vmem>>
          %dma_wait3A_489 = tpu.memref_squeeze %dma_wait3A_488 : memref<1x128xi32, #tpu.memory_space<vmem>> -> memref<128xi32, #tpu.memory_space<vmem>>
          %dma_wait3A_490 = arith.constant 0 : i32
          %dma_wait3A_491 = arith.constant 0 : i32
          %dma_wait3A_492 = tpu.memref_slice %arg6[%dma_wait3A_490, %dma_wait3A_491] : memref<10240x16xf32, #tpu.memory_space<vmem_shared>> -> memref<10240x16xf32, #tpu.memory_space<vmem_shared>>
          %dma_wait3A_493 = tpu.memref_slice %arg12[%dma_wait3A_482] : memref<8x!tpu.dma_semaphore, #tpu.memory_space<semaphore_mem>> -> memref<1x!tpu.dma_semaphore, #tpu.memory_space<semaphore_mem>>
          %dma_wait3A_494 = tpu.memref_squeeze %dma_wait3A_493 : memref<1x!tpu.dma_semaphore, #tpu.memory_space<semaphore_mem>> -> memref<!tpu.dma_semaphore, #tpu.memory_space<semaphore_mem>>
          tpu.wait_indirect_dma semaphore(%dma_wait3A_494 : memref<!tpu.dma_semaphore, #tpu.memory_space<semaphore_mem>>) src(%dma_wait3A_486 : memref<128x16xf32, #tpu.memory_space<vmem>>) dst(%dma_wait3A_492 : memref<10240x16xf32, #tpu.memory_space<vmem_shared>>)
        } else {
        }
        %add3A_263 = arith.constant 4 : i32
        %add3A_264 = arith.addi %add3A_229, %add3A_263 : i32
        %lt3A_265 = arith.constant 32 : i32
        %lt3A_266 = arith.cmpi slt, %add3A_264, %lt3A_265 : i32
        %convert_element_type3A_267 = arith.extui %lt3A_266 : i1 to i32
        %cond3A_268 = arith.constant 0 : i32
        %cond3A_269 = arith.cmpi ne, %convert_element_type3A_267, %cond3A_268 : i32
        scf.if %cond3A_269 {
          %add3A_480 = arith.constant 4 : i32
          %add3A_481 = arith.addi %add3A_229, %add3A_480 : i32
          %dma_start3A_482 = arith.constant 6 : i32
          %dma_start3A_483 = arith.constant 6 : i32
          %dma_start3A_484 = arith.constant 0 : i32
          %dma_start3A_485 = arith.constant 0 : i32
          %dma_start3A_486 = tpu.memref_slice %arg9[%dma_start3A_482, %dma_start3A_484, %dma_start3A_485] : memref<8x128x16xf32, #tpu.memory_space<vmem>> -> memref<1x128x16xf32, #tpu.memory_space<vmem>>
          %dma_start3A_487 = tpu.memref_squeeze %dma_start3A_486 : memref<1x128x16xf32, #tpu.memory_space<vmem>> -> memref<128x16xf32, #tpu.memory_space<vmem>>
          %dma_start3A_488 = arith.constant 0 : i32
          %dma_start3A_489 = tpu.memref_slice %arg7[%add3A_481, %dma_start3A_488] : memref<128x128xi32, #tpu.memory_space<vmem>> -> memref<1x128xi32, #tpu.memory_space<vmem>>
          %dma_start3A_490 = tpu.memref_squeeze %dma_start3A_489 : memref<1x128xi32, #tpu.memory_space<vmem>> -> memref<128xi32, #tpu.memory_space<vmem>>
          %dma_start3A_491 = arith.constant 0 : i32
          %dma_start3A_492 = arith.constant 0 : i32
          %dma_start3A_493 = tpu.memref_slice %arg2[%dma_start3A_491, %dma_start3A_492] : memref<10000x16xf32, #tpu.memory_space<hbm>> -> memref<10000x16xf32, #tpu.memory_space<hbm>>
          %dma_start3A_494 = tpu.memref_slice %arg11[%dma_start3A_483] : memref<8x!tpu.dma_semaphore, #tpu.memory_space<semaphore_mem>> -> memref<1x!tpu.dma_semaphore, #tpu.memory_space<semaphore_mem>>
          %dma_start3A_495 = tpu.memref_squeeze %dma_start3A_494 : memref<1x!tpu.dma_semaphore, #tpu.memory_space<semaphore_mem>> -> memref<!tpu.dma_semaphore, #tpu.memory_space<semaphore_mem>>
          tpu.enqueue_indirect_dma source(%dma_start3A_493 : memref<10000x16xf32, #tpu.memory_space<hbm>>) target(%dma_start3A_487 : memref<128x16xf32, #tpu.memory_space<vmem>>) offsets(%dma_start3A_490 : memref<128xi32, #tpu.memory_space<vmem>>) semaphore(%dma_start3A_495 : memref<!tpu.dma_semaphore, #tpu.memory_space<semaphore_mem>>)
        } else {
        }
        %add3A_270 = arith.constant 3 : i32
        %add3A_271 = arith.addi %mul3A_145, %add3A_270 : i32
        %dma_wait3A_272 = arith.constant 3 : i32
        %dma_wait3A_273 = arith.constant 3 : i32
        %dma_wait3A_274 = arith.constant 0 : i32
        %dma_wait3A_275 = arith.constant 0 : i32
        %dma_wait3A_276 = tpu.memref_slice %arg9[%dma_wait3A_272, %dma_wait3A_274, %dma_wait3A_275] : memref<8x128x16xf32, #tpu.memory_space<vmem>> -> memref<1x128x16xf32, #tpu.memory_space<vmem>>
        %dma_wait3A_277 = tpu.memref_squeeze %dma_wait3A_276 : memref<1x128x16xf32, #tpu.memory_space<vmem>> -> memref<128x16xf32, #tpu.memory_space<vmem>>
        %dma_wait3A_278 = arith.constant 0 : i32
        %dma_wait3A_279 = tpu.memref_slice %arg7[%add3A_271, %dma_wait3A_278] : memref<128x128xi32, #tpu.memory_space<vmem>> -> memref<1x128xi32, #tpu.memory_space<vmem>>
        %dma_wait3A_280 = tpu.memref_squeeze %dma_wait3A_279 : memref<1x128xi32, #tpu.memory_space<vmem>> -> memref<128xi32, #tpu.memory_space<vmem>>
        %dma_wait3A_281 = arith.constant 0 : i32
        %dma_wait3A_282 = arith.constant 0 : i32
        %dma_wait3A_283 = tpu.memref_slice %arg2[%dma_wait3A_281, %dma_wait3A_282] : memref<10000x16xf32, #tpu.memory_space<hbm>> -> memref<10000x16xf32, #tpu.memory_space<hbm>>
        %dma_wait3A_284 = tpu.memref_slice %arg11[%dma_wait3A_273] : memref<8x!tpu.dma_semaphore, #tpu.memory_space<semaphore_mem>> -> memref<1x!tpu.dma_semaphore, #tpu.memory_space<semaphore_mem>>
        %dma_wait3A_285 = tpu.memref_squeeze %dma_wait3A_284 : memref<1x!tpu.dma_semaphore, #tpu.memory_space<semaphore_mem>> -> memref<!tpu.dma_semaphore, #tpu.memory_space<semaphore_mem>>
        tpu.wait_indirect_dma semaphore(%dma_wait3A_285 : memref<!tpu.dma_semaphore, #tpu.memory_space<semaphore_mem>>) src(%dma_wait3A_283 : memref<10000x16xf32, #tpu.memory_space<hbm>>) dst(%dma_wait3A_277 : memref<128x16xf32, #tpu.memory_space<vmem>>)
        %dma_start3A_286 = arith.constant 3 : i32
        %dma_start3A_287 = arith.constant 3 : i32
        %dma_start3A_288 = arith.constant 0 : i32
        %dma_start3A_289 = arith.constant 0 : i32
        %dma_start3A_290 = tpu.memref_slice %arg9[%dma_start3A_286, %dma_start3A_288, %dma_start3A_289] : memref<8x128x16xf32, #tpu.memory_space<vmem>> -> memref<1x128x16xf32, #tpu.memory_space<vmem>>
        %dma_start3A_291 = tpu.memref_squeeze %dma_start3A_290 : memref<1x128x16xf32, #tpu.memory_space<vmem>> -> memref<128x16xf32, #tpu.memory_space<vmem>>
        %dma_start3A_292 = arith.constant 0 : i32
        %dma_start3A_293 = tpu.memref_slice %arg8[%add3A_271, %dma_start3A_292] : memref<128x128xi32, #tpu.memory_space<vmem>> -> memref<1x128xi32, #tpu.memory_space<vmem>>
        %dma_start3A_294 = tpu.memref_squeeze %dma_start3A_293 : memref<1x128xi32, #tpu.memory_space<vmem>> -> memref<128xi32, #tpu.memory_space<vmem>>
        %dma_start3A_295 = arith.constant 0 : i32
        %dma_start3A_296 = arith.constant 0 : i32
        %dma_start3A_297 = tpu.memref_slice %arg6[%dma_start3A_295, %dma_start3A_296] : memref<10240x16xf32, #tpu.memory_space<vmem_shared>> -> memref<10240x16xf32, #tpu.memory_space<vmem_shared>>
        %dma_start3A_298 = tpu.memref_slice %arg12[%dma_start3A_287] : memref<8x!tpu.dma_semaphore, #tpu.memory_space<semaphore_mem>> -> memref<1x!tpu.dma_semaphore, #tpu.memory_space<semaphore_mem>>
        %dma_start3A_299 = tpu.memref_squeeze %dma_start3A_298 : memref<1x!tpu.dma_semaphore, #tpu.memory_space<semaphore_mem>> -> memref<!tpu.dma_semaphore, #tpu.memory_space<semaphore_mem>>
        tpu.enqueue_indirect_dma source(%dma_start3A_291 : memref<128x16xf32, #tpu.memory_space<vmem>>) target(%dma_start3A_297 : memref<10240x16xf32, #tpu.memory_space<vmem_shared>>) offsets(%dma_start3A_294 : memref<128xi32, #tpu.memory_space<vmem>>) semaphore(%dma_start3A_299 : memref<!tpu.dma_semaphore, #tpu.memory_space<semaphore_mem>>) {add = true}
        %ge3A_300 = arith.constant 4 : i32
        %ge3A_301 = arith.cmpi sge, %add3A_271, %ge3A_300 : i32
        %convert_element_type3A_302 = arith.extui %ge3A_301 : i1 to i32
        %cond3A_303 = arith.constant 0 : i32
        %cond3A_304 = arith.cmpi ne, %convert_element_type3A_302, %cond3A_303 : i32
        scf.if %cond3A_304 {
          %sub3A = arith.constant 4 : i32
          %sub3A_480 = arith.subi %add3A_271, %sub3A : i32
          %dma_wait3A_481 = arith.constant 7 : i32
          %dma_wait3A_482 = arith.constant 7 : i32
          %dma_wait3A_483 = arith.constant 0 : i32
          %dma_wait3A_484 = arith.constant 0 : i32
          %dma_wait3A_485 = tpu.memref_slice %arg9[%dma_wait3A_481, %dma_wait3A_483, %dma_wait3A_484] : memref<8x128x16xf32, #tpu.memory_space<vmem>> -> memref<1x128x16xf32, #tpu.memory_space<vmem>>
          %dma_wait3A_486 = tpu.memref_squeeze %dma_wait3A_485 : memref<1x128x16xf32, #tpu.memory_space<vmem>> -> memref<128x16xf32, #tpu.memory_space<vmem>>
          %dma_wait3A_487 = arith.constant 0 : i32
          %dma_wait3A_488 = tpu.memref_slice %arg8[%sub3A_480, %dma_wait3A_487] : memref<128x128xi32, #tpu.memory_space<vmem>> -> memref<1x128xi32, #tpu.memory_space<vmem>>
          %dma_wait3A_489 = tpu.memref_squeeze %dma_wait3A_488 : memref<1x128xi32, #tpu.memory_space<vmem>> -> memref<128xi32, #tpu.memory_space<vmem>>
          %dma_wait3A_490 = arith.constant 0 : i32
          %dma_wait3A_491 = arith.constant 0 : i32
          %dma_wait3A_492 = tpu.memref_slice %arg6[%dma_wait3A_490, %dma_wait3A_491] : memref<10240x16xf32, #tpu.memory_space<vmem_shared>> -> memref<10240x16xf32, #tpu.memory_space<vmem_shared>>
          %dma_wait3A_493 = tpu.memref_slice %arg12[%dma_wait3A_482] : memref<8x!tpu.dma_semaphore, #tpu.memory_space<semaphore_mem>> -> memref<1x!tpu.dma_semaphore, #tpu.memory_space<semaphore_mem>>
          %dma_wait3A_494 = tpu.memref_squeeze %dma_wait3A_493 : memref<1x!tpu.dma_semaphore, #tpu.memory_space<semaphore_mem>> -> memref<!tpu.dma_semaphore, #tpu.memory_space<semaphore_mem>>
          tpu.wait_indirect_dma semaphore(%dma_wait3A_494 : memref<!tpu.dma_semaphore, #tpu.memory_space<semaphore_mem>>) src(%dma_wait3A_486 : memref<128x16xf32, #tpu.memory_space<vmem>>) dst(%dma_wait3A_492 : memref<10240x16xf32, #tpu.memory_space<vmem_shared>>)
        } else {
        }
        %add3A_305 = arith.constant 4 : i32
        %add3A_306 = arith.addi %add3A_271, %add3A_305 : i32
        %lt3A_307 = arith.constant 32 : i32
        %lt3A_308 = arith.cmpi slt, %add3A_306, %lt3A_307 : i32
        %convert_element_type3A_309 = arith.extui %lt3A_308 : i1 to i32
        %cond3A_310 = arith.constant 0 : i32
        %cond3A_311 = arith.cmpi ne, %convert_element_type3A_309, %cond3A_310 : i32
        scf.if %cond3A_311 {
          %add3A_480 = arith.constant 4 : i32
          %add3A_481 = arith.addi %add3A_271, %add3A_480 : i32
          %dma_start3A_482 = arith.constant 7 : i32
          %dma_start3A_483 = arith.constant 7 : i32
          %dma_start3A_484 = arith.constant 0 : i32
          %dma_start3A_485 = arith.constant 0 : i32
          %dma_start3A_486 = tpu.memref_slice %arg9[%dma_start3A_482, %dma_start3A_484, %dma_start3A_485] : memref<8x128x16xf32, #tpu.memory_space<vmem>> -> memref<1x128x16xf32, #tpu.memory_space<vmem>>
          %dma_start3A_487 = tpu.memref_squeeze %dma_start3A_486 : memref<1x128x16xf32, #tpu.memory_space<vmem>> -> memref<128x16xf32, #tpu.memory_space<vmem>>
          %dma_start3A_488 = arith.constant 0 : i32
          %dma_start3A_489 = tpu.memref_slice %arg7[%add3A_481, %dma_start3A_488] : memref<128x128xi32, #tpu.memory_space<vmem>> -> memref<1x128xi32, #tpu.memory_space<vmem>>
          %dma_start3A_490 = tpu.memref_squeeze %dma_start3A_489 : memref<1x128xi32, #tpu.memory_space<vmem>> -> memref<128xi32, #tpu.memory_space<vmem>>
          %dma_start3A_491 = arith.constant 0 : i32
          %dma_start3A_492 = arith.constant 0 : i32
          %dma_start3A_493 = tpu.memref_slice %arg2[%dma_start3A_491, %dma_start3A_492] : memref<10000x16xf32, #tpu.memory_space<hbm>> -> memref<10000x16xf32, #tpu.memory_space<hbm>>
          %dma_start3A_494 = tpu.memref_slice %arg11[%dma_start3A_483] : memref<8x!tpu.dma_semaphore, #tpu.memory_space<semaphore_mem>> -> memref<1x!tpu.dma_semaphore, #tpu.memory_space<semaphore_mem>>
          %dma_start3A_495 = tpu.memref_squeeze %dma_start3A_494 : memref<1x!tpu.dma_semaphore, #tpu.memory_space<semaphore_mem>> -> memref<!tpu.dma_semaphore, #tpu.memory_space<semaphore_mem>>
          tpu.enqueue_indirect_dma source(%dma_start3A_493 : memref<10000x16xf32, #tpu.memory_space<hbm>>) target(%dma_start3A_487 : memref<128x16xf32, #tpu.memory_space<vmem>>) offsets(%dma_start3A_490 : memref<128xi32, #tpu.memory_space<vmem>>) semaphore(%dma_start3A_495 : memref<!tpu.dma_semaphore, #tpu.memory_space<semaphore_mem>>)
        } else {
        }
        %add3A_312 = arith.constant 4 : i32
        %add3A_313 = arith.addi %mul3A_145, %add3A_312 : i32
        %dma_wait3A_314 = arith.constant 4 : i32
        %dma_wait3A_315 = arith.constant 4 : i32
        %dma_wait3A_316 = arith.constant 0 : i32
        %dma_wait3A_317 = arith.constant 0 : i32
        %dma_wait3A_318 = tpu.memref_slice %arg9[%dma_wait3A_314, %dma_wait3A_316, %dma_wait3A_317] : memref<8x128x16xf32, #tpu.memory_space<vmem>> -> memref<1x128x16xf32, #tpu.memory_space<vmem>>
        %dma_wait3A_319 = tpu.memref_squeeze %dma_wait3A_318 : memref<1x128x16xf32, #tpu.memory_space<vmem>> -> memref<128x16xf32, #tpu.memory_space<vmem>>
        %dma_wait3A_320 = arith.constant 0 : i32
        %dma_wait3A_321 = tpu.memref_slice %arg7[%add3A_313, %dma_wait3A_320] : memref<128x128xi32, #tpu.memory_space<vmem>> -> memref<1x128xi32, #tpu.memory_space<vmem>>
        %dma_wait3A_322 = tpu.memref_squeeze %dma_wait3A_321 : memref<1x128xi32, #tpu.memory_space<vmem>> -> memref<128xi32, #tpu.memory_space<vmem>>
        %dma_wait3A_323 = arith.constant 0 : i32
        %dma_wait3A_324 = arith.constant 0 : i32
        %dma_wait3A_325 = tpu.memref_slice %arg2[%dma_wait3A_323, %dma_wait3A_324] : memref<10000x16xf32, #tpu.memory_space<hbm>> -> memref<10000x16xf32, #tpu.memory_space<hbm>>
        %dma_wait3A_326 = tpu.memref_slice %arg11[%dma_wait3A_315] : memref<8x!tpu.dma_semaphore, #tpu.memory_space<semaphore_mem>> -> memref<1x!tpu.dma_semaphore, #tpu.memory_space<semaphore_mem>>
        %dma_wait3A_327 = tpu.memref_squeeze %dma_wait3A_326 : memref<1x!tpu.dma_semaphore, #tpu.memory_space<semaphore_mem>> -> memref<!tpu.dma_semaphore, #tpu.memory_space<semaphore_mem>>
        tpu.wait_indirect_dma semaphore(%dma_wait3A_327 : memref<!tpu.dma_semaphore, #tpu.memory_space<semaphore_mem>>) src(%dma_wait3A_325 : memref<10000x16xf32, #tpu.memory_space<hbm>>) dst(%dma_wait3A_319 : memref<128x16xf32, #tpu.memory_space<vmem>>)
        %dma_start3A_328 = arith.constant 4 : i32
        %dma_start3A_329 = arith.constant 4 : i32
        %dma_start3A_330 = arith.constant 0 : i32
        %dma_start3A_331 = arith.constant 0 : i32
        %dma_start3A_332 = tpu.memref_slice %arg9[%dma_start3A_328, %dma_start3A_330, %dma_start3A_331] : memref<8x128x16xf32, #tpu.memory_space<vmem>> -> memref<1x128x16xf32, #tpu.memory_space<vmem>>
        %dma_start3A_333 = tpu.memref_squeeze %dma_start3A_332 : memref<1x128x16xf32, #tpu.memory_space<vmem>> -> memref<128x16xf32, #tpu.memory_space<vmem>>
        %dma_start3A_334 = arith.constant 0 : i32
        %dma_start3A_335 = tpu.memref_slice %arg8[%add3A_313, %dma_start3A_334] : memref<128x128xi32, #tpu.memory_space<vmem>> -> memref<1x128xi32, #tpu.memory_space<vmem>>
        %dma_start3A_336 = tpu.memref_squeeze %dma_start3A_335 : memref<1x128xi32, #tpu.memory_space<vmem>> -> memref<128xi32, #tpu.memory_space<vmem>>
        %dma_start3A_337 = arith.constant 0 : i32
        %dma_start3A_338 = arith.constant 0 : i32
        %dma_start3A_339 = tpu.memref_slice %arg6[%dma_start3A_337, %dma_start3A_338] : memref<10240x16xf32, #tpu.memory_space<vmem_shared>> -> memref<10240x16xf32, #tpu.memory_space<vmem_shared>>
        %dma_start3A_340 = tpu.memref_slice %arg12[%dma_start3A_329] : memref<8x!tpu.dma_semaphore, #tpu.memory_space<semaphore_mem>> -> memref<1x!tpu.dma_semaphore, #tpu.memory_space<semaphore_mem>>
        %dma_start3A_341 = tpu.memref_squeeze %dma_start3A_340 : memref<1x!tpu.dma_semaphore, #tpu.memory_space<semaphore_mem>> -> memref<!tpu.dma_semaphore, #tpu.memory_space<semaphore_mem>>
        tpu.enqueue_indirect_dma source(%dma_start3A_333 : memref<128x16xf32, #tpu.memory_space<vmem>>) target(%dma_start3A_339 : memref<10240x16xf32, #tpu.memory_space<vmem_shared>>) offsets(%dma_start3A_336 : memref<128xi32, #tpu.memory_space<vmem>>) semaphore(%dma_start3A_341 : memref<!tpu.dma_semaphore, #tpu.memory_space<semaphore_mem>>) {add = true}
        %ge3A_342 = arith.constant 4 : i32
        %ge3A_343 = arith.cmpi sge, %add3A_313, %ge3A_342 : i32
        %convert_element_type3A_344 = arith.extui %ge3A_343 : i1 to i32
        %cond3A_345 = arith.constant 0 : i32
        %cond3A_346 = arith.cmpi ne, %convert_element_type3A_344, %cond3A_345 : i32
        scf.if %cond3A_346 {
          %sub3A = arith.constant 4 : i32
          %sub3A_480 = arith.subi %add3A_313, %sub3A : i32
          %dma_wait3A_481 = arith.constant 0 : i32
          %dma_wait3A_482 = arith.constant 0 : i32
          %dma_wait3A_483 = arith.constant 0 : i32
          %dma_wait3A_484 = arith.constant 0 : i32
          %dma_wait3A_485 = tpu.memref_slice %arg9[%dma_wait3A_481, %dma_wait3A_483, %dma_wait3A_484] : memref<8x128x16xf32, #tpu.memory_space<vmem>> -> memref<1x128x16xf32, #tpu.memory_space<vmem>>
          %dma_wait3A_486 = tpu.memref_squeeze %dma_wait3A_485 : memref<1x128x16xf32, #tpu.memory_space<vmem>> -> memref<128x16xf32, #tpu.memory_space<vmem>>
          %dma_wait3A_487 = arith.constant 0 : i32
          %dma_wait3A_488 = tpu.memref_slice %arg8[%sub3A_480, %dma_wait3A_487] : memref<128x128xi32, #tpu.memory_space<vmem>> -> memref<1x128xi32, #tpu.memory_space<vmem>>
          %dma_wait3A_489 = tpu.memref_squeeze %dma_wait3A_488 : memref<1x128xi32, #tpu.memory_space<vmem>> -> memref<128xi32, #tpu.memory_space<vmem>>
          %dma_wait3A_490 = arith.constant 0 : i32
          %dma_wait3A_491 = arith.constant 0 : i32
          %dma_wait3A_492 = tpu.memref_slice %arg6[%dma_wait3A_490, %dma_wait3A_491] : memref<10240x16xf32, #tpu.memory_space<vmem_shared>> -> memref<10240x16xf32, #tpu.memory_space<vmem_shared>>
          %dma_wait3A_493 = tpu.memref_slice %arg12[%dma_wait3A_482] : memref<8x!tpu.dma_semaphore, #tpu.memory_space<semaphore_mem>> -> memref<1x!tpu.dma_semaphore, #tpu.memory_space<semaphore_mem>>
          %dma_wait3A_494 = tpu.memref_squeeze %dma_wait3A_493 : memref<1x!tpu.dma_semaphore, #tpu.memory_space<semaphore_mem>> -> memref<!tpu.dma_semaphore, #tpu.memory_space<semaphore_mem>>
          tpu.wait_indirect_dma semaphore(%dma_wait3A_494 : memref<!tpu.dma_semaphore, #tpu.memory_space<semaphore_mem>>) src(%dma_wait3A_486 : memref<128x16xf32, #tpu.memory_space<vmem>>) dst(%dma_wait3A_492 : memref<10240x16xf32, #tpu.memory_space<vmem_shared>>)
        } else {
        }
        %add3A_347 = arith.constant 4 : i32
        %add3A_348 = arith.addi %add3A_313, %add3A_347 : i32
        %lt3A_349 = arith.constant 32 : i32
        %lt3A_350 = arith.cmpi slt, %add3A_348, %lt3A_349 : i32
        %convert_element_type3A_351 = arith.extui %lt3A_350 : i1 to i32
        %cond3A_352 = arith.constant 0 : i32
        %cond3A_353 = arith.cmpi ne, %convert_element_type3A_351, %cond3A_352 : i32
        scf.if %cond3A_353 {
          %add3A_480 = arith.constant 4 : i32
          %add3A_481 = arith.addi %add3A_313, %add3A_480 : i32
          %dma_start3A_482 = arith.constant 0 : i32
          %dma_start3A_483 = arith.constant 0 : i32
          %dma_start3A_484 = arith.constant 0 : i32
          %dma_start3A_485 = arith.constant 0 : i32
          %dma_start3A_486 = tpu.memref_slice %arg9[%dma_start3A_482, %dma_start3A_484, %dma_start3A_485] : memref<8x128x16xf32, #tpu.memory_space<vmem>> -> memref<1x128x16xf32, #tpu.memory_space<vmem>>
          %dma_start3A_487 = tpu.memref_squeeze %dma_start3A_486 : memref<1x128x16xf32, #tpu.memory_space<vmem>> -> memref<128x16xf32, #tpu.memory_space<vmem>>
          %dma_start3A_488 = arith.constant 0 : i32
          %dma_start3A_489 = tpu.memref_slice %arg7[%add3A_481, %dma_start3A_488] : memref<128x128xi32, #tpu.memory_space<vmem>> -> memref<1x128xi32, #tpu.memory_space<vmem>>
          %dma_start3A_490 = tpu.memref_squeeze %dma_start3A_489 : memref<1x128xi32, #tpu.memory_space<vmem>> -> memref<128xi32, #tpu.memory_space<vmem>>
          %dma_start3A_491 = arith.constant 0 : i32
          %dma_start3A_492 = arith.constant 0 : i32
          %dma_start3A_493 = tpu.memref_slice %arg2[%dma_start3A_491, %dma_start3A_492] : memref<10000x16xf32, #tpu.memory_space<hbm>> -> memref<10000x16xf32, #tpu.memory_space<hbm>>
          %dma_start3A_494 = tpu.memref_slice %arg11[%dma_start3A_483] : memref<8x!tpu.dma_semaphore, #tpu.memory_space<semaphore_mem>> -> memref<1x!tpu.dma_semaphore, #tpu.memory_space<semaphore_mem>>
          %dma_start3A_495 = tpu.memref_squeeze %dma_start3A_494 : memref<1x!tpu.dma_semaphore, #tpu.memory_space<semaphore_mem>> -> memref<!tpu.dma_semaphore, #tpu.memory_space<semaphore_mem>>
          tpu.enqueue_indirect_dma source(%dma_start3A_493 : memref<10000x16xf32, #tpu.memory_space<hbm>>) target(%dma_start3A_487 : memref<128x16xf32, #tpu.memory_space<vmem>>) offsets(%dma_start3A_490 : memref<128xi32, #tpu.memory_space<vmem>>) semaphore(%dma_start3A_495 : memref<!tpu.dma_semaphore, #tpu.memory_space<semaphore_mem>>)
        } else {
        }
        %add3A_354 = arith.constant 5 : i32
        %add3A_355 = arith.addi %mul3A_145, %add3A_354 : i32
        %dma_wait3A_356 = arith.constant 5 : i32
        %dma_wait3A_357 = arith.constant 5 : i32
        %dma_wait3A_358 = arith.constant 0 : i32
        %dma_wait3A_359 = arith.constant 0 : i32
        %dma_wait3A_360 = tpu.memref_slice %arg9[%dma_wait3A_356, %dma_wait3A_358, %dma_wait3A_359] : memref<8x128x16xf32, #tpu.memory_space<vmem>> -> memref<1x128x16xf32, #tpu.memory_space<vmem>>
        %dma_wait3A_361 = tpu.memref_squeeze %dma_wait3A_360 : memref<1x128x16xf32, #tpu.memory_space<vmem>> -> memref<128x16xf32, #tpu.memory_space<vmem>>
        %dma_wait3A_362 = arith.constant 0 : i32
        %dma_wait3A_363 = tpu.memref_slice %arg7[%add3A_355, %dma_wait3A_362] : memref<128x128xi32, #tpu.memory_space<vmem>> -> memref<1x128xi32, #tpu.memory_space<vmem>>
        %dma_wait3A_364 = tpu.memref_squeeze %dma_wait3A_363 : memref<1x128xi32, #tpu.memory_space<vmem>> -> memref<128xi32, #tpu.memory_space<vmem>>
        %dma_wait3A_365 = arith.constant 0 : i32
        %dma_wait3A_366 = arith.constant 0 : i32
        %dma_wait3A_367 = tpu.memref_slice %arg2[%dma_wait3A_365, %dma_wait3A_366] : memref<10000x16xf32, #tpu.memory_space<hbm>> -> memref<10000x16xf32, #tpu.memory_space<hbm>>
        %dma_wait3A_368 = tpu.memref_slice %arg11[%dma_wait3A_357] : memref<8x!tpu.dma_semaphore, #tpu.memory_space<semaphore_mem>> -> memref<1x!tpu.dma_semaphore, #tpu.memory_space<semaphore_mem>>
        %dma_wait3A_369 = tpu.memref_squeeze %dma_wait3A_368 : memref<1x!tpu.dma_semaphore, #tpu.memory_space<semaphore_mem>> -> memref<!tpu.dma_semaphore, #tpu.memory_space<semaphore_mem>>
        tpu.wait_indirect_dma semaphore(%dma_wait3A_369 : memref<!tpu.dma_semaphore, #tpu.memory_space<semaphore_mem>>) src(%dma_wait3A_367 : memref<10000x16xf32, #tpu.memory_space<hbm>>) dst(%dma_wait3A_361 : memref<128x16xf32, #tpu.memory_space<vmem>>)
        %dma_start3A_370 = arith.constant 5 : i32
        %dma_start3A_371 = arith.constant 5 : i32
        %dma_start3A_372 = arith.constant 0 : i32
        %dma_start3A_373 = arith.constant 0 : i32
        %dma_start3A_374 = tpu.memref_slice %arg9[%dma_start3A_370, %dma_start3A_372, %dma_start3A_373] : memref<8x128x16xf32, #tpu.memory_space<vmem>> -> memref<1x128x16xf32, #tpu.memory_space<vmem>>
        %dma_start3A_375 = tpu.memref_squeeze %dma_start3A_374 : memref<1x128x16xf32, #tpu.memory_space<vmem>> -> memref<128x16xf32, #tpu.memory_space<vmem>>
        %dma_start3A_376 = arith.constant 0 : i32
        %dma_start3A_377 = tpu.memref_slice %arg8[%add3A_355, %dma_start3A_376] : memref<128x128xi32, #tpu.memory_space<vmem>> -> memref<1x128xi32, #tpu.memory_space<vmem>>
        %dma_start3A_378 = tpu.memref_squeeze %dma_start3A_377 : memref<1x128xi32, #tpu.memory_space<vmem>> -> memref<128xi32, #tpu.memory_space<vmem>>
        %dma_start3A_379 = arith.constant 0 : i32
        %dma_start3A_380 = arith.constant 0 : i32
        %dma_start3A_381 = tpu.memref_slice %arg6[%dma_start3A_379, %dma_start3A_380] : memref<10240x16xf32, #tpu.memory_space<vmem_shared>> -> memref<10240x16xf32, #tpu.memory_space<vmem_shared>>
        %dma_start3A_382 = tpu.memref_slice %arg12[%dma_start3A_371] : memref<8x!tpu.dma_semaphore, #tpu.memory_space<semaphore_mem>> -> memref<1x!tpu.dma_semaphore, #tpu.memory_space<semaphore_mem>>
        %dma_start3A_383 = tpu.memref_squeeze %dma_start3A_382 : memref<1x!tpu.dma_semaphore, #tpu.memory_space<semaphore_mem>> -> memref<!tpu.dma_semaphore, #tpu.memory_space<semaphore_mem>>
        tpu.enqueue_indirect_dma source(%dma_start3A_375 : memref<128x16xf32, #tpu.memory_space<vmem>>) target(%dma_start3A_381 : memref<10240x16xf32, #tpu.memory_space<vmem_shared>>) offsets(%dma_start3A_378 : memref<128xi32, #tpu.memory_space<vmem>>) semaphore(%dma_start3A_383 : memref<!tpu.dma_semaphore, #tpu.memory_space<semaphore_mem>>) {add = true}
        %ge3A_384 = arith.constant 4 : i32
        %ge3A_385 = arith.cmpi sge, %add3A_355, %ge3A_384 : i32
        %convert_element_type3A_386 = arith.extui %ge3A_385 : i1 to i32
        %cond3A_387 = arith.constant 0 : i32
        %cond3A_388 = arith.cmpi ne, %convert_element_type3A_386, %cond3A_387 : i32
        scf.if %cond3A_388 {
          %sub3A = arith.constant 4 : i32
          %sub3A_480 = arith.subi %add3A_355, %sub3A : i32
          %dma_wait3A_481 = arith.constant 1 : i32
          %dma_wait3A_482 = arith.constant 1 : i32
          %dma_wait3A_483 = arith.constant 0 : i32
          %dma_wait3A_484 = arith.constant 0 : i32
          %dma_wait3A_485 = tpu.memref_slice %arg9[%dma_wait3A_481, %dma_wait3A_483, %dma_wait3A_484] : memref<8x128x16xf32, #tpu.memory_space<vmem>> -> memref<1x128x16xf32, #tpu.memory_space<vmem>>
          %dma_wait3A_486 = tpu.memref_squeeze %dma_wait3A_485 : memref<1x128x16xf32, #tpu.memory_space<vmem>> -> memref<128x16xf32, #tpu.memory_space<vmem>>
          %dma_wait3A_487 = arith.constant 0 : i32
          %dma_wait3A_488 = tpu.memref_slice %arg8[%sub3A_480, %dma_wait3A_487] : memref<128x128xi32, #tpu.memory_space<vmem>> -> memref<1x128xi32, #tpu.memory_space<vmem>>
          %dma_wait3A_489 = tpu.memref_squeeze %dma_wait3A_488 : memref<1x128xi32, #tpu.memory_space<vmem>> -> memref<128xi32, #tpu.memory_space<vmem>>
          %dma_wait3A_490 = arith.constant 0 : i32
          %dma_wait3A_491 = arith.constant 0 : i32
          %dma_wait3A_492 = tpu.memref_slice %arg6[%dma_wait3A_490, %dma_wait3A_491] : memref<10240x16xf32, #tpu.memory_space<vmem_shared>> -> memref<10240x16xf32, #tpu.memory_space<vmem_shared>>
          %dma_wait3A_493 = tpu.memref_slice %arg12[%dma_wait3A_482] : memref<8x!tpu.dma_semaphore, #tpu.memory_space<semaphore_mem>> -> memref<1x!tpu.dma_semaphore, #tpu.memory_space<semaphore_mem>>
          %dma_wait3A_494 = tpu.memref_squeeze %dma_wait3A_493 : memref<1x!tpu.dma_semaphore, #tpu.memory_space<semaphore_mem>> -> memref<!tpu.dma_semaphore, #tpu.memory_space<semaphore_mem>>
          tpu.wait_indirect_dma semaphore(%dma_wait3A_494 : memref<!tpu.dma_semaphore, #tpu.memory_space<semaphore_mem>>) src(%dma_wait3A_486 : memref<128x16xf32, #tpu.memory_space<vmem>>) dst(%dma_wait3A_492 : memref<10240x16xf32, #tpu.memory_space<vmem_shared>>)
        } else {
        }
        %add3A_389 = arith.constant 4 : i32
        %add3A_390 = arith.addi %add3A_355, %add3A_389 : i32
        %lt3A_391 = arith.constant 32 : i32
        %lt3A_392 = arith.cmpi slt, %add3A_390, %lt3A_391 : i32
        %convert_element_type3A_393 = arith.extui %lt3A_392 : i1 to i32
        %cond3A_394 = arith.constant 0 : i32
        %cond3A_395 = arith.cmpi ne, %convert_element_type3A_393, %cond3A_394 : i32
        scf.if %cond3A_395 {
          %add3A_480 = arith.constant 4 : i32
          %add3A_481 = arith.addi %add3A_355, %add3A_480 : i32
          %dma_start3A_482 = arith.constant 1 : i32
          %dma_start3A_483 = arith.constant 1 : i32
          %dma_start3A_484 = arith.constant 0 : i32
          %dma_start3A_485 = arith.constant 0 : i32
          %dma_start3A_486 = tpu.memref_slice %arg9[%dma_start3A_482, %dma_start3A_484, %dma_start3A_485] : memref<8x128x16xf32, #tpu.memory_space<vmem>> -> memref<1x128x16xf32, #tpu.memory_space<vmem>>
          %dma_start3A_487 = tpu.memref_squeeze %dma_start3A_486 : memref<1x128x16xf32, #tpu.memory_space<vmem>> -> memref<128x16xf32, #tpu.memory_space<vmem>>
          %dma_start3A_488 = arith.constant 0 : i32
          %dma_start3A_489 = tpu.memref_slice %arg7[%add3A_481, %dma_start3A_488] : memref<128x128xi32, #tpu.memory_space<vmem>> -> memref<1x128xi32, #tpu.memory_space<vmem>>
          %dma_start3A_490 = tpu.memref_squeeze %dma_start3A_489 : memref<1x128xi32, #tpu.memory_space<vmem>> -> memref<128xi32, #tpu.memory_space<vmem>>
          %dma_start3A_491 = arith.constant 0 : i32
          %dma_start3A_492 = arith.constant 0 : i32
          %dma_start3A_493 = tpu.memref_slice %arg2[%dma_start3A_491, %dma_start3A_492] : memref<10000x16xf32, #tpu.memory_space<hbm>> -> memref<10000x16xf32, #tpu.memory_space<hbm>>
          %dma_start3A_494 = tpu.memref_slice %arg11[%dma_start3A_483] : memref<8x!tpu.dma_semaphore, #tpu.memory_space<semaphore_mem>> -> memref<1x!tpu.dma_semaphore, #tpu.memory_space<semaphore_mem>>
          %dma_start3A_495 = tpu.memref_squeeze %dma_start3A_494 : memref<1x!tpu.dma_semaphore, #tpu.memory_space<semaphore_mem>> -> memref<!tpu.dma_semaphore, #tpu.memory_space<semaphore_mem>>
          tpu.enqueue_indirect_dma source(%dma_start3A_493 : memref<10000x16xf32, #tpu.memory_space<hbm>>) target(%dma_start3A_487 : memref<128x16xf32, #tpu.memory_space<vmem>>) offsets(%dma_start3A_490 : memref<128xi32, #tpu.memory_space<vmem>>) semaphore(%dma_start3A_495 : memref<!tpu.dma_semaphore, #tpu.memory_space<semaphore_mem>>)
        } else {
        }
        %add3A_396 = arith.constant 6 : i32
        %add3A_397 = arith.addi %mul3A_145, %add3A_396 : i32
        %dma_wait3A_398 = arith.constant 6 : i32
        %dma_wait3A_399 = arith.constant 6 : i32
        %dma_wait3A_400 = arith.constant 0 : i32
        %dma_wait3A_401 = arith.constant 0 : i32
        %dma_wait3A_402 = tpu.memref_slice %arg9[%dma_wait3A_398, %dma_wait3A_400, %dma_wait3A_401] : memref<8x128x16xf32, #tpu.memory_space<vmem>> -> memref<1x128x16xf32, #tpu.memory_space<vmem>>
        %dma_wait3A_403 = tpu.memref_squeeze %dma_wait3A_402 : memref<1x128x16xf32, #tpu.memory_space<vmem>> -> memref<128x16xf32, #tpu.memory_space<vmem>>
        %dma_wait3A_404 = arith.constant 0 : i32
        %dma_wait3A_405 = tpu.memref_slice %arg7[%add3A_397, %dma_wait3A_404] : memref<128x128xi32, #tpu.memory_space<vmem>> -> memref<1x128xi32, #tpu.memory_space<vmem>>
        %dma_wait3A_406 = tpu.memref_squeeze %dma_wait3A_405 : memref<1x128xi32, #tpu.memory_space<vmem>> -> memref<128xi32, #tpu.memory_space<vmem>>
        %dma_wait3A_407 = arith.constant 0 : i32
        %dma_wait3A_408 = arith.constant 0 : i32
        %dma_wait3A_409 = tpu.memref_slice %arg2[%dma_wait3A_407, %dma_wait3A_408] : memref<10000x16xf32, #tpu.memory_space<hbm>> -> memref<10000x16xf32, #tpu.memory_space<hbm>>
        %dma_wait3A_410 = tpu.memref_slice %arg11[%dma_wait3A_399] : memref<8x!tpu.dma_semaphore, #tpu.memory_space<semaphore_mem>> -> memref<1x!tpu.dma_semaphore, #tpu.memory_space<semaphore_mem>>
        %dma_wait3A_411 = tpu.memref_squeeze %dma_wait3A_410 : memref<1x!tpu.dma_semaphore, #tpu.memory_space<semaphore_mem>> -> memref<!tpu.dma_semaphore, #tpu.memory_space<semaphore_mem>>
        tpu.wait_indirect_dma semaphore(%dma_wait3A_411 : memref<!tpu.dma_semaphore, #tpu.memory_space<semaphore_mem>>) src(%dma_wait3A_409 : memref<10000x16xf32, #tpu.memory_space<hbm>>) dst(%dma_wait3A_403 : memref<128x16xf32, #tpu.memory_space<vmem>>)
        %dma_start3A_412 = arith.constant 6 : i32
        %dma_start3A_413 = arith.constant 6 : i32
        %dma_start3A_414 = arith.constant 0 : i32
        %dma_start3A_415 = arith.constant 0 : i32
        %dma_start3A_416 = tpu.memref_slice %arg9[%dma_start3A_412, %dma_start3A_414, %dma_start3A_415] : memref<8x128x16xf32, #tpu.memory_space<vmem>> -> memref<1x128x16xf32, #tpu.memory_space<vmem>>
        %dma_start3A_417 = tpu.memref_squeeze %dma_start3A_416 : memref<1x128x16xf32, #tpu.memory_space<vmem>> -> memref<128x16xf32, #tpu.memory_space<vmem>>
        %dma_start3A_418 = arith.constant 0 : i32
        %dma_start3A_419 = tpu.memref_slice %arg8[%add3A_397, %dma_start3A_418] : memref<128x128xi32, #tpu.memory_space<vmem>> -> memref<1x128xi32, #tpu.memory_space<vmem>>
        %dma_start3A_420 = tpu.memref_squeeze %dma_start3A_419 : memref<1x128xi32, #tpu.memory_space<vmem>> -> memref<128xi32, #tpu.memory_space<vmem>>
        %dma_start3A_421 = arith.constant 0 : i32
        %dma_start3A_422 = arith.constant 0 : i32
        %dma_start3A_423 = tpu.memref_slice %arg6[%dma_start3A_421, %dma_start3A_422] : memref<10240x16xf32, #tpu.memory_space<vmem_shared>> -> memref<10240x16xf32, #tpu.memory_space<vmem_shared>>
        %dma_start3A_424 = tpu.memref_slice %arg12[%dma_start3A_413] : memref<8x!tpu.dma_semaphore, #tpu.memory_space<semaphore_mem>> -> memref<1x!tpu.dma_semaphore, #tpu.memory_space<semaphore_mem>>
        %dma_start3A_425 = tpu.memref_squeeze %dma_start3A_424 : memref<1x!tpu.dma_semaphore, #tpu.memory_space<semaphore_mem>> -> memref<!tpu.dma_semaphore, #tpu.memory_space<semaphore_mem>>
        tpu.enqueue_indirect_dma source(%dma_start3A_417 : memref<128x16xf32, #tpu.memory_space<vmem>>) target(%dma_start3A_423 : memref<10240x16xf32, #tpu.memory_space<vmem_shared>>) offsets(%dma_start3A_420 : memref<128xi32, #tpu.memory_space<vmem>>) semaphore(%dma_start3A_425 : memref<!tpu.dma_semaphore, #tpu.memory_space<semaphore_mem>>) {add = true}
        %ge3A_426 = arith.constant 4 : i32
        %ge3A_427 = arith.cmpi sge, %add3A_397, %ge3A_426 : i32
        %convert_element_type3A_428 = arith.extui %ge3A_427 : i1 to i32
        %cond3A_429 = arith.constant 0 : i32
        %cond3A_430 = arith.cmpi ne, %convert_element_type3A_428, %cond3A_429 : i32
        scf.if %cond3A_430 {
          %sub3A = arith.constant 4 : i32
          %sub3A_480 = arith.subi %add3A_397, %sub3A : i32
          %dma_wait3A_481 = arith.constant 2 : i32
          %dma_wait3A_482 = arith.constant 2 : i32
          %dma_wait3A_483 = arith.constant 0 : i32
          %dma_wait3A_484 = arith.constant 0 : i32
          %dma_wait3A_485 = tpu.memref_slice %arg9[%dma_wait3A_481, %dma_wait3A_483, %dma_wait3A_484] : memref<8x128x16xf32, #tpu.memory_space<vmem>> -> memref<1x128x16xf32, #tpu.memory_space<vmem>>
          %dma_wait3A_486 = tpu.memref_squeeze %dma_wait3A_485 : memref<1x128x16xf32, #tpu.memory_space<vmem>> -> memref<128x16xf32, #tpu.memory_space<vmem>>
          %dma_wait3A_487 = arith.constant 0 : i32
          %dma_wait3A_488 = tpu.memref_slice %arg8[%sub3A_480, %dma_wait3A_487] : memref<128x128xi32, #tpu.memory_space<vmem>> -> memref<1x128xi32, #tpu.memory_space<vmem>>
          %dma_wait3A_489 = tpu.memref_squeeze %dma_wait3A_488 : memref<1x128xi32, #tpu.memory_space<vmem>> -> memref<128xi32, #tpu.memory_space<vmem>>
          %dma_wait3A_490 = arith.constant 0 : i32
          %dma_wait3A_491 = arith.constant 0 : i32
          %dma_wait3A_492 = tpu.memref_slice %arg6[%dma_wait3A_490, %dma_wait3A_491] : memref<10240x16xf32, #tpu.memory_space<vmem_shared>> -> memref<10240x16xf32, #tpu.memory_space<vmem_shared>>
          %dma_wait3A_493 = tpu.memref_slice %arg12[%dma_wait3A_482] : memref<8x!tpu.dma_semaphore, #tpu.memory_space<semaphore_mem>> -> memref<1x!tpu.dma_semaphore, #tpu.memory_space<semaphore_mem>>
          %dma_wait3A_494 = tpu.memref_squeeze %dma_wait3A_493 : memref<1x!tpu.dma_semaphore, #tpu.memory_space<semaphore_mem>> -> memref<!tpu.dma_semaphore, #tpu.memory_space<semaphore_mem>>
          tpu.wait_indirect_dma semaphore(%dma_wait3A_494 : memref<!tpu.dma_semaphore, #tpu.memory_space<semaphore_mem>>) src(%dma_wait3A_486 : memref<128x16xf32, #tpu.memory_space<vmem>>) dst(%dma_wait3A_492 : memref<10240x16xf32, #tpu.memory_space<vmem_shared>>)
        } else {
        }
        %add3A_431 = arith.constant 4 : i32
        %add3A_432 = arith.addi %add3A_397, %add3A_431 : i32
        %lt3A_433 = arith.constant 32 : i32
        %lt3A_434 = arith.cmpi slt, %add3A_432, %lt3A_433 : i32
        %convert_element_type3A_435 = arith.extui %lt3A_434 : i1 to i32
        %cond3A_436 = arith.constant 0 : i32
        %cond3A_437 = arith.cmpi ne, %convert_element_type3A_435, %cond3A_436 : i32
        scf.if %cond3A_437 {
          %add3A_480 = arith.constant 4 : i32
          %add3A_481 = arith.addi %add3A_397, %add3A_480 : i32
          %dma_start3A_482 = arith.constant 2 : i32
          %dma_start3A_483 = arith.constant 2 : i32
          %dma_start3A_484 = arith.constant 0 : i32
          %dma_start3A_485 = arith.constant 0 : i32
          %dma_start3A_486 = tpu.memref_slice %arg9[%dma_start3A_482, %dma_start3A_484, %dma_start3A_485] : memref<8x128x16xf32, #tpu.memory_space<vmem>> -> memref<1x128x16xf32, #tpu.memory_space<vmem>>
          %dma_start3A_487 = tpu.memref_squeeze %dma_start3A_486 : memref<1x128x16xf32, #tpu.memory_space<vmem>> -> memref<128x16xf32, #tpu.memory_space<vmem>>
          %dma_start3A_488 = arith.constant 0 : i32
          %dma_start3A_489 = tpu.memref_slice %arg7[%add3A_481, %dma_start3A_488] : memref<128x128xi32, #tpu.memory_space<vmem>> -> memref<1x128xi32, #tpu.memory_space<vmem>>
          %dma_start3A_490 = tpu.memref_squeeze %dma_start3A_489 : memref<1x128xi32, #tpu.memory_space<vmem>> -> memref<128xi32, #tpu.memory_space<vmem>>
          %dma_start3A_491 = arith.constant 0 : i32
          %dma_start3A_492 = arith.constant 0 : i32
          %dma_start3A_493 = tpu.memref_slice %arg2[%dma_start3A_491, %dma_start3A_492] : memref<10000x16xf32, #tpu.memory_space<hbm>> -> memref<10000x16xf32, #tpu.memory_space<hbm>>
          %dma_start3A_494 = tpu.memref_slice %arg11[%dma_start3A_483] : memref<8x!tpu.dma_semaphore, #tpu.memory_space<semaphore_mem>> -> memref<1x!tpu.dma_semaphore, #tpu.memory_space<semaphore_mem>>
          %dma_start3A_495 = tpu.memref_squeeze %dma_start3A_494 : memref<1x!tpu.dma_semaphore, #tpu.memory_space<semaphore_mem>> -> memref<!tpu.dma_semaphore, #tpu.memory_space<semaphore_mem>>
          tpu.enqueue_indirect_dma source(%dma_start3A_493 : memref<10000x16xf32, #tpu.memory_space<hbm>>) target(%dma_start3A_487 : memref<128x16xf32, #tpu.memory_space<vmem>>) offsets(%dma_start3A_490 : memref<128xi32, #tpu.memory_space<vmem>>) semaphore(%dma_start3A_495 : memref<!tpu.dma_semaphore, #tpu.memory_space<semaphore_mem>>)
        } else {
        }
        %add3A_438 = arith.constant 7 : i32
        %add3A_439 = arith.addi %mul3A_145, %add3A_438 : i32
        %dma_wait3A_440 = arith.constant 7 : i32
        %dma_wait3A_441 = arith.constant 7 : i32
        %dma_wait3A_442 = arith.constant 0 : i32
        %dma_wait3A_443 = arith.constant 0 : i32
        %dma_wait3A_444 = tpu.memref_slice %arg9[%dma_wait3A_440, %dma_wait3A_442, %dma_wait3A_443] : memref<8x128x16xf32, #tpu.memory_space<vmem>> -> memref<1x128x16xf32, #tpu.memory_space<vmem>>
        %dma_wait3A_445 = tpu.memref_squeeze %dma_wait3A_444 : memref<1x128x16xf32, #tpu.memory_space<vmem>> -> memref<128x16xf32, #tpu.memory_space<vmem>>
        %dma_wait3A_446 = arith.constant 0 : i32
        %dma_wait3A_447 = tpu.memref_slice %arg7[%add3A_439, %dma_wait3A_446] : memref<128x128xi32, #tpu.memory_space<vmem>> -> memref<1x128xi32, #tpu.memory_space<vmem>>
        %dma_wait3A_448 = tpu.memref_squeeze %dma_wait3A_447 : memref<1x128xi32, #tpu.memory_space<vmem>> -> memref<128xi32, #tpu.memory_space<vmem>>
        %dma_wait3A_449 = arith.constant 0 : i32
        %dma_wait3A_450 = arith.constant 0 : i32
        %dma_wait3A_451 = tpu.memref_slice %arg2[%dma_wait3A_449, %dma_wait3A_450] : memref<10000x16xf32, #tpu.memory_space<hbm>> -> memref<10000x16xf32, #tpu.memory_space<hbm>>
        %dma_wait3A_452 = tpu.memref_slice %arg11[%dma_wait3A_441] : memref<8x!tpu.dma_semaphore, #tpu.memory_space<semaphore_mem>> -> memref<1x!tpu.dma_semaphore, #tpu.memory_space<semaphore_mem>>
        %dma_wait3A_453 = tpu.memref_squeeze %dma_wait3A_452 : memref<1x!tpu.dma_semaphore, #tpu.memory_space<semaphore_mem>> -> memref<!tpu.dma_semaphore, #tpu.memory_space<semaphore_mem>>
        tpu.wait_indirect_dma semaphore(%dma_wait3A_453 : memref<!tpu.dma_semaphore, #tpu.memory_space<semaphore_mem>>) src(%dma_wait3A_451 : memref<10000x16xf32, #tpu.memory_space<hbm>>) dst(%dma_wait3A_445 : memref<128x16xf32, #tpu.memory_space<vmem>>)
        %dma_start3A_454 = arith.constant 7 : i32
        %dma_start3A_455 = arith.constant 7 : i32
        %dma_start3A_456 = arith.constant 0 : i32
        %dma_start3A_457 = arith.constant 0 : i32
        %dma_start3A_458 = tpu.memref_slice %arg9[%dma_start3A_454, %dma_start3A_456, %dma_start3A_457] : memref<8x128x16xf32, #tpu.memory_space<vmem>> -> memref<1x128x16xf32, #tpu.memory_space<vmem>>
        %dma_start3A_459 = tpu.memref_squeeze %dma_start3A_458 : memref<1x128x16xf32, #tpu.memory_space<vmem>> -> memref<128x16xf32, #tpu.memory_space<vmem>>
        %dma_start3A_460 = arith.constant 0 : i32
        %dma_start3A_461 = tpu.memref_slice %arg8[%add3A_439, %dma_start3A_460] : memref<128x128xi32, #tpu.memory_space<vmem>> -> memref<1x128xi32, #tpu.memory_space<vmem>>
        %dma_start3A_462 = tpu.memref_squeeze %dma_start3A_461 : memref<1x128xi32, #tpu.memory_space<vmem>> -> memref<128xi32, #tpu.memory_space<vmem>>
        %dma_start3A_463 = arith.constant 0 : i32
        %dma_start3A_464 = arith.constant 0 : i32
        %dma_start3A_465 = tpu.memref_slice %arg6[%dma_start3A_463, %dma_start3A_464] : memref<10240x16xf32, #tpu.memory_space<vmem_shared>> -> memref<10240x16xf32, #tpu.memory_space<vmem_shared>>
        %dma_start3A_466 = tpu.memref_slice %arg12[%dma_start3A_455] : memref<8x!tpu.dma_semaphore, #tpu.memory_space<semaphore_mem>> -> memref<1x!tpu.dma_semaphore, #tpu.memory_space<semaphore_mem>>
        %dma_start3A_467 = tpu.memref_squeeze %dma_start3A_466 : memref<1x!tpu.dma_semaphore, #tpu.memory_space<semaphore_mem>> -> memref<!tpu.dma_semaphore, #tpu.memory_space<semaphore_mem>>
        tpu.enqueue_indirect_dma source(%dma_start3A_459 : memref<128x16xf32, #tpu.memory_space<vmem>>) target(%dma_start3A_465 : memref<10240x16xf32, #tpu.memory_space<vmem_shared>>) offsets(%dma_start3A_462 : memref<128xi32, #tpu.memory_space<vmem>>) semaphore(%dma_start3A_467 : memref<!tpu.dma_semaphore, #tpu.memory_space<semaphore_mem>>) {add = true}
        %ge3A_468 = arith.constant 4 : i32
        %ge3A_469 = arith.cmpi sge, %add3A_439, %ge3A_468 : i32
        %convert_element_type3A_470 = arith.extui %ge3A_469 : i1 to i32
        %cond3A_471 = arith.constant 0 : i32
        %cond3A_472 = arith.cmpi ne, %convert_element_type3A_470, %cond3A_471 : i32
        scf.if %cond3A_472 {
          %sub3A = arith.constant 4 : i32
          %sub3A_480 = arith.subi %add3A_439, %sub3A : i32
          %dma_wait3A_481 = arith.constant 3 : i32
          %dma_wait3A_482 = arith.constant 3 : i32
          %dma_wait3A_483 = arith.constant 0 : i32
          %dma_wait3A_484 = arith.constant 0 : i32
          %dma_wait3A_485 = tpu.memref_slice %arg9[%dma_wait3A_481, %dma_wait3A_483, %dma_wait3A_484] : memref<8x128x16xf32, #tpu.memory_space<vmem>> -> memref<1x128x16xf32, #tpu.memory_space<vmem>>
          %dma_wait3A_486 = tpu.memref_squeeze %dma_wait3A_485 : memref<1x128x16xf32, #tpu.memory_space<vmem>> -> memref<128x16xf32, #tpu.memory_space<vmem>>
          %dma_wait3A_487 = arith.constant 0 : i32
          %dma_wait3A_488 = tpu.memref_slice %arg8[%sub3A_480, %dma_wait3A_487] : memref<128x128xi32, #tpu.memory_space<vmem>> -> memref<1x128xi32, #tpu.memory_space<vmem>>
          %dma_wait3A_489 = tpu.memref_squeeze %dma_wait3A_488 : memref<1x128xi32, #tpu.memory_space<vmem>> -> memref<128xi32, #tpu.memory_space<vmem>>
          %dma_wait3A_490 = arith.constant 0 : i32
          %dma_wait3A_491 = arith.constant 0 : i32
          %dma_wait3A_492 = tpu.memref_slice %arg6[%dma_wait3A_490, %dma_wait3A_491] : memref<10240x16xf32, #tpu.memory_space<vmem_shared>> -> memref<10240x16xf32, #tpu.memory_space<vmem_shared>>
          %dma_wait3A_493 = tpu.memref_slice %arg12[%dma_wait3A_482] : memref<8x!tpu.dma_semaphore, #tpu.memory_space<semaphore_mem>> -> memref<1x!tpu.dma_semaphore, #tpu.memory_space<semaphore_mem>>
          %dma_wait3A_494 = tpu.memref_squeeze %dma_wait3A_493 : memref<1x!tpu.dma_semaphore, #tpu.memory_space<semaphore_mem>> -> memref<!tpu.dma_semaphore, #tpu.memory_space<semaphore_mem>>
          tpu.wait_indirect_dma semaphore(%dma_wait3A_494 : memref<!tpu.dma_semaphore, #tpu.memory_space<semaphore_mem>>) src(%dma_wait3A_486 : memref<128x16xf32, #tpu.memory_space<vmem>>) dst(%dma_wait3A_492 : memref<10240x16xf32, #tpu.memory_space<vmem_shared>>)
        } else {
        }
        %add3A_473 = arith.constant 4 : i32
        %add3A_474 = arith.addi %add3A_439, %add3A_473 : i32
        %lt3A_475 = arith.constant 32 : i32
        %lt3A_476 = arith.cmpi slt, %add3A_474, %lt3A_475 : i32
        %convert_element_type3A_477 = arith.extui %lt3A_476 : i1 to i32
        %cond3A_478 = arith.constant 0 : i32
        %cond3A_479 = arith.cmpi ne, %convert_element_type3A_477, %cond3A_478 : i32
        scf.if %cond3A_479 {
          %add3A_480 = arith.constant 4 : i32
          %add3A_481 = arith.addi %add3A_439, %add3A_480 : i32
          %dma_start3A_482 = arith.constant 3 : i32
          %dma_start3A_483 = arith.constant 3 : i32
          %dma_start3A_484 = arith.constant 0 : i32
          %dma_start3A_485 = arith.constant 0 : i32
          %dma_start3A_486 = tpu.memref_slice %arg9[%dma_start3A_482, %dma_start3A_484, %dma_start3A_485] : memref<8x128x16xf32, #tpu.memory_space<vmem>> -> memref<1x128x16xf32, #tpu.memory_space<vmem>>
          %dma_start3A_487 = tpu.memref_squeeze %dma_start3A_486 : memref<1x128x16xf32, #tpu.memory_space<vmem>> -> memref<128x16xf32, #tpu.memory_space<vmem>>
          %dma_start3A_488 = arith.constant 0 : i32
          %dma_start3A_489 = tpu.memref_slice %arg7[%add3A_481, %dma_start3A_488] : memref<128x128xi32, #tpu.memory_space<vmem>> -> memref<1x128xi32, #tpu.memory_space<vmem>>
          %dma_start3A_490 = tpu.memref_squeeze %dma_start3A_489 : memref<1x128xi32, #tpu.memory_space<vmem>> -> memref<128xi32, #tpu.memory_space<vmem>>
          %dma_start3A_491 = arith.constant 0 : i32
          %dma_start3A_492 = arith.constant 0 : i32
          %dma_start3A_493 = tpu.memref_slice %arg2[%dma_start3A_491, %dma_start3A_492] : memref<10000x16xf32, #tpu.memory_space<hbm>> -> memref<10000x16xf32, #tpu.memory_space<hbm>>
          %dma_start3A_494 = tpu.memref_slice %arg11[%dma_start3A_483] : memref<8x!tpu.dma_semaphore, #tpu.memory_space<semaphore_mem>> -> memref<1x!tpu.dma_semaphore, #tpu.memory_space<semaphore_mem>>
          %dma_start3A_495 = tpu.memref_squeeze %dma_start3A_494 : memref<1x!tpu.dma_semaphore, #tpu.memory_space<semaphore_mem>> -> memref<!tpu.dma_semaphore, #tpu.memory_space<semaphore_mem>>
          tpu.enqueue_indirect_dma source(%dma_start3A_493 : memref<10000x16xf32, #tpu.memory_space<hbm>>) target(%dma_start3A_487 : memref<128x16xf32, #tpu.memory_space<vmem>>) offsets(%dma_start3A_490 : memref<128xi32, #tpu.memory_space<vmem>>) semaphore(%dma_start3A_495 : memref<!tpu.dma_semaphore, #tpu.memory_space<semaphore_mem>>)
        } else {
        }
      }
      %scan3A_83 = arith.constant 4 : i32
      %dma_wait3A = arith.constant 4 : i32
      %dma_wait3A_84 = arith.constant 28 : i32
      %dma_wait3A_85 = arith.constant 4 : i32
      %dma_wait3A_86 = arith.constant 0 : i32
      %dma_wait3A_87 = arith.constant 0 : i32
      %dma_wait3A_88 = tpu.memref_slice %arg9[%dma_wait3A, %dma_wait3A_86, %dma_wait3A_87] : memref<8x128x16xf32, #tpu.memory_space<vmem>> -> memref<1x128x16xf32, #tpu.memory_space<vmem>>
      %dma_wait3A_89 = tpu.memref_squeeze %dma_wait3A_88 : memref<1x128x16xf32, #tpu.memory_space<vmem>> -> memref<128x16xf32, #tpu.memory_space<vmem>>
      %dma_wait3A_90 = arith.constant 0 : i32
      %dma_wait3A_91 = tpu.memref_slice %arg8[%dma_wait3A_84, %dma_wait3A_90] : memref<128x128xi32, #tpu.memory_space<vmem>> -> memref<1x128xi32, #tpu.memory_space<vmem>>
      %dma_wait3A_92 = tpu.memref_squeeze %dma_wait3A_91 : memref<1x128xi32, #tpu.memory_space<vmem>> -> memref<128xi32, #tpu.memory_space<vmem>>
      %dma_wait3A_93 = arith.constant 0 : i32
      %dma_wait3A_94 = arith.constant 0 : i32
      %dma_wait3A_95 = tpu.memref_slice %arg6[%dma_wait3A_93, %dma_wait3A_94] : memref<10240x16xf32, #tpu.memory_space<vmem_shared>> -> memref<10240x16xf32, #tpu.memory_space<vmem_shared>>
      %dma_wait3A_96 = tpu.memref_slice %arg12[%dma_wait3A_85] : memref<8x!tpu.dma_semaphore, #tpu.memory_space<semaphore_mem>> -> memref<1x!tpu.dma_semaphore, #tpu.memory_space<semaphore_mem>>
      %dma_wait3A_97 = tpu.memref_squeeze %dma_wait3A_96 : memref<1x!tpu.dma_semaphore, #tpu.memory_space<semaphore_mem>> -> memref<!tpu.dma_semaphore, #tpu.memory_space<semaphore_mem>>
      tpu.wait_indirect_dma semaphore(%dma_wait3A_97 : memref<!tpu.dma_semaphore, #tpu.memory_space<semaphore_mem>>) src(%dma_wait3A_89 : memref<128x16xf32, #tpu.memory_space<vmem>>) dst(%dma_wait3A_95 : memref<10240x16xf32, #tpu.memory_space<vmem_shared>>)
      %dma_wait3A_98 = arith.constant 5 : i32
      %dma_wait3A_99 = arith.constant 29 : i32
      %dma_wait3A_100 = arith.constant 5 : i32
      %dma_wait3A_101 = arith.constant 0 : i32
      %dma_wait3A_102 = arith.constant 0 : i32
      %dma_wait3A_103 = tpu.memref_slice %arg9[%dma_wait3A_98, %dma_wait3A_101, %dma_wait3A_102] : memref<8x128x16xf32, #tpu.memory_space<vmem>> -> memref<1x128x16xf32, #tpu.memory_space<vmem>>
      %dma_wait3A_104 = tpu.memref_squeeze %dma_wait3A_103 : memref<1x128x16xf32, #tpu.memory_space<vmem>> -> memref<128x16xf32, #tpu.memory_space<vmem>>
      %dma_wait3A_105 = arith.constant 0 : i32
      %dma_wait3A_106 = tpu.memref_slice %arg8[%dma_wait3A_99, %dma_wait3A_105] : memref<128x128xi32, #tpu.memory_space<vmem>> -> memref<1x128xi32, #tpu.memory_space<vmem>>
      %dma_wait3A_107 = tpu.memref_squeeze %dma_wait3A_106 : memref<1x128xi32, #tpu.memory_space<vmem>> -> memref<128xi32, #tpu.memory_space<vmem>>
      %dma_wait3A_108 = arith.constant 0 : i32
      %dma_wait3A_109 = arith.constant 0 : i32
      %dma_wait3A_110 = tpu.memref_slice %arg6[%dma_wait3A_108, %dma_wait3A_109] : memref<10240x16xf32, #tpu.memory_space<vmem_shared>> -> memref<10240x16xf32, #tpu.memory_space<vmem_shared>>
      %dma_wait3A_111 = tpu.memref_slice %arg12[%dma_wait3A_100] : memref<8x!tpu.dma_semaphore, #tpu.memory_space<semaphore_mem>> -> memref<1x!tpu.dma_semaphore, #tpu.memory_space<semaphore_mem>>
      %dma_wait3A_112 = tpu.memref_squeeze %dma_wait3A_111 : memref<1x!tpu.dma_semaphore, #tpu.memory_space<semaphore_mem>> -> memref<!tpu.dma_semaphore, #tpu.memory_space<semaphore_mem>>
      tpu.wait_indirect_dma semaphore(%dma_wait3A_112 : memref<!tpu.dma_semaphore, #tpu.memory_space<semaphore_mem>>) src(%dma_wait3A_104 : memref<128x16xf32, #tpu.memory_space<vmem>>) dst(%dma_wait3A_110 : memref<10240x16xf32, #tpu.memory_space<vmem_shared>>)
      %dma_wait3A_113 = arith.constant 6 : i32
      %dma_wait3A_114 = arith.constant 30 : i32
      %dma_wait3A_115 = arith.constant 6 : i32
      %dma_wait3A_116 = arith.constant 0 : i32
      %dma_wait3A_117 = arith.constant 0 : i32
      %dma_wait3A_118 = tpu.memref_slice %arg9[%dma_wait3A_113, %dma_wait3A_116, %dma_wait3A_117] : memref<8x128x16xf32, #tpu.memory_space<vmem>> -> memref<1x128x16xf32, #tpu.memory_space<vmem>>
      %dma_wait3A_119 = tpu.memref_squeeze %dma_wait3A_118 : memref<1x128x16xf32, #tpu.memory_space<vmem>> -> memref<128x16xf32, #tpu.memory_space<vmem>>
      %dma_wait3A_120 = arith.constant 0 : i32
      %dma_wait3A_121 = tpu.memref_slice %arg8[%dma_wait3A_114, %dma_wait3A_120] : memref<128x128xi32, #tpu.memory_space<vmem>> -> memref<1x128xi32, #tpu.memory_space<vmem>>
      %dma_wait3A_122 = tpu.memref_squeeze %dma_wait3A_121 : memref<1x128xi32, #tpu.memory_space<vmem>> -> memref<128xi32, #tpu.memory_space<vmem>>
      %dma_wait3A_123 = arith.constant 0 : i32
      %dma_wait3A_124 = arith.constant 0 : i32
      %dma_wait3A_125 = tpu.memref_slice %arg6[%dma_wait3A_123, %dma_wait3A_124] : memref<10240x16xf32, #tpu.memory_space<vmem_shared>> -> memref<10240x16xf32, #tpu.memory_space<vmem_shared>>
      %dma_wait3A_126 = tpu.memref_slice %arg12[%dma_wait3A_115] : memref<8x!tpu.dma_semaphore, #tpu.memory_space<semaphore_mem>> -> memref<1x!tpu.dma_semaphore, #tpu.memory_space<semaphore_mem>>
      %dma_wait3A_127 = tpu.memref_squeeze %dma_wait3A_126 : memref<1x!tpu.dma_semaphore, #tpu.memory_space<semaphore_mem>> -> memref<!tpu.dma_semaphore, #tpu.memory_space<semaphore_mem>>
      tpu.wait_indirect_dma semaphore(%dma_wait3A_127 : memref<!tpu.dma_semaphore, #tpu.memory_space<semaphore_mem>>) src(%dma_wait3A_119 : memref<128x16xf32, #tpu.memory_space<vmem>>) dst(%dma_wait3A_125 : memref<10240x16xf32, #tpu.memory_space<vmem_shared>>)
      %dma_wait3A_128 = arith.constant 7 : i32
      %dma_wait3A_129 = arith.constant 31 : i32
      %dma_wait3A_130 = arith.constant 7 : i32
      %dma_wait3A_131 = arith.constant 0 : i32
      %dma_wait3A_132 = arith.constant 0 : i32
      %dma_wait3A_133 = tpu.memref_slice %arg9[%dma_wait3A_128, %dma_wait3A_131, %dma_wait3A_132] : memref<8x128x16xf32, #tpu.memory_space<vmem>> -> memref<1x128x16xf32, #tpu.memory_space<vmem>>
      %dma_wait3A_134 = tpu.memref_squeeze %dma_wait3A_133 : memref<1x128x16xf32, #tpu.memory_space<vmem>> -> memref<128x16xf32, #tpu.memory_space<vmem>>
      %dma_wait3A_135 = arith.constant 0 : i32
      %dma_wait3A_136 = tpu.memref_slice %arg8[%dma_wait3A_129, %dma_wait3A_135] : memref<128x128xi32, #tpu.memory_space<vmem>> -> memref<1x128xi32, #tpu.memory_space<vmem>>
      %dma_wait3A_137 = tpu.memref_squeeze %dma_wait3A_136 : memref<1x128xi32, #tpu.memory_space<vmem>> -> memref<128xi32, #tpu.memory_space<vmem>>
      %dma_wait3A_138 = arith.constant 0 : i32
      %dma_wait3A_139 = arith.constant 0 : i32
      %dma_wait3A_140 = tpu.memref_slice %arg6[%dma_wait3A_138, %dma_wait3A_139] : memref<10240x16xf32, #tpu.memory_space<vmem_shared>> -> memref<10240x16xf32, #tpu.memory_space<vmem_shared>>
      %dma_wait3A_141 = tpu.memref_slice %arg12[%dma_wait3A_130] : memref<8x!tpu.dma_semaphore, #tpu.memory_space<semaphore_mem>> -> memref<1x!tpu.dma_semaphore, #tpu.memory_space<semaphore_mem>>
      %dma_wait3A_142 = tpu.memref_squeeze %dma_wait3A_141 : memref<1x!tpu.dma_semaphore, #tpu.memory_space<semaphore_mem>> -> memref<!tpu.dma_semaphore, #tpu.memory_space<semaphore_mem>>
      tpu.wait_indirect_dma semaphore(%dma_wait3A_142 : memref<!tpu.dma_semaphore, #tpu.memory_space<semaphore_mem>>) src(%dma_wait3A_134 : memref<128x16xf32, #tpu.memory_space<vmem>>) dst(%dma_wait3A_140 : memref<10240x16xf32, #tpu.memory_space<vmem_shared>>)
    } else {
    }
    %barrier3A_12 = arith.constant 0 : index
    tpu.barrier barrier_id(%barrier3A_12)
    %mul3A_13 = arith.constant 640 : i32
    %mul3A_14 = arith.muli %arg1, %mul3A_13 : i32
    %mul3A_15 = arith.constant 640 : i32
    %mul3A_16 = arith.muli %arg1, %mul3A_15 : i32
    "tpu.region"() ({
      %run_scoped3A = tpu.sem_alloc : memref<!tpu.dma_semaphore, #tpu.memory_space<semaphore_mem>>
      %dma_start3A = arith.constant 0 : i32
      %dma_start3A_17 = tpu.memref_slice %arg5[%arg0, %mul3A_16, %dma_start3A] : memref<2x10240x16xf32, #tpu.memory_space<hbm>> -> memref<1x640x16xf32, #tpu.memory_space<hbm>>
      %dma_start3A_18 = tpu.memref_squeeze %dma_start3A_17 : memref<1x640x16xf32, #tpu.memory_space<hbm>> -> memref<640x16xf32, #tpu.memory_space<hbm>>
      %dma_start3A_19 = arith.constant 0 : i32
      %dma_start3A_20 = tpu.memref_slice %arg6[%mul3A_14, %dma_start3A_19] : memref<10240x16xf32, #tpu.memory_space<vmem_shared>> -> memref<640x16xf32, #tpu.memory_space<vmem_shared>>
      tpu.enqueue_dma source(%dma_start3A_20 : memref<640x16xf32, #tpu.memory_space<vmem_shared>>) target(%dma_start3A_18 : memref<640x16xf32, #tpu.memory_space<hbm>>) target_semaphore(%run_scoped3A : memref<!tpu.dma_semaphore, #tpu.memory_space<semaphore_mem>>)
      %dma_wait3A = arith.constant 0 : i32
      %dma_wait3A_21 = tpu.memref_slice %arg5[%arg0, %mul3A_16, %dma_wait3A] : memref<2x10240x16xf32, #tpu.memory_space<hbm>> -> memref<1x640x16xf32, #tpu.memory_space<hbm>>
      %dma_wait3A_22 = tpu.memref_squeeze %dma_wait3A_21 : memref<1x640x16xf32, #tpu.memory_space<hbm>> -> memref<640x16xf32, #tpu.memory_space<hbm>>
      %dma_wait3A_23 = arith.constant 0 : i32
      %dma_wait3A_24 = tpu.memref_slice %arg6[%mul3A_14, %dma_wait3A_23] : memref<10240x16xf32, #tpu.memory_space<vmem_shared>> -> memref<640x16xf32, #tpu.memory_space<vmem_shared>>
      tpu.wait_dma2 semaphore(%run_scoped3A : memref<!tpu.dma_semaphore, #tpu.memory_space<semaphore_mem>>) src(%dma_wait3A_24 : memref<640x16xf32, #tpu.memory_space<vmem_shared>>) dst(%dma_wait3A_22 : memref<640x16xf32, #tpu.memory_space<hbm>>)
      tpu.yield
    }) : () -> ()
    return
  }
}

module attributes {stable_mosaic.version = 14 : i64} {
  func.func @_tcmm_body(%arg0: memref<10000x128xf32, #tpu.memory_space<vmem>>, %arg1: memref<128x16xf32, #tpu.memory_space<vmem>>, %arg2: memref<10000x16xf32, #tpu.memory_space<vmem>>) attributes {dimension_semantics = [], scalar_prefetch = 0 : i64, scratch_operands = 0 : i64, tpu.core_type = #tpu.core_type<tc>} {
    %get3A = arith.constant 0 : index
    %get3A_0 = arith.constant 0 : index
    %get3A_1 = vector.load %arg0[%get3A, %get3A_0] : memref<10000x128xf32, #tpu.memory_space<vmem>>, vector<10000x128xf32>
    %convert_element_type3A = arith.truncf %get3A_1 : vector<10000x128xf32> to vector<10000x128xbf16>
    %convert_element_type3A_2 = arith.extf %convert_element_type3A : vector<10000x128xbf16> to vector<10000x128xf32>
    %get3A_3 = arith.constant 0 : index
    %get3A_4 = arith.constant 0 : index
    %get3A_5 = vector.load %arg1[%get3A_3, %get3A_4] : memref<128x16xf32, #tpu.memory_space<vmem>>, vector<128x16xf32>
    %convert_element_type3A_6 = arith.truncf %get3A_5 : vector<128x16xf32> to vector<128x16xbf16>
    %convert_element_type3A_7 = arith.extf %convert_element_type3A_6 : vector<128x16xbf16> to vector<128x16xf32>
    %dot_general3A = arith.constant dense<0.000000e+00> : vector<10000x16xf32>
    %dot_general3A_8 = tpu.matmul %convert_element_type3A_2, %convert_element_type3A_7, %dot_general3A {dimension_numbers = #tpu.dot_dimension_numbers<[1], [0], [0], [1], [0, 0, 1, 1], [], []>, precision = #tpu.contract_precision<fp32>, transpose_lhs_hint = false} : vector<10000x128xf32>, vector<128x16xf32>, vector<10000x16xf32> -> vector<10000x16xf32>
    %swap3A = arith.constant 0 : index
    %swap3A_9 = arith.constant 0 : index
    %swap3A_10 = vector.load %arg2[%swap3A, %swap3A_9] : memref<10000x16xf32, #tpu.memory_space<vmem>>, vector<10000x16xf32>
    tpu.vector_store %arg2[%swap3A, %swap3A_9], %dot_general3A_8 {strides = array<i32>} : memref<10000x16xf32, #tpu.memory_space<vmem>>, vector<10000x16xf32>,
    return
  }
}

module attributes {stable_mosaic.version = 14 : i64} {
  func.func @_prep_body(%arg0: memref<2x320000xi32, #tpu.memory_space<vmem>>, %arg1: memref<2560x128xi32, #tpu.memory_space<vmem>>, %arg2: memref<2560x128xi32, #tpu.memory_space<vmem>>) attributes {dimension_semantics = [], scalar_prefetch = 0 : i64, scratch_operands = 0 : i64, tpu.core_type = #tpu.core_type<tc>} {
    %get3A = arith.constant 0 : index
    %get3A_0 = arith.constant 0 : index
    %get3A_1 = vector.load %arg0[%get3A, %get3A_0] : memref<2x320000xi32, #tpu.memory_space<vmem>>, vector<1x320000xi32>
    %get3A_2 = vector.shape_cast %get3A_1 : vector<1x320000xi32> to vector<320000xi32>
    %reshape3A = vector.shape_cast %get3A_2 : vector<320000xi32> to vector<2500x128xi32>
    %swap3A = arith.constant 0 : index
    %swap3A_3 = arith.constant 0 : index
    %swap3A_4 = vector.load %arg1[%swap3A, %swap3A_3] : memref<2560x128xi32, #tpu.memory_space<vmem>>, vector<2500x128xi32>
    tpu.vector_store %arg1[%swap3A, %swap3A_3], %reshape3A {strides = array<i32>} : memref<2560x128xi32, #tpu.memory_space<vmem>>, vector<2500x128xi32>,
    %broadcast_in_dim3A = arith.constant 0 : i32
    %broadcast_in_dim3A_5 = vector.broadcast %broadcast_in_dim3A : i32 to vector<60x128xi32>
    %swap3A_6 = arith.constant 2500 : index
    %swap3A_7 = arith.constant 0 : index
    %swap3A_8 = vector.load %arg1[%swap3A_6, %swap3A_7] : memref<2560x128xi32, #tpu.memory_space<vmem>>, vector<60x128xi32>
    tpu.vector_store %arg1[%swap3A_6, %swap3A_7], %broadcast_in_dim3A_5 {strides = array<i32>} : memref<2560x128xi32, #tpu.memory_space<vmem>>, vector<60x128xi32>,
    %get3A_9 = arith.constant 1 : index
    %get3A_10 = arith.constant 0 : index
    %get3A_11 = vector.load %arg0[%get3A_9, %get3A_10] : memref<2x320000xi32, #tpu.memory_space<vmem>>, vector<1x320000xi32>
    %get3A_12 = vector.shape_cast %get3A_11 : vector<1x320000xi32> to vector<320000xi32>
    %reshape3A_13 = vector.shape_cast %get3A_12 : vector<320000xi32> to vector<2500x128xi32>
    %swap3A_14 = arith.constant 0 : index
    %swap3A_15 = arith.constant 0 : index
    %swap3A_16 = vector.load %arg2[%swap3A_14, %swap3A_15] : memref<2560x128xi32, #tpu.memory_space<vmem>>, vector<2500x128xi32>
    tpu.vector_store %arg2[%swap3A_14, %swap3A_15], %reshape3A_13 {strides = array<i32>} : memref<2560x128xi32, #tpu.memory_space<vmem>>, vector<2500x128xi32>,
    %iota3A = tpu.iota {dimensions = array<i32: 0>} : vector<60x128xi32>
    %mul3A = arith.constant 128 : i32
    %mul3A_17 = vector.broadcast %mul3A : i32 to vector<60x128xi32>
    %mul3A_18 = arith.muli %iota3A, %mul3A_17 : vector<60x128xi32>
    %iota3A_19 = tpu.iota {dimensions = array<i32: 1>} : vector<60x128xi32>
    %add3A = arith.addi %mul3A_18, %iota3A_19 : vector<60x128xi32>
    %jit3A = arith.constant 240 : i32
    %eq3A = arith.constant 0 : i32
    %eq3A_20 = arith.cmpi eq, %jit3A, %eq3A : i32
    %jit3A_21 = arith.constant 1 : i32
    %select_n3A = arith.select %eq3A_20, %jit3A_21, %jit3A : i32
    %rem3A = vector.broadcast %select_n3A : i32 to vector<60x128xi32>
    %rem3A_22 = arith.remsi %add3A, %rem3A : vector<60x128xi32>
    %ne3A = arith.constant 0 : i32
    %ne3A_23 = vector.broadcast %ne3A : i32 to vector<60x128xi32>
    %ne3A_24 = arith.cmpi ne, %rem3A_22, %ne3A_23 : vector<60x128xi32>
    %lt3A = arith.constant 0 : i32
    %lt3A_25 = vector.broadcast %lt3A : i32 to vector<60x128xi32>
    %lt3A_26 = arith.cmpi slt, %rem3A_22, %lt3A_25 : vector<60x128xi32>
    %lt3A_27 = arith.constant 0 : i32
    %lt3A_28 = arith.cmpi slt, %select_n3A, %lt3A_27 : i32
    %ne3A_29 = vector.broadcast %lt3A_28 : i1 to vector<60x128xi1>
    %ne3A_30 = vector.broadcast %ne3A_29 : vector<60x128xi1> to vector<60x128xi1>
    %ne3A_31 = arith.xori %lt3A_26, %ne3A_30 : vector<60x128xi1>
    %and3A = arith.andi %ne3A_31, %ne3A_24 : vector<60x128xi1>
    %add3A_32 = vector.broadcast %select_n3A : i32 to vector<60x128xi32>
    %add3A_33 = arith.addi %rem3A_22, %add3A_32 : vector<60x128xi32>
    %select_n3A_34 = arith.select %and3A, %add3A_33, %rem3A_22 : vector<60x128xi1>, vector<60x128xi32>
    %add3A_35 = arith.constant 10000 : i32
    %add3A_36 = vector.broadcast %add3A_35 : i32 to vector<60x128xi32>
    %add3A_37 = arith.addi %add3A_36, %select_n3A_34 : vector<60x128xi32>
    %swap3A_38 = arith.constant 2500 : index
    %swap3A_39 = arith.constant 0 : index
    %swap3A_40 = vector.load %arg2[%swap3A_38, %swap3A_39] : memref<2560x128xi32, #tpu.memory_space<vmem>>, vector<60x128xi32>
    tpu.vector_store %arg2[%swap3A_38, %swap3A_39], %add3A_37 {strides = array<i32>} : memref<2560x128xi32, #tpu.memory_space<vmem>>, vector<60x128xi32>,
    return
  }
}

module attributes {stable_mosaic.version = 14 : i64} {
  func.func @_tc1_body(%arg0: memref<2x10240xf32, #tpu.memory_space<vmem>>, %arg1: memref<10000x16xf32, #tpu.memory_space<vmem>>, %arg2: memref<10240xf32, #tpu.memory_space<vmem>>, %arg3: memref<10000x16xf32, #tpu.memory_space<vmem>>) attributes {dimension_semantics = [], scalar_prefetch = 0 : i64, scratch_operands = 0 : i64, tpu.core_type = #tpu.core_type<tc>} {
    %get3A = arith.constant 0 : index
    %get3A_0 = arith.constant 0 : index
    %get3A_1 = vector.load %arg0[%get3A, %get3A_0] : memref<2x10240xf32, #tpu.memory_space<vmem>>, vector<1x10240xf32>
    %get3A_2 = vector.shape_cast %get3A_1 : vector<1x10240xf32> to vector<10240xf32>
    %get3A_3 = arith.constant 1 : index
    %get3A_4 = arith.constant 0 : index
    %get3A_5 = vector.load %arg0[%get3A_3, %get3A_4] : memref<2x10240xf32, #tpu.memory_space<vmem>>, vector<1x10240xf32>
    %get3A_6 = vector.shape_cast %get3A_5 : vector<1x10240xf32> to vector<10240xf32>
    %add3A = arith.addf %get3A_2, %get3A_6 : vector<10240xf32>
    %add3A_7 = arith.constant 1.000000e+00 : f32
    %add3A_8 = vector.broadcast %add3A_7 : f32 to vector<10240xf32>
    %add3A_9 = arith.addf %add3A, %add3A_8 : vector<10240xf32>
    %rsqrt3A = math.rsqrt %add3A_9 : vector<10240xf32>
    %mul3A = arith.constant 5.000000e-01 : f32
    %mul3A_10 = vector.broadcast %mul3A : f32 to vector<10240xf32>
    %mul3A_11 = arith.mulf %mul3A_10, %add3A_9 : vector<10240xf32>
    %mul3A_12 = arith.mulf %mul3A_11, %rsqrt3A : vector<10240xf32>
    %mul3A_13 = arith.mulf %mul3A_12, %rsqrt3A : vector<10240xf32>
    %sub3A = arith.constant 1.500000e+00 : f32
    %sub3A_14 = vector.broadcast %sub3A : f32 to vector<10240xf32>
    %sub3A_15 = arith.subf %sub3A_14, %mul3A_13 : vector<10240xf32>
    %mul3A_16 = arith.mulf %rsqrt3A, %sub3A_15 : vector<10240xf32>
    %swap3A = arith.constant 0 : index
    %swap3A_17 = vector.load %arg2[%swap3A] : memref<10240xf32, #tpu.memory_space<vmem>>, vector<10240xf32>
    tpu.vector_store %arg2[%swap3A], %mul3A_16 {strides = array<i32>} : memref<10240xf32, #tpu.memory_space<vmem>>, vector<10240xf32>,
    %get3A_18 = arith.constant 0 : index
    %get3A_19 = arith.constant 0 : index
    %get3A_20 = vector.load %arg1[%get3A_18, %get3A_19] : memref<10000x16xf32, #tpu.memory_space<vmem>>, vector<10000x16xf32>
    %slice3A = vector.extract_strided_slice %mul3A_16 {offsets = [0], sizes = [10000], strides = [1]} : vector<10240xf32> to vector<10000xf32>
    %broadcast_in_dim3A = vector.shape_cast %slice3A : vector<10000xf32> to vector<10000x1xf32>
    %mul3A_21 = vector.broadcast %broadcast_in_dim3A : vector<10000x1xf32> to vector<10000x16xf32>
    %mul3A_22 = arith.mulf %get3A_20, %mul3A_21 : vector<10000x16xf32>
    %swap3A_23 = arith.constant 0 : index
    %swap3A_24 = arith.constant 0 : index
    %swap3A_25 = vector.load %arg3[%swap3A_23, %swap3A_24] : memref<10000x16xf32, #tpu.memory_space<vmem>>, vector<10000x16xf32>
    tpu.vector_store %arg3[%swap3A_23, %swap3A_24], %mul3A_22 {strides = array<i32>} : memref<10000x16xf32, #tpu.memory_space<vmem>>, vector<10000x16xf32>,
    return
  }
}

module attributes {stable_mosaic.version = 14 : i64} {
  func.func @_tc2_body(%arg0: memref<2x10240x16xf32, #tpu.memory_space<vmem>>, %arg1: memref<10000x16xf32, #tpu.memory_space<vmem>>, %arg2: memref<10240xf32, #tpu.memory_space<vmem>>, %arg3: memref<16x16xf32, #tpu.memory_space<vmem>>, %arg4: memref<16xf32, #tpu.memory_space<vmem>>, %arg5: memref<10000x16xf32, #tpu.memory_space<vmem>>) attributes {dimension_semantics = [], scalar_prefetch = 0 : i64, scratch_operands = 0 : i64, tpu.core_type = #tpu.core_type<tc>} {
    %get3A = arith.constant 0 : index
    %get3A_0 = arith.constant 0 : index
    %get3A_1 = arith.constant 0 : index
    %get3A_2 = vector.load %arg0[%get3A, %get3A_0, %get3A_1] : memref<2x10240x16xf32, #tpu.memory_space<vmem>>, vector<1x10000x16xf32>
    %get3A_3 = vector.shape_cast %get3A_2 : vector<1x10000x16xf32> to vector<10000x16xf32>
    %get3A_4 = arith.constant 1 : index
    %get3A_5 = arith.constant 0 : index
    %get3A_6 = arith.constant 0 : index
    %get3A_7 = vector.load %arg0[%get3A_4, %get3A_5, %get3A_6] : memref<2x10240x16xf32, #tpu.memory_space<vmem>>, vector<1x10000x16xf32>
    %get3A_8 = vector.shape_cast %get3A_7 : vector<1x10000x16xf32> to vector<10000x16xf32>
    %add3A = arith.addf %get3A_3, %get3A_8 : vector<10000x16xf32>
    %get3A_9 = arith.constant 0 : index
    %get3A_10 = vector.load %arg2[%get3A_9] : memref<10240xf32, #tpu.memory_space<vmem>>, vector<10240xf32>
    %slice3A = vector.extract_strided_slice %get3A_10 {offsets = [0], sizes = [10000], strides = [1]} : vector<10240xf32> to vector<10000xf32>
    %broadcast_in_dim3A = vector.shape_cast %slice3A : vector<10000xf32> to vector<10000x1xf32>
    %get3A_11 = arith.constant 0 : index
    %get3A_12 = arith.constant 0 : index
    %get3A_13 = vector.load %arg1[%get3A_11, %get3A_12] : memref<10000x16xf32, #tpu.memory_space<vmem>>, vector<10000x16xf32>
    %add3A_14 = arith.addf %add3A, %get3A_13 : vector<10000x16xf32>
    %mul3A = vector.broadcast %broadcast_in_dim3A : vector<10000x1xf32> to vector<10000x16xf32>
    %mul3A_15 = arith.mulf %mul3A, %add3A_14 : vector<10000x16xf32>
    %get3A_16 = arith.constant 0 : index
    %get3A_17 = vector.load %arg4[%get3A_16] : memref<16xf32, #tpu.memory_space<vmem>>, vector<16xf32>
    %broadcast_in_dim3A_18 = vector.shape_cast %get3A_17 : vector<16xf32> to vector<1x16xf32>
    %add3A_19 = vector.broadcast %broadcast_in_dim3A_18 : vector<1x16xf32> to vector<10000x16xf32>
    %add3A_20 = arith.addf %mul3A_15, %add3A_19 : vector<10000x16xf32>
    %max3A = arith.constant 0.000000e+00 : f32
    %max3A_21 = vector.broadcast %max3A : f32 to vector<10000x16xf32>
    %max3A_22 = arith.maximumf %add3A_20, %max3A_21 : vector<10000x16xf32>
    %convert_element_type3A = arith.truncf %max3A_22 : vector<10000x16xf32> to vector<10000x16xbf16>
    %convert_element_type3A_23 = arith.extf %convert_element_type3A : vector<10000x16xbf16> to vector<10000x16xf32>
    %get3A_24 = arith.constant 0 : index
    %get3A_25 = arith.constant 0 : index
    %get3A_26 = vector.load %arg3[%get3A_24, %get3A_25] : memref<16x16xf32, #tpu.memory_space<vmem>>, vector<16x16xf32>
    %convert_element_type3A_27 = arith.truncf %get3A_26 : vector<16x16xf32> to vector<16x16xbf16>
    %convert_element_type3A_28 = arith.extf %convert_element_type3A_27 : vector<16x16xbf16> to vector<16x16xf32>
    %dot_general3A = arith.constant dense<0.000000e+00> : vector<10000x16xf32>
    %dot_general3A_29 = tpu.matmul %convert_element_type3A_23, %convert_element_type3A_28, %dot_general3A {dimension_numbers = #tpu.dot_dimension_numbers<[1], [0], [0], [1], [0, 0, 1, 1], [], []>, precision = #tpu.contract_precision<fp32>, transpose_lhs_hint = false} : vector<10000x16xf32>, vector<16x16xf32>, vector<10000x16xf32> -> vector<10000x16xf32>
    %mul3A_30 = vector.broadcast %broadcast_in_dim3A : vector<10000x1xf32> to vector<10000x16xf32>
    %mul3A_31 = arith.mulf %mul3A_30, %dot_general3A_29 : vector<10000x16xf32>
    %swap3A = arith.constant 0 : index
    %swap3A_32 = arith.constant 0 : index
    %swap3A_33 = vector.load %arg5[%swap3A, %swap3A_32] : memref<10000x16xf32, #tpu.memory_space<vmem>>, vector<10000x16xf32>
    tpu.vector_store %arg5[%swap3A, %swap3A_32], %mul3A_31 {strides = array<i32>} : memref<10000x16xf32, #tpu.memory_space<vmem>>, vector<10000x16xf32>,
    return
  }
}

module attributes {stable_mosaic.version = 14 : i64} {
  func.func @_tc3_body(%arg0: memref<2x10240x16xf32, #tpu.memory_space<vmem>>, %arg1: memref<10000x16xf32, #tpu.memory_space<vmem>>, %arg2: memref<10240xf32, #tpu.memory_space<vmem>>, %arg3: memref<16xf32, #tpu.memory_space<vmem>>, %arg4: memref<16x1xf32, #tpu.memory_space<vmem>>, %arg5: memref<1xf32, #tpu.memory_space<vmem>>, %arg6: memref<16x64xf32, #tpu.memory_space<vmem>>, %arg7: memref<16x64xf32, #tpu.memory_space<vmem>>, %arg8: memref<64xf32, #tpu.memory_space<vmem>>, %arg9: memref<64xf32, #tpu.memory_space<vmem>>, %arg10: memref<10000x1xf32, #tpu.memory_space<vmem>>, %arg11: memref<1x64xi32, #tpu.memory_space<vmem>>, %arg12: memref<1x64xi32, #tpu.memory_space<vmem>>) attributes {dimension_semantics = [], scalar_prefetch = 0 : i64, scratch_operands = 0 : i64, tpu.core_type = #tpu.core_type<tc>} {
    %get3A = arith.constant 0 : index
    %get3A_0 = arith.constant 0 : index
    %get3A_1 = arith.constant 0 : index
    %get3A_2 = vector.load %arg0[%get3A, %get3A_0, %get3A_1] : memref<2x10240x16xf32, #tpu.memory_space<vmem>>, vector<1x10000x16xf32>
    %get3A_3 = vector.shape_cast %get3A_2 : vector<1x10000x16xf32> to vector<10000x16xf32>
    %get3A_4 = arith.constant 1 : index
    %get3A_5 = arith.constant 0 : index
    %get3A_6 = arith.constant 0 : index
    %get3A_7 = vector.load %arg0[%get3A_4, %get3A_5, %get3A_6] : memref<2x10240x16xf32, #tpu.memory_space<vmem>>, vector<1x10000x16xf32>
    %get3A_8 = vector.shape_cast %get3A_7 : vector<1x10000x16xf32> to vector<10000x16xf32>
    %add3A = arith.addf %get3A_3, %get3A_8 : vector<10000x16xf32>
    %get3A_9 = arith.constant 0 : index
    %get3A_10 = vector.load %arg2[%get3A_9] : memref<10240xf32, #tpu.memory_space<vmem>>, vector<10240xf32>
    %slice3A = vector.extract_strided_slice %get3A_10 {offsets = [0], sizes = [10000], strides = [1]} : vector<10240xf32> to vector<10000xf32>
    %broadcast_in_dim3A = vector.shape_cast %slice3A : vector<10000xf32> to vector<10000x1xf32>
    %get3A_11 = arith.constant 0 : index
    %get3A_12 = arith.constant 0 : index
    %get3A_13 = vector.load %arg1[%get3A_11, %get3A_12] : memref<10000x16xf32, #tpu.memory_space<vmem>>, vector<10000x16xf32>
    %add3A_14 = arith.addf %add3A, %get3A_13 : vector<10000x16xf32>
    %mul3A = vector.broadcast %broadcast_in_dim3A : vector<10000x1xf32> to vector<10000x16xf32>
    %mul3A_15 = arith.mulf %mul3A, %add3A_14 : vector<10000x16xf32>
    %get3A_16 = arith.constant 0 : index
    %get3A_17 = vector.load %arg3[%get3A_16] : memref<16xf32, #tpu.memory_space<vmem>>, vector<16xf32>
    %broadcast_in_dim3A_18 = vector.shape_cast %get3A_17 : vector<16xf32> to vector<1x16xf32>
    %add3A_19 = vector.broadcast %broadcast_in_dim3A_18 : vector<1x16xf32> to vector<10000x16xf32>
    %add3A_20 = arith.addf %mul3A_15, %add3A_19 : vector<10000x16xf32>
    %max3A = arith.constant 0.000000e+00 : f32
    %max3A_21 = vector.broadcast %max3A : f32 to vector<10000x16xf32>
    %max3A_22 = arith.maximumf %add3A_20, %max3A_21 : vector<10000x16xf32>
    %get3A_23 = arith.constant 0 : index
    %get3A_24 = arith.constant 0 : index
    %get3A_25 = vector.load %arg4[%get3A_23, %get3A_24] : memref<16x1xf32, #tpu.memory_space<vmem>>, vector<16x1xf32>
    %squeeze3A = vector.shape_cast %get3A_25 : vector<16x1xf32> to vector<16xf32>
    %convert_element_type3A = arith.truncf %squeeze3A : vector<16xf32> to vector<16xbf16>
    %convert_element_type3A_26 = arith.extf %convert_element_type3A : vector<16xbf16> to vector<16xf32>
    %convert_element_type3A_27 = arith.truncf %max3A_22 : vector<10000x16xf32> to vector<10000x16xbf16>
    %convert_element_type3A_28 = arith.extf %convert_element_type3A_27 : vector<10000x16xbf16> to vector<10000x16xf32>
    %broadcast_in_dim3A_29 = vector.shape_cast %convert_element_type3A_26 : vector<16xf32> to vector<1x16xf32>
    %mul3A_30 = vector.broadcast %broadcast_in_dim3A_29 : vector<1x16xf32> to vector<10000x16xf32>
    %mul3A_31 = arith.mulf %convert_element_type3A_28, %mul3A_30 : vector<10000x16xf32>
    %reduce_sum3A = arith.constant dense<0.000000e+00> : vector<10000xf32>
    %reduce_sum3A_32 = vector.multi_reduction <add>, %mul3A_31, %reduce_sum3A [1] : vector<10000x16xf32> to vector<10000xf32>
    %broadcast_in_dim3A_33 = vector.shape_cast %reduce_sum3A_32 : vector<10000xf32> to vector<10000x1xf32>
    %get3A_34 = arith.constant 0 : index
    %get3A_35 = vector.load %arg5[%get3A_34] : memref<1xf32, #tpu.memory_space<vmem>>, vector<1xf32>
    %get3A_36 = vector.extract %get3A_35[0] : f32 from vector<1xf32>
    %add3A_37 = vector.broadcast %get3A_36 : f32 to vector<10000x1xf32>
    %add3A_38 = arith.addf %broadcast_in_dim3A_33, %add3A_37 : vector<10000x1xf32>
    %swap3A = arith.constant 0 : index
    %swap3A_39 = arith.constant 0 : index
    %swap3A_40 = vector.load %arg10[%swap3A, %swap3A_39] : memref<10000x1xf32, #tpu.memory_space<vmem>>, vector<10000x1xf32>
    tpu.vector_store %arg10[%swap3A, %swap3A_39], %add3A_38 {strides = array<i32>} : memref<10000x1xf32, #tpu.memory_space<vmem>>, vector<10000x1xf32>,
    %reduce_sum3A_41 = arith.constant dense<0.000000e+00> : vector<16xf32>
    %reduce_sum3A_42 = vector.multi_reduction <add>, %max3A_22, %reduce_sum3A_41 [0] : vector<10000x16xf32> to vector<16xf32>
    %broadcast_in_dim3A_43 = vector.shape_cast %reduce_sum3A_42 : vector<16xf32> to vector<1x16xf32>
    %div3A = arith.constant 1.000000e+04 : f32
    %div3A_44 = vector.broadcast %div3A : f32 to vector<1x16xf32>
    %div3A_45 = arith.divf %broadcast_in_dim3A_43, %div3A_44 : vector<1x16xf32>
    %convert_element_type3A_46 = arith.truncf %div3A_45 : vector<1x16xf32> to vector<1x16xbf16>
    %convert_element_type3A_47 = arith.extf %convert_element_type3A_46 : vector<1x16xbf16> to vector<1x16xf32>
    %get3A_48 = arith.constant 0 : index
    %get3A_49 = arith.constant 0 : index
    %get3A_50 = vector.load %arg6[%get3A_48, %get3A_49] : memref<16x64xf32, #tpu.memory_space<vmem>>, vector<16x64xf32>
    %convert_element_type3A_51 = arith.truncf %get3A_50 : vector<16x64xf32> to vector<16x64xbf16>
    %convert_element_type3A_52 = arith.extf %convert_element_type3A_51 : vector<16x64xbf16> to vector<16x64xf32>
    %dot_general3A = arith.constant dense<0.000000e+00> : vector<1x64xf32>
    %dot_general3A_53 = tpu.matmul %convert_element_type3A_47, %convert_element_type3A_52, %dot_general3A {dimension_numbers = #tpu.dot_dimension_numbers<[1], [0], [0], [1], [0, 0, 1, 1], [], []>, precision = #tpu.contract_precision<fp32>, transpose_lhs_hint = false} : vector<1x16xf32>, vector<16x64xf32>, vector<1x64xf32> -> vector<1x64xf32>
    %get3A_54 = arith.constant 0 : index
    %get3A_55 = vector.load %arg8[%get3A_54] : memref<64xf32, #tpu.memory_space<vmem>>, vector<64xf32>
    %broadcast_in_dim3A_56 = vector.shape_cast %get3A_55 : vector<64xf32> to vector<1x64xf32>
    %add3A_57 = arith.addf %dot_general3A_53, %broadcast_in_dim3A_56 : vector<1x64xf32>
    %convert_element_type3A_58 = arith.truncf %div3A_45 : vector<1x16xf32> to vector<1x16xbf16>
    %convert_element_type3A_59 = arith.extf %convert_element_type3A_58 : vector<1x16xbf16> to vector<1x16xf32>
    %get3A_60 = arith.constant 0 : index
    %get3A_61 = arith.constant 0 : index
    %get3A_62 = vector.load %arg7[%get3A_60, %get3A_61] : memref<16x64xf32, #tpu.memory_space<vmem>>, vector<16x64xf32>
    %convert_element_type3A_63 = arith.truncf %get3A_62 : vector<16x64xf32> to vector<16x64xbf16>
    %convert_element_type3A_64 = arith.extf %convert_element_type3A_63 : vector<16x64xbf16> to vector<16x64xf32>
    %dot_general3A_65 = arith.constant dense<0.000000e+00> : vector<1x64xf32>
    %dot_general3A_66 = tpu.matmul %convert_element_type3A_59, %convert_element_type3A_64, %dot_general3A_65 {dimension_numbers = #tpu.dot_dimension_numbers<[1], [0], [0], [1], [0, 0, 1, 1], [], []>, precision = #tpu.contract_precision<fp32>, transpose_lhs_hint = false} : vector<1x16xf32>, vector<16x64xf32>, vector<1x64xf32> -> vector<1x64xf32>
    %get3A_67 = arith.constant 0 : index
    %get3A_68 = vector.load %arg9[%get3A_67] : memref<64xf32, #tpu.memory_space<vmem>>, vector<64xf32>
    %broadcast_in_dim3A_69 = vector.shape_cast %get3A_68 : vector<64xf32> to vector<1x64xf32>
    %add3A_70 = arith.addf %dot_general3A_66, %broadcast_in_dim3A_69 : vector<1x64xf32>
    %max3A_71 = arith.maximumf %add3A_57, %add3A_70 : vector<1x64xf32>
    %sub3A = arith.subf %add3A_57, %max3A_71 : vector<1x64xf32>
    %exp3A = math.exp %sub3A : vector<1x64xf32>
    %sub3A_72 = arith.subf %add3A_70, %max3A_71 : vector<1x64xf32>
    %exp3A_73 = math.exp %sub3A_72 : vector<1x64xf32>
    %add3A_74 = arith.addf %exp3A, %exp3A_73 : vector<1x64xf32>
    %div3A_75 = arith.constant 1.270000e+02 : f32
    %div3A_76 = vector.broadcast %div3A_75 : f32 to vector<1x64xf32>
    %div3A_77 = arith.divf %div3A_76, %add3A_74 : vector<1x64xf32>
    %mul3A_78 = arith.mulf %exp3A, %div3A_77 : vector<1x64xf32>
    %round3A = math.roundeven %mul3A_78 : vector<1x64xf32>
    %convert_element_type3A_79 = arith.fptosi %round3A : vector<1x64xf32> to vector<1x64xi32>
    %swap3A_80 = arith.constant 0 : index
    %swap3A_81 = arith.constant 0 : index
    %swap3A_82 = vector.load %arg11[%swap3A_80, %swap3A_81] : memref<1x64xi32, #tpu.memory_space<vmem>>, vector<1x64xi32>
    tpu.vector_store %arg11[%swap3A_80, %swap3A_81], %convert_element_type3A_79 {strides = array<i32>} : memref<1x64xi32, #tpu.memory_space<vmem>>, vector<1x64xi32>,
    %mul3A_83 = arith.mulf %exp3A_73, %div3A_77 : vector<1x64xf32>
    %round3A_84 = math.roundeven %mul3A_83 : vector<1x64xf32>
    %convert_element_type3A_85 = arith.fptosi %round3A_84 : vector<1x64xf32> to vector<1x64xi32>
    %swap3A_86 = arith.constant 0 : index
    %swap3A_87 = arith.constant 0 : index
    %swap3A_88 = vector.load %arg12[%swap3A_86, %swap3A_87] : memref<1x64xi32, #tpu.memory_space<vmem>>, vector<1x64xi32>
    tpu.vector_store %arg12[%swap3A_86, %swap3A_87], %convert_element_type3A_85 {strides = array<i32>} : memref<1x64xi32, #tpu.memory_space<vmem>>, vector<1x64xi32>,
    return
  }
}

</mosaic_0001>

<sc_bundles>
// kernel: kernel.10.cloned.1.call-start
scs
__scs_entry_jumppad:
0x0: {  	(pc) =	sbr.rel $0x88, $3  }
0x1: {  	(tag) =	ssettag $0x0;
	lr =	simm.s32 $0x1  }
0x2: {  	[smem:$0x3F97] =	sst lr;
	_ =	strace $0xD0000000  }
0x3: {  	_ = 	snop  }
0x4: {  	_ = 	snop  }
0x5: {  	_ = 	snop  }
0x6: {  	_ = 	snop  }
0x7: {  	_ = 	snop  }
__scs_overlays_trampoline_lowered:
0x8: {  	[smem:$0x3FA6] =	sst s0  }
0x9: {  	[smem:$0x3FA7] =	sst s1  }
0xa: {  	[smem:$0x3FA8] =	sst s2  }
0xb: {  	[smem:$0x3FA9] =	sst s3  }
0xc: {  	[smem:$0x3FAA] =	sst s4  }
0xd: {  	[smem:$0x3FAB] =	sst s5  }
0xe: {  	[smem:$0x3FAC] =	sst s6  }
0xf: {  	[smem:$0x3FAD] =	sst s7  }
0x10: {  	[smem:$0x3FAE] =	sst s8  }
0x11: {  	[smem:$0x3FAF] =	sst s9;
	s0 =	simm.s32 @!p0 $0x0  }
0x12: {  	s1 =	sld [smem:$0x3F95];
	s0 =	simm.s32 @p0 $0x1  }
0x13: {  	[smem:$0x3FB0] =	sst s0;
	s0 =	simm.s32 @!p1 $0x0  }
0x14: {  	s2 =	sld [smem:$0x3F94];
	s0 =	simm.s32 @p1 $0x1  }
0x15: {  	[smem:$0x3FB1] =	sst s0;
	s0 =	simm.s32 @!p2 $0x0  }
0x16: {  	s3 =	sld [smem:$0x3FDB];
	s0 =	simm.s32 @p2 $0x1  }
0x17: {  	s4 =	simm.s32 $0x1BF5;
	[smem:$0x3FB3] =	sst s0  }
0x18: {  	s0 =	sld [smem:$0x3F96];
	_ =	swait.ge [sflag:s4], $0x0  }
0x19: {  	s7 =	sld [smem:$0x3F97]  }
0x1a: {  	s8 =	sadd.s32 $0xFFFFE003, lr  }
0x1b: {  	s9 =	sadd.s32 $0xFFFFFEF7, lr;
	s5 =	simm.s32 $0xFFFFFFFF;
	p2 =	slt.u32 s8, $0xFFFFF086  }
0x1c: {  	p1 =	slt.u32 s9, $0xF7A;
	s5 =	simm.s32 @!p2 $0x0  }
0x1d: {  	s5 =	simm.s32 @p1 $0x1;
	p0 =	seq.s32 s7, s2  }
0x1e: {  	s7 =	smul.u32 @!p0 $0xF7A, s2;
	p2 =	seq.s32 @!p0 s5, $0x0  }
0x1f: {  	s9 =	smul.u32 $0xF7A, s1;
	s8 =	simm.s32 @!p0 $0x1BF5;
	p2 =	por !p2, p0  }
0x20: {  	[sflag:s8] =	ssyncset.s32 @!p0 $0xFFFFF086;
	s6 =	sadd.s32 @!p0 s3, s7;
	s7 =	simm.s32 @!p0 $0x108  }
0x21: {  	s3 =	sadd.s32 s3, s9;
	s6 =	sadd.s32 @!p0 $0x88, s6;
	s7 =	simm.s32 @p2 $0x1082  }
0x22: {  	[simem:s7], [sflag:s8] =	dma.local @!p0 [hbm:s6], $0xF7A  }
0x23: {  	s9 =	sor.u32 $0xD0000000, s2;
	s6 =	simm.s32 $0x108;
	_ =	swait.ge @!p0 [sflag:s8], $0x0  }
0x24: {  	s3 =	sadd.s32 $0x88, s3;
	s6 =	simm.s32 @!p1 $0x1082;
	[sflag:s4] =	ssyncset.s32 $0xFFFFF086  }
0x25: {  	[simem:s6], [sflag:s4] =	dma.local [hbm:s3], $0xF7A  }
0x26: {  	[smem:$0x3F97] =	sst s1;
	(tag) =	ssettag s2;
	_ =	strace s9  }
0x27: {  	s1 =	sld [smem:$0x3FA7]  }
0x28: {  	s2 =	sld [smem:$0x3FA8]  }
0x29: {  	s4 =	sld [smem:$0x3FAA]  }
0x2a: {  	p0 =	seq.s32 s5, $0x0;
	s5 =	sld [smem:$0x3FAB]  }
0x2b: {  	s6 =	sld [smem:$0x3FAC]  }
0x2c: {  	s7 =	sld [smem:$0x3FAD]  }
0x2d: {  	s3 =	simm.s32 $0x108;
	s8 =	sld [smem:$0x3FAE]  }
0x2e: {  	s3 =	simm.s32 @!p0 $0x1082;
	s9 =	sld [smem:$0x3FAF]  }
0x2f: {  	lr =	sadd.s32 s0, s3;
	s0 =	sld [smem:$0x3FA6]  }
0x30: {  	s3 =	sld [smem:$0x3FA9]  }
0x31: {  	[smem:$0x3FB2] =	sst s10  }
0x32: {  	s10 =	sld [smem:$0x3FB0];
	_ =	sdelay $0x3  }
0x33: {  	p0 =	seq.s32 s10, $0x1;
	s10 =	sld [smem:$0x3FB2];
	_ =	sdelay $0x3  }
0x34: {  	[smem:$0x3FB2] =	sst s10  }
0x35: {  	s10 =	sld [smem:$0x3FB1];
	_ =	sdelay $0x3  }
0x36: {  	p1 =	seq.s32 s10, $0x1;
	s10 =	sld [smem:$0x3FB2];
	_ =	sdelay $0x3  }
0x37: {  	[smem:$0x3FB2] =	sst s10  }
0x38: {  	s10 =	sld [smem:$0x3FB3]  }
0x39: {  	_ = 	snop;
	(pc) =	sbr.ind lr, $3  }
0x3a: {  	_ = 	snop  }
0x3b: {  	_ = 	snop  }
0x3c: {  	p2 =	seq.s32 s10, $0x1;
	s10 =	sld [smem:$0x3FB2]  }
0x3d: {  	_ =	shalt  }
0x3e: {  	_ =	shalt  }
0x3f: {  	_ =	shalt  }
0x40: {  	_ =	shalt  }
0x41: {  	_ =	shalt  }
0x42: {  	_ =	shalt  }
0x43: {  	_ =	shalt  }
0x44: {  	_ =	shalt  }
0x45: {  	_ =	shalt  }
0x46: {  	_ =	shalt  }
0x47: {  	_ =	shalt  }
0x48: {  	_ =	shalt  }
0x49: {  	_ =	shalt  }
0x4a: {  	_ =	shalt  }
0x4b: {  	_ =	shalt  }
0x4c: {  	_ =	shalt  }
0x4d: {  	_ =	shalt  }
0x4e: {  	_ =	shalt  }
0x4f: {  	_ =	shalt  }
0x50: {  	_ =	shalt  }
0x51: {  	_ =	shalt  }
0x52: {  	_ =	shalt  }
0x53: {  	_ =	shalt  }
0x54: {  	_ =	shalt  }
0x55: {  	_ =	shalt  }
0x56: {  	_ =	shalt  }
0x57: {  	_ =	shalt  }
0x58: {  	_ =	shalt  }
0x59: {  	_ =	shalt  }
0x5a: {  	_ =	shalt  }
0x5b: {  	_ =	shalt  }
0x5c: {  	_ =	shalt  }
0x5d: {  	_ =	shalt  }
0x5e: {  	_ =	shalt  }
0x5f: {  	_ =	shalt  }
0x60: {  	_ =	shalt  }
0x61: {  	_ =	shalt  }
0x62: {  	_ =	shalt  }
0x63: {  	_ =	shalt  }
0x64: {  	_ =	shalt  }
0x65: {  	_ =	shalt  }
0x66: {  	_ =	shalt  }
0x67: {  	_ =	shalt  }
0x68: {  	_ =	shalt  }
0x69: {  	_ =	shalt  }
0x6a: {  	_ =	shalt  }
0x6b: {  	_ =	shalt  }
0x6c: {  	_ =	shalt  }
0x6d: {  	_ =	shalt  }
0x6e: {  	_ =	shalt  }
0x6f: {  	_ =	shalt  }
0x70: {  	_ =	shalt  }
0x71: {  	_ =	shalt  }
0x72: {  	_ =	shalt  }
0x73: {  	_ =	shalt  }
0x74: {  	_ =	shalt  }
0x75: {  	_ =	shalt  }
0x76: {  	_ =	shalt  }
0x77: {  	_ =	shalt  }
0x78: {  	_ =	shalt  }
0x79: {  	_ =	shalt  }
0x7a: {  	_ =	shalt  }
0x7b: {  	_ =	shalt  }
0x7c: {  	_ =	shalt  }
0x7d: {  	_ =	shalt  }
0x7e: {  	_ =	shalt  }
0x7f: {  	_ =	shalt  }
0x80: {  	_ =	shalt  }
0x81: {  	_ =	shalt  }
0x82: {  	_ =	shalt  }
0x83: {  	_ =	shalt  }
0x84: {  	_ =	shalt  }
0x85: {  	_ =	shalt  }
0x86: {  	_ =	shalt  }
0x87: {  	_ =	shalt  }
.Lfunc_end0:
.L_simem_size_0:
called_computation_lowered:
.L_overlay_start_0:
0x88: {  	s2 =	sld [smem:$0x3FD9]  }
0x89: {  	s3 =	sld [smem:$0x3FFE];
	_ =	sdelay $0x1  }
0x8a: {  	s1 =	srdreg.scid  }
0x8b: {  	s0 =	sand.u32 $0x1, s1  }
0x8c: {  	s16 =	sshll.u32 s0, $0xA;
	s2 =	sadd.s32 s3, s2  }
0x8d: {  	s2 =	sadd.s32 s2, s16  }
0x8e: {  	[smem:$0x3FBE] =	sst s2  }
0x8f: {  	_ = 	snop  }
0x90: {  	(tm) =	ssettm $0x1  }
0x91: {  	s17 =	sld [smem:$0x3FFB];
	_ =	sdelay $0x3  }
0x92: {  	_ =	strace s17  }
0x93: {  	s2 =	sld [smem:$0x3FFC];
	_ =	sdelay $0x3  }
0x94: {  	_ =	strace s2  }
0x95: {  	s2 =	sld [smem:$0x3FFD];
	_ =	sdelay $0x3  }
0x96: {  	_ =	strace s2  }
0x97: {  	_ =	strace $0x8FFFFFFF  }
0x98: {  	s18 =	sld [smem:$0x3FDB];
	_ =	sdelay $0x1  }
0x99: {  	s19 =	simm.s32 $_scs_section_size  }
0x9a: {  	s4 =	simm.s32 $_size__tile_overlayer_lowered;
	s5 =	simm.s32 $_tile_overlayer_lowered  }
0x9b: {  	s22 =	simm.s32 $0x1BFF;
	s21 =	sshll.u32 s5, $0x1;
	s2 =	sadd.s32 s19, s18  }
0x9c: {  	s6 =	simm.s32 $0x0;
	s20 =	sshll.u32 s4, $0x1;
	s4 =	sadd.s32 s21, s2  }
0x9d: {  	[timem:s6], [sflag:s22] =	dma.local [hbm:s4], s20  }
0x9e: {  	_ =	swait.ge [sflag:s22], s20  }
0x9f: {  	s3 =	ssub.s32 $0x0, s20;
	[sflag:s22] =	ssyncset.done $0x0  }
0xa0: {  	[sflag:s22] =	ssyncadd.s32 s3;
	_ =	sdelay $0x1  }
0xa1: {  	s23 =	simm.s32 $0x1B8B  }
0xa2: {  	_ =	swait.ge [sflag:s23], $0x1  }
0xa3: {  	[sflag:s23] =	ssyncset.done $0x0  }
0xa4: {  	s25 =	simm.s32 $0x1B8E;
	s24 =	sld [smem:$0x3FFE];
	[sflag:s23] =	ssyncadd.s32 $0xFFFFFFFF  }
0xa5: {  	s26 =	simm.s32 $execute0_lowered;
	[smem:$0x3FD2] =	sst s25  }
0xa6: {  	s4 =	sshll.u32 s26, $0x1;
	_ =	strace $0x80000046;
	[dreg:$0x1] =	wrdreg $0xFFFFFFFF  }
0xa7: {  	s28 =	simm.s32 $_size_execute0_lowered;
	s2 =	sadd.s32 s2, s4;
	[dreg:$0x0] =	wrdreg $0x0  }
0xa8: {  	s4 =	sshll.u32 s28, $0x1;
	[dreg:$0x2] =	wrdreg s2  }
0xa9: {  	[dreg:$0x3] =	wrdreg s4  }
0xaa: {  	[dreg:$0x4] =	wrdreg $0xC0  }
0xab: {  	_ =	task [dreg:s6], $0x5FFFF  }
0xac: {  	[dreg:$0x1] =	wrdreg $0xFFFFFFFF  }
0xad: {  	[dreg:$0x0] =	wrdreg $0x60  }
0xae: {  	[dreg:$0x2] =	wrdreg s24  }
0xaf: {  	[dreg:$0x3] =	wrdreg $0x0  }
0xb0: {  	[dreg:$0x4] =	wrdreg $0x9  }
0xb1: {  	_ =	task.clear_ibuf [dreg:s6], $0x5FFFF;
	_ =	strace $0x90000046  }
0xb2: {  	s29 =	simm.s32 $0x9;
	_ =	strace $0x80000048  }
0xb3: {  	_ =	swait.ge [sflag:s29], $0x1  }
0xb4: {  	[sflag:s29] =	ssyncadd.s32 $0xFFFFFFFF  }
0xb5: {  	_ =	strace $0x90000048  }
0xb6: {  	_ =	sfence  }
0xb7: {  	s30 =	sld [smem:$0x0];
	_ =	sdelay $0x2  }
0xb8: {  	s31 =	sshll.u32 s1, $0xD;
	s1 =	sshrl.u32 s1, $0x2  }
0xb9: {  	s3 =	sand.u32 $0x4000, s31;
	s1 =	sadd.s32 s1, s30  }
0xba: {  	s0 =	sor.u32 s3, s0;
	s1 =	sshll.u32 s1, $0x11  }
0xbb: {  	s0 =	sor.u32 s1, s0  }
0xbc: {  	s0 =	sadd.s32 $0x8F2B, s0  }
0xbd: {  	[sflag:s0] =	ssyncadd.remote.s32 $0x1  }
0xbe: {  	_ =	sfence.sel $0xFFFF  }
0xbf: {  	[dreg:$0x0] =	wrdreg $0xFFFFFFFF;
	(pc) =	sbr.abs _section_cstart, $3  }
0xc0: {  	[dreg:$0x1] =	wrdreg $0xFFFFFFFF  }
0xc1: {  	_ =	task.clear_ibuf [dreg:s6], $0x2FFFF;
	_ =	strace $0x9FFFFFFF  }
0xc2: {  	(tm) =	ssettm $0x7FFFFFFF  }
0xc3: {  	_ =	shalt  }
tec
execute0_lowered:
.L_overlay_start_1:
0x0: {  	(tag) =	ssettag $0x1  }
0x1: {  	s1 =	srdreg.scid;
	s4 =	rddreg [dreg:$0x0]  }
0x2: {  	s0 =	stileid.u32;
	s2 =	rddreg [dreg:$0x1];
	s3 =	simm.s32 $0x0  }
0x3: {  	s10 =	simm.s32 $0x280;
	s11 =	simm.s32 $0x80;
	s12 =	simm.s32 $0x2A80  }
0x4: {  	s13 =	simm.s32 $0x1;
	s5 =	sand.u32 $0x1, s1;
	s1 =	rddreg [dreg:$0x2]  }
0x5: {  	s16 =	simm.s32 $0x0;
	s6 =	smul.u32 $0x280, s0;
	[smem:$0x7FF] =	sst s3  }
0x6: {  	s14 =	sshll.u32 s0, $0x6;
	s7 =	sshll.u32 s5, $0x4;
	s8 =	smul.u32 $0x2800, s5  }
0x7: {  	_ =	strace $0x80000047;
	s5 =	ssub.s32 $0x2, s5;
	s7 =	sor.u32 s0, s7  }
0x8: {  	s31 =	sshrl.u32 s5, $0x1;
	s7 =	smul.u32 $0x500, s7;
	s8 =	sadd.s32 s6, s8  }
0x9: {  	s14 =	sor.u32 $0x1C02, s14;
	s9 =	ssub.s32 s5, s31;
	s8 =	sshrl.u32 s8, $0x3  }
0xa: {  	s7 =	sadd.s32 s7, s4;
	s8 =	sadd.s32 s8, s4;
	s4 =	sadd.s32 s6, s2  }
0xb: {  	s5 =	sadd.s32 $0x2800, s7;
	s6 =	sadd.s32 $0x16800, s8;
	s7 =	smax.u32 s9, $0x1  }
0xc: {  	v0 =	vimm.f32 $0.0e+00;
	v1 =	vimm.f32 $1.000000000e+00;
	s8 =	simm.s32 $0x2B00;
	s9 =	simm.s32 $0x2;
	s15 =	sshrl.u32 s4, $0x3  }
.LBB2_1:
0xd: {  	[tilespmem:$0x2B00] =	vst v0  }
0xe: {  	[tilespmem:$0x2B10] =	vst v0  }
0xf: {  	[tilespmem:$0x2B20] =	vst v0  }
0x10: {  	[tilespmem:$0x2B30] =	vst v0  }
0x11: {  	[tilespmem:$0x2B40] =	vst v0  }
0x12: {  	[tilespmem:$0x2B50] =	vst v0  }
0x13: {  	[tilespmem:$0x2B60] =	vst v0  }
0x14: {  	[tilespmem:$0x2B70] =	vst v0  }
0x15: {  	[tilespmem:$0x2B80] =	vst v0  }
0x16: {  	[tilespmem:$0x2B90] =	vst v0  }
0x17: {  	[tilespmem:$0x2BA0] =	vst v0  }
0x18: {  	[tilespmem:$0x2BB0] =	vst v0  }
0x19: {  	[tilespmem:$0x2BC0] =	vst v0  }
0x1a: {  	[tilespmem:$0x2BD0] =	vst v0  }
0x1b: {  	[tilespmem:$0x2BE0] =	vst v0  }
0x1c: {  	[tilespmem:$0x2BF0] =	vst v0  }
0x1d: {  	[tilespmem:$0x2C00] =	vst v0  }
0x1e: {  	[tilespmem:$0x2C10] =	vst v0  }
0x1f: {  	[tilespmem:$0x2C20] =	vst v0  }
0x20: {  	[tilespmem:$0x2C30] =	vst v0  }
0x21: {  	[tilespmem:$0x2C40] =	vst v0  }
0x22: {  	[tilespmem:$0x2C50] =	vst v0  }
0x23: {  	[tilespmem:$0x2C60] =	vst v0  }
0x24: {  	[tilespmem:$0x2C70] =	vst v0  }
0x25: {  	[tilespmem:$0x2C80] =	vst v0  }
0x26: {  	[tilespmem:$0x2C90] =	vst v0  }
0x27: {  	[tilespmem:$0x2CA0] =	vst v0  }
0x28: {  	[tilespmem:$0x2CB0] =	vst v0  }
0x29: {  	[tilespmem:$0x2CC0] =	vst v0  }
0x2a: {  	[tilespmem:$0x2CD0] =	vst v0  }
0x2b: {  	[tilespmem:$0x2CE0] =	vst v0  }
0x2c: {  	[tilespmem:$0x2CF0] =	vst v0  }
0x2d: {  	[tilespmem:$0x2D00] =	vst v0  }
0x2e: {  	[tilespmem:$0x2D10] =	vst v0  }
0x2f: {  	[tilespmem:$0x2D20] =	vst v0  }
0x30: {  	[tilespmem:$0x2D30] =	vst v0  }
0x31: {  	[tilespmem:$0x2D40] =	vst v0  }
0x32: {  	[tilespmem:$0x2D50] =	vst v0  }
0x33: {  	[tilespmem:$0x2D60] =	vst v0  }
0x34: {  	[tilespmem:$0x2D70] =	vst v0  }
0x35: {  	[tilespmem:$0x2A80] =	vst v1  }
0x36: {  	[tilespmem:$0x2A90] =	vst v1  }
0x37: {  	[tilespmem:$0x2AA0] =	vst v1  }
0x38: {  	[tilespmem:$0x2AB0] =	vst v1  }
0x39: {  	[tilespmem:$0x2AC0] =	vst v1  }
0x3a: {  	[tilespmem:$0x2AD0] =	vst v1  }
0x3b: {  	[tilespmem:$0x2AE0] =	vst v1  }
0x3c: {  	[tilespmem:$0x2AF0] =	vst v1  }
0x3d: {  	[spmem:s4] =	stream.linear.scatter [tilespmem:s8], [sflag:$0x2], $0x280, $0x38;
	[tilespmem:$0x2D80] =	vst v63  }
0x3e: {  	_ =	swait.ge [sflag:s9], $0x280  }
0x3f: {  	[sflag:s9] =	ssyncset.done $0x0  }
0x40: {  	[sflag:s9] =	ssyncadd.s32 $0xFFFFFD80  }
0x41: {  	[bflag:$0x0] =	sbarrier.arrive $0xFFFF  }
0x42: {  	[tilespmem:s10], [sflag:$0x2] =	stream.linear.gather [hbm4b:s5+s3], $0x2800, $0x38;
	[tilespmem:$0x2D80] =	vst v63  }
0x43: {  	_ =	swait.ge [sflag:s9], $0x2800  }
0x44: {  	[sflag:s9] =	ssyncset.done $0x0  }
0x45: {  	s17 =	simm.s32 $0x0;
	[sflag:s9] =	ssyncadd.s32 $0xFFFFD800  }
.LBB2_2:
0x46: {  	p0 =	sne.s32 s17, $0x9E00  }
.Ltmp0:
0x47: {  	_ = 	snop;
	(pc) =	sbr.rel @p0 .LBB2_2-.Ltmp0, $4  }
0x48: {  	_ = 	snop  }
0x49: {  	s18 =	sshra.s32 s17, $0x2  }
0x4a: {  	s17 =	sadd.s32 $0x200, s17;
	s18 =	sadd.s32 $0x280, s18  }
0x4b: {  	[spmem:s2] =	stream.indirect.scatter.add.f32 [tilespmem:s12], [sflag:$0x1], $0x1, s18, s11, $0xb8;
	[tilespmem:$0x2D80] =	vst v63  }
0x4c: {  	_ =	swait.ge [sflag:s13], $0x80  }
0x4d: {  	s17 =	simm.s32 $0x4F;
	[sflag:s13] =	ssyncset.done $0x0  }
.LBB2_4:
0x4e: {  	p0 =	sne.s32 s17, $0x1;
	s17 =	sadd.s32 $0xFFFFFFFF, s17;
	[sflag:s13] =	ssyncadd.s32 $0xFFFFFF80  }
.Ltmp1:
0x4f: {  	(pc) =	sbr.rel @p0 .LBB2_4-.Ltmp1, $3  }
0x50: {  	_ =	sdelay $0x1  }
0x51: {  	_ =	swait.ge [sflag:s13], $0x80  }
0x52: {  	[sflag:s13] =	ssyncset.done $0x0  }
0x53: {  	s16 =	sadd.s32 $0x1, s16  }
0x54: {  	[sflag:s13] =	ssyncadd.s32 $0xFFFFFF80;
	p0 =	sne.s32 s16, s7  }
.Ltmp2:
0x55: {  	[bflag:$0x0] =	sbarrier.arrive $0xFFFF;
	(pc) =	sbr.rel @p0 .LBB2_1-.Ltmp2, $4  }
0x56: {  	[hbm:s6], [sflag:s14] =	dma.local [spmem:s15], $0x50  }
0x57: {  	_ =	swait.ge [sflag:s9], $0x50  }
0x58: {  	[sflag:s9] =	ssyncset.done $0x0  }
0x59: {  	[sflag:s9] =	ssyncadd.s32 $0xFFFFFFB0  }
0x5a: {  	_ =	sfence.sel $0x180000  }
0x5b: {  	[bflag:$0x0] =	sbarrier.arrive $0xFFFF  }
0x5c: {  	p0 =	sne.s32 s0, $0x0;
	_ =	strace $0x90000047  }
0x5d: {  	s0 =	sadd.s32 @!p0 $0x100000, s1;
	[bflag:$0x2] =	sbarrier.arrive $0xFFFF  }
0x5e: {  	[sflag:s0] =	ssyncadd.tile.s32 @!p0 $0x1;
	_ =	shalt  }
.Lfunc_end2:
_tile_overlayer_lowered:
.L_overlay_start_2:
0x5f: {  	(tag) =	ssettag $0x2  }
0x60: {  	s0 =	rddreg [dreg:$0x0];
	s2 =	stileid.u32  }
0x61: {  	s1 =	rddreg [dreg:$0x1];
	p0 =	sne.s32 s2, $0x0  }
0x62: {  	s3 =	rddreg [dreg:$0x2];
	[bflag:$0x3] =	sbarrier.arrive $0xFFFF;
	s2 =	simm.s32 @!p0 $0x1C02  }
0x63: {  	[timem:s3], [sflag:s2] =	dma.local @!p0 [hbm:s0], s1  }
0x64: {  	s0 =	simm.s32 @!p0 $0x2  }
0x65: {  	_ =	swait.ge @!p0 [sflag:s0], s1  }
0x66: {  	s1 =	ssub.s32 @!p0 $0x0, s1;
	[sflag:s0] =	ssyncset.done @!p0 $0x0  }
0x67: {  	[sflag:s0] =	ssyncadd.s32 @!p0 s1  }
0x68: {  	[bflag:$0x3] =	sbarrier.arrive $0xFFFF  }
0x69: {  	_ =	shalt  }

// kernel: kernel.13.cloned.1.call-start
scs
__scs_entry_jumppad:
0x0: {  	(pc) =	sbr.rel $0x88, $3  }
0x1: {  	(tag) =	ssettag $0x0;
	lr =	simm.s32 $0x1  }
0x2: {  	[smem:$0x3F97] =	sst lr;
	_ =	strace $0xD0000000  }
0x3: {  	_ = 	snop  }
0x4: {  	_ = 	snop  }
0x5: {  	_ = 	snop  }
0x6: {  	_ = 	snop  }
0x7: {  	_ = 	snop  }
__scs_overlays_trampoline_lowered:
0x8: {  	[smem:$0x3FA6] =	sst s0  }
0x9: {  	[smem:$0x3FA7] =	sst s1  }
0xa: {  	[smem:$0x3FA8] =	sst s2  }
0xb: {  	[smem:$0x3FA9] =	sst s3  }
0xc: {  	[smem:$0x3FAA] =	sst s4  }
0xd: {  	[smem:$0x3FAB] =	sst s5  }
0xe: {  	[smem:$0x3FAC] =	sst s6  }
0xf: {  	[smem:$0x3FAD] =	sst s7  }
0x10: {  	[smem:$0x3FAE] =	sst s8  }
0x11: {  	[smem:$0x3FAF] =	sst s9;
	s0 =	simm.s32 @!p0 $0x0  }
0x12: {  	s1 =	sld [smem:$0x3F95];
	s0 =	simm.s32 @p0 $0x1  }
0x13: {  	[smem:$0x3FB0] =	sst s0;
	s0 =	simm.s32 @!p1 $0x0  }
0x14: {  	s2 =	sld [smem:$0x3F94];
	s0 =	simm.s32 @p1 $0x1  }
0x15: {  	[smem:$0x3FB1] =	sst s0;
	s0 =	simm.s32 @!p2 $0x0  }
0x16: {  	s3 =	sld [smem:$0x3FDB];
	s0 =	simm.s32 @p2 $0x1  }
0x17: {  	s4 =	simm.s32 $0x1BF5;
	[smem:$0x3FB3] =	sst s0  }
0x18: {  	s0 =	sld [smem:$0x3F96];
	_ =	swait.ge [sflag:s4], $0x0  }
0x19: {  	s7 =	sld [smem:$0x3F97]  }
0x1a: {  	s8 =	sadd.s32 $0xFFFFE003, lr  }
0x1b: {  	s9 =	sadd.s32 $0xFFFFFEF7, lr;
	s5 =	simm.s32 $0xFFFFFFFF;
	p2 =	slt.u32 s8, $0xFFFFF086  }
0x1c: {  	p1 =	slt.u32 s9, $0xF7A;
	s5 =	simm.s32 @!p2 $0x0  }
0x1d: {  	s5 =	simm.s32 @p1 $0x1;
	p0 =	seq.s32 s7, s2  }
0x1e: {  	s7 =	smul.u32 @!p0 $0xF7A, s2;
	p2 =	seq.s32 @!p0 s5, $0x0  }
0x1f: {  	s9 =	smul.u32 $0xF7A, s1;
	s8 =	simm.s32 @!p0 $0x1BF5;
	p2 =	por !p2, p0  }
0x20: {  	[sflag:s8] =	ssyncset.s32 @!p0 $0xFFFFF086;
	s6 =	sadd.s32 @!p0 s3, s7;
	s7 =	simm.s32 @!p0 $0x108  }
0x21: {  	s3 =	sadd.s32 s3, s9;
	s6 =	sadd.s32 @!p0 $0x88, s6;
	s7 =	simm.s32 @p2 $0x1082  }
0x22: {  	[simem:s7], [sflag:s8] =	dma.local @!p0 [hbm:s6], $0xF7A  }
0x23: {  	s9 =	sor.u32 $0xD0000000, s2;
	s6 =	simm.s32 $0x108;
	_ =	swait.ge @!p0 [sflag:s8], $0x0  }
0x24: {  	s3 =	sadd.s32 $0x88, s3;
	s6 =	simm.s32 @!p1 $0x1082;
	[sflag:s4] =	ssyncset.s32 $0xFFFFF086  }
0x25: {  	[simem:s6], [sflag:s4] =	dma.local [hbm:s3], $0xF7A  }
0x26: {  	[smem:$0x3F97] =	sst s1;
	(tag) =	ssettag s2;
	_ =	strace s9  }
0x27: {  	s1 =	sld [smem:$0x3FA7]  }
0x28: {  	s2 =	sld [smem:$0x3FA8]  }
0x29: {  	s4 =	sld [smem:$0x3FAA]  }
0x2a: {  	p0 =	seq.s32 s5, $0x0;
	s5 =	sld [smem:$0x3FAB]  }
0x2b: {  	s6 =	sld [smem:$0x3FAC]  }
0x2c: {  	s7 =	sld [smem:$0x3FAD]  }
0x2d: {  	s3 =	simm.s32 $0x108;
	s8 =	sld [smem:$0x3FAE]  }
0x2e: {  	s3 =	simm.s32 @!p0 $0x1082;
	s9 =	sld [smem:$0x3FAF]  }
0x2f: {  	lr =	sadd.s32 s0, s3;
	s0 =	sld [smem:$0x3FA6]  }
0x30: {  	s3 =	sld [smem:$0x3FA9]  }
0x31: {  	[smem:$0x3FB2] =	sst s10  }
0x32: {  	s10 =	sld [smem:$0x3FB0];
	_ =	sdelay $0x3  }
0x33: {  	p0 =	seq.s32 s10, $0x1;
	s10 =	sld [smem:$0x3FB2];
	_ =	sdelay $0x3  }
0x34: {  	[smem:$0x3FB2] =	sst s10  }
0x35: {  	s10 =	sld [smem:$0x3FB1];
	_ =	sdelay $0x3  }
0x36: {  	p1 =	seq.s32 s10, $0x1;
	s10 =	sld [smem:$0x3FB2];
	_ =	sdelay $0x3  }
0x37: {  	[smem:$0x3FB2] =	sst s10  }
0x38: {  	s10 =	sld [smem:$0x3FB3]  }
0x39: {  	_ = 	snop;
	(pc) =	sbr.ind lr, $3  }
0x3a: {  	_ = 	snop  }
0x3b: {  	_ = 	snop  }
0x3c: {  	p2 =	seq.s32 s10, $0x1;
	s10 =	sld [smem:$0x3FB2]  }
0x3d: {  	_ =	shalt  }
0x3e: {  	_ =	shalt  }
0x3f: {  	_ =	shalt  }
0x40: {  	_ =	shalt  }
0x41: {  	_ =	shalt  }
0x42: {  	_ =	shalt  }
0x43: {  	_ =	shalt  }
0x44: {  	_ =	shalt  }
0x45: {  	_ =	shalt  }
0x46: {  	_ =	shalt  }
0x47: {  	_ =	shalt  }
0x48: {  	_ =	shalt  }
0x49: {  	_ =	shalt  }
0x4a: {  	_ =	shalt  }
0x4b: {  	_ =	shalt  }
0x4c: {  	_ =	shalt  }
0x4d: {  	_ =	shalt  }
0x4e: {  	_ =	shalt  }
0x4f: {  	_ =	shalt  }
0x50: {  	_ =	shalt  }
0x51: {  	_ =	shalt  }
0x52: {  	_ =	shalt  }
0x53: {  	_ =	shalt  }
0x54: {  	_ =	shalt  }
0x55: {  	_ =	shalt  }
0x56: {  	_ =	shalt  }
0x57: {  	_ =	shalt  }
0x58: {  	_ =	shalt  }
0x59: {  	_ =	shalt  }
0x5a: {  	_ =	shalt  }
0x5b: {  	_ =	shalt  }
0x5c: {  	_ =	shalt  }
0x5d: {  	_ =	shalt  }
0x5e: {  	_ =	shalt  }
0x5f: {  	_ =	shalt  }
0x60: {  	_ =	shalt  }
0x61: {  	_ =	shalt  }
0x62: {  	_ =	shalt  }
0x63: {  	_ =	shalt  }
0x64: {  	_ =	shalt  }
0x65: {  	_ =	shalt  }
0x66: {  	_ =	shalt  }
0x67: {  	_ =	shalt  }
0x68: {  	_ =	shalt  }
0x69: {  	_ =	shalt  }
0x6a: {  	_ =	shalt  }
0x6b: {  	_ =	shalt  }
0x6c: {  	_ =	shalt  }
0x6d: {  	_ =	shalt  }
0x6e: {  	_ =	shalt  }
0x6f: {  	_ =	shalt  }
0x70: {  	_ =	shalt  }
0x71: {  	_ =	shalt  }
0x72: {  	_ =	shalt  }
0x73: {  	_ =	shalt  }
0x74: {  	_ =	shalt  }
0x75: {  	_ =	shalt  }
0x76: {  	_ =	shalt  }
0x77: {  	_ =	shalt  }
0x78: {  	_ =	shalt  }
0x79: {  	_ =	shalt  }
0x7a: {  	_ =	shalt  }
0x7b: {  	_ =	shalt  }
0x7c: {  	_ =	shalt  }
0x7d: {  	_ =	shalt  }
0x7e: {  	_ =	shalt  }
0x7f: {  	_ =	shalt  }
0x80: {  	_ =	shalt  }
0x81: {  	_ =	shalt  }
0x82: {  	_ =	shalt  }
0x83: {  	_ =	shalt  }
0x84: {  	_ =	shalt  }
0x85: {  	_ =	shalt  }
0x86: {  	_ =	shalt  }
0x87: {  	_ =	shalt  }
.Lfunc_end0:
.L_simem_size_0:
called_computation.1_lowered:
.L_overlay_start_0:
0x88: {  	s2 =	sld [smem:$0x3FD9]  }
0x89: {  	s3 =	sld [smem:$0x3FFE];
	_ =	sdelay $0x1  }
0x8a: {  	s1 =	srdreg.scid  }
0x8b: {  	s0 =	sand.u32 $0x1, s1  }
0x8c: {  	s16 =	sshll.u32 s0, $0xA;
	s2 =	sadd.s32 s3, s2  }
0x8d: {  	s2 =	sadd.s32 s2, s16  }
0x8e: {  	[smem:$0x3FBE] =	sst s2  }
0x8f: {  	_ = 	snop  }
0x90: {  	(tm) =	ssettm $0x1  }
0x91: {  	s17 =	sld [smem:$0x3FFB];
	_ =	sdelay $0x3  }
0x92: {  	_ =	strace s17  }
0x93: {  	s2 =	sld [smem:$0x3FFC];
	_ =	sdelay $0x3  }
0x94: {  	_ =	strace s2  }
0x95: {  	s2 =	sld [smem:$0x3FFD];
	_ =	sdelay $0x3  }
0x96: {  	_ =	strace s2  }
0x97: {  	_ =	strace $0x8FFFFFFF  }
0x98: {  	s18 =	sld [smem:$0x3FDB];
	_ =	sdelay $0x1  }
0x99: {  	s19 =	simm.s32 $_scs_section_size  }
0x9a: {  	s4 =	simm.s32 $_size__tile_overlayer_lowered;
	s5 =	simm.s32 $_tile_overlayer_lowered  }
0x9b: {  	s22 =	simm.s32 $0x1BFF;
	s21 =	sshll.u32 s5, $0x1;
	s2 =	sadd.s32 s19, s18  }
0x9c: {  	s6 =	simm.s32 $0x0;
	s20 =	sshll.u32 s4, $0x1;
	s4 =	sadd.s32 s21, s2  }
0x9d: {  	[timem:s6], [sflag:s22] =	dma.local [hbm:s4], s20  }
0x9e: {  	_ =	swait.ge [sflag:s22], s20  }
0x9f: {  	s3 =	ssub.s32 $0x0, s20;
	[sflag:s22] =	ssyncset.done $0x0  }
0xa0: {  	[sflag:s22] =	ssyncadd.s32 s3;
	_ =	sdelay $0x1  }
0xa1: {  	s23 =	simm.s32 $0x1B8B  }
0xa2: {  	_ =	swait.ge [sflag:s23], $0x1  }
0xa3: {  	[sflag:s23] =	ssyncset.done $0x0  }
0xa4: {  	s25 =	simm.s32 $0x1B8E;
	s24 =	sld [smem:$0x3FFE];
	[sflag:s23] =	ssyncadd.s32 $0xFFFFFFFF  }
0xa5: {  	s26 =	simm.s32 $execute0_lowered;
	[smem:$0x3FD2] =	sst s25  }
0xa6: {  	s4 =	sshll.u32 s26, $0x1;
	_ =	strace $0x80000049;
	[dreg:$0x1] =	wrdreg $0xFFFFFFFF  }
0xa7: {  	s28 =	simm.s32 $_size_execute0_lowered;
	s2 =	sadd.s32 s2, s4;
	[dreg:$0x0] =	wrdreg $0x0  }
0xa8: {  	s4 =	sshll.u32 s28, $0x1;
	[dreg:$0x2] =	wrdreg s2  }
0xa9: {  	[dreg:$0x3] =	wrdreg s4  }
0xaa: {  	[dreg:$0x4] =	wrdreg $0xC0  }
0xab: {  	_ =	task [dreg:s6], $0x5FFFF  }
0xac: {  	[dreg:$0x1] =	wrdreg $0xFFFFFFFF  }
0xad: {  	[dreg:$0x0] =	wrdreg $0x60  }
0xae: {  	[dreg:$0x2] =	wrdreg s24  }
0xaf: {  	[dreg:$0x3] =	wrdreg $0x0  }
0xb0: {  	[dreg:$0x4] =	wrdreg $0x9  }
0xb1: {  	_ =	task.clear_ibuf [dreg:s6], $0x5FFFF;
	_ =	strace $0x90000049  }
0xb2: {  	s29 =	simm.s32 $0x9;
	_ =	strace $0x8000004B  }
0xb3: {  	_ =	swait.ge [sflag:s29], $0x1  }
0xb4: {  	[sflag:s29] =	ssyncadd.s32 $0xFFFFFFFF  }
0xb5: {  	_ =	strace $0x9000004B  }
0xb6: {  	_ =	sfence  }
0xb7: {  	s30 =	sld [smem:$0x0];
	_ =	sdelay $0x2  }
0xb8: {  	s31 =	sshll.u32 s1, $0xD;
	s1 =	sshrl.u32 s1, $0x2  }
0xb9: {  	s3 =	sand.u32 $0x4000, s31;
	s1 =	sadd.s32 s1, s30  }
0xba: {  	s0 =	sor.u32 s3, s0;
	s1 =	sshll.u32 s1, $0x11  }
0xbb: {  	s0 =	sor.u32 s1, s0  }
0xbc: {  	s0 =	sadd.s32 $0x8F2B, s0  }
0xbd: {  	[sflag:s0] =	ssyncadd.remote.s32 $0x1  }
0xbe: {  	_ =	sfence.sel $0xFFFF  }
0xbf: {  	[dreg:$0x0] =	wrdreg $0xFFFFFFFF;
	(pc) =	sbr.abs _section_cstart, $3  }
0xc0: {  	[dreg:$0x1] =	wrdreg $0xFFFFFFFF  }
0xc1: {  	_ =	task.clear_ibuf [dreg:s6], $0x2FFFF;
	_ =	strace $0x9FFFFFFF  }
0xc2: {  	(tm) =	ssettm $0x7FFFFFFF  }
0xc3: {  	_ =	shalt  }
tec
execute0_lowered:
.L_overlay_start_1:
0x0: {  	(tag) =	ssettag $0x1  }
0x1: {  	s0 =	rddreg [dreg:$0x0];
	s1 =	srdreg.scid  }
0x2: {  	s10 =	stileid.u32;
	s2 =	rddreg [dreg:$0x1]  }
0x3: {  	s3 =	simm.s32 $0x0;
	s13 =	simm.s32 $0x11;
	s16 =	simm.s32 $0x80  }
0x4: {  	s17 =	simm.s32 $0xA800;
	s19 =	simm.s32 $0xB000;
	s28 =	simm.s32 $0xD000  }
0x5: {  	s29 =	simm.s32 $0x3;
	s30 =	simm.s32 $0xD800;
	s31 =	simm.s32 $0x4  }
0x6: {  	s12 =	simm.s32 $0x5;
	s15 =	simm.s32 $0x9;
	s18 =	simm.s32 $0xB  }
0x7: {  	s1 =	sand.u32 $0x1, s1;
	s5 =	smul.u32 $0x2800, s10;
	[smem:$0x7FF] =	sst s3  }
0x8: {  	s4 =	sadd.s32 $0x16800, s0;
	s7 =	sadd.s32 $0xC800, s0;
	s9 =	sadd.s32 $0x2800, s0  }
0x9: {  	s22 =	sshll.u32 s10, $0x9;
	s23 =	sshll.u32 s10, $0xB;
	s6 =	smul.u32 $0x28000, s1  }
0xa: {  	_ =	strace $0x8000004A;
	s8 =	ssub.s32 $0x2, s1;
	p0 =	seq.s32 s1, $0x1  }
0xb: {  	s10 =	sadd.s32 s7, s23;
	s1 =	sadd.s32 s9, s23;
	s23 =	simm.s32 $0xC000  }
0xc: {  	s21 =	sshrl.u32 s8, $0x1;
	[dreg:$0x3] =	wrdreg s10;
	s6 =	sadd.s32 s5, s6  }
0xd: {  	[dreg:$0x4] =	wrdreg s1;
	s1 =	simm.s32 $0xE000;
	s6 =	sshrl.u32 s6, $0x3  }
0xe: {  	s0 =	sadd.s32 s6, s0;
	s6 =	ssub.s32 s8, s21;
	s8 =	sor.u32 $0x8000, s22  }
0xf: {  	s5 =	sadd.s32 s5, s2;
	s21 =	simm.s32 $0xB800;
	s24 =	sadd.s32 s7, s8  }
.Ltmp0:
0x10: {  	s25 =	sadd.s32 s9, s8;
	[dreg:$0x5] =	wrdreg s24;
	(pc) =	sbr.rel .LBB2_1-.Ltmp0, $4  }
0x11: {  	s0 =	sadd.s32 $0x1B800, s0;
	s26 =	smax.u32 s6, $0x1;
	[dreg:$0x6] =	wrdreg s25  }
0x12: {  	s6 =	simm.s32 $0x7;
	s7 =	simm.s32 $0x8;
	[dreg:$0x7] =	wrdreg s0  }
0x13: {  	s8 =	simm.s32 $0xC;
	[dreg:$0x8] =	wrdreg s26;
	s24 =	simm.s32 $0x1  }
0x14: {  	v0 =	vimm.f32 $0.0e+00;
	s25 =	simm.s32 $0xC800;
	s26 =	simm.s32 $0x2;
	s0 =	simm.s32 $0x10  }
.LBB2_11:
0x15: {  	s10 =	sadd.s32 $0xE00, s14  }
.LBB2_12:
0x16: {  	_ =	swait.ge [sflag:s7], $0x800  }
0x17: {  	s9 =	sshra.s32 s10, $0x2;
	[sflag:s7] =	ssyncset.done $0x0  }
0x18: {  	s9 =	sadd.s32 $0x6800, s9;
	[sflag:s7] =	ssyncadd.s32 $0xFFFFF800  }
0x19: {  	[spmem:s2] =	stream.indirect.scatter.add.f32 [tilespmem:s1], [sflag:$0x10], $0x10, s9, s16, $0xb8;
	[tilespmem:$0x11000] =	vst v63  }
0x1a: {  	_ =	swait.ge [sflag:s8], $0x800  }
0x1b: {  	[sflag:s8] =	ssyncset.done $0x0  }
0x1c: {  	s22 =	simm.s32 $0xD;
	[sflag:s8] =	ssyncadd.s32 $0xFFFFF800  }
0x1d: {  	_ =	swait.ge [sflag:s22], $0x800  }
0x1e: {  	[sflag:s22] =	ssyncset.done $0x0  }
0x1f: {  	s10 =	simm.s32 $0xE;
	[sflag:s22] =	ssyncadd.s32 $0xFFFFF800  }
0x20: {  	_ =	swait.ge [sflag:s10], $0x800  }
0x21: {  	[sflag:s10] =	ssyncset.done $0x0  }
0x22: {  	s11 =	simm.s32 $0xF;
	[sflag:s10] =	ssyncadd.s32 $0xFFFFF800  }
0x23: {  	_ =	swait.ge [sflag:s11], $0x800  }
0x24: {  	[sflag:s11] =	ssyncset.done $0x0  }
0x25: {  	[sflag:s11] =	ssyncadd.s32 $0xFFFFF800  }
0x26: {  	_ =	swait.ge [sflag:s0], $0x800  }
0x27: {  	[sflag:s0] =	ssyncset.done $0x0  }
0x28: {  	s14 =	stileid.u32;
	[sflag:s0] =	ssyncadd.s32 $0xFFFFF800  }
0x29: {  	s9 =	sshll.u32 s14, $0x6;
	[bflag:$0x0] =	sbarrier.arrive $0xFFFF  }
0x2a: {  	s20 =	sshrl.u32 s5, $0x3;
	s9 =	sor.u32 $0x1C11, s9;
	s11 =	rddreg [dreg:$0x7]  }
0x2b: {  	[hbm:s11], [sflag:s9] =	dma.local [spmem:s20], $0x500  }
0x2c: {  	_ =	swait.ge [sflag:s13], $0x500  }
0x2d: {  	s3 =	sadd.s32 $0x1, s3;
	s22 =	rddreg [dreg:$0x8]  }
0x2e: {  	p1 =	sne.s32 s3, s22  }
.Ltmp1:
0x2f: {  	_ = 	snop;
	(pc) =	sbr.rel @!p1 .LBB2_13-.Ltmp1, $3  }
0x30: {  	_ =	sdelay $0x1  }
0x31: {  	[sflag:s13] =	ssyncset.done $0x0  }
0x32: {  	[sflag:s13] =	ssyncadd.s32 $0xFFFFFB00  }
.LBB2_1:
0x33: {  	s10 =	simm.s32 $0x40;
	s14 =	simm.s32 $0x0  }
.LBB2_2:
0x34: {  	p1 =	sne.s32 s10, $0x9FC0;
	[tilespmem:s14+$0xE800] =	vst v0;
	s14 =	smov.u32 s10;
	s10 =	sadd.s32 $0x40, s10  }
.Ltmp2:
0x35: {  	(pc) =	sbr.rel @p1 .LBB2_2-.Ltmp2, $2  }
0x36: {  	_ =	sdelay $0x2  }
0x37: {  	s14 =	sshra.s32 s14, $0x2  }
0x38: {  	[tilespmem:s14+$0xE800] =	vst v0;
	s9 =	simm.s32 $0xE800  }
0x39: {  	[spmem:s5] =	stream.linear.scatter [tilespmem:s9], [sflag:$0x11], $0x2800, $0x38;
	[tilespmem:$0x11000] =	vst v63  }
.Ltmp3:
0x3a: {  	_ =	swait.ge [sflag:s13], $0x2800;
	(pc) =	sbr.rel @!p0 .LBB2_4-.Ltmp3, $4  }
0x3b: {  	[sflag:s13] =	ssyncset.done $0x0  }
0x3c: {  	[sflag:s13] =	ssyncadd.s32 $0xFFFFD800  }
0x3d: {  	[bflag:$0x0] =	sbarrier.arrive $0xFFFF  }
0x3e: {  	s14 =	simm.s32 $0x0  }
0x3f: {  	s9 =	rddreg [dreg:$0x5];
	s10 =	simm.s32 $0x2800  }
0x40: {  	[tilespmem:s10], [sflag:$0x11] =	stream.linear.gather [hbm4b:s9+s14], $0x1000, $0x38;
	[tilespmem:$0x11000] =	vst v63  }
0x41: {  	_ =	swait.ge [sflag:s13], $0x1000  }
0x42: {  	[sflag:s13] =	ssyncset.done $0x0  }
0x43: {  	s11 =	simm.s32 $0x6800;
	s22 =	rddreg [dreg:$0x6];
	[sflag:s13] =	ssyncadd.s32 $0xFFFFF000  }
0x44: {  	[tilespmem:s11], [sflag:$0x11] =	stream.linear.gather [hbm4b:s22+s14], $0x1000, $0x38;
	[tilespmem:$0x11000] =	vst v63  }
0x45: {  	_ =	swait.ge [sflag:s13], $0x1000  }
0x46: {  	[sflag:s13] =	ssyncset.done $0x0  }
0x47: {  	[sflag:s13] =	ssyncadd.s32 $0xFFFFF000  }
0x48: {  	[tilespmem:s17], [sflag:$0x1] =	stream.indirect.gather [hbm4b:s4+s16], $0x10, s10, s16, $0xb8;
	[tilespmem:$0x11000] =	vst v63  }
0x49: {  	s11 =	simm.s32 $0x2880  }
0x4a: {  	[tilespmem:s19], [sflag:$0x2] =	stream.indirect.gather [hbm4b:s4+s16], $0x10, s11, s16, $0xb8;
	[tilespmem:$0x11000] =	vst v63  }
0x4b: {  	s20 =	simm.s32 $0x2900  }
0x4c: {  	[tilespmem:s21], [sflag:$0x3] =	stream.indirect.gather [hbm4b:s4+s16], $0x10, s20, s16, $0xb8;
	[tilespmem:$0x11000] =	vst v63  }
0x4d: {  	s22 =	simm.s32 $0x2980  }
0x4e: {  	[tilespmem:s23], [sflag:$0x4] =	stream.indirect.gather [hbm4b:s4+s16], $0x10, s22, s16, $0xb8;
	[tilespmem:$0x11000] =	vst v63  }
.LBB2_8:
0x4f: {  	_ =	swait.ge [sflag:s24], $0x800  }
0x50: {  	s10 =	sshra.s32 s14, $0x2;
	[sflag:s24] =	ssyncset.done $0x0  }
0x51: {  	p1 =	seq.s32 s14, $0x0;
	s9 =	sadd.s32 $0x6800, s10;
	[sflag:s24] =	ssyncadd.s32 $0xFFFFF800  }
0x52: {  	[spmem:s2] =	stream.indirect.scatter.add.f32 [tilespmem:s17], [sflag:$0x9], $0x10, s9, s16, $0xb8;
	[tilespmem:$0x11000] =	vst v63  }
0x53: {  	s9 =	simm.s32 @!p1 $0xD  }
0x54: {  	_ =	swait.ge @!p1 [sflag:s9], $0x800  }
0x55: {  	[sflag:s9] =	ssyncset.done @!p1 $0x0  }
0x56: {  	s11 =	sadd.s32 $0x2A00, s10;
	[sflag:s9] =	ssyncadd.s32 @!p1 $0xFFFFF800  }
0x57: {  	[tilespmem:s25], [sflag:$0x5] =	stream.indirect.gather [hbm4b:s4+s16], $0x10, s11, s16, $0xb8;
	[tilespmem:$0x11000] =	vst v63  }
0x58: {  	_ =	swait.ge [sflag:s26], $0x800  }
0x59: {  	[sflag:s26] =	ssyncset.done $0x0  }
0x5a: {  	s20 =	sadd.s32 $0x6880, s10;
	s9 =	simm.s32 @!p1 $0xE;
	[sflag:s26] =	ssyncadd.s32 $0xFFFFF800  }
0x5b: {  	[spmem:s2] =	stream.indirect.scatter.add.f32 [tilespmem:s19], [sflag:$0xA], $0x10, s20, s16, $0xb8;
	[tilespmem:$0x11000] =	vst v63  }
0x5c: {  	_ =	swait.ge @!p1 [sflag:s9], $0x800  }
0x5d: {  	[sflag:s9] =	ssyncset.done @!p1 $0x0  }
0x5e: {  	s22 =	sadd.s32 $0x2A80, s10;
	[sflag:s9] =	ssyncadd.s32 @!p1 $0xFFFFF800  }
0x5f: {  	[tilespmem:s28], [sflag:$0x6] =	stream.indirect.gather [hbm4b:s4+s16], $0x10, s22, s16, $0xb8;
	[tilespmem:$0x11000] =	vst v63  }
0x60: {  	_ =	swait.ge [sflag:s29], $0x800  }
0x61: {  	[sflag:s29] =	ssyncset.done $0x0  }
0x62: {  	s11 =	sadd.s32 $0x6900, s10;
	s9 =	simm.s32 @!p1 $0xF;
	[sflag:s29] =	ssyncadd.s32 $0xFFFFF800  }
0x63: {  	[spmem:s2] =	stream.indirect.scatter.add.f32 [tilespmem:s21], [sflag:$0xB], $0x10, s11, s16, $0xb8;
	[tilespmem:$0x11000] =	vst v63  }
0x64: {  	_ =	swait.ge @!p1 [sflag:s9], $0x800  }
0x65: {  	[sflag:s9] =	ssyncset.done @!p1 $0x0  }
0x66: {  	s20 =	sadd.s32 $0x2B00, s10;
	[sflag:s9] =	ssyncadd.s32 @!p1 $0xFFFFF800  }
0x67: {  	[tilespmem:s30], [sflag:$0x7] =	stream.indirect.gather [hbm4b:s4+s16], $0x10, s20, s16, $0xb8;
	[tilespmem:$0x11000] =	vst v63  }
0x68: {  	_ =	swait.ge [sflag:s31], $0x800  }
0x69: {  	[sflag:s31] =	ssyncset.done $0x0  }
0x6a: {  	s22 =	sadd.s32 $0x6980, s10;
	s9 =	simm.s32 @!p1 $0x10;
	[sflag:s31] =	ssyncadd.s32 $0xFFFFF800  }
0x6b: {  	[spmem:s2] =	stream.indirect.scatter.add.f32 [tilespmem:s23], [sflag:$0xC], $0x10, s22, s16, $0xb8;
	[tilespmem:$0x11000] =	vst v63  }
0x6c: {  	_ =	swait.ge @!p1 [sflag:s9], $0x800  }
0x6d: {  	[sflag:s9] =	ssyncset.done @!p1 $0x0  }
0x6e: {  	s11 =	sadd.s32 $0x2B80, s10;
	[sflag:s9] =	ssyncadd.s32 @!p1 $0xFFFFF800  }
0x6f: {  	[tilespmem:s1], [sflag:$0x8] =	stream.indirect.gather [hbm4b:s4+s16], $0x10, s11, s16, $0xb8;
	[tilespmem:$0x11000] =	vst v63  }
0x70: {  	_ =	swait.ge [sflag:s12], $0x800  }
0x71: {  	[sflag:s12] =	ssyncset.done $0x0  }
0x72: {  	s20 =	sadd.s32 $0x6A00, s10;
	[sflag:s12] =	ssyncadd.s32 $0xFFFFF800  }
0x73: {  	[spmem:s2] =	stream.indirect.scatter.add.f32 [tilespmem:s25], [sflag:$0xD], $0x10, s20, s16, $0xb8;
	[tilespmem:$0x11000] =	vst v63  }
0x74: {  	_ =	swait.ge [sflag:s15], $0x800  }
0x75: {  	p1 =	seq.s32 s14, $0x3000;
	[sflag:s15] =	ssyncset.done $0x0  }
0x76: {  	s9 =	simm.s32 @p1 $0x6;
	[sflag:s15] =	ssyncadd.s32 $0xFFFFF800  }
0x77: {  	_ =	swait.ge @p1 [sflag:s9], $0x800  }
0x78: {  	[sflag:s9] =	ssyncset.done @p1 $0x0  }
0x79: {  	[sflag:s9] =	ssyncadd.s32 @p1 $0xFFFFF800;
	s9 =	sshra.s32 @p1 s14, $0x2  }
0x7a: {  	s11 =	simm.s32 @p1 $0x80;
	s20 =	simm.s32 @p1 $0xD000;
	s9 =	sadd.s32 @p1 $0x6A80, s9  }
0x7b: {  	[spmem:s2] =	stream.indirect.scatter.add.f32 @p1 [tilespmem:s20], [sflag:$0xE], $0x10, s9, s11, $0xb8;
	[tilespmem:$0x11000] =	vst v63  }
0x7c: {  	s9 =	simm.s32 @p1 $0xA  }
0x7d: {  	_ =	swait.ge @p1 [sflag:s9], $0x800  }
0x7e: {  	[sflag:s9] =	ssyncset.done @p1 $0x0  }
0x7f: {  	[sflag:s9] =	ssyncadd.s32 @p1 $0xFFFFF800;
	s9 =	sshra.s32 @!p1 s14, $0x2  }
0x80: {  	s22 =	simm.s32 @!p1 $0xA800;
	s20 =	simm.s32 @!p1 $0x80;
	s11 =	sadd.s32 @!p1 $0x2C00, s9  }
0x81: {  	[tilespmem:s22], [sflag:$0x1] =	stream.indirect.gather @!p1 [hbm4b:s4+s20], $0x10, s11, s20, $0xb8;
	[tilespmem:$0x11000] =	vst v63  }
0x82: {  	s11 =	simm.s32 @!p1 $0x6  }
0x83: {  	_ =	swait.ge @!p1 [sflag:s11], $0x800  }
0x84: {  	[sflag:s11] =	ssyncset.done @!p1 $0x0  }
0x85: {  	s22 =	simm.s32 @!p1 $0xD000;
	[sflag:s11] =	ssyncadd.s32 @!p1 $0xFFFFF800;
	s11 =	sadd.s32 @!p1 $0x6A80, s9  }
0x86: {  	[spmem:s2] =	stream.indirect.scatter.add.f32 @!p1 [tilespmem:s22], [sflag:$0xE], $0x10, s11, s20, $0xb8;
	[tilespmem:$0x11000] =	vst v63  }
0x87: {  	s11 =	simm.s32 @!p1 $0xA  }
0x88: {  	_ =	swait.ge @!p1 [sflag:s11], $0x800  }
0x89: {  	[sflag:s11] =	ssyncset.done @!p1 $0x0  }
0x8a: {  	s9 =	sadd.s32 @!p1 $0x2C80, s9;
	[sflag:s11] =	ssyncadd.s32 @!p1 $0xFFFFF800;
	s11 =	simm.s32 @!p1 $0xB000  }
0x8b: {  	[tilespmem:s11], [sflag:$0x2] =	stream.indirect.gather @!p1 [hbm4b:s4+s20], $0x10, s9, s20, $0xb8;
	[tilespmem:$0x11000] =	vst v63  }
0x8c: {  	_ =	swait.ge [sflag:s6], $0x800  }
0x8d: {  	[sflag:s6] =	ssyncset.done $0x0  }
.Ltmp4:
0x8e: {  	s22 =	sadd.s32 $0x6B00, s10;
	[sflag:s6] =	ssyncadd.s32 $0xFFFFF800;
	(pc) =	sbr.rel @p1 .LBB2_10-.Ltmp4, $4  }
0x8f: {  	[spmem:s2] =	stream.indirect.scatter.add.f32 [tilespmem:s30], [sflag:$0xF], $0x10, s22, s16, $0xb8;
	[tilespmem:$0x11000] =	vst v63  }
0x90: {  	_ =	swait.ge [sflag:s18], $0x800  }
0x91: {  	[sflag:s18] =	ssyncset.done $0x0  }
0x92: {  	[sflag:s18] =	ssyncadd.s32 $0xFFFFF800  }
0x93: {  	s9 =	sadd.s32 $0x2D00, s10  }
0x94: {  	[tilespmem:s21], [sflag:$0x3] =	stream.indirect.gather [hbm4b:s4+s16], $0x10, s9, s16, $0xb8;
	[tilespmem:$0x11000] =	vst v63  }
0x95: {  	_ =	swait.ge [sflag:s7], $0x800  }
0x96: {  	[sflag:s7] =	ssyncset.done $0x0  }
0x97: {  	s20 =	sadd.s32 $0x6B80, s10;
	[sflag:s7] =	ssyncadd.s32 $0xFFFFF800  }
0x98: {  	[spmem:s2] =	stream.indirect.scatter.add.f32 [tilespmem:s1], [sflag:$0x10], $0x10, s20, s16, $0xb8;
	[tilespmem:$0x11000] =	vst v63  }
.Ltmp5:
0x99: {  	_ = 	snop;
	(pc) =	sbr.rel .LBB2_8-.Ltmp5, $4  }
0x9a: {  	_ =	swait.ge [sflag:s8], $0x800  }
0x9b: {  	[sflag:s8] =	ssyncset.done $0x0  }
0x9c: {  	s22 =	sadd.s32 $0x2D80, s10;
	s14 =	sadd.s32 $0x1000, s14;
	[sflag:s8] =	ssyncadd.s32 $0xFFFFF800  }
0x9d: {  	[tilespmem:s23], [sflag:$0x4] =	stream.indirect.gather [hbm4b:s4+s16], $0x10, s22, s16, $0xb8;
	[tilespmem:$0x11000] =	vst v63  }
.LBB2_4:
0x9e: {  	s9 =	rddreg [dreg:$0x3];
	s10 =	simm.s32 $0x2800  }
0x9f: {  	[tilespmem:s10], [sflag:$0x11] =	stream.linear.gather [hbm4b:s9+s14], $0x4000, $0x38;
	[tilespmem:$0x11000] =	vst v63  }
0xa0: {  	_ =	swait.ge [sflag:s13], $0x4000  }
0xa1: {  	[sflag:s13] =	ssyncset.done $0x0  }
0xa2: {  	s11 =	simm.s32 $0x6800;
	s22 =	rddreg [dreg:$0x4];
	[sflag:s13] =	ssyncadd.s32 $0xFFFFC000  }
0xa3: {  	[tilespmem:s11], [sflag:$0x11] =	stream.linear.gather [hbm4b:s22+s14], $0x4000, $0x38;
	[tilespmem:$0x11000] =	vst v63  }
0xa4: {  	_ =	swait.ge [sflag:s13], $0x4000  }
0xa5: {  	[sflag:s13] =	ssyncset.done $0x0  }
0xa6: {  	[sflag:s13] =	ssyncadd.s32 $0xFFFFC000  }
0xa7: {  	[tilespmem:s17], [sflag:$0x1] =	stream.indirect.gather [hbm4b:s4+s16], $0x10, s10, s16, $0xb8;
	[tilespmem:$0x11000] =	vst v63  }
0xa8: {  	s11 =	simm.s32 $0x2880  }
0xa9: {  	[tilespmem:s19], [sflag:$0x2] =	stream.indirect.gather [hbm4b:s4+s16], $0x10, s11, s16, $0xb8;
	[tilespmem:$0x11000] =	vst v63  }
0xaa: {  	s20 =	simm.s32 $0x2900  }
0xab: {  	[tilespmem:s21], [sflag:$0x3] =	stream.indirect.gather [hbm4b:s4+s16], $0x10, s20, s16, $0xb8;
	[tilespmem:$0x11000] =	vst v63  }
0xac: {  	s22 =	simm.s32 $0x2980  }
0xad: {  	[tilespmem:s23], [sflag:$0x4] =	stream.indirect.gather [hbm4b:s4+s16], $0x10, s22, s16, $0xb8;
	[tilespmem:$0x11000] =	vst v63  }
.LBB2_5:
0xae: {  	_ =	swait.ge [sflag:s24], $0x800  }
0xaf: {  	s10 =	sshra.s32 s14, $0x2;
	[sflag:s24] =	ssyncset.done $0x0  }
0xb0: {  	p1 =	seq.s32 s14, $0x0;
	s11 =	sadd.s32 $0x6800, s10;
	[sflag:s24] =	ssyncadd.s32 $0xFFFFF800  }
0xb1: {  	[spmem:s2] =	stream.indirect.scatter.add.f32 [tilespmem:s17], [sflag:$0x9], $0x10, s11, s16, $0xb8;
	[tilespmem:$0x11000] =	vst v63  }
0xb2: {  	s11 =	simm.s32 @!p1 $0xD  }
0xb3: {  	_ =	swait.ge @!p1 [sflag:s11], $0x800  }
0xb4: {  	[sflag:s11] =	ssyncset.done @!p1 $0x0  }
0xb5: {  	s9 =	sadd.s32 $0x2A00, s10;
	[sflag:s11] =	ssyncadd.s32 @!p1 $0xFFFFF800  }
0xb6: {  	[tilespmem:s25], [sflag:$0x5] =	stream.indirect.gather [hbm4b:s4+s16], $0x10, s9, s16, $0xb8;
	[tilespmem:$0x11000] =	vst v63  }
0xb7: {  	_ =	swait.ge [sflag:s26], $0x800  }
0xb8: {  	[sflag:s26] =	ssyncset.done $0x0  }
0xb9: {  	s20 =	sadd.s32 $0x6880, s10;
	s11 =	simm.s32 @!p1 $0xE;
	[sflag:s26] =	ssyncadd.s32 $0xFFFFF800  }
0xba: {  	[spmem:s2] =	stream.indirect.scatter.add.f32 [tilespmem:s19], [sflag:$0xA], $0x10, s20, s16, $0xb8;
	[tilespmem:$0x11000] =	vst v63  }
0xbb: {  	_ =	swait.ge @!p1 [sflag:s11], $0x800  }
0xbc: {  	[sflag:s11] =	ssyncset.done @!p1 $0x0  }
0xbd: {  	s22 =	sadd.s32 $0x2A80, s10;
	[sflag:s11] =	ssyncadd.s32 @!p1 $0xFFFFF800  }
0xbe: {  	[tilespmem:s28], [sflag:$0x6] =	stream.indirect.gather [hbm4b:s4+s16], $0x10, s22, s16, $0xb8;
	[tilespmem:$0x11000] =	vst v63  }
0xbf: {  	_ =	swait.ge [sflag:s29], $0x800  }
0xc0: {  	[sflag:s29] =	ssyncset.done $0x0  }
0xc1: {  	s9 =	sadd.s32 $0x6900, s10;
	s11 =	simm.s32 @!p1 $0xF;
	[sflag:s29] =	ssyncadd.s32 $0xFFFFF800  }
0xc2: {  	[spmem:s2] =	stream.indirect.scatter.add.f32 [tilespmem:s21], [sflag:$0xB], $0x10, s9, s16, $0xb8;
	[tilespmem:$0x11000] =	vst v63  }
0xc3: {  	_ =	swait.ge @!p1 [sflag:s11], $0x800  }
0xc4: {  	[sflag:s11] =	ssyncset.done @!p1 $0x0  }
0xc5: {  	s20 =	sadd.s32 $0x2B00, s10;
	[sflag:s11] =	ssyncadd.s32 @!p1 $0xFFFFF800  }
0xc6: {  	[tilespmem:s30], [sflag:$0x7] =	stream.indirect.gather [hbm4b:s4+s16], $0x10, s20, s16, $0xb8;
	[tilespmem:$0x11000] =	vst v63  }
0xc7: {  	_ =	swait.ge [sflag:s31], $0x800  }
0xc8: {  	[sflag:s31] =	ssyncset.done $0x0  }
0xc9: {  	s22 =	sadd.s32 $0x6980, s10;
	s11 =	simm.s32 @!p1 $0x10;
	[sflag:s31] =	ssyncadd.s32 $0xFFFFF800  }
0xca: {  	[spmem:s2] =	stream.indirect.scatter.add.f32 [tilespmem:s23], [sflag:$0xC], $0x10, s22, s16, $0xb8;
	[tilespmem:$0x11000] =	vst v63  }
0xcb: {  	_ =	swait.ge @!p1 [sflag:s11], $0x800  }
0xcc: {  	[sflag:s11] =	ssyncset.done @!p1 $0x0  }
0xcd: {  	s9 =	sadd.s32 $0x2B80, s10;
	[sflag:s11] =	ssyncadd.s32 @!p1 $0xFFFFF800  }
0xce: {  	[tilespmem:s1], [sflag:$0x8] =	stream.indirect.gather [hbm4b:s4+s16], $0x10, s9, s16, $0xb8;
	[tilespmem:$0x11000] =	vst v63  }
0xcf: {  	_ =	swait.ge [sflag:s12], $0x800  }
0xd0: {  	[sflag:s12] =	ssyncset.done $0x0  }
0xd1: {  	s20 =	sadd.s32 $0x6A00, s10;
	[sflag:s12] =	ssyncadd.s32 $0xFFFFF800  }
0xd2: {  	[spmem:s2] =	stream.indirect.scatter.add.f32 [tilespmem:s25], [sflag:$0xD], $0x10, s20, s16, $0xb8;
	[tilespmem:$0x11000] =	vst v63  }
0xd3: {  	_ =	swait.ge [sflag:s15], $0x800  }
0xd4: {  	p1 =	seq.s32 s14, $0xF000;
	[sflag:s15] =	ssyncset.done $0x0  }
0xd5: {  	s11 =	simm.s32 @p1 $0x6;
	[sflag:s15] =	ssyncadd.s32 $0xFFFFF800  }
0xd6: {  	_ =	swait.ge @p1 [sflag:s11], $0x800  }
0xd7: {  	[sflag:s11] =	ssyncset.done @p1 $0x0  }
0xd8: {  	[sflag:s11] =	ssyncadd.s32 @p1 $0xFFFFF800;
	s11 =	sshra.s32 @p1 s14, $0x2  }
0xd9: {  	s9 =	simm.s32 @p1 $0xD000;
	s20 =	simm.s32 @p1 $0x80;
	s11 =	sadd.s32 @p1 $0x6A80, s11  }
0xda: {  	[spmem:s2] =	stream.indirect.scatter.add.f32 @p1 [tilespmem:s9], [sflag:$0xE], $0x10, s11, s20, $0xb8;
	[tilespmem:$0x11000] =	vst v63  }
0xdb: {  	s9 =	simm.s32 @p1 $0xA  }
0xdc: {  	_ =	swait.ge @p1 [sflag:s9], $0x800  }
0xdd: {  	[sflag:s9] =	ssyncset.done @p1 $0x0  }
0xde: {  	[sflag:s9] =	ssyncadd.s32 @p1 $0xFFFFF800;
	s9 =	sshra.s32 @!p1 s14, $0x2  }
0xdf: {  	s22 =	simm.s32 @!p1 $0xA800;
	s20 =	simm.s32 @!p1 $0x80;
	s11 =	sadd.s32 @!p1 $0x2C00, s9  }
0xe0: {  	[tilespmem:s22], [sflag:$0x1] =	stream.indirect.gather @!p1 [hbm4b:s4+s20], $0x10, s11, s20, $0xb8;
	[tilespmem:$0x11000] =	vst v63  }
0xe1: {  	s11 =	simm.s32 @!p1 $0x6  }
0xe2: {  	_ =	swait.ge @!p1 [sflag:s11], $0x800  }
0xe3: {  	[sflag:s11] =	ssyncset.done @!p1 $0x0  }
0xe4: {  	s22 =	simm.s32 @!p1 $0xD000;
	[sflag:s11] =	ssyncadd.s32 @!p1 $0xFFFFF800;
	s11 =	sadd.s32 @!p1 $0x6A80, s9  }
0xe5: {  	[spmem:s2] =	stream.indirect.scatter.add.f32 @!p1 [tilespmem:s22], [sflag:$0xE], $0x10, s11, s20, $0xb8;
	[tilespmem:$0x11000] =	vst v63  }
0xe6: {  	s11 =	simm.s32 @!p1 $0xA  }
0xe7: {  	_ =	swait.ge @!p1 [sflag:s11], $0x800  }
0xe8: {  	[sflag:s11] =	ssyncset.done @!p1 $0x0  }
0xe9: {  	s9 =	sadd.s32 @!p1 $0x2C80, s9;
	[sflag:s11] =	ssyncadd.s32 @!p1 $0xFFFFF800;
	s11 =	simm.s32 @!p1 $0xB000  }
0xea: {  	[tilespmem:s11], [sflag:$0x2] =	stream.indirect.gather @!p1 [hbm4b:s4+s20], $0x10, s9, s20, $0xb8;
	[tilespmem:$0x11000] =	vst v63  }
0xeb: {  	_ =	swait.ge [sflag:s6], $0x800  }
0xec: {  	[sflag:s6] =	ssyncset.done $0x0  }
.Ltmp6:
0xed: {  	s22 =	sadd.s32 $0x6B00, s10;
	[sflag:s6] =	ssyncadd.s32 $0xFFFFF800;
	(pc) =	sbr.rel @p1 .LBB2_11-.Ltmp6, $4  }
0xee: {  	[spmem:s2] =	stream.indirect.scatter.add.f32 [tilespmem:s30], [sflag:$0xF], $0x10, s22, s16, $0xb8;
	[tilespmem:$0x11000] =	vst v63  }
0xef: {  	_ =	swait.ge [sflag:s18], $0x800  }
0xf0: {  	[sflag:s18] =	ssyncset.done $0x0  }
0xf1: {  	[sflag:s18] =	ssyncadd.s32 $0xFFFFF800  }
0xf2: {  	s9 =	sadd.s32 $0x2D00, s10  }
0xf3: {  	[tilespmem:s21], [sflag:$0x3] =	stream.indirect.gather [hbm4b:s4+s16], $0x10, s9, s16, $0xb8;
	[tilespmem:$0x11000] =	vst v63  }
0xf4: {  	_ =	swait.ge [sflag:s7], $0x800  }
0xf5: {  	[sflag:s7] =	ssyncset.done $0x0  }
0xf6: {  	s20 =	sadd.s32 $0x6B80, s10;
	[sflag:s7] =	ssyncadd.s32 $0xFFFFF800  }
0xf7: {  	[spmem:s2] =	stream.indirect.scatter.add.f32 [tilespmem:s1], [sflag:$0x10], $0x10, s20, s16, $0xb8;
	[tilespmem:$0x11000] =	vst v63  }
.Ltmp7:
0xf8: {  	_ = 	snop;
	(pc) =	sbr.rel .LBB2_5-.Ltmp7, $4  }
0xf9: {  	_ =	swait.ge [sflag:s8], $0x800  }
0xfa: {  	[sflag:s8] =	ssyncset.done $0x0  }
0xfb: {  	s22 =	sadd.s32 $0x2D80, s10;
	s14 =	sadd.s32 $0x1000, s14;
	[sflag:s8] =	ssyncadd.s32 $0xFFFFF800  }
0xfc: {  	[tilespmem:s23], [sflag:$0x4] =	stream.indirect.gather [hbm4b:s4+s16], $0x10, s22, s16, $0xb8;
	[tilespmem:$0x11000] =	vst v63  }
.LBB2_10:
.Ltmp8:
0xfd: {  	(pc) =	sbr.rel .LBB2_12-.Ltmp8, $2  }
0xfe: {  	_ =	sdelay $0x2  }
0xff: {  	s10 =	sadd.s32 $0xE00, s14  }
.LBB2_13:
0x100: {  	_ =	sfence.sel $0x180000  }
0x101: {  	[bflag:$0x0] =	sbarrier.arrive $0xFFFF  }
0x102: {  	_ =	strace $0x9000004A  }
0x103: {  	s0 =	stileid.u32;
	[bflag:$0x2] =	sbarrier.arrive $0xFFFF  }
0x104: {  	p0 =	sne.s32 s0, $0x0;
	s0 =	rddreg [dreg:$0x2]  }
0x105: {  	s0 =	sadd.s32 @!p0 $0x100000, s0  }
0x106: {  	[sflag:s0] =	ssyncadd.tile.s32 @!p0 $0x1;
	_ =	shalt  }
.Lfunc_end2:
_tile_overlayer_lowered:
.L_overlay_start_2:
0x107: {  	(tag) =	ssettag $0x2  }
0x108: {  	s0 =	rddreg [dreg:$0x0];
	s2 =	stileid.u32  }
0x109: {  	s1 =	rddreg [dreg:$0x1];
	p0 =	sne.s32 s2, $0x0  }
0x10a: {  	s3 =	rddreg [dreg:$0x2];
	[bflag:$0x3] =	sbarrier.arrive $0xFFFF;
	s2 =	simm.s32 @!p0 $0x1C11  }
0x10b: {  	[timem:s3], [sflag:s2] =	dma.local @!p0 [hbm:s0], s1  }
0x10c: {  	s0 =	simm.s32 @!p0 $0x11  }
0x10d: {  	_ =	swait.ge @!p0 [sflag:s0], s1  }
0x10e: {  	s1 =	ssub.s32 @!p0 $0x0, s1;
	[sflag:s0] =	ssyncset.done @!p0 $0x0  }
0x10f: {  	[sflag:s0] =	ssyncadd.s32 @!p0 s1  }
0x110: {  	[bflag:$0x3] =	sbarrier.arrive $0xFFFF  }
0x111: {  	_ =	shalt  }

// kernel: kernel.16.cloned.1.call-start
scs
__scs_entry_jumppad:
0x0: {  	(pc) =	sbr.rel $0x88, $3  }
0x1: {  	(tag) =	ssettag $0x0;
	lr =	simm.s32 $0x1  }
0x2: {  	[smem:$0x3F97] =	sst lr;
	_ =	strace $0xD0000000  }
0x3: {  	_ = 	snop  }
0x4: {  	_ = 	snop  }
0x5: {  	_ = 	snop  }
0x6: {  	_ = 	snop  }
0x7: {  	_ = 	snop  }
__scs_overlays_trampoline_lowered:
0x8: {  	[smem:$0x3FA6] =	sst s0  }
0x9: {  	[smem:$0x3FA7] =	sst s1  }
0xa: {  	[smem:$0x3FA8] =	sst s2  }
0xb: {  	[smem:$0x3FA9] =	sst s3  }
0xc: {  	[smem:$0x3FAA] =	sst s4  }
0xd: {  	[smem:$0x3FAB] =	sst s5  }
0xe: {  	[smem:$0x3FAC] =	sst s6  }
0xf: {  	[smem:$0x3FAD] =	sst s7  }
0x10: {  	[smem:$0x3FAE] =	sst s8  }
0x11: {  	[smem:$0x3FAF] =	sst s9;
	s0 =	simm.s32 @!p0 $0x0  }
0x12: {  	s1 =	sld [smem:$0x3F95];
	s0 =	simm.s32 @p0 $0x1  }
0x13: {  	[smem:$0x3FB0] =	sst s0;
	s0 =	simm.s32 @!p1 $0x0  }
0x14: {  	s2 =	sld [smem:$0x3F94];
	s0 =	simm.s32 @p1 $0x1  }
0x15: {  	[smem:$0x3FB1] =	sst s0;
	s0 =	simm.s32 @!p2 $0x0  }
0x16: {  	s3 =	sld [smem:$0x3FDB];
	s0 =	simm.s32 @p2 $0x1  }
0x17: {  	s4 =	simm.s32 $0x1BF5;
	[smem:$0x3FB3] =	sst s0  }
0x18: {  	s0 =	sld [smem:$0x3F96];
	_ =	swait.ge [sflag:s4], $0x0  }
0x19: {  	s7 =	sld [smem:$0x3F97]  }
0x1a: {  	s8 =	sadd.s32 $0xFFFFE003, lr  }
0x1b: {  	s9 =	sadd.s32 $0xFFFFFEF7, lr;
	s5 =	simm.s32 $0xFFFFFFFF;
	p2 =	slt.u32 s8, $0xFFFFF086  }
0x1c: {  	p1 =	slt.u32 s9, $0xF7A;
	s5 =	simm.s32 @!p2 $0x0  }
0x1d: {  	s5 =	simm.s32 @p1 $0x1;
	p0 =	seq.s32 s7, s2  }
0x1e: {  	s7 =	smul.u32 @!p0 $0xF7A, s2;
	p2 =	seq.s32 @!p0 s5, $0x0  }
0x1f: {  	s9 =	smul.u32 $0xF7A, s1;
	s8 =	simm.s32 @!p0 $0x1BF5;
	p2 =	por !p2, p0  }
0x20: {  	[sflag:s8] =	ssyncset.s32 @!p0 $0xFFFFF086;
	s6 =	sadd.s32 @!p0 s3, s7;
	s7 =	simm.s32 @!p0 $0x108  }
0x21: {  	s3 =	sadd.s32 s3, s9;
	s6 =	sadd.s32 @!p0 $0x88, s6;
	s7 =	simm.s32 @p2 $0x1082  }
0x22: {  	[simem:s7], [sflag:s8] =	dma.local @!p0 [hbm:s6], $0xF7A  }
0x23: {  	s9 =	sor.u32 $0xD0000000, s2;
	s6 =	simm.s32 $0x108;
	_ =	swait.ge @!p0 [sflag:s8], $0x0  }
0x24: {  	s3 =	sadd.s32 $0x88, s3;
	s6 =	simm.s32 @!p1 $0x1082;
	[sflag:s4] =	ssyncset.s32 $0xFFFFF086  }
0x25: {  	[simem:s6], [sflag:s4] =	dma.local [hbm:s3], $0xF7A  }
0x26: {  	[smem:$0x3F97] =	sst s1;
	(tag) =	ssettag s2;
	_ =	strace s9  }
0x27: {  	s1 =	sld [smem:$0x3FA7]  }
0x28: {  	s2 =	sld [smem:$0x3FA8]  }
0x29: {  	s4 =	sld [smem:$0x3FAA]  }
0x2a: {  	p0 =	seq.s32 s5, $0x0;
	s5 =	sld [smem:$0x3FAB]  }
0x2b: {  	s6 =	sld [smem:$0x3FAC]  }
0x2c: {  	s7 =	sld [smem:$0x3FAD]  }
0x2d: {  	s3 =	simm.s32 $0x108;
	s8 =	sld [smem:$0x3FAE]  }
0x2e: {  	s3 =	simm.s32 @!p0 $0x1082;
	s9 =	sld [smem:$0x3FAF]  }
0x2f: {  	lr =	sadd.s32 s0, s3;
	s0 =	sld [smem:$0x3FA6]  }
0x30: {  	s3 =	sld [smem:$0x3FA9]  }
0x31: {  	[smem:$0x3FB2] =	sst s10  }
0x32: {  	s10 =	sld [smem:$0x3FB0];
	_ =	sdelay $0x3  }
0x33: {  	p0 =	seq.s32 s10, $0x1;
	s10 =	sld [smem:$0x3FB2];
	_ =	sdelay $0x3  }
0x34: {  	[smem:$0x3FB2] =	sst s10  }
0x35: {  	s10 =	sld [smem:$0x3FB1];
	_ =	sdelay $0x3  }
0x36: {  	p1 =	seq.s32 s10, $0x1;
	s10 =	sld [smem:$0x3FB2];
	_ =	sdelay $0x3  }
0x37: {  	[smem:$0x3FB2] =	sst s10  }
0x38: {  	s10 =	sld [smem:$0x3FB3]  }
0x39: {  	_ = 	snop;
	(pc) =	sbr.ind lr, $3  }
0x3a: {  	_ = 	snop  }
0x3b: {  	_ = 	snop  }
0x3c: {  	p2 =	seq.s32 s10, $0x1;
	s10 =	sld [smem:$0x3FB2]  }
0x3d: {  	_ =	shalt  }
0x3e: {  	_ =	shalt  }
0x3f: {  	_ =	shalt  }
0x40: {  	_ =	shalt  }
0x41: {  	_ =	shalt  }
0x42: {  	_ =	shalt  }
0x43: {  	_ =	shalt  }
0x44: {  	_ =	shalt  }
0x45: {  	_ =	shalt  }
0x46: {  	_ =	shalt  }
0x47: {  	_ =	shalt  }
0x48: {  	_ =	shalt  }
0x49: {  	_ =	shalt  }
0x4a: {  	_ =	shalt  }
0x4b: {  	_ =	shalt  }
0x4c: {  	_ =	shalt  }
0x4d: {  	_ =	shalt  }
0x4e: {  	_ =	shalt  }
0x4f: {  	_ =	shalt  }
0x50: {  	_ =	shalt  }
0x51: {  	_ =	shalt  }
0x52: {  	_ =	shalt  }
0x53: {  	_ =	shalt  }
0x54: {  	_ =	shalt  }
0x55: {  	_ =	shalt  }
0x56: {  	_ =	shalt  }
0x57: {  	_ =	shalt  }
0x58: {  	_ =	shalt  }
0x59: {  	_ =	shalt  }
0x5a: {  	_ =	shalt  }
0x5b: {  	_ =	shalt  }
0x5c: {  	_ =	shalt  }
0x5d: {  	_ =	shalt  }
0x5e: {  	_ =	shalt  }
0x5f: {  	_ =	shalt  }
0x60: {  	_ =	shalt  }
0x61: {  	_ =	shalt  }
0x62: {  	_ =	shalt  }
0x63: {  	_ =	shalt  }
0x64: {  	_ =	shalt  }
0x65: {  	_ =	shalt  }
0x66: {  	_ =	shalt  }
0x67: {  	_ =	shalt  }
0x68: {  	_ =	shalt  }
0x69: {  	_ =	shalt  }
0x6a: {  	_ =	shalt  }
0x6b: {  	_ =	shalt  }
0x6c: {  	_ =	shalt  }
0x6d: {  	_ =	shalt  }
0x6e: {  	_ =	shalt  }
0x6f: {  	_ =	shalt  }
0x70: {  	_ =	shalt  }
0x71: {  	_ =	shalt  }
0x72: {  	_ =	shalt  }
0x73: {  	_ =	shalt  }
0x74: {  	_ =	shalt  }
0x75: {  	_ =	shalt  }
0x76: {  	_ =	shalt  }
0x77: {  	_ =	shalt  }
0x78: {  	_ =	shalt  }
0x79: {  	_ =	shalt  }
0x7a: {  	_ =	shalt  }
0x7b: {  	_ =	shalt  }
0x7c: {  	_ =	shalt  }
0x7d: {  	_ =	shalt  }
0x7e: {  	_ =	shalt  }
0x7f: {  	_ =	shalt  }
0x80: {  	_ =	shalt  }
0x81: {  	_ =	shalt  }
0x82: {  	_ =	shalt  }
0x83: {  	_ =	shalt  }
0x84: {  	_ =	shalt  }
0x85: {  	_ =	shalt  }
0x86: {  	_ =	shalt  }
0x87: {  	_ =	shalt  }
.Lfunc_end0:
.L_simem_size_0:
called_computation.2_lowered:
.L_overlay_start_0:
0x88: {  	s2 =	sld [smem:$0x3FD9]  }
0x89: {  	s3 =	sld [smem:$0x3FFE];
	_ =	sdelay $0x1  }
0x8a: {  	s1 =	srdreg.scid  }
0x8b: {  	s0 =	sand.u32 $0x1, s1  }
0x8c: {  	s16 =	sshll.u32 s0, $0xA;
	s2 =	sadd.s32 s3, s2  }
0x8d: {  	s2 =	sadd.s32 s2, s16  }
0x8e: {  	[smem:$0x3FBE] =	sst s2  }
0x8f: {  	_ = 	snop  }
0x90: {  	(tm) =	ssettm $0x1  }
0x91: {  	s17 =	sld [smem:$0x3FFB];
	_ =	sdelay $0x3  }
0x92: {  	_ =	strace s17  }
0x93: {  	s2 =	sld [smem:$0x3FFC];
	_ =	sdelay $0x3  }
0x94: {  	_ =	strace s2  }
0x95: {  	s2 =	sld [smem:$0x3FFD];
	_ =	sdelay $0x3  }
0x96: {  	_ =	strace s2  }
0x97: {  	_ =	strace $0x8FFFFFFF  }
0x98: {  	s18 =	sld [smem:$0x3FDB];
	_ =	sdelay $0x1  }
0x99: {  	s19 =	simm.s32 $_scs_section_size  }
0x9a: {  	s4 =	simm.s32 $_size__tile_overlayer_lowered;
	s5 =	simm.s32 $_tile_overlayer_lowered  }
0x9b: {  	s22 =	simm.s32 $0x1BFF;
	s21 =	sshll.u32 s5, $0x1;
	s2 =	sadd.s32 s19, s18  }
0x9c: {  	s6 =	simm.s32 $0x0;
	s20 =	sshll.u32 s4, $0x1;
	s4 =	sadd.s32 s21, s2  }
0x9d: {  	[timem:s6], [sflag:s22] =	dma.local [hbm:s4], s20  }
0x9e: {  	_ =	swait.ge [sflag:s22], s20  }
0x9f: {  	s3 =	ssub.s32 $0x0, s20;
	[sflag:s22] =	ssyncset.done $0x0  }
0xa0: {  	[sflag:s22] =	ssyncadd.s32 s3;
	_ =	sdelay $0x1  }
0xa1: {  	s23 =	simm.s32 $0x1B8B  }
0xa2: {  	_ =	swait.ge [sflag:s23], $0x1  }
0xa3: {  	[sflag:s23] =	ssyncset.done $0x0  }
0xa4: {  	s25 =	simm.s32 $0x1B8E;
	s24 =	sld [smem:$0x3FFE];
	[sflag:s23] =	ssyncadd.s32 $0xFFFFFFFF  }
0xa5: {  	s26 =	simm.s32 $execute0_lowered;
	[smem:$0x3FD2] =	sst s25  }
0xa6: {  	s4 =	sshll.u32 s26, $0x1;
	_ =	strace $0x8000004C;
	[dreg:$0x1] =	wrdreg $0xFFFFFFFF  }
0xa7: {  	s28 =	simm.s32 $_size_execute0_lowered;
	s2 =	sadd.s32 s2, s4;
	[dreg:$0x0] =	wrdreg $0x0  }
0xa8: {  	s4 =	sshll.u32 s28, $0x1;
	[dreg:$0x2] =	wrdreg s2  }
0xa9: {  	[dreg:$0x3] =	wrdreg s4  }
0xaa: {  	[dreg:$0x4] =	wrdreg $0xC0  }
0xab: {  	_ =	task [dreg:s6], $0x5FFFF  }
0xac: {  	[dreg:$0x1] =	wrdreg $0xFFFFFFFF  }
0xad: {  	[dreg:$0x0] =	wrdreg $0x60  }
0xae: {  	[dreg:$0x2] =	wrdreg s24  }
0xaf: {  	[dreg:$0x3] =	wrdreg $0x0  }
0xb0: {  	[dreg:$0x4] =	wrdreg $0x9  }
0xb1: {  	_ =	task.clear_ibuf [dreg:s6], $0x5FFFF;
	_ =	strace $0x9000004C  }
0xb2: {  	s29 =	simm.s32 $0x9;
	_ =	strace $0x8000004E  }
0xb3: {  	_ =	swait.ge [sflag:s29], $0x1  }
0xb4: {  	[sflag:s29] =	ssyncadd.s32 $0xFFFFFFFF  }
0xb5: {  	_ =	strace $0x9000004E  }
0xb6: {  	_ =	sfence  }
0xb7: {  	s30 =	sld [smem:$0x0];
	_ =	sdelay $0x2  }
0xb8: {  	s31 =	sshll.u32 s1, $0xD;
	s1 =	sshrl.u32 s1, $0x2  }
0xb9: {  	s3 =	sand.u32 $0x4000, s31;
	s1 =	sadd.s32 s1, s30  }
0xba: {  	s0 =	sor.u32 s3, s0;
	s1 =	sshll.u32 s1, $0x11  }
0xbb: {  	s0 =	sor.u32 s1, s0  }
0xbc: {  	s0 =	sadd.s32 $0x8F2B, s0  }
0xbd: {  	[sflag:s0] =	ssyncadd.remote.s32 $0x1  }
0xbe: {  	_ =	sfence.sel $0xFFFF  }
0xbf: {  	[dreg:$0x0] =	wrdreg $0xFFFFFFFF;
	(pc) =	sbr.abs _section_cstart, $3  }
0xc0: {  	[dreg:$0x1] =	wrdreg $0xFFFFFFFF  }
0xc1: {  	_ =	task.clear_ibuf [dreg:s6], $0x2FFFF;
	_ =	strace $0x9FFFFFFF  }
0xc2: {  	(tm) =	ssettm $0x7FFFFFFF  }
0xc3: {  	_ =	shalt  }
tec
execute0_lowered:
.L_overlay_start_1:
0x0: {  	(tag) =	ssettag $0x1  }
0x1: {  	s0 =	rddreg [dreg:$0x0];
	s1 =	srdreg.scid  }
0x2: {  	s10 =	stileid.u32;
	s2 =	rddreg [dreg:$0x1]  }
0x3: {  	s3 =	simm.s32 $0x0;
	s13 =	simm.s32 $0x11;
	s16 =	simm.s32 $0x80  }
0x4: {  	s17 =	simm.s32 $0xA800;
	s19 =	simm.s32 $0xB000;
	s28 =	simm.s32 $0xD000  }
0x5: {  	s29 =	simm.s32 $0x3;
	s30 =	simm.s32 $0xD800;
	s31 =	simm.s32 $0x4  }
0x6: {  	s12 =	simm.s32 $0x5;
	s15 =	simm.s32 $0x9;
	s18 =	simm.s32 $0xB  }
0x7: {  	s1 =	sand.u32 $0x1, s1;
	s5 =	smul.u32 $0x2800, s10;
	[smem:$0x7FF] =	sst s3  }
0x8: {  	s4 =	sadd.s32 $0x16800, s0;
	s7 =	sadd.s32 $0xC800, s0;
	s9 =	sadd.s32 $0x2800, s0  }
0x9: {  	s22 =	sshll.u32 s10, $0x9;
	s23 =	sshll.u32 s10, $0xB;
	s6 =	smul.u32 $0x28000, s1  }
0xa: {  	_ =	strace $0x8000004D;
	s8 =	ssub.s32 $0x2, s1;
	p0 =	seq.s32 s1, $0x1  }
0xb: {  	s10 =	sadd.s32 s7, s23;
	s1 =	sadd.s32 s9, s23;
	s23 =	simm.s32 $0xC000  }
0xc: {  	s21 =	sshrl.u32 s8, $0x1;
	[dreg:$0x3] =	wrdreg s10;
	s6 =	sadd.s32 s5, s6  }
0xd: {  	[dreg:$0x4] =	wrdreg s1;
	s1 =	simm.s32 $0xE000;
	s6 =	sshrl.u32 s6, $0x3  }
0xe: {  	s0 =	sadd.s32 s6, s0;
	s6 =	ssub.s32 s8, s21;
	s8 =	sor.u32 $0x8000, s22  }
0xf: {  	s5 =	sadd.s32 s5, s2;
	s21 =	simm.s32 $0xB800;
	s24 =	sadd.s32 s7, s8  }
.Ltmp0:
0x10: {  	s25 =	sadd.s32 s9, s8;
	[dreg:$0x5] =	wrdreg s24;
	(pc) =	sbr.rel .LBB2_1-.Ltmp0, $4  }
0x11: {  	s0 =	sadd.s32 $0x1B800, s0;
	s26 =	smax.u32 s6, $0x1;
	[dreg:$0x6] =	wrdreg s25  }
0x12: {  	s6 =	simm.s32 $0x7;
	s7 =	simm.s32 $0x8;
	[dreg:$0x7] =	wrdreg s0  }
0x13: {  	s8 =	simm.s32 $0xC;
	[dreg:$0x8] =	wrdreg s26;
	s24 =	simm.s32 $0x1  }
0x14: {  	v0 =	vimm.f32 $0.0e+00;
	s25 =	simm.s32 $0xC800;
	s26 =	simm.s32 $0x2;
	s0 =	simm.s32 $0x10  }
.LBB2_11:
0x15: {  	s10 =	sadd.s32 $0xE00, s14  }
.LBB2_12:
0x16: {  	_ =	swait.ge [sflag:s7], $0x800  }
0x17: {  	s9 =	sshra.s32 s10, $0x2;
	[sflag:s7] =	ssyncset.done $0x0  }
0x18: {  	s9 =	sadd.s32 $0x6800, s9;
	[sflag:s7] =	ssyncadd.s32 $0xFFFFF800  }
0x19: {  	[spmem:s2] =	stream.indirect.scatter.add.f32 [tilespmem:s1], [sflag:$0x10], $0x10, s9, s16, $0xb8;
	[tilespmem:$0x11000] =	vst v63  }
0x1a: {  	_ =	swait.ge [sflag:s8], $0x800  }
0x1b: {  	[sflag:s8] =	ssyncset.done $0x0  }
0x1c: {  	s22 =	simm.s32 $0xD;
	[sflag:s8] =	ssyncadd.s32 $0xFFFFF800  }
0x1d: {  	_ =	swait.ge [sflag:s22], $0x800  }
0x1e: {  	[sflag:s22] =	ssyncset.done $0x0  }
0x1f: {  	s10 =	simm.s32 $0xE;
	[sflag:s22] =	ssyncadd.s32 $0xFFFFF800  }
0x20: {  	_ =	swait.ge [sflag:s10], $0x800  }
0x21: {  	[sflag:s10] =	ssyncset.done $0x0  }
0x22: {  	s11 =	simm.s32 $0xF;
	[sflag:s10] =	ssyncadd.s32 $0xFFFFF800  }
0x23: {  	_ =	swait.ge [sflag:s11], $0x800  }
0x24: {  	[sflag:s11] =	ssyncset.done $0x0  }
0x25: {  	[sflag:s11] =	ssyncadd.s32 $0xFFFFF800  }
0x26: {  	_ =	swait.ge [sflag:s0], $0x800  }
0x27: {  	[sflag:s0] =	ssyncset.done $0x0  }
0x28: {  	s14 =	stileid.u32;
	[sflag:s0] =	ssyncadd.s32 $0xFFFFF800  }
0x29: {  	s9 =	sshll.u32 s14, $0x6;
	[bflag:$0x0] =	sbarrier.arrive $0xFFFF  }
0x2a: {  	s20 =	sshrl.u32 s5, $0x3;
	s9 =	sor.u32 $0x1C11, s9;
	s11 =	rddreg [dreg:$0x7]  }
0x2b: {  	[hbm:s11], [sflag:s9] =	dma.local [spmem:s20], $0x500  }
0x2c: {  	_ =	swait.ge [sflag:s13], $0x500  }
0x2d: {  	s3 =	sadd.s32 $0x1, s3;
	s22 =	rddreg [dreg:$0x8]  }
0x2e: {  	p1 =	sne.s32 s3, s22  }
.Ltmp1:
0x2f: {  	_ = 	snop;
	(pc) =	sbr.rel @!p1 .LBB2_13-.Ltmp1, $3  }
0x30: {  	_ =	sdelay $0x1  }
0x31: {  	[sflag:s13] =	ssyncset.done $0x0  }
0x32: {  	[sflag:s13] =	ssyncadd.s32 $0xFFFFFB00  }
.LBB2_1:
0x33: {  	s10 =	simm.s32 $0x40;
	s14 =	simm.s32 $0x0  }
.LBB2_2:
0x34: {  	p1 =	sne.s32 s10, $0x9FC0;
	[tilespmem:s14+$0xE800] =	vst v0;
	s14 =	smov.u32 s10;
	s10 =	sadd.s32 $0x40, s10  }
.Ltmp2:
0x35: {  	(pc) =	sbr.rel @p1 .LBB2_2-.Ltmp2, $2  }
0x36: {  	_ =	sdelay $0x2  }
0x37: {  	s14 =	sshra.s32 s14, $0x2  }
0x38: {  	[tilespmem:s14+$0xE800] =	vst v0;
	s9 =	simm.s32 $0xE800  }
0x39: {  	[spmem:s5] =	stream.linear.scatter [tilespmem:s9], [sflag:$0x11], $0x2800, $0x38;
	[tilespmem:$0x11000] =	vst v63  }
.Ltmp3:
0x3a: {  	_ =	swait.ge [sflag:s13], $0x2800;
	(pc) =	sbr.rel @!p0 .LBB2_4-.Ltmp3, $4  }
0x3b: {  	[sflag:s13] =	ssyncset.done $0x0  }
0x3c: {  	[sflag:s13] =	ssyncadd.s32 $0xFFFFD800  }
0x3d: {  	[bflag:$0x0] =	sbarrier.arrive $0xFFFF  }
0x3e: {  	s14 =	simm.s32 $0x0  }
0x3f: {  	s9 =	rddreg [dreg:$0x5];
	s10 =	simm.s32 $0x2800  }
0x40: {  	[tilespmem:s10], [sflag:$0x11] =	stream.linear.gather [hbm4b:s9+s14], $0x1000, $0x38;
	[tilespmem:$0x11000] =	vst v63  }
0x41: {  	_ =	swait.ge [sflag:s13], $0x1000  }
0x42: {  	[sflag:s13] =	ssyncset.done $0x0  }
0x43: {  	s11 =	simm.s32 $0x6800;
	s22 =	rddreg [dreg:$0x6];
	[sflag:s13] =	ssyncadd.s32 $0xFFFFF000  }
0x44: {  	[tilespmem:s11], [sflag:$0x11] =	stream.linear.gather [hbm4b:s22+s14], $0x1000, $0x38;
	[tilespmem:$0x11000] =	vst v63  }
0x45: {  	_ =	swait.ge [sflag:s13], $0x1000  }
0x46: {  	[sflag:s13] =	ssyncset.done $0x0  }
0x47: {  	[sflag:s13] =	ssyncadd.s32 $0xFFFFF000  }
0x48: {  	[tilespmem:s17], [sflag:$0x1] =	stream.indirect.gather [hbm4b:s4+s16], $0x10, s10, s16, $0xb8;
	[tilespmem:$0x11000] =	vst v63  }
0x49: {  	s11 =	simm.s32 $0x2880  }
0x4a: {  	[tilespmem:s19], [sflag:$0x2] =	stream.indirect.gather [hbm4b:s4+s16], $0x10, s11, s16, $0xb8;
	[tilespmem:$0x11000] =	vst v63  }
0x4b: {  	s20 =	simm.s32 $0x2900  }
0x4c: {  	[tilespmem:s21], [sflag:$0x3] =	stream.indirect.gather [hbm4b:s4+s16], $0x10, s20, s16, $0xb8;
	[tilespmem:$0x11000] =	vst v63  }
0x4d: {  	s22 =	simm.s32 $0x2980  }
0x4e: {  	[tilespmem:s23], [sflag:$0x4] =	stream.indirect.gather [hbm4b:s4+s16], $0x10, s22, s16, $0xb8;
	[tilespmem:$0x11000] =	vst v63  }
.LBB2_8:
0x4f: {  	_ =	swait.ge [sflag:s24], $0x800  }
0x50: {  	s10 =	sshra.s32 s14, $0x2;
	[sflag:s24] =	ssyncset.done $0x0  }
0x51: {  	p1 =	seq.s32 s14, $0x0;
	s9 =	sadd.s32 $0x6800, s10;
	[sflag:s24] =	ssyncadd.s32 $0xFFFFF800  }
0x52: {  	[spmem:s2] =	stream.indirect.scatter.add.f32 [tilespmem:s17], [sflag:$0x9], $0x10, s9, s16, $0xb8;
	[tilespmem:$0x11000] =	vst v63  }
0x53: {  	s9 =	simm.s32 @!p1 $0xD  }
0x54: {  	_ =	swait.ge @!p1 [sflag:s9], $0x800  }
0x55: {  	[sflag:s9] =	ssyncset.done @!p1 $0x0  }
0x56: {  	s11 =	sadd.s32 $0x2A00, s10;
	[sflag:s9] =	ssyncadd.s32 @!p1 $0xFFFFF800  }
0x57: {  	[tilespmem:s25], [sflag:$0x5] =	stream.indirect.gather [hbm4b:s4+s16], $0x10, s11, s16, $0xb8;
	[tilespmem:$0x11000] =	vst v63  }
0x58: {  	_ =	swait.ge [sflag:s26], $0x800  }
0x59: {  	[sflag:s26] =	ssyncset.done $0x0  }
0x5a: {  	s20 =	sadd.s32 $0x6880, s10;
	s9 =	simm.s32 @!p1 $0xE;
	[sflag:s26] =	ssyncadd.s32 $0xFFFFF800  }
0x5b: {  	[spmem:s2] =	stream.indirect.scatter.add.f32 [tilespmem:s19], [sflag:$0xA], $0x10, s20, s16, $0xb8;
	[tilespmem:$0x11000] =	vst v63  }
0x5c: {  	_ =	swait.ge @!p1 [sflag:s9], $0x800  }
0x5d: {  	[sflag:s9] =	ssyncset.done @!p1 $0x0  }
0x5e: {  	s22 =	sadd.s32 $0x2A80, s10;
	[sflag:s9] =	ssyncadd.s32 @!p1 $0xFFFFF800  }
0x5f: {  	[tilespmem:s28], [sflag:$0x6] =	stream.indirect.gather [hbm4b:s4+s16], $0x10, s22, s16, $0xb8;
	[tilespmem:$0x11000] =	vst v63  }
0x60: {  	_ =	swait.ge [sflag:s29], $0x800  }
0x61: {  	[sflag:s29] =	ssyncset.done $0x0  }
0x62: {  	s11 =	sadd.s32 $0x6900, s10;
	s9 =	simm.s32 @!p1 $0xF;
	[sflag:s29] =	ssyncadd.s32 $0xFFFFF800  }
0x63: {  	[spmem:s2] =	stream.indirect.scatter.add.f32 [tilespmem:s21], [sflag:$0xB], $0x10, s11, s16, $0xb8;
	[tilespmem:$0x11000] =	vst v63  }
0x64: {  	_ =	swait.ge @!p1 [sflag:s9], $0x800  }
0x65: {  	[sflag:s9] =	ssyncset.done @!p1 $0x0  }
0x66: {  	s20 =	sadd.s32 $0x2B00, s10;
	[sflag:s9] =	ssyncadd.s32 @!p1 $0xFFFFF800  }
0x67: {  	[tilespmem:s30], [sflag:$0x7] =	stream.indirect.gather [hbm4b:s4+s16], $0x10, s20, s16, $0xb8;
	[tilespmem:$0x11000] =	vst v63  }
0x68: {  	_ =	swait.ge [sflag:s31], $0x800  }
0x69: {  	[sflag:s31] =	ssyncset.done $0x0  }
0x6a: {  	s22 =	sadd.s32 $0x6980, s10;
	s9 =	simm.s32 @!p1 $0x10;
	[sflag:s31] =	ssyncadd.s32 $0xFFFFF800  }
0x6b: {  	[spmem:s2] =	stream.indirect.scatter.add.f32 [tilespmem:s23], [sflag:$0xC], $0x10, s22, s16, $0xb8;
	[tilespmem:$0x11000] =	vst v63  }
0x6c: {  	_ =	swait.ge @!p1 [sflag:s9], $0x800  }
0x6d: {  	[sflag:s9] =	ssyncset.done @!p1 $0x0  }
0x6e: {  	s11 =	sadd.s32 $0x2B80, s10;
	[sflag:s9] =	ssyncadd.s32 @!p1 $0xFFFFF800  }
0x6f: {  	[tilespmem:s1], [sflag:$0x8] =	stream.indirect.gather [hbm4b:s4+s16], $0x10, s11, s16, $0xb8;
	[tilespmem:$0x11000] =	vst v63  }
0x70: {  	_ =	swait.ge [sflag:s12], $0x800  }
0x71: {  	[sflag:s12] =	ssyncset.done $0x0  }
0x72: {  	s20 =	sadd.s32 $0x6A00, s10;
	[sflag:s12] =	ssyncadd.s32 $0xFFFFF800  }
0x73: {  	[spmem:s2] =	stream.indirect.scatter.add.f32 [tilespmem:s25], [sflag:$0xD], $0x10, s20, s16, $0xb8;
	[tilespmem:$0x11000] =	vst v63  }
0x74: {  	_ =	swait.ge [sflag:s15], $0x800  }
0x75: {  	p1 =	seq.s32 s14, $0x3000;
	[sflag:s15] =	ssyncset.done $0x0  }
0x76: {  	s9 =	simm.s32 @p1 $0x6;
	[sflag:s15] =	ssyncadd.s32 $0xFFFFF800  }
0x77: {  	_ =	swait.ge @p1 [sflag:s9], $0x800  }
0x78: {  	[sflag:s9] =	ssyncset.done @p1 $0x0  }
0x79: {  	[sflag:s9] =	ssyncadd.s32 @p1 $0xFFFFF800;
	s9 =	sshra.s32 @p1 s14, $0x2  }
0x7a: {  	s11 =	simm.s32 @p1 $0x80;
	s20 =	simm.s32 @p1 $0xD000;
	s9 =	sadd.s32 @p1 $0x6A80, s9  }
0x7b: {  	[spmem:s2] =	stream.indirect.scatter.add.f32 @p1 [tilespmem:s20], [sflag:$0xE], $0x10, s9, s11, $0xb8;
	[tilespmem:$0x11000] =	vst v63  }
0x7c: {  	s9 =	simm.s32 @p1 $0xA  }
0x7d: {  	_ =	swait.ge @p1 [sflag:s9], $0x800  }
0x7e: {  	[sflag:s9] =	ssyncset.done @p1 $0x0  }
0x7f: {  	[sflag:s9] =	ssyncadd.s32 @p1 $0xFFFFF800;
	s9 =	sshra.s32 @!p1 s14, $0x2  }
0x80: {  	s22 =	simm.s32 @!p1 $0xA800;
	s20 =	simm.s32 @!p1 $0x80;
	s11 =	sadd.s32 @!p1 $0x2C00, s9  }
0x81: {  	[tilespmem:s22], [sflag:$0x1] =	stream.indirect.gather @!p1 [hbm4b:s4+s20], $0x10, s11, s20, $0xb8;
	[tilespmem:$0x11000] =	vst v63  }
0x82: {  	s11 =	simm.s32 @!p1 $0x6  }
0x83: {  	_ =	swait.ge @!p1 [sflag:s11], $0x800  }
0x84: {  	[sflag:s11] =	ssyncset.done @!p1 $0x0  }
0x85: {  	s22 =	simm.s32 @!p1 $0xD000;
	[sflag:s11] =	ssyncadd.s32 @!p1 $0xFFFFF800;
	s11 =	sadd.s32 @!p1 $0x6A80, s9  }
0x86: {  	[spmem:s2] =	stream.indirect.scatter.add.f32 @!p1 [tilespmem:s22], [sflag:$0xE], $0x10, s11, s20, $0xb8;
	[tilespmem:$0x11000] =	vst v63  }
0x87: {  	s11 =	simm.s32 @!p1 $0xA  }
0x88: {  	_ =	swait.ge @!p1 [sflag:s11], $0x800  }
0x89: {  	[sflag:s11] =	ssyncset.done @!p1 $0x0  }
0x8a: {  	s9 =	sadd.s32 @!p1 $0x2C80, s9;
	[sflag:s11] =	ssyncadd.s32 @!p1 $0xFFFFF800;
	s11 =	simm.s32 @!p1 $0xB000  }
0x8b: {  	[tilespmem:s11], [sflag:$0x2] =	stream.indirect.gather @!p1 [hbm4b:s4+s20], $0x10, s9, s20, $0xb8;
	[tilespmem:$0x11000] =	vst v63  }
0x8c: {  	_ =	swait.ge [sflag:s6], $0x800  }
0x8d: {  	[sflag:s6] =	ssyncset.done $0x0  }
.Ltmp4:
0x8e: {  	s22 =	sadd.s32 $0x6B00, s10;
	[sflag:s6] =	ssyncadd.s32 $0xFFFFF800;
	(pc) =	sbr.rel @p1 .LBB2_10-.Ltmp4, $4  }
0x8f: {  	[spmem:s2] =	stream.indirect.scatter.add.f32 [tilespmem:s30], [sflag:$0xF], $0x10, s22, s16, $0xb8;
	[tilespmem:$0x11000] =	vst v63  }
0x90: {  	_ =	swait.ge [sflag:s18], $0x800  }
0x91: {  	[sflag:s18] =	ssyncset.done $0x0  }
0x92: {  	[sflag:s18] =	ssyncadd.s32 $0xFFFFF800  }
0x93: {  	s9 =	sadd.s32 $0x2D00, s10  }
0x94: {  	[tilespmem:s21], [sflag:$0x3] =	stream.indirect.gather [hbm4b:s4+s16], $0x10, s9, s16, $0xb8;
	[tilespmem:$0x11000] =	vst v63  }
0x95: {  	_ =	swait.ge [sflag:s7], $0x800  }
0x96: {  	[sflag:s7] =	ssyncset.done $0x0  }
0x97: {  	s20 =	sadd.s32 $0x6B80, s10;
	[sflag:s7] =	ssyncadd.s32 $0xFFFFF800  }
0x98: {  	[spmem:s2] =	stream.indirect.scatter.add.f32 [tilespmem:s1], [sflag:$0x10], $0x10, s20, s16, $0xb8;
	[tilespmem:$0x11000] =	vst v63  }
.Ltmp5:
0x99: {  	_ = 	snop;
	(pc) =	sbr.rel .LBB2_8-.Ltmp5, $4  }
0x9a: {  	_ =	swait.ge [sflag:s8], $0x800  }
0x9b: {  	[sflag:s8] =	ssyncset.done $0x0  }
0x9c: {  	s22 =	sadd.s32 $0x2D80, s10;
	s14 =	sadd.s32 $0x1000, s14;
	[sflag:s8] =	ssyncadd.s32 $0xFFFFF800  }
0x9d: {  	[tilespmem:s23], [sflag:$0x4] =	stream.indirect.gather [hbm4b:s4+s16], $0x10, s22, s16, $0xb8;
	[tilespmem:$0x11000] =	vst v63  }
.LBB2_4:
0x9e: {  	s9 =	rddreg [dreg:$0x3];
	s10 =	simm.s32 $0x2800  }
0x9f: {  	[tilespmem:s10], [sflag:$0x11] =	stream.linear.gather [hbm4b:s9+s14], $0x4000, $0x38;
	[tilespmem:$0x11000] =	vst v63  }
0xa0: {  	_ =	swait.ge [sflag:s13], $0x4000  }
0xa1: {  	[sflag:s13] =	ssyncset.done $0x0  }
0xa2: {  	s11 =	simm.s32 $0x6800;
	s22 =	rddreg [dreg:$0x4];
	[sflag:s13] =	ssyncadd.s32 $0xFFFFC000  }
0xa3: {  	[tilespmem:s11], [sflag:$0x11] =	stream.linear.gather [hbm4b:s22+s14], $0x4000, $0x38;
	[tilespmem:$0x11000] =	vst v63  }
0xa4: {  	_ =	swait.ge [sflag:s13], $0x4000  }
0xa5: {  	[sflag:s13] =	ssyncset.done $0x0  }
0xa6: {  	[sflag:s13] =	ssyncadd.s32 $0xFFFFC000  }
0xa7: {  	[tilespmem:s17], [sflag:$0x1] =	stream.indirect.gather [hbm4b:s4+s16], $0x10, s10, s16, $0xb8;
	[tilespmem:$0x11000] =	vst v63  }
0xa8: {  	s11 =	simm.s32 $0x2880  }
0xa9: {  	[tilespmem:s19], [sflag:$0x2] =	stream.indirect.gather [hbm4b:s4+s16], $0x10, s11, s16, $0xb8;
	[tilespmem:$0x11000] =	vst v63  }
0xaa: {  	s20 =	simm.s32 $0x2900  }
0xab: {  	[tilespmem:s21], [sflag:$0x3] =	stream.indirect.gather [hbm4b:s4+s16], $0x10, s20, s16, $0xb8;
	[tilespmem:$0x11000] =	vst v63  }
0xac: {  	s22 =	simm.s32 $0x2980  }
0xad: {  	[tilespmem:s23], [sflag:$0x4] =	stream.indirect.gather [hbm4b:s4+s16], $0x10, s22, s16, $0xb8;
	[tilespmem:$0x11000] =	vst v63  }
.LBB2_5:
0xae: {  	_ =	swait.ge [sflag:s24], $0x800  }
0xaf: {  	s10 =	sshra.s32 s14, $0x2;
	[sflag:s24] =	ssyncset.done $0x0  }
0xb0: {  	p1 =	seq.s32 s14, $0x0;
	s11 =	sadd.s32 $0x6800, s10;
	[sflag:s24] =	ssyncadd.s32 $0xFFFFF800  }
0xb1: {  	[spmem:s2] =	stream.indirect.scatter.add.f32 [tilespmem:s17], [sflag:$0x9], $0x10, s11, s16, $0xb8;
	[tilespmem:$0x11000] =	vst v63  }
0xb2: {  	s11 =	simm.s32 @!p1 $0xD  }
0xb3: {  	_ =	swait.ge @!p1 [sflag:s11], $0x800  }
0xb4: {  	[sflag:s11] =	ssyncset.done @!p1 $0x0  }
0xb5: {  	s9 =	sadd.s32 $0x2A00, s10;
	[sflag:s11] =	ssyncadd.s32 @!p1 $0xFFFFF800  }
0xb6: {  	[tilespmem:s25], [sflag:$0x5] =	stream.indirect.gather [hbm4b:s4+s16], $0x10, s9, s16, $0xb8;
	[tilespmem:$0x11000] =	vst v63  }
0xb7: {  	_ =	swait.ge [sflag:s26], $0x800  }
0xb8: {  	[sflag:s26] =	ssyncset.done $0x0  }
0xb9: {  	s20 =	sadd.s32 $0x6880, s10;
	s11 =	simm.s32 @!p1 $0xE;
	[sflag:s26] =	ssyncadd.s32 $0xFFFFF800  }
0xba: {  	[spmem:s2] =	stream.indirect.scatter.add.f32 [tilespmem:s19], [sflag:$0xA], $0x10, s20, s16, $0xb8;
	[tilespmem:$0x11000] =	vst v63  }
0xbb: {  	_ =	swait.ge @!p1 [sflag:s11], $0x800  }
0xbc: {  	[sflag:s11] =	ssyncset.done @!p1 $0x0  }
0xbd: {  	s22 =	sadd.s32 $0x2A80, s10;
	[sflag:s11] =	ssyncadd.s32 @!p1 $0xFFFFF800  }
0xbe: {  	[tilespmem:s28], [sflag:$0x6] =	stream.indirect.gather [hbm4b:s4+s16], $0x10, s22, s16, $0xb8;
	[tilespmem:$0x11000] =	vst v63  }
0xbf: {  	_ =	swait.ge [sflag:s29], $0x800  }
0xc0: {  	[sflag:s29] =	ssyncset.done $0x0  }
0xc1: {  	s9 =	sadd.s32 $0x6900, s10;
	s11 =	simm.s32 @!p1 $0xF;
	[sflag:s29] =	ssyncadd.s32 $0xFFFFF800  }
0xc2: {  	[spmem:s2] =	stream.indirect.scatter.add.f32 [tilespmem:s21], [sflag:$0xB], $0x10, s9, s16, $0xb8;
	[tilespmem:$0x11000] =	vst v63  }
0xc3: {  	_ =	swait.ge @!p1 [sflag:s11], $0x800  }
0xc4: {  	[sflag:s11] =	ssyncset.done @!p1 $0x0  }
0xc5: {  	s20 =	sadd.s32 $0x2B00, s10;
	[sflag:s11] =	ssyncadd.s32 @!p1 $0xFFFFF800  }
0xc6: {  	[tilespmem:s30], [sflag:$0x7] =	stream.indirect.gather [hbm4b:s4+s16], $0x10, s20, s16, $0xb8;
	[tilespmem:$0x11000] =	vst v63  }
0xc7: {  	_ =	swait.ge [sflag:s31], $0x800  }
0xc8: {  	[sflag:s31] =	ssyncset.done $0x0  }
0xc9: {  	s22 =	sadd.s32 $0x6980, s10;
	s11 =	simm.s32 @!p1 $0x10;
	[sflag:s31] =	ssyncadd.s32 $0xFFFFF800  }
0xca: {  	[spmem:s2] =	stream.indirect.scatter.add.f32 [tilespmem:s23], [sflag:$0xC], $0x10, s22, s16, $0xb8;
	[tilespmem:$0x11000] =	vst v63  }
0xcb: {  	_ =	swait.ge @!p1 [sflag:s11], $0x800  }
0xcc: {  	[sflag:s11] =	ssyncset.done @!p1 $0x0  }
0xcd: {  	s9 =	sadd.s32 $0x2B80, s10;
	[sflag:s11] =	ssyncadd.s32 @!p1 $0xFFFFF800  }
0xce: {  	[tilespmem:s1], [sflag:$0x8] =	stream.indirect.gather [hbm4b:s4+s16], $0x10, s9, s16, $0xb8;
	[tilespmem:$0x11000] =	vst v63  }
0xcf: {  	_ =	swait.ge [sflag:s12], $0x800  }
0xd0: {  	[sflag:s12] =	ssyncset.done $0x0  }
0xd1: {  	s20 =	sadd.s32 $0x6A00, s10;
	[sflag:s12] =	ssyncadd.s32 $0xFFFFF800  }
0xd2: {  	[spmem:s2] =	stream.indirect.scatter.add.f32 [tilespmem:s25], [sflag:$0xD], $0x10, s20, s16, $0xb8;
	[tilespmem:$0x11000] =	vst v63  }
0xd3: {  	_ =	swait.ge [sflag:s15], $0x800  }
0xd4: {  	p1 =	seq.s32 s14, $0xF000;
	[sflag:s15] =	ssyncset.done $0x0  }
0xd5: {  	s11 =	simm.s32 @p1 $0x6;
	[sflag:s15] =	ssyncadd.s32 $0xFFFFF800  }
0xd6: {  	_ =	swait.ge @p1 [sflag:s11], $0x800  }
0xd7: {  	[sflag:s11] =	ssyncset.done @p1 $0x0  }
0xd8: {  	[sflag:s11] =	ssyncadd.s32 @p1 $0xFFFFF800;
	s11 =	sshra.s32 @p1 s14, $0x2  }
0xd9: {  	s9 =	simm.s32 @p1 $0xD000;
	s20 =	simm.s32 @p1 $0x80;
	s11 =	sadd.s32 @p1 $0x6A80, s11  }
0xda: {  	[spmem:s2] =	stream.indirect.scatter.add.f32 @p1 [tilespmem:s9], [sflag:$0xE], $0x10, s11, s20, $0xb8;
	[tilespmem:$0x11000] =	vst v63  }
0xdb: {  	s9 =	simm.s32 @p1 $0xA  }
0xdc: {  	_ =	swait.ge @p1 [sflag:s9], $0x800  }
0xdd: {  	[sflag:s9] =	ssyncset.done @p1 $0x0  }
0xde: {  	[sflag:s9] =	ssyncadd.s32 @p1 $0xFFFFF800;
	s9 =	sshra.s32 @!p1 s14, $0x2  }
0xdf: {  	s22 =	simm.s32 @!p1 $0xA800;
	s20 =	simm.s32 @!p1 $0x80;
	s11 =	sadd.s32 @!p1 $0x2C00, s9  }
0xe0: {  	[tilespmem:s22], [sflag:$0x1] =	stream.indirect.gather @!p1 [hbm4b:s4+s20], $0x10, s11, s20, $0xb8;
	[tilespmem:$0x11000] =	vst v63  }
0xe1: {  	s11 =	simm.s32 @!p1 $0x6  }
0xe2: {  	_ =	swait.ge @!p1 [sflag:s11], $0x800  }
0xe3: {  	[sflag:s11] =	ssyncset.done @!p1 $0x0  }
0xe4: {  	s22 =	simm.s32 @!p1 $0xD000;
	[sflag:s11] =	ssyncadd.s32 @!p1 $0xFFFFF800;
	s11 =	sadd.s32 @!p1 $0x6A80, s9  }
0xe5: {  	[spmem:s2] =	stream.indirect.scatter.add.f32 @!p1 [tilespmem:s22], [sflag:$0xE], $0x10, s11, s20, $0xb8;
	[tilespmem:$0x11000] =	vst v63  }
0xe6: {  	s11 =	simm.s32 @!p1 $0xA  }
0xe7: {  	_ =	swait.ge @!p1 [sflag:s11], $0x800  }
0xe8: {  	[sflag:s11] =	ssyncset.done @!p1 $0x0  }
0xe9: {  	s9 =	sadd.s32 @!p1 $0x2C80, s9;
	[sflag:s11] =	ssyncadd.s32 @!p1 $0xFFFFF800;
	s11 =	simm.s32 @!p1 $0xB000  }
0xea: {  	[tilespmem:s11], [sflag:$0x2] =	stream.indirect.gather @!p1 [hbm4b:s4+s20], $0x10, s9, s20, $0xb8;
	[tilespmem:$0x11000] =	vst v63  }
0xeb: {  	_ =	swait.ge [sflag:s6], $0x800  }
0xec: {  	[sflag:s6] =	ssyncset.done $0x0  }
.Ltmp6:
0xed: {  	s22 =	sadd.s32 $0x6B00, s10;
	[sflag:s6] =	ssyncadd.s32 $0xFFFFF800;
	(pc) =	sbr.rel @p1 .LBB2_11-.Ltmp6, $4  }
0xee: {  	[spmem:s2] =	stream.indirect.scatter.add.f32 [tilespmem:s30], [sflag:$0xF], $0x10, s22, s16, $0xb8;
	[tilespmem:$0x11000] =	vst v63  }
0xef: {  	_ =	swait.ge [sflag:s18], $0x800  }
0xf0: {  	[sflag:s18] =	ssyncset.done $0x0  }
0xf1: {  	[sflag:s18] =	ssyncadd.s32 $0xFFFFF800  }
0xf2: {  	s9 =	sadd.s32 $0x2D00, s10  }
0xf3: {  	[tilespmem:s21], [sflag:$0x3] =	stream.indirect.gather [hbm4b:s4+s16], $0x10, s9, s16, $0xb8;
	[tilespmem:$0x11000] =	vst v63  }
0xf4: {  	_ =	swait.ge [sflag:s7], $0x800  }
0xf5: {  	[sflag:s7] =	ssyncset.done $0x0  }
0xf6: {  	s20 =	sadd.s32 $0x6B80, s10;
	[sflag:s7] =	ssyncadd.s32 $0xFFFFF800  }
0xf7: {  	[spmem:s2] =	stream.indirect.scatter.add.f32 [tilespmem:s1], [sflag:$0x10], $0x10, s20, s16, $0xb8;
	[tilespmem:$0x11000] =	vst v63  }
.Ltmp7:
0xf8: {  	_ = 	snop;
	(pc) =	sbr.rel .LBB2_5-.Ltmp7, $4  }
0xf9: {  	_ =	swait.ge [sflag:s8], $0x800  }
0xfa: {  	[sflag:s8] =	ssyncset.done $0x0  }
0xfb: {  	s22 =	sadd.s32 $0x2D80, s10;
	s14 =	sadd.s32 $0x1000, s14;
	[sflag:s8] =	ssyncadd.s32 $0xFFFFF800  }
0xfc: {  	[tilespmem:s23], [sflag:$0x4] =	stream.indirect.gather [hbm4b:s4+s16], $0x10, s22, s16, $0xb8;
	[tilespmem:$0x11000] =	vst v63  }
.LBB2_10:
.Ltmp8:
0xfd: {  	(pc) =	sbr.rel .LBB2_12-.Ltmp8, $2  }
0xfe: {  	_ =	sdelay $0x2  }
0xff: {  	s10 =	sadd.s32 $0xE00, s14  }
.LBB2_13:
0x100: {  	_ =	sfence.sel $0x180000  }
0x101: {  	[bflag:$0x0] =	sbarrier.arrive $0xFFFF  }
0x102: {  	_ =	strace $0x9000004D  }
0x103: {  	s0 =	stileid.u32;
	[bflag:$0x2] =	sbarrier.arrive $0xFFFF  }
0x104: {  	p0 =	sne.s32 s0, $0x0;
	s0 =	rddreg [dreg:$0x2]  }
0x105: {  	s0 =	sadd.s32 @!p0 $0x100000, s0  }
0x106: {  	[sflag:s0] =	ssyncadd.tile.s32 @!p0 $0x1;
	_ =	shalt  }
.Lfunc_end2:
_tile_overlayer_lowered:
.L_overlay_start_2:
0x107: {  	(tag) =	ssettag $0x2  }
0x108: {  	s0 =	rddreg [dreg:$0x0];
	s2 =	stileid.u32  }
0x109: {  	s1 =	rddreg [dreg:$0x1];
	p0 =	sne.s32 s2, $0x0  }
0x10a: {  	s3 =	rddreg [dreg:$0x2];
	[bflag:$0x3] =	sbarrier.arrive $0xFFFF;
	s2 =	simm.s32 @!p0 $0x1C11  }
0x10b: {  	[timem:s3], [sflag:s2] =	dma.local @!p0 [hbm:s0], s1  }
0x10c: {  	s0 =	simm.s32 @!p0 $0x11  }
0x10d: {  	_ =	swait.ge @!p0 [sflag:s0], s1  }
0x10e: {  	s1 =	ssub.s32 @!p0 $0x0, s1;
	[sflag:s0] =	ssyncset.done @!p0 $0x0  }
0x10f: {  	[sflag:s0] =	ssyncadd.s32 @!p0 s1  }
0x110: {  	[bflag:$0x3] =	sbarrier.arrive $0xFFFF  }
0x111: {  	_ =	shalt  }

</sc_bundles>
